<compile_context>
chip_gen: v7x
topology: tpu7x:2x2x1
jax: 0.10.2.dev20260603
libtpu: 0.0.44.dev20260713+nightly
codegen_flags: <defaults>
</compile_context>

<pallas_src>
import functools

import jax
import jax.numpy as jnp
from jax import lax
from jax.experimental import pallas as pl
from jax.experimental.pallas import tpu as pltpu
from jax.experimental.pallas import tpu_sc as plsc

N_NODES = 10000
N_EDGES = 160000
D_FEAT = 256
DH = 128
NC = 2
NS = 16
CHUNK = 128
E_PER_TILE = N_EDGES // NS
N_CHUNKS = -(-E_PER_TILE // CHUNK)
N_ACC = N_NODES + 8
ROWS_PER_TILE = N_NODES // NS
DEG_PAD = 640
NIB = 4
NRB = 3

_MESH = plsc.VectorSubcoreMesh(
    core_axis_name="c", subcore_axis_name="s", num_cores=NC, num_subcores=NS)


def _sc_body(with_deg, x_hbm, idx_hbm, ones_hbm, zrows_hbm, zdeg_hbm, *refs):
    if with_deg:
        acc_out, deg_out = refs[0], refs[1]
        refs = refs[2:]
    else:
        acc_out = refs[0]
        refs = refs[1:]
    rows = refs[0:NRB]
    ibuf = refs[NRB:NRB + NIB]
    ones_v, acc_sh, deg_sh = refs[NRB + NIB:NRB + NIB + 3]
    sem_r = refs[NRB + NIB + 3:NRB + NIB + 3 + NRB]
    sem_i = refs[NRB + NIB + 3 + NRB:NRB + NIB + 3 + NRB + NIB]

    c = lax.axis_index("c")
    s = lax.axis_index("s")
    w = c * NS + s

    def idx_load(k, b):
        return pltpu.async_copy(idx_hbm.at[w * N_CHUNKS + k], ibuf[b],
                                sem_i[b])

    def gather(k, b, rb):
        return pltpu.async_copy(x_hbm.at[ibuf[b].at[0]], rows[rb],
                                sem_r[rb])

    for b in range(NIB):
        idx_load(b, b)
    for k in range(NRB - 1):
        pltpu.make_async_copy(idx_hbm.at[w * N_CHUNKS + k], ibuf[k],
                              sem_i[k]).wait()
        gather(k, k, k)

    pltpu.sync_copy(zrows_hbm, acc_sh.at[pl.ds(s * ROWS_PER_TILE,
                                               ROWS_PER_TILE)])
    @pl.when(s == 0)
    def _():
        pltpu.sync_copy(zrows_hbm.at[pl.ds(0, 8)],
                        acc_sh.at[pl.ds(N_NODES, 8)])
    if with_deg:
        pltpu.sync_copy(zdeg_hbm.at[s], deg_sh.at[pl.ds(s * DEG_PAD,
                                                        DEG_PAD)])
        pltpu.sync_copy(ones_hbm, ones_v)
    plsc.subcore_barrier()

    def step(k, u):
        b = u % NIB
        rb = u % NRB
        pltpu.make_async_copy(x_hbm.at[ibuf[b].at[0]], rows[rb],
                              sem_r[rb]).wait()
        pltpu.sync_copy(rows[rb], acc_sh.at[ibuf[b].at[1]], add=True)
        if with_deg:
            @pl.when((k % NC) == c)
            def _():
                pltpu.sync_copy(ones_v, deg_sh.at[ibuf[b].at[1]], add=True)
        @pl.when(k + NIB < N_CHUNKS)
        def _():
            idx_load(k + NIB, b)

        @pl.when(k + NRB - 1 < N_CHUNKS)
        def _():
            b2 = (u + NRB - 1) % NIB
            rb2 = (u + NRB - 1) % NRB
            pltpu.make_async_copy(idx_hbm.at[w * N_CHUNKS + k + NRB - 1],
                                  ibuf[b2], sem_i[b2]).wait()
            gather(k + NRB - 1, b2, rb2)

    unroll = NIB * NRB
    n_groups = N_CHUNKS // unroll

    def group(j, carry):
        for u in range(unroll):
            step(j * unroll + u, u)
        return carry

    lax.fori_loop(0, n_groups, group, 0)
    for k in range(n_groups * unroll, N_CHUNKS):
        step(k, k)

    plsc.subcore_barrier()

    pltpu.sync_copy(acc_sh.at[pl.ds(s * ROWS_PER_TILE, ROWS_PER_TILE)],
                    acc_out.at[w])
    if with_deg:
        pltpu.sync_copy(deg_sh.at[pl.ds(s * DEG_PAD, DEG_PAD)],
                        deg_out.at[w])


def _make_sc_kernel(with_deg):
    out_type = [jax.ShapeDtypeStruct((NC * NS, ROWS_PER_TILE, DH),
                                     jnp.float32)]
    if with_deg:
        out_type.append(jax.ShapeDtypeStruct((NC * NS, DEG_PAD),
                                             jnp.float32))
    scratch = (
        [pltpu.VMEM((CHUNK, DH), jnp.float32) for _ in range(NRB)]
        + [pltpu.VMEM((2, CHUNK), jnp.int32) for _ in range(NIB)]
        + [
            pltpu.VMEM((CHUNK,), jnp.float32),
            pltpu.VMEM_SHARED((N_ACC, DH), jnp.float32),
            pltpu.VMEM_SHARED((NS * DEG_PAD,), jnp.float32),
        ]
        + [pltpu.SemaphoreType.DMA] * (NRB + NIB)
    )
    return pl.kernel(
        functools.partial(_sc_body, with_deg),
        out_type=tuple(out_type) if with_deg else out_type[0],
        mesh=_MESH,
        scratch_types=scratch,
    )


_sc_layer_deg = _make_sc_kernel(True)
_sc_layer = _make_sc_kernel(False)

ROW_BLK = 5000
N_BLKS = N_NODES // ROW_BLK


def _tc_body(agg_ref, deg_ref, w_ref, out_ref):
    a = jnp.concatenate([agg_ref[0], agg_ref[1]], axis=1)
    d = jnp.maximum(deg_ref[0] + deg_ref[1], 1.0)
    a = a / d
    h = jnp.dot(a, w_ref[...], preferred_element_type=jnp.float32)
    out_ref[...] = jnp.maximum(h, 0.0)


def _tc_layer(agg, deg, w):
    return pl.pallas_call(
        _tc_body,
        grid=(N_BLKS,),
        in_specs=[
            pl.BlockSpec((NC, ROW_BLK, DH), lambda i: (0, i, 0)),
            pl.BlockSpec((NC, ROW_BLK, 1), lambda i: (0, i, 0)),
            pl.BlockSpec((D_FEAT, D_FEAT), lambda i: (0, 0)),
        ],
        out_specs=pl.BlockSpec((ROW_BLK, D_FEAT), lambda i: (i, 0)),
        out_shape=jax.ShapeDtypeStruct((N_NODES, D_FEAT), jnp.float32),
    )(agg, deg, w)


def kernel(x, edge_index, W1, W2):
    ei = edge_index.astype(jnp.int32)
    pad = N_CHUNKS * CHUNK - E_PER_TILE
    src = ei[0].reshape(NS, E_PER_TILE)
    dst = ei[1].reshape(NS, E_PER_TILE)
    dump = N_NODES + jnp.arange(pad, dtype=jnp.int32) % 8
    src = jnp.pad(src, ((0, 0), (0, pad))).reshape(NS, N_CHUNKS, CHUNK)
    dst = jnp.concatenate(
        [dst, jnp.broadcast_to(dump, (NS, pad))],
        axis=1).reshape(NS, N_CHUNKS, CHUNK)
    srcadj = jnp.stack([2 * src, 2 * src + 1])
    dstb = jnp.broadcast_to(dst, (NC, NS, N_CHUNKS, CHUNK))
    idx = jnp.stack([srcadj, dstb], axis=3)
    idx = idx.reshape(NC * NS * N_CHUNKS, 2, CHUNK)

    ones = jnp.ones((CHUNK,), jnp.float32)
    zrows = jnp.zeros((ROWS_PER_TILE, DH), jnp.float32)
    zdeg = jnp.zeros((NS, DEG_PAD), jnp.float32)

    x2 = x.reshape(NC * N_NODES, DH)
    agg1_raw, deg_raw = _sc_layer_deg(x2, idx, ones, zrows, zdeg)
    agg1 = agg1_raw.reshape(NC, N_NODES, DH)
    deg = deg_raw.reshape(NC, NS * DEG_PAD)[:, :N_NODES].reshape(
        NC, N_NODES, 1)

    h1 = _tc_layer(agg1, deg, W1)

    agg2_raw = _sc_layer(h1.reshape(NC * N_NODES, DH), idx, ones, zrows,
                         zdeg)
    agg2 = agg2_raw.reshape(NC, N_NODES, DH)
    return _tc_layer(agg2, deg, W2)

# --- scband reference (transcript-rebuilt; emitter-appended) ---
"""Pipeline reference for scband-seq2-graph-rl-gcn-55731495633053 (READ-ONLY COPY).

The authoritative reference and input builder live on the scoring server;
editing this copy changes nothing except your own understanding.
"""

import jax, jax.numpy as jnp
import numpy as np

N_NODES = 10000
N_EDGES = 160000
D_FEAT = 256
N_LAYERS = 2


def setup_inputs(seed: int = 0) -> dict:
    key = jax.random.key(seed)
    k1, k2, k3, k4 = jax.random.split(key, 4)
    x = jax.random.normal(k1, (N_NODES, D_FEAT), dtype=jnp.float32)
    edge_index = jax.random.randint(k2, (2, N_EDGES), 0, N_NODES, dtype=jnp.int64)
    # learned GCN layer weights, initializer_range=0.02 normal init (as in init_weight)
    W1 = 0.02 * jax.random.normal(k3, (D_FEAT, D_FEAT), dtype=jnp.float32)
    W2 = 0.02 * jax.random.normal(k4, (D_FEAT, D_FEAT), dtype=jnp.float32)
    return {"x": x, "edge_index": edge_index, "W1": W1, "W2": W2}


def reference(x, edge_index, W1, W2):
    # GCNNet message passing core of Seq2Graph_rl_gcn (gcn_learning path):
    # per layer: gather source-node features along edges, scatter-add into
    # destination nodes, degree-normalize, apply linear transform + ReLU.
    N = x.shape[0]
    src = edge_index[0]
    dst = edge_index[1]
    # in-degree with self-loop style smoothing (avoid divide-by-zero)
    deg = jnp.zeros((N,), dtype=jnp.float32).at[dst].add(1.0)
    deg = jnp.maximum(deg, 1.0)
    h = x
    for W in (W1, W2):
        msgs = h[src]  # gather: [E, d]
        agg = jax.ops.segment_sum(msgs, dst, num_segments=N)  # scatter-add
        agg = agg / deg[:, None]
        h = jax.nn.relu(agg @ W)
    return h

if __name__ == "__main__":
    import jax
    _d = setup_inputs()
    print(jax.jit(kernel)(*tuple(_d.values())))

</pallas_src>

<mosaic_0001>
#map = affine_map<(d0, d1) -> (0, 0)>
#map1 = affine_map<(d0, d1) -> (0, 0, 0)>
#map2 = affine_map<(d0, d1) -> (0)>
module attributes {stable_mosaic.version = 14 : i64} {
  func.func @_sc_body(%arg0: i32, %arg1: i32, %arg2: memref<20000x128xf32, #tpu.memory_space<hbm>>, %arg3: memref<2528x2x128xi32, #tpu.memory_space<hbm>>, %arg4: memref<128xf32, #tpu.memory_space<hbm>>, %arg5: memref<625x128xf32, #tpu.memory_space<hbm>>, %arg6: memref<16x640xf32, #tpu.memory_space<hbm>>, %arg7: memref<32x625x128xf32, #tpu.memory_space<hbm>>, %arg8: memref<32x640xf32, #tpu.memory_space<hbm>>, %arg9: memref<128x128xf32, #tpu.memory_space<vmem>>, %arg10: memref<128x128xf32, #tpu.memory_space<vmem>>, %arg11: memref<128x128xf32, #tpu.memory_space<vmem>>, %arg12: memref<2x128xi32, #tpu.memory_space<vmem>>, %arg13: memref<2x128xi32, #tpu.memory_space<vmem>>, %arg14: memref<2x128xi32, #tpu.memory_space<vmem>>, %arg15: memref<2x128xi32, #tpu.memory_space<vmem>>, %arg16: memref<128xf32, #tpu.memory_space<vmem>>, %arg17: memref<10008x128xf32, #tpu.memory_space<vmem_shared>>, %arg18: memref<10240xf32, #tpu.memory_space<vmem_shared>>, %arg19: memref<!tpu.dma_semaphore, #tpu.memory_space<semaphore_mem>>, %arg20: memref<!tpu.dma_semaphore, #tpu.memory_space<semaphore_mem>>, %arg21: memref<!tpu.dma_semaphore, #tpu.memory_space<semaphore_mem>>, %arg22: memref<!tpu.dma_semaphore, #tpu.memory_space<semaphore_mem>>, %arg23: memref<!tpu.dma_semaphore, #tpu.memory_space<semaphore_mem>>, %arg24: memref<!tpu.dma_semaphore, #tpu.memory_space<semaphore_mem>>, %arg25: memref<!tpu.dma_semaphore, #tpu.memory_space<semaphore_mem>>) attributes {dimension_semantics = [#tpu.dimension_semantics<core_parallel>, #tpu.dimension_semantics<subcore_parallel>], iteration_bounds = array<i64: 2, 16>, scalar_prefetch = 0 : i64, scratch_operands = 17 : i64, tpu.core_type = #tpu.core_type<sc_vector_subcore>, window_params = [{transform_indices = #map}, {transform_indices = #map1}, {transform_indices = #map2}, {transform_indices = #map}, {transform_indices = #map}, {transform_indices = #map1}, {transform_indices = #map}]} {
    %mul3A = arith.constant 16 : i32
    %mul3A_0 = arith.muli %arg0, %mul3A : i32
    %add3A = arith.addi %mul3A_0, %arg1 : i32
    %mul3A_1 = arith.constant 79 : i32
    %mul3A_2 = arith.muli %add3A, %mul3A_1 : i32
    %add3A_3 = arith.constant 0 : i32
    %add3A_4 = arith.addi %mul3A_2, %add3A_3 : i32
    %dma_start3A = arith.constant 0 : i32
    %dma_start3A_5 = arith.constant 0 : i32
    %dma_start3A_6 = tpu.memref_slice %arg3[%add3A_4, %dma_start3A, %dma_start3A_5] : memref<2528x2x128xi32, #tpu.memory_space<hbm>> -> memref<1x2x128xi32, #tpu.memory_space<hbm>>
    %dma_start3A_7 = tpu.memref_squeeze %dma_start3A_6 : memref<1x2x128xi32, #tpu.memory_space<hbm>> -> memref<2x128xi32, #tpu.memory_space<hbm>>
    %dma_start3A_8 = arith.constant 0 : i32
    %dma_start3A_9 = arith.constant 0 : i32
    %dma_start3A_10 = tpu.memref_slice %arg3[%add3A_4, %dma_start3A_8, %dma_start3A_9] : memref<2528x2x128xi32, #tpu.memory_space<hbm>> -> memref<1x2x128xi32, #tpu.memory_space<hbm>>
    %dma_start3A_11 = tpu.memref_squeeze %dma_start3A_10 : memref<1x2x128xi32, #tpu.memory_space<hbm>> -> memref<2x128xi32, #tpu.memory_space<hbm>>
    tpu.enqueue_dma source(%dma_start3A_11 : memref<2x128xi32, #tpu.memory_space<hbm>>) target(%arg12 : memref<2x128xi32, #tpu.memory_space<vmem>>) target_semaphore(%arg22 : memref<!tpu.dma_semaphore, #tpu.memory_space<semaphore_mem>>)
    %mul3A_12 = arith.constant 79 : i32
    %mul3A_13 = arith.muli %add3A, %mul3A_12 : i32
    %add3A_14 = arith.constant 1 : i32
    %add3A_15 = arith.addi %mul3A_13, %add3A_14 : i32
    %dma_start3A_16 = arith.constant 0 : i32
    %dma_start3A_17 = arith.constant 0 : i32
    %dma_start3A_18 = tpu.memref_slice %arg3[%add3A_15, %dma_start3A_16, %dma_start3A_17] : memref<2528x2x128xi32, #tpu.memory_space<hbm>> -> memref<1x2x128xi32, #tpu.memory_space<hbm>>
    %dma_start3A_19 = tpu.memref_squeeze %dma_start3A_18 : memref<1x2x128xi32, #tpu.memory_space<hbm>> -> memref<2x128xi32, #tpu.memory_space<hbm>>
    %dma_start3A_20 = arith.constant 0 : i32
    %dma_start3A_21 = arith.constant 0 : i32
    %dma_start3A_22 = tpu.memref_slice %arg3[%add3A_15, %dma_start3A_20, %dma_start3A_21] : memref<2528x2x128xi32, #tpu.memory_space<hbm>> -> memref<1x2x128xi32, #tpu.memory_space<hbm>>
    %dma_start3A_23 = tpu.memref_squeeze %dma_start3A_22 : memref<1x2x128xi32, #tpu.memory_space<hbm>> -> memref<2x128xi32, #tpu.memory_space<hbm>>
    tpu.enqueue_dma source(%dma_start3A_23 : memref<2x128xi32, #tpu.memory_space<hbm>>) target(%arg13 : memref<2x128xi32, #tpu.memory_space<vmem>>) target_semaphore(%arg23 : memref<!tpu.dma_semaphore, #tpu.memory_space<semaphore_mem>>)
    %mul3A_24 = arith.constant 79 : i32
    %mul3A_25 = arith.muli %add3A, %mul3A_24 : i32
    %add3A_26 = arith.constant 2 : i32
    %add3A_27 = arith.addi %mul3A_25, %add3A_26 : i32
    %dma_start3A_28 = arith.constant 0 : i32
    %dma_start3A_29 = arith.constant 0 : i32
    %dma_start3A_30 = tpu.memref_slice %arg3[%add3A_27, %dma_start3A_28, %dma_start3A_29] : memref<2528x2x128xi32, #tpu.memory_space<hbm>> -> memref<1x2x128xi32, #tpu.memory_space<hbm>>
    %dma_start3A_31 = tpu.memref_squeeze %dma_start3A_30 : memref<1x2x128xi32, #tpu.memory_space<hbm>> -> memref<2x128xi32, #tpu.memory_space<hbm>>
    %dma_start3A_32 = arith.constant 0 : i32
    %dma_start3A_33 = arith.constant 0 : i32
    %dma_start3A_34 = tpu.memref_slice %arg3[%add3A_27, %dma_start3A_32, %dma_start3A_33] : memref<2528x2x128xi32, #tpu.memory_space<hbm>> -> memref<1x2x128xi32, #tpu.memory_space<hbm>>
    %dma_start3A_35 = tpu.memref_squeeze %dma_start3A_34 : memref<1x2x128xi32, #tpu.memory_space<hbm>> -> memref<2x128xi32, #tpu.memory_space<hbm>>
    tpu.enqueue_dma source(%dma_start3A_35 : memref<2x128xi32, #tpu.memory_space<hbm>>) target(%arg14 : memref<2x128xi32, #tpu.memory_space<vmem>>) target_semaphore(%arg24 : memref<!tpu.dma_semaphore, #tpu.memory_space<semaphore_mem>>)
    %mul3A_36 = arith.constant 79 : i32
    %mul3A_37 = arith.muli %add3A, %mul3A_36 : i32
    %add3A_38 = arith.constant 3 : i32
    %add3A_39 = arith.addi %mul3A_37, %add3A_38 : i32
    %dma_start3A_40 = arith.constant 0 : i32
    %dma_start3A_41 = arith.constant 0 : i32
    %dma_start3A_42 = tpu.memref_slice %arg3[%add3A_39, %dma_start3A_40, %dma_start3A_41] : memref<2528x2x128xi32, #tpu.memory_space<hbm>> -> memref<1x2x128xi32, #tpu.memory_space<hbm>>
    %dma_start3A_43 = tpu.memref_squeeze %dma_start3A_42 : memref<1x2x128xi32, #tpu.memory_space<hbm>> -> memref<2x128xi32, #tpu.memory_space<hbm>>
    %dma_start3A_44 = arith.constant 0 : i32
    %dma_start3A_45 = arith.constant 0 : i32
    %dma_start3A_46 = tpu.memref_slice %arg3[%add3A_39, %dma_start3A_44, %dma_start3A_45] : memref<2528x2x128xi32, #tpu.memory_space<hbm>> -> memref<1x2x128xi32, #tpu.memory_space<hbm>>
    %dma_start3A_47 = tpu.memref_squeeze %dma_start3A_46 : memref<1x2x128xi32, #tpu.memory_space<hbm>> -> memref<2x128xi32, #tpu.memory_space<hbm>>
    tpu.enqueue_dma source(%dma_start3A_47 : memref<2x128xi32, #tpu.memory_space<hbm>>) target(%arg15 : memref<2x128xi32, #tpu.memory_space<vmem>>) target_semaphore(%arg25 : memref<!tpu.dma_semaphore, #tpu.memory_space<semaphore_mem>>)
    %mul3A_48 = arith.constant 79 : i32
    %mul3A_49 = arith.muli %add3A, %mul3A_48 : i32
    %add3A_50 = arith.constant 0 : i32
    %add3A_51 = arith.addi %mul3A_49, %add3A_50 : i32
    %dma_wait3A = arith.constant 0 : i32
    %dma_wait3A_52 = arith.constant 0 : i32
    %dma_wait3A_53 = tpu.memref_slice %arg3[%add3A_51, %dma_wait3A, %dma_wait3A_52] : memref<2528x2x128xi32, #tpu.memory_space<hbm>> -> memref<1x2x128xi32, #tpu.memory_space<hbm>>
    %dma_wait3A_54 = tpu.memref_squeeze %dma_wait3A_53 : memref<1x2x128xi32, #tpu.memory_space<hbm>> -> memref<2x128xi32, #tpu.memory_space<hbm>>
    %dma_wait3A_55 = arith.constant 0 : i32
    %dma_wait3A_56 = arith.constant 0 : i32
    %dma_wait3A_57 = tpu.memref_slice %arg3[%add3A_51, %dma_wait3A_55, %dma_wait3A_56] : memref<2528x2x128xi32, #tpu.memory_space<hbm>> -> memref<1x2x128xi32, #tpu.memory_space<hbm>>
    %dma_wait3A_58 = tpu.memref_squeeze %dma_wait3A_57 : memref<1x2x128xi32, #tpu.memory_space<hbm>> -> memref<2x128xi32, #tpu.memory_space<hbm>>
    tpu.wait_dma2 semaphore(%arg22 : memref<!tpu.dma_semaphore, #tpu.memory_space<semaphore_mem>>) src(%dma_wait3A_58 : memref<2x128xi32, #tpu.memory_space<hbm>>) dst(%arg12 : memref<2x128xi32, #tpu.memory_space<vmem>>)
    %dma_start3A_59 = arith.constant 0 : i32
    %dma_start3A_60 = arith.constant 0 : i32
    %dma_start3A_61 = tpu.memref_slice %arg12[%dma_start3A_59, %dma_start3A_60] : memref<2x128xi32, #tpu.memory_space<vmem>> -> memref<1x128xi32, #tpu.memory_space<vmem>>
    %dma_start3A_62 = tpu.memref_squeeze %dma_start3A_61 : memref<1x128xi32, #tpu.memory_space<vmem>> -> memref<128xi32, #tpu.memory_space<vmem>>
    %dma_start3A_63 = arith.constant 0 : i32
    %dma_start3A_64 = arith.constant 0 : i32
    %dma_start3A_65 = tpu.memref_slice %arg2[%dma_start3A_63, %dma_start3A_64] : memref<20000x128xf32, #tpu.memory_space<hbm>> -> memref<20000x128xf32, #tpu.memory_space<hbm>>
    tpu.enqueue_indirect_dma source(%dma_start3A_65 : memref<20000x128xf32, #tpu.memory_space<hbm>>) target(%arg9 : memref<128x128xf32, #tpu.memory_space<vmem>>) offsets(%dma_start3A_62 : memref<128xi32, #tpu.memory_space<vmem>>) semaphore(%arg19 : memref<!tpu.dma_semaphore, #tpu.memory_space<semaphore_mem>>)
    %mul3A_66 = arith.constant 79 : i32
    %mul3A_67 = arith.muli %add3A, %mul3A_66 : i32
    %add3A_68 = arith.constant 1 : i32
    %add3A_69 = arith.addi %mul3A_67, %add3A_68 : i32
    %dma_wait3A_70 = arith.constant 0 : i32
    %dma_wait3A_71 = arith.constant 0 : i32
    %dma_wait3A_72 = tpu.memref_slice %arg3[%add3A_69, %dma_wait3A_70, %dma_wait3A_71] : memref<2528x2x128xi32, #tpu.memory_space<hbm>> -> memref<1x2x128xi32, #tpu.memory_space<hbm>>
    %dma_wait3A_73 = tpu.memref_squeeze %dma_wait3A_72 : memref<1x2x128xi32, #tpu.memory_space<hbm>> -> memref<2x128xi32, #tpu.memory_space<hbm>>
    %dma_wait3A_74 = arith.constant 0 : i32
    %dma_wait3A_75 = arith.constant 0 : i32
    %dma_wait3A_76 = tpu.memref_slice %arg3[%add3A_69, %dma_wait3A_74, %dma_wait3A_75] : memref<2528x2x128xi32, #tpu.memory_space<hbm>> -> memref<1x2x128xi32, #tpu.memory_space<hbm>>
    %dma_wait3A_77 = tpu.memref_squeeze %dma_wait3A_76 : memref<1x2x128xi32, #tpu.memory_space<hbm>> -> memref<2x128xi32, #tpu.memory_space<hbm>>
    tpu.wait_dma2 semaphore(%arg23 : memref<!tpu.dma_semaphore, #tpu.memory_space<semaphore_mem>>) src(%dma_wait3A_77 : memref<2x128xi32, #tpu.memory_space<hbm>>) dst(%arg13 : memref<2x128xi32, #tpu.memory_space<vmem>>)
    %dma_start3A_78 = arith.constant 0 : i32
    %dma_start3A_79 = arith.constant 0 : i32
    %dma_start3A_80 = tpu.memref_slice %arg13[%dma_start3A_78, %dma_start3A_79] : memref<2x128xi32, #tpu.memory_space<vmem>> -> memref<1x128xi32, #tpu.memory_space<vmem>>
    %dma_start3A_81 = tpu.memref_squeeze %dma_start3A_80 : memref<1x128xi32, #tpu.memory_space<vmem>> -> memref<128xi32, #tpu.memory_space<vmem>>
    %dma_start3A_82 = arith.constant 0 : i32
    %dma_start3A_83 = arith.constant 0 : i32
    %dma_start3A_84 = tpu.memref_slice %arg2[%dma_start3A_82, %dma_start3A_83] : memref<20000x128xf32, #tpu.memory_space<hbm>> -> memref<20000x128xf32, #tpu.memory_space<hbm>>
    tpu.enqueue_indirect_dma source(%dma_start3A_84 : memref<20000x128xf32, #tpu.memory_space<hbm>>) target(%arg10 : memref<128x128xf32, #tpu.memory_space<vmem>>) offsets(%dma_start3A_81 : memref<128xi32, #tpu.memory_space<vmem>>) semaphore(%arg20 : memref<!tpu.dma_semaphore, #tpu.memory_space<semaphore_mem>>)
    %mul3A_85 = arith.constant 625 : i32
    %mul3A_86 = arith.muli %arg1, %mul3A_85 : i32
    "tpu.region"() ({
      %run_scoped3A_341 = tpu.sem_alloc : memref<!tpu.dma_semaphore, #tpu.memory_space<semaphore_mem>>
      %dma_start3A_342 = arith.constant 0 : i32
      %dma_start3A_343 = tpu.memref_slice %arg17[%mul3A_86, %dma_start3A_342] : memref<10008x128xf32, #tpu.memory_space<vmem_shared>> -> memref<625x128xf32, #tpu.memory_space<vmem_shared>>
      tpu.enqueue_dma source(%arg5 : memref<625x128xf32, #tpu.memory_space<hbm>>) target(%dma_start3A_343 : memref<625x128xf32, #tpu.memory_space<vmem_shared>>) target_semaphore(%run_scoped3A_341 : memref<!tpu.dma_semaphore, #tpu.memory_space<semaphore_mem>>)
      %dma_wait3A_344 = arith.constant 0 : i32
      %dma_wait3A_345 = tpu.memref_slice %arg17[%mul3A_86, %dma_wait3A_344] : memref<10008x128xf32, #tpu.memory_space<vmem_shared>> -> memref<625x128xf32, #tpu.memory_space<vmem_shared>>
      tpu.wait_dma2 semaphore(%run_scoped3A_341 : memref<!tpu.dma_semaphore, #tpu.memory_space<semaphore_mem>>) src(%arg5 : memref<625x128xf32, #tpu.memory_space<hbm>>) dst(%dma_wait3A_345 : memref<625x128xf32, #tpu.memory_space<vmem_shared>>)
      tpu.yield
    }) : () -> ()
    %eq3A = arith.constant 0 : i32
    %eq3A_87 = arith.cmpi eq, %arg1, %eq3A : i32
    %convert_element_type3A = arith.extui %eq3A_87 : i1 to i32
    %cond3A = arith.constant 0 : i32
    %cond3A_88 = arith.cmpi ne, %convert_element_type3A, %cond3A : i32
    scf.if %cond3A_88 {
      "tpu.region"() ({
        %run_scoped3A_341 = tpu.sem_alloc : memref<!tpu.dma_semaphore, #tpu.memory_space<semaphore_mem>>
        %dma_start3A_342 = arith.constant 10000 : i32
        %dma_start3A_343 = arith.constant 0 : i32
        %dma_start3A_344 = tpu.memref_slice %arg17[%dma_start3A_342, %dma_start3A_343] : memref<10008x128xf32, #tpu.memory_space<vmem_shared>> -> memref<8x128xf32, #tpu.memory_space<vmem_shared>>
        %dma_start3A_345 = arith.constant 0 : i32
        %dma_start3A_346 = arith.constant 0 : i32
        %dma_start3A_347 = tpu.memref_slice %arg5[%dma_start3A_345, %dma_start3A_346] : memref<625x128xf32, #tpu.memory_space<hbm>> -> memref<8x128xf32, #tpu.memory_space<hbm>>
        tpu.enqueue_dma source(%dma_start3A_347 : memref<8x128xf32, #tpu.memory_space<hbm>>) target(%dma_start3A_344 : memref<8x128xf32, #tpu.memory_space<vmem_shared>>) target_semaphore(%run_scoped3A_341 : memref<!tpu.dma_semaphore, #tpu.memory_space<semaphore_mem>>)
        %dma_wait3A_348 = arith.constant 10000 : i32
        %dma_wait3A_349 = arith.constant 0 : i32
        %dma_wait3A_350 = tpu.memref_slice %arg17[%dma_wait3A_348, %dma_wait3A_349] : memref<10008x128xf32, #tpu.memory_space<vmem_shared>> -> memref<8x128xf32, #tpu.memory_space<vmem_shared>>
        %dma_wait3A_351 = arith.constant 0 : i32
        %dma_wait3A_352 = arith.constant 0 : i32
        %dma_wait3A_353 = tpu.memref_slice %arg5[%dma_wait3A_351, %dma_wait3A_352] : memref<625x128xf32, #tpu.memory_space<hbm>> -> memref<8x128xf32, #tpu.memory_space<hbm>>
        tpu.wait_dma2 semaphore(%run_scoped3A_341 : memref<!tpu.dma_semaphore, #tpu.memory_space<semaphore_mem>>) src(%dma_wait3A_353 : memref<8x128xf32, #tpu.memory_space<hbm>>) dst(%dma_wait3A_350 : memref<8x128xf32, #tpu.memory_space<vmem_shared>>)
        tpu.yield
      }) : () -> ()
    } else {
    }
    %mul3A_89 = arith.constant 640 : i32
    %mul3A_90 = arith.muli %arg1, %mul3A_89 : i32
    "tpu.region"() ({
      %run_scoped3A_341 = tpu.sem_alloc : memref<!tpu.dma_semaphore, #tpu.memory_space<semaphore_mem>>
      %dma_start3A_342 = tpu.memref_slice %arg18[%mul3A_90] : memref<10240xf32, #tpu.memory_space<vmem_shared>> -> memref<640xf32, #tpu.memory_space<vmem_shared>>
      %dma_start3A_343 = arith.constant 0 : i32
      %dma_start3A_344 = tpu.memref_slice %arg6[%arg1, %dma_start3A_343] : memref<16x640xf32, #tpu.memory_space<hbm>> -> memref<1x640xf32, #tpu.memory_space<hbm>>
      %dma_start3A_345 = tpu.memref_squeeze %dma_start3A_344 : memref<1x640xf32, #tpu.memory_space<hbm>> -> memref<640xf32, #tpu.memory_space<hbm>>
      tpu.enqueue_dma source(%dma_start3A_345 : memref<640xf32, #tpu.memory_space<hbm>>) target(%dma_start3A_342 : memref<640xf32, #tpu.memory_space<vmem_shared>>) target_semaphore(%run_scoped3A_341 : memref<!tpu.dma_semaphore, #tpu.memory_space<semaphore_mem>>)
      %dma_wait3A_346 = tpu.memref_slice %arg18[%mul3A_90] : memref<10240xf32, #tpu.memory_space<vmem_shared>> -> memref<640xf32, #tpu.memory_space<vmem_shared>>
      %dma_wait3A_347 = arith.constant 0 : i32
      %dma_wait3A_348 = tpu.memref_slice %arg6[%arg1, %dma_wait3A_347] : memref<16x640xf32, #tpu.memory_space<hbm>> -> memref<1x640xf32, #tpu.memory_space<hbm>>
      %dma_wait3A_349 = tpu.memref_squeeze %dma_wait3A_348 : memref<1x640xf32, #tpu.memory_space<hbm>> -> memref<640xf32, #tpu.memory_space<hbm>>
      tpu.wait_dma2 semaphore(%run_scoped3A_341 : memref<!tpu.dma_semaphore, #tpu.memory_space<semaphore_mem>>) src(%dma_wait3A_349 : memref<640xf32, #tpu.memory_space<hbm>>) dst(%dma_wait3A_346 : memref<640xf32, #tpu.memory_space<vmem_shared>>)
      tpu.yield
    }) : () -> ()
    "tpu.region"() ({
      %run_scoped3A_341 = tpu.sem_alloc : memref<!tpu.dma_semaphore, #tpu.memory_space<semaphore_mem>>
      tpu.enqueue_dma source(%arg4 : memref<128xf32, #tpu.memory_space<hbm>>) target(%arg16 : memref<128xf32, #tpu.memory_space<vmem>>) target_semaphore(%run_scoped3A_341 : memref<!tpu.dma_semaphore, #tpu.memory_space<semaphore_mem>>)
      tpu.wait_dma2 semaphore(%run_scoped3A_341 : memref<!tpu.dma_semaphore, #tpu.memory_space<semaphore_mem>>) src(%arg4 : memref<128xf32, #tpu.memory_space<hbm>>) dst(%arg16 : memref<128xf32, #tpu.memory_space<vmem>>)
      tpu.yield
    }) : () -> ()
    %barrier3A = arith.constant 0 : index
    tpu.barrier barrier_id(%barrier3A)
    %scan3A = arith.constant 0 : i32
    %scan3A_91 = arith.constant 0 : i32
    %scan3A_92 = arith.constant 6 : i32
    %scan3A_93 = arith.addi %scan3A_91, %scan3A_92 : i32
    %scan3A_94 = arith.constant 1 : i32
    scf.for %scan3A_341 = %scan3A_91 to %scan3A_93 step %scan3A_94  : i32 {
      %mul3A_342 = arith.constant 12 : i32
      %mul3A_343 = arith.muli %scan3A_341, %mul3A_342 : i32
      %add3A_344 = arith.constant 0 : i32
      %add3A_345 = arith.addi %mul3A_343, %add3A_344 : i32
      %dma_wait3A_346 = arith.constant 0 : i32
      %dma_wait3A_347 = arith.constant 0 : i32
      %dma_wait3A_348 = tpu.memref_slice %arg12[%dma_wait3A_346, %dma_wait3A_347] : memref<2x128xi32, #tpu.memory_space<vmem>> -> memref<1x128xi32, #tpu.memory_space<vmem>>
      %dma_wait3A_349 = tpu.memref_squeeze %dma_wait3A_348 : memref<1x128xi32, #tpu.memory_space<vmem>> -> memref<128xi32, #tpu.memory_space<vmem>>
      %dma_wait3A_350 = arith.constant 0 : i32
      %dma_wait3A_351 = arith.constant 0 : i32
      %dma_wait3A_352 = tpu.memref_slice %arg2[%dma_wait3A_350, %dma_wait3A_351] : memref<20000x128xf32, #tpu.memory_space<hbm>> -> memref<20000x128xf32, #tpu.memory_space<hbm>>
      tpu.wait_indirect_dma semaphore(%arg19 : memref<!tpu.dma_semaphore, #tpu.memory_space<semaphore_mem>>) src(%dma_wait3A_352 : memref<20000x128xf32, #tpu.memory_space<hbm>>) dst(%arg9 : memref<128x128xf32, #tpu.memory_space<vmem>>)
      %run_scoped3A_353 = arith.constant 1 : i32
      "tpu.region"() ({
        %run_scoped3A_912 = tpu.sem_alloc : memref<!tpu.dma_semaphore, #tpu.memory_space<semaphore_mem>>
        %dma_start3A_913 = arith.constant 0 : i32
        %dma_start3A_914 = tpu.memref_slice %arg12[%run_scoped3A_353, %dma_start3A_913] : memref<2x128xi32, #tpu.memory_space<vmem>> -> memref<1x128xi32, #tpu.memory_space<vmem>>
        %dma_start3A_915 = tpu.memref_squeeze %dma_start3A_914 : memref<1x128xi32, #tpu.memory_space<vmem>> -> memref<128xi32, #tpu.memory_space<vmem>>
        %dma_start3A_916 = arith.constant 0 : i32
        %dma_start3A_917 = arith.constant 0 : i32
        %dma_start3A_918 = tpu.memref_slice %arg17[%dma_start3A_916, %dma_start3A_917] : memref<10008x128xf32, #tpu.memory_space<vmem_shared>> -> memref<10008x128xf32, #tpu.memory_space<vmem_shared>>
        tpu.enqueue_indirect_dma source(%arg9 : memref<128x128xf32, #tpu.memory_space<vmem>>) target(%dma_start3A_918 : memref<10008x128xf32, #tpu.memory_space<vmem_shared>>) offsets(%dma_start3A_915 : memref<128xi32, #tpu.memory_space<vmem>>) semaphore(%run_scoped3A_912 : memref<!tpu.dma_semaphore, #tpu.memory_space<semaphore_mem>>) {add = true}
        %dma_wait3A_919 = arith.constant 0 : i32
        %dma_wait3A_920 = tpu.memref_slice %arg12[%run_scoped3A_353, %dma_wait3A_919] : memref<2x128xi32, #tpu.memory_space<vmem>> -> memref<1x128xi32, #tpu.memory_space<vmem>>
        %dma_wait3A_921 = tpu.memref_squeeze %dma_wait3A_920 : memref<1x128xi32, #tpu.memory_space<vmem>> -> memref<128xi32, #tpu.memory_space<vmem>>
        %dma_wait3A_922 = arith.constant 0 : i32
        %dma_wait3A_923 = arith.constant 0 : i32
        %dma_wait3A_924 = tpu.memref_slice %arg17[%dma_wait3A_922, %dma_wait3A_923] : memref<10008x128xf32, #tpu.memory_space<vmem_shared>> -> memref<10008x128xf32, #tpu.memory_space<vmem_shared>>
        tpu.wait_indirect_dma semaphore(%run_scoped3A_912 : memref<!tpu.dma_semaphore, #tpu.memory_space<semaphore_mem>>) src(%arg9 : memref<128x128xf32, #tpu.memory_space<vmem>>) dst(%dma_wait3A_924 : memref<10008x128xf32, #tpu.memory_space<vmem_shared>>)
        tpu.yield
      }) : () -> ()
      %jit3A = arith.constant 2 : i32
      %eq3A_354 = arith.constant 0 : i32
      %eq3A_355 = arith.cmpi eq, %jit3A, %eq3A_354 : i32
      %jit3A_356 = arith.constant 1 : i32
      %select_n3A = arith.select %eq3A_355, %jit3A_356, %jit3A : i32
      %rem3A = arith.remsi %add3A_345, %select_n3A : i32
      %ne3A = arith.constant 0 : i32
      %ne3A_357 = arith.cmpi ne, %rem3A, %ne3A : i32
      %lt3A = arith.constant 0 : i32
      %lt3A_358 = arith.cmpi slt, %rem3A, %lt3A : i32
      %lt3A_359 = arith.constant 0 : i32
      %lt3A_360 = arith.cmpi slt, %select_n3A, %lt3A_359 : i32
      %ne3A_361 = arith.xori %lt3A_358, %lt3A_360 : i1
      %and3A = arith.andi %ne3A_361, %ne3A_357 : i1
      %add3A_362 = arith.addi %rem3A, %select_n3A : i32
      %select_n3A_363 = arith.select %and3A, %add3A_362, %rem3A : i32
      %eq3A_364 = arith.cmpi eq, %select_n3A_363, %arg0 : i32
      %convert_element_type3A_365 = arith.extui %eq3A_364 : i1 to i32
      %cond3A_366 = arith.constant 0 : i32
      %cond3A_367 = arith.cmpi ne, %convert_element_type3A_365, %cond3A_366 : i32
      scf.if %cond3A_367 {
        %run_scoped3A_912 = arith.constant 1 : i32
        "tpu.region"() ({
          %run_scoped3A_913 = tpu.sem_alloc : memref<!tpu.dma_semaphore, #tpu.memory_space<semaphore_mem>>
          %dma_start3A_914 = arith.constant 0 : i32
          %dma_start3A_915 = tpu.memref_slice %arg12[%run_scoped3A_912, %dma_start3A_914] : memref<2x128xi32, #tpu.memory_space<vmem>> -> memref<1x128xi32, #tpu.memory_space<vmem>>
          %dma_start3A_916 = tpu.memref_squeeze %dma_start3A_915 : memref<1x128xi32, #tpu.memory_space<vmem>> -> memref<128xi32, #tpu.memory_space<vmem>>
          %dma_start3A_917 = arith.constant 0 : i32
          %dma_start3A_918 = tpu.memref_slice %arg18[%dma_start3A_917] : memref<10240xf32, #tpu.memory_space<vmem_shared>> -> memref<10240xf32, #tpu.memory_space<vmem_shared>>
          tpu.enqueue_indirect_dma source(%arg16 : memref<128xf32, #tpu.memory_space<vmem>>) target(%dma_start3A_918 : memref<10240xf32, #tpu.memory_space<vmem_shared>>) offsets(%dma_start3A_916 : memref<128xi32, #tpu.memory_space<vmem>>) semaphore(%run_scoped3A_913 : memref<!tpu.dma_semaphore, #tpu.memory_space<semaphore_mem>>) {add = true}
          %dma_wait3A_919 = arith.constant 0 : i32
          %dma_wait3A_920 = tpu.memref_slice %arg12[%run_scoped3A_912, %dma_wait3A_919] : memref<2x128xi32, #tpu.memory_space<vmem>> -> memref<1x128xi32, #tpu.memory_space<vmem>>
          %dma_wait3A_921 = tpu.memref_squeeze %dma_wait3A_920 : memref<1x128xi32, #tpu.memory_space<vmem>> -> memref<128xi32, #tpu.memory_space<vmem>>
          %dma_wait3A_922 = arith.constant 0 : i32
          %dma_wait3A_923 = tpu.memref_slice %arg18[%dma_wait3A_922] : memref<10240xf32, #tpu.memory_space<vmem_shared>> -> memref<10240xf32, #tpu.memory_space<vmem_shared>>
          tpu.wait_indirect_dma semaphore(%run_scoped3A_913 : memref<!tpu.dma_semaphore, #tpu.memory_space<semaphore_mem>>) src(%arg16 : memref<128xf32, #tpu.memory_space<vmem>>) dst(%dma_wait3A_923 : memref<10240xf32, #tpu.memory_space<vmem_shared>>)
          tpu.yield
        }) : () -> ()
      } else {
      }
      %add3A_368 = arith.constant 4 : i32
      %add3A_369 = arith.addi %add3A_345, %add3A_368 : i32
      %lt3A_370 = arith.constant 79 : i32
      %lt3A_371 = arith.cmpi slt, %add3A_369, %lt3A_370 : i32
      %convert_element_type3A_372 = arith.extui %lt3A_371 : i1 to i32
      %cond3A_373 = arith.constant 0 : i32
      %cond3A_374 = arith.cmpi ne, %convert_element_type3A_372, %cond3A_373 : i32
      scf.if %cond3A_374 {
        %add3A_912 = arith.constant 4 : i32
        %add3A_913 = arith.addi %add3A_345, %add3A_912 : i32
        %mul3A_914 = arith.constant 79 : i32
        %mul3A_915 = arith.muli %add3A, %mul3A_914 : i32
        %add3A_916 = arith.addi %mul3A_915, %add3A_913 : i32
        %dma_start3A_917 = arith.constant 0 : i32
        %dma_start3A_918 = arith.constant 0 : i32
        %dma_start3A_919 = tpu.memref_slice %arg3[%add3A_916, %dma_start3A_917, %dma_start3A_918] : memref<2528x2x128xi32, #tpu.memory_space<hbm>> -> memref<1x2x128xi32, #tpu.memory_space<hbm>>
        %dma_start3A_920 = tpu.memref_squeeze %dma_start3A_919 : memref<1x2x128xi32, #tpu.memory_space<hbm>> -> memref<2x128xi32, #tpu.memory_space<hbm>>
        %dma_start3A_921 = arith.constant 0 : i32
        %dma_start3A_922 = arith.constant 0 : i32
        %dma_start3A_923 = tpu.memref_slice %arg3[%add3A_916, %dma_start3A_921, %dma_start3A_922] : memref<2528x2x128xi32, #tpu.memory_space<hbm>> -> memref<1x2x128xi32, #tpu.memory_space<hbm>>
        %dma_start3A_924 = tpu.memref_squeeze %dma_start3A_923 : memref<1x2x128xi32, #tpu.memory_space<hbm>> -> memref<2x128xi32, #tpu.memory_space<hbm>>
        tpu.enqueue_dma source(%dma_start3A_924 : memref<2x128xi32, #tpu.memory_space<hbm>>) target(%arg12 : memref<2x128xi32, #tpu.memory_space<vmem>>) target_semaphore(%arg22 : memref<!tpu.dma_semaphore, #tpu.memory_space<semaphore_mem>>)
      } else {
      }
      %add3A_375 = arith.constant 3 : i32
      %add3A_376 = arith.addi %add3A_345, %add3A_375 : i32
      %sub3A_377 = arith.constant 1 : i32
      %sub3A_378 = arith.subi %add3A_376, %sub3A_377 : i32
      %lt3A_379 = arith.constant 79 : i32
      %lt3A_380 = arith.cmpi slt, %sub3A_378, %lt3A_379 : i32
      %convert_element_type3A_381 = arith.extui %lt3A_380 : i1 to i32
      %cond3A_382 = arith.constant 0 : i32
      %cond3A_383 = arith.cmpi ne, %convert_element_type3A_381, %cond3A_382 : i32
      scf.if %cond3A_383 {
        %mul3A_912 = arith.constant 79 : i32
        %mul3A_913 = arith.muli %add3A, %mul3A_912 : i32
        %add3A_914 = arith.addi %mul3A_913, %add3A_345 : i32
        %add3A_915 = arith.constant 3 : i32
        %add3A_916 = arith.addi %add3A_914, %add3A_915 : i32
        %sub3A_917 = arith.constant 1 : i32
        %sub3A_918 = arith.subi %add3A_916, %sub3A_917 : i32
        %dma_wait3A_919 = arith.constant 0 : i32
        %dma_wait3A_920 = arith.constant 0 : i32
        %dma_wait3A_921 = tpu.memref_slice %arg3[%sub3A_918, %dma_wait3A_919, %dma_wait3A_920] : memref<2528x2x128xi32, #tpu.memory_space<hbm>> -> memref<1x2x128xi32, #tpu.memory_space<hbm>>
        %dma_wait3A_922 = tpu.memref_squeeze %dma_wait3A_921 : memref<1x2x128xi32, #tpu.memory_space<hbm>> -> memref<2x128xi32, #tpu.memory_space<hbm>>
        %dma_wait3A_923 = arith.constant 0 : i32
        %dma_wait3A_924 = arith.constant 0 : i32
        %dma_wait3A_925 = tpu.memref_slice %arg3[%sub3A_918, %dma_wait3A_923, %dma_wait3A_924] : memref<2528x2x128xi32, #tpu.memory_space<hbm>> -> memref<1x2x128xi32, #tpu.memory_space<hbm>>
        %dma_wait3A_926 = tpu.memref_squeeze %dma_wait3A_925 : memref<1x2x128xi32, #tpu.memory_space<hbm>> -> memref<2x128xi32, #tpu.memory_space<hbm>>
        tpu.wait_dma2 semaphore(%arg24 : memref<!tpu.dma_semaphore, #tpu.memory_space<semaphore_mem>>) src(%dma_wait3A_926 : memref<2x128xi32, #tpu.memory_space<hbm>>) dst(%arg14 : memref<2x128xi32, #tpu.memory_space<vmem>>)
        %add3A_927 = arith.constant 3 : i32
        %add3A_928 = arith.addi %add3A_345, %add3A_927 : i32
        %sub3A_929 = arith.constant 1 : i32
        %sub3A_930 = arith.subi %add3A_928, %sub3A_929 : i32
        %dma_start3A_931 = arith.constant 0 : i32
        %dma_start3A_932 = arith.constant 0 : i32
        %dma_start3A_933 = tpu.memref_slice %arg14[%dma_start3A_931, %dma_start3A_932] : memref<2x128xi32, #tpu.memory_space<vmem>> -> memref<1x128xi32, #tpu.memory_space<vmem>>
        %dma_start3A_934 = tpu.memref_squeeze %dma_start3A_933 : memref<1x128xi32, #tpu.memory_space<vmem>> -> memref<128xi32, #tpu.memory_space<vmem>>
        %dma_start3A_935 = arith.constant 0 : i32
        %dma_start3A_936 = arith.constant 0 : i32
        %dma_start3A_937 = tpu.memref_slice %arg2[%dma_start3A_935, %dma_start3A_936] : memref<20000x128xf32, #tpu.memory_space<hbm>> -> memref<20000x128xf32, #tpu.memory_space<hbm>>
        tpu.enqueue_indirect_dma source(%dma_start3A_937 : memref<20000x128xf32, #tpu.memory_space<hbm>>) target(%arg11 : memref<128x128xf32, #tpu.memory_space<vmem>>) offsets(%dma_start3A_934 : memref<128xi32, #tpu.memory_space<vmem>>) semaphore(%arg21 : memref<!tpu.dma_semaphore, #tpu.memory_space<semaphore_mem>>)
      } else {
      }
      %mul3A_384 = arith.constant 12 : i32
      %mul3A_385 = arith.muli %scan3A_341, %mul3A_384 : i32
      %add3A_386 = arith.constant 1 : i32
      %add3A_387 = arith.addi %mul3A_385, %add3A_386 : i32
      %dma_wait3A_388 = arith.constant 0 : i32
      %dma_wait3A_389 = arith.constant 0 : i32
      %dma_wait3A_390 = tpu.memref_slice %arg13[%dma_wait3A_388, %dma_wait3A_389] : memref<2x128xi32, #tpu.memory_space<vmem>> -> memref<1x128xi32, #tpu.memory_space<vmem>>
      %dma_wait3A_391 = tpu.memref_squeeze %dma_wait3A_390 : memref<1x128xi32, #tpu.memory_space<vmem>> -> memref<128xi32, #tpu.memory_space<vmem>>
      %dma_wait3A_392 = arith.constant 0 : i32
      %dma_wait3A_393 = arith.constant 0 : i32
      %dma_wait3A_394 = tpu.memref_slice %arg2[%dma_wait3A_392, %dma_wait3A_393] : memref<20000x128xf32, #tpu.memory_space<hbm>> -> memref<20000x128xf32, #tpu.memory_space<hbm>>
      tpu.wait_indirect_dma semaphore(%arg20 : memref<!tpu.dma_semaphore, #tpu.memory_space<semaphore_mem>>) src(%dma_wait3A_394 : memref<20000x128xf32, #tpu.memory_space<hbm>>) dst(%arg10 : memref<128x128xf32, #tpu.memory_space<vmem>>)
      %run_scoped3A_395 = arith.constant 1 : i32
      "tpu.region"() ({
        %run_scoped3A_912 = tpu.sem_alloc : memref<!tpu.dma_semaphore, #tpu.memory_space<semaphore_mem>>
        %dma_start3A_913 = arith.constant 0 : i32
        %dma_start3A_914 = tpu.memref_slice %arg13[%run_scoped3A_395, %dma_start3A_913] : memref<2x128xi32, #tpu.memory_space<vmem>> -> memref<1x128xi32, #tpu.memory_space<vmem>>
        %dma_start3A_915 = tpu.memref_squeeze %dma_start3A_914 : memref<1x128xi32, #tpu.memory_space<vmem>> -> memref<128xi32, #tpu.memory_space<vmem>>
        %dma_start3A_916 = arith.constant 0 : i32
        %dma_start3A_917 = arith.constant 0 : i32
        %dma_start3A_918 = tpu.memref_slice %arg17[%dma_start3A_916, %dma_start3A_917] : memref<10008x128xf32, #tpu.memory_space<vmem_shared>> -> memref<10008x128xf32, #tpu.memory_space<vmem_shared>>
        tpu.enqueue_indirect_dma source(%arg10 : memref<128x128xf32, #tpu.memory_space<vmem>>) target(%dma_start3A_918 : memref<10008x128xf32, #tpu.memory_space<vmem_shared>>) offsets(%dma_start3A_915 : memref<128xi32, #tpu.memory_space<vmem>>) semaphore(%run_scoped3A_912 : memref<!tpu.dma_semaphore, #tpu.memory_space<semaphore_mem>>) {add = true}
        %dma_wait3A_919 = arith.constant 0 : i32
        %dma_wait3A_920 = tpu.memref_slice %arg13[%run_scoped3A_395, %dma_wait3A_919] : memref<2x128xi32, #tpu.memory_space<vmem>> -> memref<1x128xi32, #tpu.memory_space<vmem>>
        %dma_wait3A_921 = tpu.memref_squeeze %dma_wait3A_920 : memref<1x128xi32, #tpu.memory_space<vmem>> -> memref<128xi32, #tpu.memory_space<vmem>>
        %dma_wait3A_922 = arith.constant 0 : i32
        %dma_wait3A_923 = arith.constant 0 : i32
        %dma_wait3A_924 = tpu.memref_slice %arg17[%dma_wait3A_922, %dma_wait3A_923] : memref<10008x128xf32, #tpu.memory_space<vmem_shared>> -> memref<10008x128xf32, #tpu.memory_space<vmem_shared>>
        tpu.wait_indirect_dma semaphore(%run_scoped3A_912 : memref<!tpu.dma_semaphore, #tpu.memory_space<semaphore_mem>>) src(%arg10 : memref<128x128xf32, #tpu.memory_space<vmem>>) dst(%dma_wait3A_924 : memref<10008x128xf32, #tpu.memory_space<vmem_shared>>)
        tpu.yield
      }) : () -> ()
      %jit3A_396 = arith.constant 2 : i32
      %eq3A_397 = arith.constant 0 : i32
      %eq3A_398 = arith.cmpi eq, %jit3A_396, %eq3A_397 : i32
      %jit3A_399 = arith.constant 1 : i32
      %select_n3A_400 = arith.select %eq3A_398, %jit3A_399, %jit3A_396 : i32
      %rem3A_401 = arith.remsi %add3A_387, %select_n3A_400 : i32
      %ne3A_402 = arith.constant 0 : i32
      %ne3A_403 = arith.cmpi ne, %rem3A_401, %ne3A_402 : i32
      %lt3A_404 = arith.constant 0 : i32
      %lt3A_405 = arith.cmpi slt, %rem3A_401, %lt3A_404 : i32
      %lt3A_406 = arith.constant 0 : i32
      %lt3A_407 = arith.cmpi slt, %select_n3A_400, %lt3A_406 : i32
      %ne3A_408 = arith.xori %lt3A_405, %lt3A_407 : i1
      %and3A_409 = arith.andi %ne3A_408, %ne3A_403 : i1
      %add3A_410 = arith.addi %rem3A_401, %select_n3A_400 : i32
      %select_n3A_411 = arith.select %and3A_409, %add3A_410, %rem3A_401 : i32
      %eq3A_412 = arith.cmpi eq, %select_n3A_411, %arg0 : i32
      %convert_element_type3A_413 = arith.extui %eq3A_412 : i1 to i32
      %cond3A_414 = arith.constant 0 : i32
      %cond3A_415 = arith.cmpi ne, %convert_element_type3A_413, %cond3A_414 : i32
      scf.if %cond3A_415 {
        %run_scoped3A_912 = arith.constant 1 : i32
        "tpu.region"() ({
          %run_scoped3A_913 = tpu.sem_alloc : memref<!tpu.dma_semaphore, #tpu.memory_space<semaphore_mem>>
          %dma_start3A_914 = arith.constant 0 : i32
          %dma_start3A_915 = tpu.memref_slice %arg13[%run_scoped3A_912, %dma_start3A_914] : memref<2x128xi32, #tpu.memory_space<vmem>> -> memref<1x128xi32, #tpu.memory_space<vmem>>
          %dma_start3A_916 = tpu.memref_squeeze %dma_start3A_915 : memref<1x128xi32, #tpu.memory_space<vmem>> -> memref<128xi32, #tpu.memory_space<vmem>>
          %dma_start3A_917 = arith.constant 0 : i32
          %dma_start3A_918 = tpu.memref_slice %arg18[%dma_start3A_917] : memref<10240xf32, #tpu.memory_space<vmem_shared>> -> memref<10240xf32, #tpu.memory_space<vmem_shared>>
          tpu.enqueue_indirect_dma source(%arg16 : memref<128xf32, #tpu.memory_space<vmem>>) target(%dma_start3A_918 : memref<10240xf32, #tpu.memory_space<vmem_shared>>) offsets(%dma_start3A_916 : memref<128xi32, #tpu.memory_space<vmem>>) semaphore(%run_scoped3A_913 : memref<!tpu.dma_semaphore, #tpu.memory_space<semaphore_mem>>) {add = true}
          %dma_wait3A_919 = arith.constant 0 : i32
          %dma_wait3A_920 = tpu.memref_slice %arg13[%run_scoped3A_912, %dma_wait3A_919] : memref<2x128xi32, #tpu.memory_space<vmem>> -> memref<1x128xi32, #tpu.memory_space<vmem>>
          %dma_wait3A_921 = tpu.memref_squeeze %dma_wait3A_920 : memref<1x128xi32, #tpu.memory_space<vmem>> -> memref<128xi32, #tpu.memory_space<vmem>>
          %dma_wait3A_922 = arith.constant 0 : i32
          %dma_wait3A_923 = tpu.memref_slice %arg18[%dma_wait3A_922] : memref<10240xf32, #tpu.memory_space<vmem_shared>> -> memref<10240xf32, #tpu.memory_space<vmem_shared>>
          tpu.wait_indirect_dma semaphore(%run_scoped3A_913 : memref<!tpu.dma_semaphore, #tpu.memory_space<semaphore_mem>>) src(%arg16 : memref<128xf32, #tpu.memory_space<vmem>>) dst(%dma_wait3A_923 : memref<10240xf32, #tpu.memory_space<vmem_shared>>)
          tpu.yield
        }) : () -> ()
      } else {
      }
      %add3A_416 = arith.constant 4 : i32
      %add3A_417 = arith.addi %add3A_387, %add3A_416 : i32
      %lt3A_418 = arith.constant 79 : i32
      %lt3A_419 = arith.cmpi slt, %add3A_417, %lt3A_418 : i32
      %convert_element_type3A_420 = arith.extui %lt3A_419 : i1 to i32
      %cond3A_421 = arith.constant 0 : i32
      %cond3A_422 = arith.cmpi ne, %convert_element_type3A_420, %cond3A_421 : i32
      scf.if %cond3A_422 {
        %add3A_912 = arith.constant 4 : i32
        %add3A_913 = arith.addi %add3A_387, %add3A_912 : i32
        %mul3A_914 = arith.constant 79 : i32
        %mul3A_915 = arith.muli %add3A, %mul3A_914 : i32
        %add3A_916 = arith.addi %mul3A_915, %add3A_913 : i32
        %dma_start3A_917 = arith.constant 0 : i32
        %dma_start3A_918 = arith.constant 0 : i32
        %dma_start3A_919 = tpu.memref_slice %arg3[%add3A_916, %dma_start3A_917, %dma_start3A_918] : memref<2528x2x128xi32, #tpu.memory_space<hbm>> -> memref<1x2x128xi32, #tpu.memory_space<hbm>>
        %dma_start3A_920 = tpu.memref_squeeze %dma_start3A_919 : memref<1x2x128xi32, #tpu.memory_space<hbm>> -> memref<2x128xi32, #tpu.memory_space<hbm>>
        %dma_start3A_921 = arith.constant 0 : i32
        %dma_start3A_922 = arith.constant 0 : i32
        %dma_start3A_923 = tpu.memref_slice %arg3[%add3A_916, %dma_start3A_921, %dma_start3A_922] : memref<2528x2x128xi32, #tpu.memory_space<hbm>> -> memref<1x2x128xi32, #tpu.memory_space<hbm>>
        %dma_start3A_924 = tpu.memref_squeeze %dma_start3A_923 : memref<1x2x128xi32, #tpu.memory_space<hbm>> -> memref<2x128xi32, #tpu.memory_space<hbm>>
        tpu.enqueue_dma source(%dma_start3A_924 : memref<2x128xi32, #tpu.memory_space<hbm>>) target(%arg13 : memref<2x128xi32, #tpu.memory_space<vmem>>) target_semaphore(%arg23 : memref<!tpu.dma_semaphore, #tpu.memory_space<semaphore_mem>>)
      } else {
      }
      %add3A_423 = arith.constant 3 : i32
      %add3A_424 = arith.addi %add3A_387, %add3A_423 : i32
      %sub3A_425 = arith.constant 1 : i32
      %sub3A_426 = arith.subi %add3A_424, %sub3A_425 : i32
      %lt3A_427 = arith.constant 79 : i32
      %lt3A_428 = arith.cmpi slt, %sub3A_426, %lt3A_427 : i32
      %convert_element_type3A_429 = arith.extui %lt3A_428 : i1 to i32
      %cond3A_430 = arith.constant 0 : i32
      %cond3A_431 = arith.cmpi ne, %convert_element_type3A_429, %cond3A_430 : i32
      scf.if %cond3A_431 {
        %mul3A_912 = arith.constant 79 : i32
        %mul3A_913 = arith.muli %add3A, %mul3A_912 : i32
        %add3A_914 = arith.addi %mul3A_913, %add3A_387 : i32
        %add3A_915 = arith.constant 3 : i32
        %add3A_916 = arith.addi %add3A_914, %add3A_915 : i32
        %sub3A_917 = arith.constant 1 : i32
        %sub3A_918 = arith.subi %add3A_916, %sub3A_917 : i32
        %dma_wait3A_919 = arith.constant 0 : i32
        %dma_wait3A_920 = arith.constant 0 : i32
        %dma_wait3A_921 = tpu.memref_slice %arg3[%sub3A_918, %dma_wait3A_919, %dma_wait3A_920] : memref<2528x2x128xi32, #tpu.memory_space<hbm>> -> memref<1x2x128xi32, #tpu.memory_space<hbm>>
        %dma_wait3A_922 = tpu.memref_squeeze %dma_wait3A_921 : memref<1x2x128xi32, #tpu.memory_space<hbm>> -> memref<2x128xi32, #tpu.memory_space<hbm>>
        %dma_wait3A_923 = arith.constant 0 : i32
        %dma_wait3A_924 = arith.constant 0 : i32
        %dma_wait3A_925 = tpu.memref_slice %arg3[%sub3A_918, %dma_wait3A_923, %dma_wait3A_924] : memref<2528x2x128xi32, #tpu.memory_space<hbm>> -> memref<1x2x128xi32, #tpu.memory_space<hbm>>
        %dma_wait3A_926 = tpu.memref_squeeze %dma_wait3A_925 : memref<1x2x128xi32, #tpu.memory_space<hbm>> -> memref<2x128xi32, #tpu.memory_space<hbm>>
        tpu.wait_dma2 semaphore(%arg25 : memref<!tpu.dma_semaphore, #tpu.memory_space<semaphore_mem>>) src(%dma_wait3A_926 : memref<2x128xi32, #tpu.memory_space<hbm>>) dst(%arg15 : memref<2x128xi32, #tpu.memory_space<vmem>>)
        %add3A_927 = arith.constant 3 : i32
        %add3A_928 = arith.addi %add3A_387, %add3A_927 : i32
        %sub3A_929 = arith.constant 1 : i32
        %sub3A_930 = arith.subi %add3A_928, %sub3A_929 : i32
        %dma_start3A_931 = arith.constant 0 : i32
        %dma_start3A_932 = arith.constant 0 : i32
        %dma_start3A_933 = tpu.memref_slice %arg15[%dma_start3A_931, %dma_start3A_932] : memref<2x128xi32, #tpu.memory_space<vmem>> -> memref<1x128xi32, #tpu.memory_space<vmem>>
        %dma_start3A_934 = tpu.memref_squeeze %dma_start3A_933 : memref<1x128xi32, #tpu.memory_space<vmem>> -> memref<128xi32, #tpu.memory_space<vmem>>
        %dma_start3A_935 = arith.constant 0 : i32
        %dma_start3A_936 = arith.constant 0 : i32
        %dma_start3A_937 = tpu.memref_slice %arg2[%dma_start3A_935, %dma_start3A_936] : memref<20000x128xf32, #tpu.memory_space<hbm>> -> memref<20000x128xf32, #tpu.memory_space<hbm>>
        tpu.enqueue_indirect_dma source(%dma_start3A_937 : memref<20000x128xf32, #tpu.memory_space<hbm>>) target(%arg9 : memref<128x128xf32, #tpu.memory_space<vmem>>) offsets(%dma_start3A_934 : memref<128xi32, #tpu.memory_space<vmem>>) semaphore(%arg19 : memref<!tpu.dma_semaphore, #tpu.memory_space<semaphore_mem>>)
      } else {
      }
      %mul3A_432 = arith.constant 12 : i32
      %mul3A_433 = arith.muli %scan3A_341, %mul3A_432 : i32
      %add3A_434 = arith.constant 2 : i32
      %add3A_435 = arith.addi %mul3A_433, %add3A_434 : i32
      %dma_wait3A_436 = arith.constant 0 : i32
      %dma_wait3A_437 = arith.constant 0 : i32
      %dma_wait3A_438 = tpu.memref_slice %arg14[%dma_wait3A_436, %dma_wait3A_437] : memref<2x128xi32, #tpu.memory_space<vmem>> -> memref<1x128xi32, #tpu.memory_space<vmem>>
      %dma_wait3A_439 = tpu.memref_squeeze %dma_wait3A_438 : memref<1x128xi32, #tpu.memory_space<vmem>> -> memref<128xi32, #tpu.memory_space<vmem>>
      %dma_wait3A_440 = arith.constant 0 : i32
      %dma_wait3A_441 = arith.constant 0 : i32
      %dma_wait3A_442 = tpu.memref_slice %arg2[%dma_wait3A_440, %dma_wait3A_441] : memref<20000x128xf32, #tpu.memory_space<hbm>> -> memref<20000x128xf32, #tpu.memory_space<hbm>>
      tpu.wait_indirect_dma semaphore(%arg21 : memref<!tpu.dma_semaphore, #tpu.memory_space<semaphore_mem>>) src(%dma_wait3A_442 : memref<20000x128xf32, #tpu.memory_space<hbm>>) dst(%arg11 : memref<128x128xf32, #tpu.memory_space<vmem>>)
      %run_scoped3A_443 = arith.constant 1 : i32
      "tpu.region"() ({
        %run_scoped3A_912 = tpu.sem_alloc : memref<!tpu.dma_semaphore, #tpu.memory_space<semaphore_mem>>
        %dma_start3A_913 = arith.constant 0 : i32
        %dma_start3A_914 = tpu.memref_slice %arg14[%run_scoped3A_443, %dma_start3A_913] : memref<2x128xi32, #tpu.memory_space<vmem>> -> memref<1x128xi32, #tpu.memory_space<vmem>>
        %dma_start3A_915 = tpu.memref_squeeze %dma_start3A_914 : memref<1x128xi32, #tpu.memory_space<vmem>> -> memref<128xi32, #tpu.memory_space<vmem>>
        %dma_start3A_916 = arith.constant 0 : i32
        %dma_start3A_917 = arith.constant 0 : i32
        %dma_start3A_918 = tpu.memref_slice %arg17[%dma_start3A_916, %dma_start3A_917] : memref<10008x128xf32, #tpu.memory_space<vmem_shared>> -> memref<10008x128xf32, #tpu.memory_space<vmem_shared>>
        tpu.enqueue_indirect_dma source(%arg11 : memref<128x128xf32, #tpu.memory_space<vmem>>) target(%dma_start3A_918 : memref<10008x128xf32, #tpu.memory_space<vmem_shared>>) offsets(%dma_start3A_915 : memref<128xi32, #tpu.memory_space<vmem>>) semaphore(%run_scoped3A_912 : memref<!tpu.dma_semaphore, #tpu.memory_space<semaphore_mem>>) {add = true}
        %dma_wait3A_919 = arith.constant 0 : i32
        %dma_wait3A_920 = tpu.memref_slice %arg14[%run_scoped3A_443, %dma_wait3A_919] : memref<2x128xi32, #tpu.memory_space<vmem>> -> memref<1x128xi32, #tpu.memory_space<vmem>>
        %dma_wait3A_921 = tpu.memref_squeeze %dma_wait3A_920 : memref<1x128xi32, #tpu.memory_space<vmem>> -> memref<128xi32, #tpu.memory_space<vmem>>
        %dma_wait3A_922 = arith.constant 0 : i32
        %dma_wait3A_923 = arith.constant 0 : i32
        %dma_wait3A_924 = tpu.memref_slice %arg17[%dma_wait3A_922, %dma_wait3A_923] : memref<10008x128xf32, #tpu.memory_space<vmem_shared>> -> memref<10008x128xf32, #tpu.memory_space<vmem_shared>>
        tpu.wait_indirect_dma semaphore(%run_scoped3A_912 : memref<!tpu.dma_semaphore, #tpu.memory_space<semaphore_mem>>) src(%arg11 : memref<128x128xf32, #tpu.memory_space<vmem>>) dst(%dma_wait3A_924 : memref<10008x128xf32, #tpu.memory_space<vmem_shared>>)
        tpu.yield
      }) : () -> ()
      %jit3A_444 = arith.constant 2 : i32
      %eq3A_445 = arith.constant 0 : i32
      %eq3A_446 = arith.cmpi eq, %jit3A_444, %eq3A_445 : i32
      %jit3A_447 = arith.constant 1 : i32
      %select_n3A_448 = arith.select %eq3A_446, %jit3A_447, %jit3A_444 : i32
      %rem3A_449 = arith.remsi %add3A_435, %select_n3A_448 : i32
      %ne3A_450 = arith.constant 0 : i32
      %ne3A_451 = arith.cmpi ne, %rem3A_449, %ne3A_450 : i32
      %lt3A_452 = arith.constant 0 : i32
      %lt3A_453 = arith.cmpi slt, %rem3A_449, %lt3A_452 : i32
      %lt3A_454 = arith.constant 0 : i32
      %lt3A_455 = arith.cmpi slt, %select_n3A_448, %lt3A_454 : i32
      %ne3A_456 = arith.xori %lt3A_453, %lt3A_455 : i1
      %and3A_457 = arith.andi %ne3A_456, %ne3A_451 : i1
      %add3A_458 = arith.addi %rem3A_449, %select_n3A_448 : i32
      %select_n3A_459 = arith.select %and3A_457, %add3A_458, %rem3A_449 : i32
      %eq3A_460 = arith.cmpi eq, %select_n3A_459, %arg0 : i32
      %convert_element_type3A_461 = arith.extui %eq3A_460 : i1 to i32
      %cond3A_462 = arith.constant 0 : i32
      %cond3A_463 = arith.cmpi ne, %convert_element_type3A_461, %cond3A_462 : i32
      scf.if %cond3A_463 {
        %run_scoped3A_912 = arith.constant 1 : i32
        "tpu.region"() ({
          %run_scoped3A_913 = tpu.sem_alloc : memref<!tpu.dma_semaphore, #tpu.memory_space<semaphore_mem>>
          %dma_start3A_914 = arith.constant 0 : i32
          %dma_start3A_915 = tpu.memref_slice %arg14[%run_scoped3A_912, %dma_start3A_914] : memref<2x128xi32, #tpu.memory_space<vmem>> -> memref<1x128xi32, #tpu.memory_space<vmem>>
          %dma_start3A_916 = tpu.memref_squeeze %dma_start3A_915 : memref<1x128xi32, #tpu.memory_space<vmem>> -> memref<128xi32, #tpu.memory_space<vmem>>
          %dma_start3A_917 = arith.constant 0 : i32
          %dma_start3A_918 = tpu.memref_slice %arg18[%dma_start3A_917] : memref<10240xf32, #tpu.memory_space<vmem_shared>> -> memref<10240xf32, #tpu.memory_space<vmem_shared>>
          tpu.enqueue_indirect_dma source(%arg16 : memref<128xf32, #tpu.memory_space<vmem>>) target(%dma_start3A_918 : memref<10240xf32, #tpu.memory_space<vmem_shared>>) offsets(%dma_start3A_916 : memref<128xi32, #tpu.memory_space<vmem>>) semaphore(%run_scoped3A_913 : memref<!tpu.dma_semaphore, #tpu.memory_space<semaphore_mem>>) {add = true}
          %dma_wait3A_919 = arith.constant 0 : i32
          %dma_wait3A_920 = tpu.memref_slice %arg14[%run_scoped3A_912, %dma_wait3A_919] : memref<2x128xi32, #tpu.memory_space<vmem>> -> memref<1x128xi32, #tpu.memory_space<vmem>>
          %dma_wait3A_921 = tpu.memref_squeeze %dma_wait3A_920 : memref<1x128xi32, #tpu.memory_space<vmem>> -> memref<128xi32, #tpu.memory_space<vmem>>
          %dma_wait3A_922 = arith.constant 0 : i32
          %dma_wait3A_923 = tpu.memref_slice %arg18[%dma_wait3A_922] : memref<10240xf32, #tpu.memory_space<vmem_shared>> -> memref<10240xf32, #tpu.memory_space<vmem_shared>>
          tpu.wait_indirect_dma semaphore(%run_scoped3A_913 : memref<!tpu.dma_semaphore, #tpu.memory_space<semaphore_mem>>) src(%arg16 : memref<128xf32, #tpu.memory_space<vmem>>) dst(%dma_wait3A_923 : memref<10240xf32, #tpu.memory_space<vmem_shared>>)
          tpu.yield
        }) : () -> ()
      } else {
      }
      %add3A_464 = arith.constant 4 : i32
      %add3A_465 = arith.addi %add3A_435, %add3A_464 : i32
      %lt3A_466 = arith.constant 79 : i32
      %lt3A_467 = arith.cmpi slt, %add3A_465, %lt3A_466 : i32
      %convert_element_type3A_468 = arith.extui %lt3A_467 : i1 to i32
      %cond3A_469 = arith.constant 0 : i32
      %cond3A_470 = arith.cmpi ne, %convert_element_type3A_468, %cond3A_469 : i32
      scf.if %cond3A_470 {
        %add3A_912 = arith.constant 4 : i32
        %add3A_913 = arith.addi %add3A_435, %add3A_912 : i32
        %mul3A_914 = arith.constant 79 : i32
        %mul3A_915 = arith.muli %add3A, %mul3A_914 : i32
        %add3A_916 = arith.addi %mul3A_915, %add3A_913 : i32
        %dma_start3A_917 = arith.constant 0 : i32
        %dma_start3A_918 = arith.constant 0 : i32
        %dma_start3A_919 = tpu.memref_slice %arg3[%add3A_916, %dma_start3A_917, %dma_start3A_918] : memref<2528x2x128xi32, #tpu.memory_space<hbm>> -> memref<1x2x128xi32, #tpu.memory_space<hbm>>
        %dma_start3A_920 = tpu.memref_squeeze %dma_start3A_919 : memref<1x2x128xi32, #tpu.memory_space<hbm>> -> memref<2x128xi32, #tpu.memory_space<hbm>>
        %dma_start3A_921 = arith.constant 0 : i32
        %dma_start3A_922 = arith.constant 0 : i32
        %dma_start3A_923 = tpu.memref_slice %arg3[%add3A_916, %dma_start3A_921, %dma_start3A_922] : memref<2528x2x128xi32, #tpu.memory_space<hbm>> -> memref<1x2x128xi32, #tpu.memory_space<hbm>>
        %dma_start3A_924 = tpu.memref_squeeze %dma_start3A_923 : memref<1x2x128xi32, #tpu.memory_space<hbm>> -> memref<2x128xi32, #tpu.memory_space<hbm>>
        tpu.enqueue_dma source(%dma_start3A_924 : memref<2x128xi32, #tpu.memory_space<hbm>>) target(%arg14 : memref<2x128xi32, #tpu.memory_space<vmem>>) target_semaphore(%arg24 : memref<!tpu.dma_semaphore, #tpu.memory_space<semaphore_mem>>)
      } else {
      }
      %add3A_471 = arith.constant 3 : i32
      %add3A_472 = arith.addi %add3A_435, %add3A_471 : i32
      %sub3A_473 = arith.constant 1 : i32
      %sub3A_474 = arith.subi %add3A_472, %sub3A_473 : i32
      %lt3A_475 = arith.constant 79 : i32
      %lt3A_476 = arith.cmpi slt, %sub3A_474, %lt3A_475 : i32
      %convert_element_type3A_477 = arith.extui %lt3A_476 : i1 to i32
      %cond3A_478 = arith.constant 0 : i32
      %cond3A_479 = arith.cmpi ne, %convert_element_type3A_477, %cond3A_478 : i32
      scf.if %cond3A_479 {
        %mul3A_912 = arith.constant 79 : i32
        %mul3A_913 = arith.muli %add3A, %mul3A_912 : i32
        %add3A_914 = arith.addi %mul3A_913, %add3A_435 : i32
        %add3A_915 = arith.constant 3 : i32
        %add3A_916 = arith.addi %add3A_914, %add3A_915 : i32
        %sub3A_917 = arith.constant 1 : i32
        %sub3A_918 = arith.subi %add3A_916, %sub3A_917 : i32
        %dma_wait3A_919 = arith.constant 0 : i32
        %dma_wait3A_920 = arith.constant 0 : i32
        %dma_wait3A_921 = tpu.memref_slice %arg3[%sub3A_918, %dma_wait3A_919, %dma_wait3A_920] : memref<2528x2x128xi32, #tpu.memory_space<hbm>> -> memref<1x2x128xi32, #tpu.memory_space<hbm>>
        %dma_wait3A_922 = tpu.memref_squeeze %dma_wait3A_921 : memref<1x2x128xi32, #tpu.memory_space<hbm>> -> memref<2x128xi32, #tpu.memory_space<hbm>>
        %dma_wait3A_923 = arith.constant 0 : i32
        %dma_wait3A_924 = arith.constant 0 : i32
        %dma_wait3A_925 = tpu.memref_slice %arg3[%sub3A_918, %dma_wait3A_923, %dma_wait3A_924] : memref<2528x2x128xi32, #tpu.memory_space<hbm>> -> memref<1x2x128xi32, #tpu.memory_space<hbm>>
        %dma_wait3A_926 = tpu.memref_squeeze %dma_wait3A_925 : memref<1x2x128xi32, #tpu.memory_space<hbm>> -> memref<2x128xi32, #tpu.memory_space<hbm>>
        tpu.wait_dma2 semaphore(%arg22 : memref<!tpu.dma_semaphore, #tpu.memory_space<semaphore_mem>>) src(%dma_wait3A_926 : memref<2x128xi32, #tpu.memory_space<hbm>>) dst(%arg12 : memref<2x128xi32, #tpu.memory_space<vmem>>)
        %add3A_927 = arith.constant 3 : i32
        %add3A_928 = arith.addi %add3A_435, %add3A_927 : i32
        %sub3A_929 = arith.constant 1 : i32
        %sub3A_930 = arith.subi %add3A_928, %sub3A_929 : i32
        %dma_start3A_931 = arith.constant 0 : i32
        %dma_start3A_932 = arith.constant 0 : i32
        %dma_start3A_933 = tpu.memref_slice %arg12[%dma_start3A_931, %dma_start3A_932] : memref<2x128xi32, #tpu.memory_space<vmem>> -> memref<1x128xi32, #tpu.memory_space<vmem>>
        %dma_start3A_934 = tpu.memref_squeeze %dma_start3A_933 : memref<1x128xi32, #tpu.memory_space<vmem>> -> memref<128xi32, #tpu.memory_space<vmem>>
        %dma_start3A_935 = arith.constant 0 : i32
        %dma_start3A_936 = arith.constant 0 : i32
        %dma_start3A_937 = tpu.memref_slice %arg2[%dma_start3A_935, %dma_start3A_936] : memref<20000x128xf32, #tpu.memory_space<hbm>> -> memref<20000x128xf32, #tpu.memory_space<hbm>>
        tpu.enqueue_indirect_dma source(%dma_start3A_937 : memref<20000x128xf32, #tpu.memory_space<hbm>>) target(%arg10 : memref<128x128xf32, #tpu.memory_space<vmem>>) offsets(%dma_start3A_934 : memref<128xi32, #tpu.memory_space<vmem>>) semaphore(%arg20 : memref<!tpu.dma_semaphore, #tpu.memory_space<semaphore_mem>>)
      } else {
      }
      %mul3A_480 = arith.constant 12 : i32
      %mul3A_481 = arith.muli %scan3A_341, %mul3A_480 : i32
      %add3A_482 = arith.constant 3 : i32
      %add3A_483 = arith.addi %mul3A_481, %add3A_482 : i32
      %dma_wait3A_484 = arith.constant 0 : i32
      %dma_wait3A_485 = arith.constant 0 : i32
      %dma_wait3A_486 = tpu.memref_slice %arg15[%dma_wait3A_484, %dma_wait3A_485] : memref<2x128xi32, #tpu.memory_space<vmem>> -> memref<1x128xi32, #tpu.memory_space<vmem>>
      %dma_wait3A_487 = tpu.memref_squeeze %dma_wait3A_486 : memref<1x128xi32, #tpu.memory_space<vmem>> -> memref<128xi32, #tpu.memory_space<vmem>>
      %dma_wait3A_488 = arith.constant 0 : i32
      %dma_wait3A_489 = arith.constant 0 : i32
      %dma_wait3A_490 = tpu.memref_slice %arg2[%dma_wait3A_488, %dma_wait3A_489] : memref<20000x128xf32, #tpu.memory_space<hbm>> -> memref<20000x128xf32, #tpu.memory_space<hbm>>
      tpu.wait_indirect_dma semaphore(%arg19 : memref<!tpu.dma_semaphore, #tpu.memory_space<semaphore_mem>>) src(%dma_wait3A_490 : memref<20000x128xf32, #tpu.memory_space<hbm>>) dst(%arg9 : memref<128x128xf32, #tpu.memory_space<vmem>>)
      %run_scoped3A_491 = arith.constant 1 : i32
      "tpu.region"() ({
        %run_scoped3A_912 = tpu.sem_alloc : memref<!tpu.dma_semaphore, #tpu.memory_space<semaphore_mem>>
        %dma_start3A_913 = arith.constant 0 : i32
        %dma_start3A_914 = tpu.memref_slice %arg15[%run_scoped3A_491, %dma_start3A_913] : memref<2x128xi32, #tpu.memory_space<vmem>> -> memref<1x128xi32, #tpu.memory_space<vmem>>
        %dma_start3A_915 = tpu.memref_squeeze %dma_start3A_914 : memref<1x128xi32, #tpu.memory_space<vmem>> -> memref<128xi32, #tpu.memory_space<vmem>>
        %dma_start3A_916 = arith.constant 0 : i32
        %dma_start3A_917 = arith.constant 0 : i32
        %dma_start3A_918 = tpu.memref_slice %arg17[%dma_start3A_916, %dma_start3A_917] : memref<10008x128xf32, #tpu.memory_space<vmem_shared>> -> memref<10008x128xf32, #tpu.memory_space<vmem_shared>>
        tpu.enqueue_indirect_dma source(%arg9 : memref<128x128xf32, #tpu.memory_space<vmem>>) target(%dma_start3A_918 : memref<10008x128xf32, #tpu.memory_space<vmem_shared>>) offsets(%dma_start3A_915 : memref<128xi32, #tpu.memory_space<vmem>>) semaphore(%run_scoped3A_912 : memref<!tpu.dma_semaphore, #tpu.memory_space<semaphore_mem>>) {add = true}
        %dma_wait3A_919 = arith.constant 0 : i32
        %dma_wait3A_920 = tpu.memref_slice %arg15[%run_scoped3A_491, %dma_wait3A_919] : memref<2x128xi32, #tpu.memory_space<vmem>> -> memref<1x128xi32, #tpu.memory_space<vmem>>
        %dma_wait3A_921 = tpu.memref_squeeze %dma_wait3A_920 : memref<1x128xi32, #tpu.memory_space<vmem>> -> memref<128xi32, #tpu.memory_space<vmem>>
        %dma_wait3A_922 = arith.constant 0 : i32
        %dma_wait3A_923 = arith.constant 0 : i32
        %dma_wait3A_924 = tpu.memref_slice %arg17[%dma_wait3A_922, %dma_wait3A_923] : memref<10008x128xf32, #tpu.memory_space<vmem_shared>> -> memref<10008x128xf32, #tpu.memory_space<vmem_shared>>
        tpu.wait_indirect_dma semaphore(%run_scoped3A_912 : memref<!tpu.dma_semaphore, #tpu.memory_space<semaphore_mem>>) src(%arg9 : memref<128x128xf32, #tpu.memory_space<vmem>>) dst(%dma_wait3A_924 : memref<10008x128xf32, #tpu.memory_space<vmem_shared>>)
        tpu.yield
      }) : () -> ()
      %jit3A_492 = arith.constant 2 : i32
      %eq3A_493 = arith.constant 0 : i32
      %eq3A_494 = arith.cmpi eq, %jit3A_492, %eq3A_493 : i32
      %jit3A_495 = arith.constant 1 : i32
      %select_n3A_496 = arith.select %eq3A_494, %jit3A_495, %jit3A_492 : i32
      %rem3A_497 = arith.remsi %add3A_483, %select_n3A_496 : i32
      %ne3A_498 = arith.constant 0 : i32
      %ne3A_499 = arith.cmpi ne, %rem3A_497, %ne3A_498 : i32
      %lt3A_500 = arith.constant 0 : i32
      %lt3A_501 = arith.cmpi slt, %rem3A_497, %lt3A_500 : i32
      %lt3A_502 = arith.constant 0 : i32
      %lt3A_503 = arith.cmpi slt, %select_n3A_496, %lt3A_502 : i32
      %ne3A_504 = arith.xori %lt3A_501, %lt3A_503 : i1
      %and3A_505 = arith.andi %ne3A_504, %ne3A_499 : i1
      %add3A_506 = arith.addi %rem3A_497, %select_n3A_496 : i32
      %select_n3A_507 = arith.select %and3A_505, %add3A_506, %rem3A_497 : i32
      %eq3A_508 = arith.cmpi eq, %select_n3A_507, %arg0 : i32
      %convert_element_type3A_509 = arith.extui %eq3A_508 : i1 to i32
      %cond3A_510 = arith.constant 0 : i32
      %cond3A_511 = arith.cmpi ne, %convert_element_type3A_509, %cond3A_510 : i32
      scf.if %cond3A_511 {
        %run_scoped3A_912 = arith.constant 1 : i32
        "tpu.region"() ({
          %run_scoped3A_913 = tpu.sem_alloc : memref<!tpu.dma_semaphore, #tpu.memory_space<semaphore_mem>>
          %dma_start3A_914 = arith.constant 0 : i32
          %dma_start3A_915 = tpu.memref_slice %arg15[%run_scoped3A_912, %dma_start3A_914] : memref<2x128xi32, #tpu.memory_space<vmem>> -> memref<1x128xi32, #tpu.memory_space<vmem>>
          %dma_start3A_916 = tpu.memref_squeeze %dma_start3A_915 : memref<1x128xi32, #tpu.memory_space<vmem>> -> memref<128xi32, #tpu.memory_space<vmem>>
          %dma_start3A_917 = arith.constant 0 : i32
          %dma_start3A_918 = tpu.memref_slice %arg18[%dma_start3A_917] : memref<10240xf32, #tpu.memory_space<vmem_shared>> -> memref<10240xf32, #tpu.memory_space<vmem_shared>>
          tpu.enqueue_indirect_dma source(%arg16 : memref<128xf32, #tpu.memory_space<vmem>>) target(%dma_start3A_918 : memref<10240xf32, #tpu.memory_space<vmem_shared>>) offsets(%dma_start3A_916 : memref<128xi32, #tpu.memory_space<vmem>>) semaphore(%run_scoped3A_913 : memref<!tpu.dma_semaphore, #tpu.memory_space<semaphore_mem>>) {add = true}
          %dma_wait3A_919 = arith.constant 0 : i32
          %dma_wait3A_920 = tpu.memref_slice %arg15[%run_scoped3A_912, %dma_wait3A_919] : memref<2x128xi32, #tpu.memory_space<vmem>> -> memref<1x128xi32, #tpu.memory_space<vmem>>
          %dma_wait3A_921 = tpu.memref_squeeze %dma_wait3A_920 : memref<1x128xi32, #tpu.memory_space<vmem>> -> memref<128xi32, #tpu.memory_space<vmem>>
          %dma_wait3A_922 = arith.constant 0 : i32
          %dma_wait3A_923 = tpu.memref_slice %arg18[%dma_wait3A_922] : memref<10240xf32, #tpu.memory_space<vmem_shared>> -> memref<10240xf32, #tpu.memory_space<vmem_shared>>
          tpu.wait_indirect_dma semaphore(%run_scoped3A_913 : memref<!tpu.dma_semaphore, #tpu.memory_space<semaphore_mem>>) src(%arg16 : memref<128xf32, #tpu.memory_space<vmem>>) dst(%dma_wait3A_923 : memref<10240xf32, #tpu.memory_space<vmem_shared>>)
          tpu.yield
        }) : () -> ()
      } else {
      }
      %add3A_512 = arith.constant 4 : i32
      %add3A_513 = arith.addi %add3A_483, %add3A_512 : i32
      %lt3A_514 = arith.constant 79 : i32
      %lt3A_515 = arith.cmpi slt, %add3A_513, %lt3A_514 : i32
      %convert_element_type3A_516 = arith.extui %lt3A_515 : i1 to i32
      %cond3A_517 = arith.constant 0 : i32
      %cond3A_518 = arith.cmpi ne, %convert_element_type3A_516, %cond3A_517 : i32
      scf.if %cond3A_518 {
        %add3A_912 = arith.constant 4 : i32
        %add3A_913 = arith.addi %add3A_483, %add3A_912 : i32
        %mul3A_914 = arith.constant 79 : i32
        %mul3A_915 = arith.muli %add3A, %mul3A_914 : i32
        %add3A_916 = arith.addi %mul3A_915, %add3A_913 : i32
        %dma_start3A_917 = arith.constant 0 : i32
        %dma_start3A_918 = arith.constant 0 : i32
        %dma_start3A_919 = tpu.memref_slice %arg3[%add3A_916, %dma_start3A_917, %dma_start3A_918] : memref<2528x2x128xi32, #tpu.memory_space<hbm>> -> memref<1x2x128xi32, #tpu.memory_space<hbm>>
        %dma_start3A_920 = tpu.memref_squeeze %dma_start3A_919 : memref<1x2x128xi32, #tpu.memory_space<hbm>> -> memref<2x128xi32, #tpu.memory_space<hbm>>
        %dma_start3A_921 = arith.constant 0 : i32
        %dma_start3A_922 = arith.constant 0 : i32
        %dma_start3A_923 = tpu.memref_slice %arg3[%add3A_916, %dma_start3A_921, %dma_start3A_922] : memref<2528x2x128xi32, #tpu.memory_space<hbm>> -> memref<1x2x128xi32, #tpu.memory_space<hbm>>
        %dma_start3A_924 = tpu.memref_squeeze %dma_start3A_923 : memref<1x2x128xi32, #tpu.memory_space<hbm>> -> memref<2x128xi32, #tpu.memory_space<hbm>>
        tpu.enqueue_dma source(%dma_start3A_924 : memref<2x128xi32, #tpu.memory_space<hbm>>) target(%arg15 : memref<2x128xi32, #tpu.memory_space<vmem>>) target_semaphore(%arg25 : memref<!tpu.dma_semaphore, #tpu.memory_space<semaphore_mem>>)
      } else {
      }
      %add3A_519 = arith.constant 3 : i32
      %add3A_520 = arith.addi %add3A_483, %add3A_519 : i32
      %sub3A_521 = arith.constant 1 : i32
      %sub3A_522 = arith.subi %add3A_520, %sub3A_521 : i32
      %lt3A_523 = arith.constant 79 : i32
      %lt3A_524 = arith.cmpi slt, %sub3A_522, %lt3A_523 : i32
      %convert_element_type3A_525 = arith.extui %lt3A_524 : i1 to i32
      %cond3A_526 = arith.constant 0 : i32
      %cond3A_527 = arith.cmpi ne, %convert_element_type3A_525, %cond3A_526 : i32
      scf.if %cond3A_527 {
        %mul3A_912 = arith.constant 79 : i32
        %mul3A_913 = arith.muli %add3A, %mul3A_912 : i32
        %add3A_914 = arith.addi %mul3A_913, %add3A_483 : i32
        %add3A_915 = arith.constant 3 : i32
        %add3A_916 = arith.addi %add3A_914, %add3A_915 : i32
        %sub3A_917 = arith.constant 1 : i32
        %sub3A_918 = arith.subi %add3A_916, %sub3A_917 : i32
        %dma_wait3A_919 = arith.constant 0 : i32
        %dma_wait3A_920 = arith.constant 0 : i32
        %dma_wait3A_921 = tpu.memref_slice %arg3[%sub3A_918, %dma_wait3A_919, %dma_wait3A_920] : memref<2528x2x128xi32, #tpu.memory_space<hbm>> -> memref<1x2x128xi32, #tpu.memory_space<hbm>>
        %dma_wait3A_922 = tpu.memref_squeeze %dma_wait3A_921 : memref<1x2x128xi32, #tpu.memory_space<hbm>> -> memref<2x128xi32, #tpu.memory_space<hbm>>
        %dma_wait3A_923 = arith.constant 0 : i32
        %dma_wait3A_924 = arith.constant 0 : i32
        %dma_wait3A_925 = tpu.memref_slice %arg3[%sub3A_918, %dma_wait3A_923, %dma_wait3A_924] : memref<2528x2x128xi32, #tpu.memory_space<hbm>> -> memref<1x2x128xi32, #tpu.memory_space<hbm>>
        %dma_wait3A_926 = tpu.memref_squeeze %dma_wait3A_925 : memref<1x2x128xi32, #tpu.memory_space<hbm>> -> memref<2x128xi32, #tpu.memory_space<hbm>>
        tpu.wait_dma2 semaphore(%arg23 : memref<!tpu.dma_semaphore, #tpu.memory_space<semaphore_mem>>) src(%dma_wait3A_926 : memref<2x128xi32, #tpu.memory_space<hbm>>) dst(%arg13 : memref<2x128xi32, #tpu.memory_space<vmem>>)
        %add3A_927 = arith.constant 3 : i32
        %add3A_928 = arith.addi %add3A_483, %add3A_927 : i32
        %sub3A_929 = arith.constant 1 : i32
        %sub3A_930 = arith.subi %add3A_928, %sub3A_929 : i32
        %dma_start3A_931 = arith.constant 0 : i32
        %dma_start3A_932 = arith.constant 0 : i32
        %dma_start3A_933 = tpu.memref_slice %arg13[%dma_start3A_931, %dma_start3A_932] : memref<2x128xi32, #tpu.memory_space<vmem>> -> memref<1x128xi32, #tpu.memory_space<vmem>>
        %dma_start3A_934 = tpu.memref_squeeze %dma_start3A_933 : memref<1x128xi32, #tpu.memory_space<vmem>> -> memref<128xi32, #tpu.memory_space<vmem>>
        %dma_start3A_935 = arith.constant 0 : i32
        %dma_start3A_936 = arith.constant 0 : i32
        %dma_start3A_937 = tpu.memref_slice %arg2[%dma_start3A_935, %dma_start3A_936] : memref<20000x128xf32, #tpu.memory_space<hbm>> -> memref<20000x128xf32, #tpu.memory_space<hbm>>
        tpu.enqueue_indirect_dma source(%dma_start3A_937 : memref<20000x128xf32, #tpu.memory_space<hbm>>) target(%arg11 : memref<128x128xf32, #tpu.memory_space<vmem>>) offsets(%dma_start3A_934 : memref<128xi32, #tpu.memory_space<vmem>>) semaphore(%arg21 : memref<!tpu.dma_semaphore, #tpu.memory_space<semaphore_mem>>)
      } else {
      }
      %mul3A_528 = arith.constant 12 : i32
      %mul3A_529 = arith.muli %scan3A_341, %mul3A_528 : i32
      %add3A_530 = arith.constant 4 : i32
      %add3A_531 = arith.addi %mul3A_529, %add3A_530 : i32
      %dma_wait3A_532 = arith.constant 0 : i32
      %dma_wait3A_533 = arith.constant 0 : i32
      %dma_wait3A_534 = tpu.memref_slice %arg12[%dma_wait3A_532, %dma_wait3A_533] : memref<2x128xi32, #tpu.memory_space<vmem>> -> memref<1x128xi32, #tpu.memory_space<vmem>>
      %dma_wait3A_535 = tpu.memref_squeeze %dma_wait3A_534 : memref<1x128xi32, #tpu.memory_space<vmem>> -> memref<128xi32, #tpu.memory_space<vmem>>
      %dma_wait3A_536 = arith.constant 0 : i32
      %dma_wait3A_537 = arith.constant 0 : i32
      %dma_wait3A_538 = tpu.memref_slice %arg2[%dma_wait3A_536, %dma_wait3A_537] : memref<20000x128xf32, #tpu.memory_space<hbm>> -> memref<20000x128xf32, #tpu.memory_space<hbm>>
      tpu.wait_indirect_dma semaphore(%arg20 : memref<!tpu.dma_semaphore, #tpu.memory_space<semaphore_mem>>) src(%dma_wait3A_538 : memref<20000x128xf32, #tpu.memory_space<hbm>>) dst(%arg10 : memref<128x128xf32, #tpu.memory_space<vmem>>)
      %run_scoped3A_539 = arith.constant 1 : i32
      "tpu.region"() ({
        %run_scoped3A_912 = tpu.sem_alloc : memref<!tpu.dma_semaphore, #tpu.memory_space<semaphore_mem>>
        %dma_start3A_913 = arith.constant 0 : i32
        %dma_start3A_914 = tpu.memref_slice %arg12[%run_scoped3A_539, %dma_start3A_913] : memref<2x128xi32, #tpu.memory_space<vmem>> -> memref<1x128xi32, #tpu.memory_space<vmem>>
        %dma_start3A_915 = tpu.memref_squeeze %dma_start3A_914 : memref<1x128xi32, #tpu.memory_space<vmem>> -> memref<128xi32, #tpu.memory_space<vmem>>
        %dma_start3A_916 = arith.constant 0 : i32
        %dma_start3A_917 = arith.constant 0 : i32
        %dma_start3A_918 = tpu.memref_slice %arg17[%dma_start3A_916, %dma_start3A_917] : memref<10008x128xf32, #tpu.memory_space<vmem_shared>> -> memref<10008x128xf32, #tpu.memory_space<vmem_shared>>
        tpu.enqueue_indirect_dma source(%arg10 : memref<128x128xf32, #tpu.memory_space<vmem>>) target(%dma_start3A_918 : memref<10008x128xf32, #tpu.memory_space<vmem_shared>>) offsets(%dma_start3A_915 : memref<128xi32, #tpu.memory_space<vmem>>) semaphore(%run_scoped3A_912 : memref<!tpu.dma_semaphore, #tpu.memory_space<semaphore_mem>>) {add = true}
        %dma_wait3A_919 = arith.constant 0 : i32
        %dma_wait3A_920 = tpu.memref_slice %arg12[%run_scoped3A_539, %dma_wait3A_919] : memref<2x128xi32, #tpu.memory_space<vmem>> -> memref<1x128xi32, #tpu.memory_space<vmem>>
        %dma_wait3A_921 = tpu.memref_squeeze %dma_wait3A_920 : memref<1x128xi32, #tpu.memory_space<vmem>> -> memref<128xi32, #tpu.memory_space<vmem>>
        %dma_wait3A_922 = arith.constant 0 : i32
        %dma_wait3A_923 = arith.constant 0 : i32
        %dma_wait3A_924 = tpu.memref_slice %arg17[%dma_wait3A_922, %dma_wait3A_923] : memref<10008x128xf32, #tpu.memory_space<vmem_shared>> -> memref<10008x128xf32, #tpu.memory_space<vmem_shared>>
        tpu.wait_indirect_dma semaphore(%run_scoped3A_912 : memref<!tpu.dma_semaphore, #tpu.memory_space<semaphore_mem>>) src(%arg10 : memref<128x128xf32, #tpu.memory_space<vmem>>) dst(%dma_wait3A_924 : memref<10008x128xf32, #tpu.memory_space<vmem_shared>>)
        tpu.yield
      }) : () -> ()
      %jit3A_540 = arith.constant 2 : i32
      %eq3A_541 = arith.constant 0 : i32
      %eq3A_542 = arith.cmpi eq, %jit3A_540, %eq3A_541 : i32
      %jit3A_543 = arith.constant 1 : i32
      %select_n3A_544 = arith.select %eq3A_542, %jit3A_543, %jit3A_540 : i32
      %rem3A_545 = arith.remsi %add3A_531, %select_n3A_544 : i32
      %ne3A_546 = arith.constant 0 : i32
      %ne3A_547 = arith.cmpi ne, %rem3A_545, %ne3A_546 : i32
      %lt3A_548 = arith.constant 0 : i32
      %lt3A_549 = arith.cmpi slt, %rem3A_545, %lt3A_548 : i32
      %lt3A_550 = arith.constant 0 : i32
      %lt3A_551 = arith.cmpi slt, %select_n3A_544, %lt3A_550 : i32
      %ne3A_552 = arith.xori %lt3A_549, %lt3A_551 : i1
      %and3A_553 = arith.andi %ne3A_552, %ne3A_547 : i1
      %add3A_554 = arith.addi %rem3A_545, %select_n3A_544 : i32
      %select_n3A_555 = arith.select %and3A_553, %add3A_554, %rem3A_545 : i32
      %eq3A_556 = arith.cmpi eq, %select_n3A_555, %arg0 : i32
      %convert_element_type3A_557 = arith.extui %eq3A_556 : i1 to i32
      %cond3A_558 = arith.constant 0 : i32
      %cond3A_559 = arith.cmpi ne, %convert_element_type3A_557, %cond3A_558 : i32
      scf.if %cond3A_559 {
        %run_scoped3A_912 = arith.constant 1 : i32
        "tpu.region"() ({
          %run_scoped3A_913 = tpu.sem_alloc : memref<!tpu.dma_semaphore, #tpu.memory_space<semaphore_mem>>
          %dma_start3A_914 = arith.constant 0 : i32
          %dma_start3A_915 = tpu.memref_slice %arg12[%run_scoped3A_912, %dma_start3A_914] : memref<2x128xi32, #tpu.memory_space<vmem>> -> memref<1x128xi32, #tpu.memory_space<vmem>>
          %dma_start3A_916 = tpu.memref_squeeze %dma_start3A_915 : memref<1x128xi32, #tpu.memory_space<vmem>> -> memref<128xi32, #tpu.memory_space<vmem>>
          %dma_start3A_917 = arith.constant 0 : i32
          %dma_start3A_918 = tpu.memref_slice %arg18[%dma_start3A_917] : memref<10240xf32, #tpu.memory_space<vmem_shared>> -> memref<10240xf32, #tpu.memory_space<vmem_shared>>
          tpu.enqueue_indirect_dma source(%arg16 : memref<128xf32, #tpu.memory_space<vmem>>) target(%dma_start3A_918 : memref<10240xf32, #tpu.memory_space<vmem_shared>>) offsets(%dma_start3A_916 : memref<128xi32, #tpu.memory_space<vmem>>) semaphore(%run_scoped3A_913 : memref<!tpu.dma_semaphore, #tpu.memory_space<semaphore_mem>>) {add = true}
          %dma_wait3A_919 = arith.constant 0 : i32
          %dma_wait3A_920 = tpu.memref_slice %arg12[%run_scoped3A_912, %dma_wait3A_919] : memref<2x128xi32, #tpu.memory_space<vmem>> -> memref<1x128xi32, #tpu.memory_space<vmem>>
          %dma_wait3A_921 = tpu.memref_squeeze %dma_wait3A_920 : memref<1x128xi32, #tpu.memory_space<vmem>> -> memref<128xi32, #tpu.memory_space<vmem>>
          %dma_wait3A_922 = arith.constant 0 : i32
          %dma_wait3A_923 = tpu.memref_slice %arg18[%dma_wait3A_922] : memref<10240xf32, #tpu.memory_space<vmem_shared>> -> memref<10240xf32, #tpu.memory_space<vmem_shared>>
          tpu.wait_indirect_dma semaphore(%run_scoped3A_913 : memref<!tpu.dma_semaphore, #tpu.memory_space<semaphore_mem>>) src(%arg16 : memref<128xf32, #tpu.memory_space<vmem>>) dst(%dma_wait3A_923 : memref<10240xf32, #tpu.memory_space<vmem_shared>>)
          tpu.yield
        }) : () -> ()
      } else {
      }
      %add3A_560 = arith.constant 4 : i32
      %add3A_561 = arith.addi %add3A_531, %add3A_560 : i32
      %lt3A_562 = arith.constant 79 : i32
      %lt3A_563 = arith.cmpi slt, %add3A_561, %lt3A_562 : i32
      %convert_element_type3A_564 = arith.extui %lt3A_563 : i1 to i32
      %cond3A_565 = arith.constant 0 : i32
      %cond3A_566 = arith.cmpi ne, %convert_element_type3A_564, %cond3A_565 : i32
      scf.if %cond3A_566 {
        %add3A_912 = arith.constant 4 : i32
        %add3A_913 = arith.addi %add3A_531, %add3A_912 : i32
        %mul3A_914 = arith.constant 79 : i32
        %mul3A_915 = arith.muli %add3A, %mul3A_914 : i32
        %add3A_916 = arith.addi %mul3A_915, %add3A_913 : i32
        %dma_start3A_917 = arith.constant 0 : i32
        %dma_start3A_918 = arith.constant 0 : i32
        %dma_start3A_919 = tpu.memref_slice %arg3[%add3A_916, %dma_start3A_917, %dma_start3A_918] : memref<2528x2x128xi32, #tpu.memory_space<hbm>> -> memref<1x2x128xi32, #tpu.memory_space<hbm>>
        %dma_start3A_920 = tpu.memref_squeeze %dma_start3A_919 : memref<1x2x128xi32, #tpu.memory_space<hbm>> -> memref<2x128xi32, #tpu.memory_space<hbm>>
        %dma_start3A_921 = arith.constant 0 : i32
        %dma_start3A_922 = arith.constant 0 : i32
        %dma_start3A_923 = tpu.memref_slice %arg3[%add3A_916, %dma_start3A_921, %dma_start3A_922] : memref<2528x2x128xi32, #tpu.memory_space<hbm>> -> memref<1x2x128xi32, #tpu.memory_space<hbm>>
        %dma_start3A_924 = tpu.memref_squeeze %dma_start3A_923 : memref<1x2x128xi32, #tpu.memory_space<hbm>> -> memref<2x128xi32, #tpu.memory_space<hbm>>
        tpu.enqueue_dma source(%dma_start3A_924 : memref<2x128xi32, #tpu.memory_space<hbm>>) target(%arg12 : memref<2x128xi32, #tpu.memory_space<vmem>>) target_semaphore(%arg22 : memref<!tpu.dma_semaphore, #tpu.memory_space<semaphore_mem>>)
      } else {
      }
      %add3A_567 = arith.constant 3 : i32
      %add3A_568 = arith.addi %add3A_531, %add3A_567 : i32
      %sub3A_569 = arith.constant 1 : i32
      %sub3A_570 = arith.subi %add3A_568, %sub3A_569 : i32
      %lt3A_571 = arith.constant 79 : i32
      %lt3A_572 = arith.cmpi slt, %sub3A_570, %lt3A_571 : i32
      %convert_element_type3A_573 = arith.extui %lt3A_572 : i1 to i32
      %cond3A_574 = arith.constant 0 : i32
      %cond3A_575 = arith.cmpi ne, %convert_element_type3A_573, %cond3A_574 : i32
      scf.if %cond3A_575 {
        %mul3A_912 = arith.constant 79 : i32
        %mul3A_913 = arith.muli %add3A, %mul3A_912 : i32
        %add3A_914 = arith.addi %mul3A_913, %add3A_531 : i32
        %add3A_915 = arith.constant 3 : i32
        %add3A_916 = arith.addi %add3A_914, %add3A_915 : i32
        %sub3A_917 = arith.constant 1 : i32
        %sub3A_918 = arith.subi %add3A_916, %sub3A_917 : i32
        %dma_wait3A_919 = arith.constant 0 : i32
        %dma_wait3A_920 = arith.constant 0 : i32
        %dma_wait3A_921 = tpu.memref_slice %arg3[%sub3A_918, %dma_wait3A_919, %dma_wait3A_920] : memref<2528x2x128xi32, #tpu.memory_space<hbm>> -> memref<1x2x128xi32, #tpu.memory_space<hbm>>
        %dma_wait3A_922 = tpu.memref_squeeze %dma_wait3A_921 : memref<1x2x128xi32, #tpu.memory_space<hbm>> -> memref<2x128xi32, #tpu.memory_space<hbm>>
        %dma_wait3A_923 = arith.constant 0 : i32
        %dma_wait3A_924 = arith.constant 0 : i32
        %dma_wait3A_925 = tpu.memref_slice %arg3[%sub3A_918, %dma_wait3A_923, %dma_wait3A_924] : memref<2528x2x128xi32, #tpu.memory_space<hbm>> -> memref<1x2x128xi32, #tpu.memory_space<hbm>>
        %dma_wait3A_926 = tpu.memref_squeeze %dma_wait3A_925 : memref<1x2x128xi32, #tpu.memory_space<hbm>> -> memref<2x128xi32, #tpu.memory_space<hbm>>
        tpu.wait_dma2 semaphore(%arg24 : memref<!tpu.dma_semaphore, #tpu.memory_space<semaphore_mem>>) src(%dma_wait3A_926 : memref<2x128xi32, #tpu.memory_space<hbm>>) dst(%arg14 : memref<2x128xi32, #tpu.memory_space<vmem>>)
        %add3A_927 = arith.constant 3 : i32
        %add3A_928 = arith.addi %add3A_531, %add3A_927 : i32
        %sub3A_929 = arith.constant 1 : i32
        %sub3A_930 = arith.subi %add3A_928, %sub3A_929 : i32
        %dma_start3A_931 = arith.constant 0 : i32
        %dma_start3A_932 = arith.constant 0 : i32
        %dma_start3A_933 = tpu.memref_slice %arg14[%dma_start3A_931, %dma_start3A_932] : memref<2x128xi32, #tpu.memory_space<vmem>> -> memref<1x128xi32, #tpu.memory_space<vmem>>
        %dma_start3A_934 = tpu.memref_squeeze %dma_start3A_933 : memref<1x128xi32, #tpu.memory_space<vmem>> -> memref<128xi32, #tpu.memory_space<vmem>>
        %dma_start3A_935 = arith.constant 0 : i32
        %dma_start3A_936 = arith.constant 0 : i32
        %dma_start3A_937 = tpu.memref_slice %arg2[%dma_start3A_935, %dma_start3A_936] : memref<20000x128xf32, #tpu.memory_space<hbm>> -> memref<20000x128xf32, #tpu.memory_space<hbm>>
        tpu.enqueue_indirect_dma source(%dma_start3A_937 : memref<20000x128xf32, #tpu.memory_space<hbm>>) target(%arg9 : memref<128x128xf32, #tpu.memory_space<vmem>>) offsets(%dma_start3A_934 : memref<128xi32, #tpu.memory_space<vmem>>) semaphore(%arg19 : memref<!tpu.dma_semaphore, #tpu.memory_space<semaphore_mem>>)
      } else {
      }
      %mul3A_576 = arith.constant 12 : i32
      %mul3A_577 = arith.muli %scan3A_341, %mul3A_576 : i32
      %add3A_578 = arith.constant 5 : i32
      %add3A_579 = arith.addi %mul3A_577, %add3A_578 : i32
      %dma_wait3A_580 = arith.constant 0 : i32
      %dma_wait3A_581 = arith.constant 0 : i32
      %dma_wait3A_582 = tpu.memref_slice %arg13[%dma_wait3A_580, %dma_wait3A_581] : memref<2x128xi32, #tpu.memory_space<vmem>> -> memref<1x128xi32, #tpu.memory_space<vmem>>
      %dma_wait3A_583 = tpu.memref_squeeze %dma_wait3A_582 : memref<1x128xi32, #tpu.memory_space<vmem>> -> memref<128xi32, #tpu.memory_space<vmem>>
      %dma_wait3A_584 = arith.constant 0 : i32
      %dma_wait3A_585 = arith.constant 0 : i32
      %dma_wait3A_586 = tpu.memref_slice %arg2[%dma_wait3A_584, %dma_wait3A_585] : memref<20000x128xf32, #tpu.memory_space<hbm>> -> memref<20000x128xf32, #tpu.memory_space<hbm>>
      tpu.wait_indirect_dma semaphore(%arg21 : memref<!tpu.dma_semaphore, #tpu.memory_space<semaphore_mem>>) src(%dma_wait3A_586 : memref<20000x128xf32, #tpu.memory_space<hbm>>) dst(%arg11 : memref<128x128xf32, #tpu.memory_space<vmem>>)
      %run_scoped3A_587 = arith.constant 1 : i32
      "tpu.region"() ({
        %run_scoped3A_912 = tpu.sem_alloc : memref<!tpu.dma_semaphore, #tpu.memory_space<semaphore_mem>>
        %dma_start3A_913 = arith.constant 0 : i32
        %dma_start3A_914 = tpu.memref_slice %arg13[%run_scoped3A_587, %dma_start3A_913] : memref<2x128xi32, #tpu.memory_space<vmem>> -> memref<1x128xi32, #tpu.memory_space<vmem>>
        %dma_start3A_915 = tpu.memref_squeeze %dma_start3A_914 : memref<1x128xi32, #tpu.memory_space<vmem>> -> memref<128xi32, #tpu.memory_space<vmem>>
        %dma_start3A_916 = arith.constant 0 : i32
        %dma_start3A_917 = arith.constant 0 : i32
        %dma_start3A_918 = tpu.memref_slice %arg17[%dma_start3A_916, %dma_start3A_917] : memref<10008x128xf32, #tpu.memory_space<vmem_shared>> -> memref<10008x128xf32, #tpu.memory_space<vmem_shared>>
        tpu.enqueue_indirect_dma source(%arg11 : memref<128x128xf32, #tpu.memory_space<vmem>>) target(%dma_start3A_918 : memref<10008x128xf32, #tpu.memory_space<vmem_shared>>) offsets(%dma_start3A_915 : memref<128xi32, #tpu.memory_space<vmem>>) semaphore(%run_scoped3A_912 : memref<!tpu.dma_semaphore, #tpu.memory_space<semaphore_mem>>) {add = true}
        %dma_wait3A_919 = arith.constant 0 : i32
        %dma_wait3A_920 = tpu.memref_slice %arg13[%run_scoped3A_587, %dma_wait3A_919] : memref<2x128xi32, #tpu.memory_space<vmem>> -> memref<1x128xi32, #tpu.memory_space<vmem>>
        %dma_wait3A_921 = tpu.memref_squeeze %dma_wait3A_920 : memref<1x128xi32, #tpu.memory_space<vmem>> -> memref<128xi32, #tpu.memory_space<vmem>>
        %dma_wait3A_922 = arith.constant 0 : i32
        %dma_wait3A_923 = arith.constant 0 : i32
        %dma_wait3A_924 = tpu.memref_slice %arg17[%dma_wait3A_922, %dma_wait3A_923] : memref<10008x128xf32, #tpu.memory_space<vmem_shared>> -> memref<10008x128xf32, #tpu.memory_space<vmem_shared>>
        tpu.wait_indirect_dma semaphore(%run_scoped3A_912 : memref<!tpu.dma_semaphore, #tpu.memory_space<semaphore_mem>>) src(%arg11 : memref<128x128xf32, #tpu.memory_space<vmem>>) dst(%dma_wait3A_924 : memref<10008x128xf32, #tpu.memory_space<vmem_shared>>)
        tpu.yield
      }) : () -> ()
      %jit3A_588 = arith.constant 2 : i32
      %eq3A_589 = arith.constant 0 : i32
      %eq3A_590 = arith.cmpi eq, %jit3A_588, %eq3A_589 : i32
      %jit3A_591 = arith.constant 1 : i32
      %select_n3A_592 = arith.select %eq3A_590, %jit3A_591, %jit3A_588 : i32
      %rem3A_593 = arith.remsi %add3A_579, %select_n3A_592 : i32
      %ne3A_594 = arith.constant 0 : i32
      %ne3A_595 = arith.cmpi ne, %rem3A_593, %ne3A_594 : i32
      %lt3A_596 = arith.constant 0 : i32
      %lt3A_597 = arith.cmpi slt, %rem3A_593, %lt3A_596 : i32
      %lt3A_598 = arith.constant 0 : i32
      %lt3A_599 = arith.cmpi slt, %select_n3A_592, %lt3A_598 : i32
      %ne3A_600 = arith.xori %lt3A_597, %lt3A_599 : i1
      %and3A_601 = arith.andi %ne3A_600, %ne3A_595 : i1
      %add3A_602 = arith.addi %rem3A_593, %select_n3A_592 : i32
      %select_n3A_603 = arith.select %and3A_601, %add3A_602, %rem3A_593 : i32
      %eq3A_604 = arith.cmpi eq, %select_n3A_603, %arg0 : i32
      %convert_element_type3A_605 = arith.extui %eq3A_604 : i1 to i32
      %cond3A_606 = arith.constant 0 : i32
      %cond3A_607 = arith.cmpi ne, %convert_element_type3A_605, %cond3A_606 : i32
      scf.if %cond3A_607 {
        %run_scoped3A_912 = arith.constant 1 : i32
        "tpu.region"() ({
          %run_scoped3A_913 = tpu.sem_alloc : memref<!tpu.dma_semaphore, #tpu.memory_space<semaphore_mem>>
          %dma_start3A_914 = arith.constant 0 : i32
          %dma_start3A_915 = tpu.memref_slice %arg13[%run_scoped3A_912, %dma_start3A_914] : memref<2x128xi32, #tpu.memory_space<vmem>> -> memref<1x128xi32, #tpu.memory_space<vmem>>
          %dma_start3A_916 = tpu.memref_squeeze %dma_start3A_915 : memref<1x128xi32, #tpu.memory_space<vmem>> -> memref<128xi32, #tpu.memory_space<vmem>>
          %dma_start3A_917 = arith.constant 0 : i32
          %dma_start3A_918 = tpu.memref_slice %arg18[%dma_start3A_917] : memref<10240xf32, #tpu.memory_space<vmem_shared>> -> memref<10240xf32, #tpu.memory_space<vmem_shared>>
          tpu.enqueue_indirect_dma source(%arg16 : memref<128xf32, #tpu.memory_space<vmem>>) target(%dma_start3A_918 : memref<10240xf32, #tpu.memory_space<vmem_shared>>) offsets(%dma_start3A_916 : memref<128xi32, #tpu.memory_space<vmem>>) semaphore(%run_scoped3A_913 : memref<!tpu.dma_semaphore, #tpu.memory_space<semaphore_mem>>) {add = true}
          %dma_wait3A_919 = arith.constant 0 : i32
          %dma_wait3A_920 = tpu.memref_slice %arg13[%run_scoped3A_912, %dma_wait3A_919] : memref<2x128xi32, #tpu.memory_space<vmem>> -> memref<1x128xi32, #tpu.memory_space<vmem>>
          %dma_wait3A_921 = tpu.memref_squeeze %dma_wait3A_920 : memref<1x128xi32, #tpu.memory_space<vmem>> -> memref<128xi32, #tpu.memory_space<vmem>>
          %dma_wait3A_922 = arith.constant 0 : i32
          %dma_wait3A_923 = tpu.memref_slice %arg18[%dma_wait3A_922] : memref<10240xf32, #tpu.memory_space<vmem_shared>> -> memref<10240xf32, #tpu.memory_space<vmem_shared>>
          tpu.wait_indirect_dma semaphore(%run_scoped3A_913 : memref<!tpu.dma_semaphore, #tpu.memory_space<semaphore_mem>>) src(%arg16 : memref<128xf32, #tpu.memory_space<vmem>>) dst(%dma_wait3A_923 : memref<10240xf32, #tpu.memory_space<vmem_shared>>)
          tpu.yield
        }) : () -> ()
      } else {
      }
      %add3A_608 = arith.constant 4 : i32
      %add3A_609 = arith.addi %add3A_579, %add3A_608 : i32
      %lt3A_610 = arith.constant 79 : i32
      %lt3A_611 = arith.cmpi slt, %add3A_609, %lt3A_610 : i32
      %convert_element_type3A_612 = arith.extui %lt3A_611 : i1 to i32
      %cond3A_613 = arith.constant 0 : i32
      %cond3A_614 = arith.cmpi ne, %convert_element_type3A_612, %cond3A_613 : i32
      scf.if %cond3A_614 {
        %add3A_912 = arith.constant 4 : i32
        %add3A_913 = arith.addi %add3A_579, %add3A_912 : i32
        %mul3A_914 = arith.constant 79 : i32
        %mul3A_915 = arith.muli %add3A, %mul3A_914 : i32
        %add3A_916 = arith.addi %mul3A_915, %add3A_913 : i32
        %dma_start3A_917 = arith.constant 0 : i32
        %dma_start3A_918 = arith.constant 0 : i32
        %dma_start3A_919 = tpu.memref_slice %arg3[%add3A_916, %dma_start3A_917, %dma_start3A_918] : memref<2528x2x128xi32, #tpu.memory_space<hbm>> -> memref<1x2x128xi32, #tpu.memory_space<hbm>>
        %dma_start3A_920 = tpu.memref_squeeze %dma_start3A_919 : memref<1x2x128xi32, #tpu.memory_space<hbm>> -> memref<2x128xi32, #tpu.memory_space<hbm>>
        %dma_start3A_921 = arith.constant 0 : i32
        %dma_start3A_922 = arith.constant 0 : i32
        %dma_start3A_923 = tpu.memref_slice %arg3[%add3A_916, %dma_start3A_921, %dma_start3A_922] : memref<2528x2x128xi32, #tpu.memory_space<hbm>> -> memref<1x2x128xi32, #tpu.memory_space<hbm>>
        %dma_start3A_924 = tpu.memref_squeeze %dma_start3A_923 : memref<1x2x128xi32, #tpu.memory_space<hbm>> -> memref<2x128xi32, #tpu.memory_space<hbm>>
        tpu.enqueue_dma source(%dma_start3A_924 : memref<2x128xi32, #tpu.memory_space<hbm>>) target(%arg13 : memref<2x128xi32, #tpu.memory_space<vmem>>) target_semaphore(%arg23 : memref<!tpu.dma_semaphore, #tpu.memory_space<semaphore_mem>>)
      } else {
      }
      %add3A_615 = arith.constant 3 : i32
      %add3A_616 = arith.addi %add3A_579, %add3A_615 : i32
      %sub3A_617 = arith.constant 1 : i32
      %sub3A_618 = arith.subi %add3A_616, %sub3A_617 : i32
      %lt3A_619 = arith.constant 79 : i32
      %lt3A_620 = arith.cmpi slt, %sub3A_618, %lt3A_619 : i32
      %convert_element_type3A_621 = arith.extui %lt3A_620 : i1 to i32
      %cond3A_622 = arith.constant 0 : i32
      %cond3A_623 = arith.cmpi ne, %convert_element_type3A_621, %cond3A_622 : i32
      scf.if %cond3A_623 {
        %mul3A_912 = arith.constant 79 : i32
        %mul3A_913 = arith.muli %add3A, %mul3A_912 : i32
        %add3A_914 = arith.addi %mul3A_913, %add3A_579 : i32
        %add3A_915 = arith.constant 3 : i32
        %add3A_916 = arith.addi %add3A_914, %add3A_915 : i32
        %sub3A_917 = arith.constant 1 : i32
        %sub3A_918 = arith.subi %add3A_916, %sub3A_917 : i32
        %dma_wait3A_919 = arith.constant 0 : i32
        %dma_wait3A_920 = arith.constant 0 : i32
        %dma_wait3A_921 = tpu.memref_slice %arg3[%sub3A_918, %dma_wait3A_919, %dma_wait3A_920] : memref<2528x2x128xi32, #tpu.memory_space<hbm>> -> memref<1x2x128xi32, #tpu.memory_space<hbm>>
        %dma_wait3A_922 = tpu.memref_squeeze %dma_wait3A_921 : memref<1x2x128xi32, #tpu.memory_space<hbm>> -> memref<2x128xi32, #tpu.memory_space<hbm>>
        %dma_wait3A_923 = arith.constant 0 : i32
        %dma_wait3A_924 = arith.constant 0 : i32
        %dma_wait3A_925 = tpu.memref_slice %arg3[%sub3A_918, %dma_wait3A_923, %dma_wait3A_924] : memref<2528x2x128xi32, #tpu.memory_space<hbm>> -> memref<1x2x128xi32, #tpu.memory_space<hbm>>
        %dma_wait3A_926 = tpu.memref_squeeze %dma_wait3A_925 : memref<1x2x128xi32, #tpu.memory_space<hbm>> -> memref<2x128xi32, #tpu.memory_space<hbm>>
        tpu.wait_dma2 semaphore(%arg25 : memref<!tpu.dma_semaphore, #tpu.memory_space<semaphore_mem>>) src(%dma_wait3A_926 : memref<2x128xi32, #tpu.memory_space<hbm>>) dst(%arg15 : memref<2x128xi32, #tpu.memory_space<vmem>>)
        %add3A_927 = arith.constant 3 : i32
        %add3A_928 = arith.addi %add3A_579, %add3A_927 : i32
        %sub3A_929 = arith.constant 1 : i32
        %sub3A_930 = arith.subi %add3A_928, %sub3A_929 : i32
        %dma_start3A_931 = arith.constant 0 : i32
        %dma_start3A_932 = arith.constant 0 : i32
        %dma_start3A_933 = tpu.memref_slice %arg15[%dma_start3A_931, %dma_start3A_932] : memref<2x128xi32, #tpu.memory_space<vmem>> -> memref<1x128xi32, #tpu.memory_space<vmem>>
        %dma_start3A_934 = tpu.memref_squeeze %dma_start3A_933 : memref<1x128xi32, #tpu.memory_space<vmem>> -> memref<128xi32, #tpu.memory_space<vmem>>
        %dma_start3A_935 = arith.constant 0 : i32
        %dma_start3A_936 = arith.constant 0 : i32
        %dma_start3A_937 = tpu.memref_slice %arg2[%dma_start3A_935, %dma_start3A_936] : memref<20000x128xf32, #tpu.memory_space<hbm>> -> memref<20000x128xf32, #tpu.memory_space<hbm>>
        tpu.enqueue_indirect_dma source(%dma_start3A_937 : memref<20000x128xf32, #tpu.memory_space<hbm>>) target(%arg10 : memref<128x128xf32, #tpu.memory_space<vmem>>) offsets(%dma_start3A_934 : memref<128xi32, #tpu.memory_space<vmem>>) semaphore(%arg20 : memref<!tpu.dma_semaphore, #tpu.memory_space<semaphore_mem>>)
      } else {
      }
      %mul3A_624 = arith.constant 12 : i32
      %mul3A_625 = arith.muli %scan3A_341, %mul3A_624 : i32
      %add3A_626 = arith.constant 6 : i32
      %add3A_627 = arith.addi %mul3A_625, %add3A_626 : i32
      %dma_wait3A_628 = arith.constant 0 : i32
      %dma_wait3A_629 = arith.constant 0 : i32
      %dma_wait3A_630 = tpu.memref_slice %arg14[%dma_wait3A_628, %dma_wait3A_629] : memref<2x128xi32, #tpu.memory_space<vmem>> -> memref<1x128xi32, #tpu.memory_space<vmem>>
      %dma_wait3A_631 = tpu.memref_squeeze %dma_wait3A_630 : memref<1x128xi32, #tpu.memory_space<vmem>> -> memref<128xi32, #tpu.memory_space<vmem>>
      %dma_wait3A_632 = arith.constant 0 : i32
      %dma_wait3A_633 = arith.constant 0 : i32
      %dma_wait3A_634 = tpu.memref_slice %arg2[%dma_wait3A_632, %dma_wait3A_633] : memref<20000x128xf32, #tpu.memory_space<hbm>> -> memref<20000x128xf32, #tpu.memory_space<hbm>>
      tpu.wait_indirect_dma semaphore(%arg19 : memref<!tpu.dma_semaphore, #tpu.memory_space<semaphore_mem>>) src(%dma_wait3A_634 : memref<20000x128xf32, #tpu.memory_space<hbm>>) dst(%arg9 : memref<128x128xf32, #tpu.memory_space<vmem>>)
      %run_scoped3A_635 = arith.constant 1 : i32
      "tpu.region"() ({
        %run_scoped3A_912 = tpu.sem_alloc : memref<!tpu.dma_semaphore, #tpu.memory_space<semaphore_mem>>
        %dma_start3A_913 = arith.constant 0 : i32
        %dma_start3A_914 = tpu.memref_slice %arg14[%run_scoped3A_635, %dma_start3A_913] : memref<2x128xi32, #tpu.memory_space<vmem>> -> memref<1x128xi32, #tpu.memory_space<vmem>>
        %dma_start3A_915 = tpu.memref_squeeze %dma_start3A_914 : memref<1x128xi32, #tpu.memory_space<vmem>> -> memref<128xi32, #tpu.memory_space<vmem>>
        %dma_start3A_916 = arith.constant 0 : i32
        %dma_start3A_917 = arith.constant 0 : i32
        %dma_start3A_918 = tpu.memref_slice %arg17[%dma_start3A_916, %dma_start3A_917] : memref<10008x128xf32, #tpu.memory_space<vmem_shared>> -> memref<10008x128xf32, #tpu.memory_space<vmem_shared>>
        tpu.enqueue_indirect_dma source(%arg9 : memref<128x128xf32, #tpu.memory_space<vmem>>) target(%dma_start3A_918 : memref<10008x128xf32, #tpu.memory_space<vmem_shared>>) offsets(%dma_start3A_915 : memref<128xi32, #tpu.memory_space<vmem>>) semaphore(%run_scoped3A_912 : memref<!tpu.dma_semaphore, #tpu.memory_space<semaphore_mem>>) {add = true}
        %dma_wait3A_919 = arith.constant 0 : i32
        %dma_wait3A_920 = tpu.memref_slice %arg14[%run_scoped3A_635, %dma_wait3A_919] : memref<2x128xi32, #tpu.memory_space<vmem>> -> memref<1x128xi32, #tpu.memory_space<vmem>>
        %dma_wait3A_921 = tpu.memref_squeeze %dma_wait3A_920 : memref<1x128xi32, #tpu.memory_space<vmem>> -> memref<128xi32, #tpu.memory_space<vmem>>
        %dma_wait3A_922 = arith.constant 0 : i32
        %dma_wait3A_923 = arith.constant 0 : i32
        %dma_wait3A_924 = tpu.memref_slice %arg17[%dma_wait3A_922, %dma_wait3A_923] : memref<10008x128xf32, #tpu.memory_space<vmem_shared>> -> memref<10008x128xf32, #tpu.memory_space<vmem_shared>>
        tpu.wait_indirect_dma semaphore(%run_scoped3A_912 : memref<!tpu.dma_semaphore, #tpu.memory_space<semaphore_mem>>) src(%arg9 : memref<128x128xf32, #tpu.memory_space<vmem>>) dst(%dma_wait3A_924 : memref<10008x128xf32, #tpu.memory_space<vmem_shared>>)
        tpu.yield
      }) : () -> ()
      %jit3A_636 = arith.constant 2 : i32
      %eq3A_637 = arith.constant 0 : i32
      %eq3A_638 = arith.cmpi eq, %jit3A_636, %eq3A_637 : i32
      %jit3A_639 = arith.constant 1 : i32
      %select_n3A_640 = arith.select %eq3A_638, %jit3A_639, %jit3A_636 : i32
      %rem3A_641 = arith.remsi %add3A_627, %select_n3A_640 : i32
      %ne3A_642 = arith.constant 0 : i32
      %ne3A_643 = arith.cmpi ne, %rem3A_641, %ne3A_642 : i32
      %lt3A_644 = arith.constant 0 : i32
      %lt3A_645 = arith.cmpi slt, %rem3A_641, %lt3A_644 : i32
      %lt3A_646 = arith.constant 0 : i32
      %lt3A_647 = arith.cmpi slt, %select_n3A_640, %lt3A_646 : i32
      %ne3A_648 = arith.xori %lt3A_645, %lt3A_647 : i1
      %and3A_649 = arith.andi %ne3A_648, %ne3A_643 : i1
      %add3A_650 = arith.addi %rem3A_641, %select_n3A_640 : i32
      %select_n3A_651 = arith.select %and3A_649, %add3A_650, %rem3A_641 : i32
      %eq3A_652 = arith.cmpi eq, %select_n3A_651, %arg0 : i32
      %convert_element_type3A_653 = arith.extui %eq3A_652 : i1 to i32
      %cond3A_654 = arith.constant 0 : i32
      %cond3A_655 = arith.cmpi ne, %convert_element_type3A_653, %cond3A_654 : i32
      scf.if %cond3A_655 {
        %run_scoped3A_912 = arith.constant 1 : i32
        "tpu.region"() ({
          %run_scoped3A_913 = tpu.sem_alloc : memref<!tpu.dma_semaphore, #tpu.memory_space<semaphore_mem>>
          %dma_start3A_914 = arith.constant 0 : i32
          %dma_start3A_915 = tpu.memref_slice %arg14[%run_scoped3A_912, %dma_start3A_914] : memref<2x128xi32, #tpu.memory_space<vmem>> -> memref<1x128xi32, #tpu.memory_space<vmem>>
          %dma_start3A_916 = tpu.memref_squeeze %dma_start3A_915 : memref<1x128xi32, #tpu.memory_space<vmem>> -> memref<128xi32, #tpu.memory_space<vmem>>
          %dma_start3A_917 = arith.constant 0 : i32
          %dma_start3A_918 = tpu.memref_slice %arg18[%dma_start3A_917] : memref<10240xf32, #tpu.memory_space<vmem_shared>> -> memref<10240xf32, #tpu.memory_space<vmem_shared>>
          tpu.enqueue_indirect_dma source(%arg16 : memref<128xf32, #tpu.memory_space<vmem>>) target(%dma_start3A_918 : memref<10240xf32, #tpu.memory_space<vmem_shared>>) offsets(%dma_start3A_916 : memref<128xi32, #tpu.memory_space<vmem>>) semaphore(%run_scoped3A_913 : memref<!tpu.dma_semaphore, #tpu.memory_space<semaphore_mem>>) {add = true}
          %dma_wait3A_919 = arith.constant 0 : i32
          %dma_wait3A_920 = tpu.memref_slice %arg14[%run_scoped3A_912, %dma_wait3A_919] : memref<2x128xi32, #tpu.memory_space<vmem>> -> memref<1x128xi32, #tpu.memory_space<vmem>>
          %dma_wait3A_921 = tpu.memref_squeeze %dma_wait3A_920 : memref<1x128xi32, #tpu.memory_space<vmem>> -> memref<128xi32, #tpu.memory_space<vmem>>
          %dma_wait3A_922 = arith.constant 0 : i32
          %dma_wait3A_923 = tpu.memref_slice %arg18[%dma_wait3A_922] : memref<10240xf32, #tpu.memory_space<vmem_shared>> -> memref<10240xf32, #tpu.memory_space<vmem_shared>>
          tpu.wait_indirect_dma semaphore(%run_scoped3A_913 : memref<!tpu.dma_semaphore, #tpu.memory_space<semaphore_mem>>) src(%arg16 : memref<128xf32, #tpu.memory_space<vmem>>) dst(%dma_wait3A_923 : memref<10240xf32, #tpu.memory_space<vmem_shared>>)
          tpu.yield
        }) : () -> ()
      } else {
      }
      %add3A_656 = arith.constant 4 : i32
      %add3A_657 = arith.addi %add3A_627, %add3A_656 : i32
      %lt3A_658 = arith.constant 79 : i32
      %lt3A_659 = arith.cmpi slt, %add3A_657, %lt3A_658 : i32
      %convert_element_type3A_660 = arith.extui %lt3A_659 : i1 to i32
      %cond3A_661 = arith.constant 0 : i32
      %cond3A_662 = arith.cmpi ne, %convert_element_type3A_660, %cond3A_661 : i32
      scf.if %cond3A_662 {
        %add3A_912 = arith.constant 4 : i32
        %add3A_913 = arith.addi %add3A_627, %add3A_912 : i32
        %mul3A_914 = arith.constant 79 : i32
        %mul3A_915 = arith.muli %add3A, %mul3A_914 : i32
        %add3A_916 = arith.addi %mul3A_915, %add3A_913 : i32
        %dma_start3A_917 = arith.constant 0 : i32
        %dma_start3A_918 = arith.constant 0 : i32
        %dma_start3A_919 = tpu.memref_slice %arg3[%add3A_916, %dma_start3A_917, %dma_start3A_918] : memref<2528x2x128xi32, #tpu.memory_space<hbm>> -> memref<1x2x128xi32, #tpu.memory_space<hbm>>
        %dma_start3A_920 = tpu.memref_squeeze %dma_start3A_919 : memref<1x2x128xi32, #tpu.memory_space<hbm>> -> memref<2x128xi32, #tpu.memory_space<hbm>>
        %dma_start3A_921 = arith.constant 0 : i32
        %dma_start3A_922 = arith.constant 0 : i32
        %dma_start3A_923 = tpu.memref_slice %arg3[%add3A_916, %dma_start3A_921, %dma_start3A_922] : memref<2528x2x128xi32, #tpu.memory_space<hbm>> -> memref<1x2x128xi32, #tpu.memory_space<hbm>>
        %dma_start3A_924 = tpu.memref_squeeze %dma_start3A_923 : memref<1x2x128xi32, #tpu.memory_space<hbm>> -> memref<2x128xi32, #tpu.memory_space<hbm>>
        tpu.enqueue_dma source(%dma_start3A_924 : memref<2x128xi32, #tpu.memory_space<hbm>>) target(%arg14 : memref<2x128xi32, #tpu.memory_space<vmem>>) target_semaphore(%arg24 : memref<!tpu.dma_semaphore, #tpu.memory_space<semaphore_mem>>)
      } else {
      }
      %add3A_663 = arith.constant 3 : i32
      %add3A_664 = arith.addi %add3A_627, %add3A_663 : i32
      %sub3A_665 = arith.constant 1 : i32
      %sub3A_666 = arith.subi %add3A_664, %sub3A_665 : i32
      %lt3A_667 = arith.constant 79 : i32
      %lt3A_668 = arith.cmpi slt, %sub3A_666, %lt3A_667 : i32
      %convert_element_type3A_669 = arith.extui %lt3A_668 : i1 to i32
      %cond3A_670 = arith.constant 0 : i32
      %cond3A_671 = arith.cmpi ne, %convert_element_type3A_669, %cond3A_670 : i32
      scf.if %cond3A_671 {
        %mul3A_912 = arith.constant 79 : i32
        %mul3A_913 = arith.muli %add3A, %mul3A_912 : i32
        %add3A_914 = arith.addi %mul3A_913, %add3A_627 : i32
        %add3A_915 = arith.constant 3 : i32
        %add3A_916 = arith.addi %add3A_914, %add3A_915 : i32
        %sub3A_917 = arith.constant 1 : i32
        %sub3A_918 = arith.subi %add3A_916, %sub3A_917 : i32
        %dma_wait3A_919 = arith.constant 0 : i32
        %dma_wait3A_920 = arith.constant 0 : i32
        %dma_wait3A_921 = tpu.memref_slice %arg3[%sub3A_918, %dma_wait3A_919, %dma_wait3A_920] : memref<2528x2x128xi32, #tpu.memory_space<hbm>> -> memref<1x2x128xi32, #tpu.memory_space<hbm>>
        %dma_wait3A_922 = tpu.memref_squeeze %dma_wait3A_921 : memref<1x2x128xi32, #tpu.memory_space<hbm>> -> memref<2x128xi32, #tpu.memory_space<hbm>>
        %dma_wait3A_923 = arith.constant 0 : i32
        %dma_wait3A_924 = arith.constant 0 : i32
        %dma_wait3A_925 = tpu.memref_slice %arg3[%sub3A_918, %dma_wait3A_923, %dma_wait3A_924] : memref<2528x2x128xi32, #tpu.memory_space<hbm>> -> memref<1x2x128xi32, #tpu.memory_space<hbm>>
        %dma_wait3A_926 = tpu.memref_squeeze %dma_wait3A_925 : memref<1x2x128xi32, #tpu.memory_space<hbm>> -> memref<2x128xi32, #tpu.memory_space<hbm>>
        tpu.wait_dma2 semaphore(%arg22 : memref<!tpu.dma_semaphore, #tpu.memory_space<semaphore_mem>>) src(%dma_wait3A_926 : memref<2x128xi32, #tpu.memory_space<hbm>>) dst(%arg12 : memref<2x128xi32, #tpu.memory_space<vmem>>)
        %add3A_927 = arith.constant 3 : i32
        %add3A_928 = arith.addi %add3A_627, %add3A_927 : i32
        %sub3A_929 = arith.constant 1 : i32
        %sub3A_930 = arith.subi %add3A_928, %sub3A_929 : i32
        %dma_start3A_931 = arith.constant 0 : i32
        %dma_start3A_932 = arith.constant 0 : i32
        %dma_start3A_933 = tpu.memref_slice %arg12[%dma_start3A_931, %dma_start3A_932] : memref<2x128xi32, #tpu.memory_space<vmem>> -> memref<1x128xi32, #tpu.memory_space<vmem>>
        %dma_start3A_934 = tpu.memref_squeeze %dma_start3A_933 : memref<1x128xi32, #tpu.memory_space<vmem>> -> memref<128xi32, #tpu.memory_space<vmem>>
        %dma_start3A_935 = arith.constant 0 : i32
        %dma_start3A_936 = arith.constant 0 : i32
        %dma_start3A_937 = tpu.memref_slice %arg2[%dma_start3A_935, %dma_start3A_936] : memref<20000x128xf32, #tpu.memory_space<hbm>> -> memref<20000x128xf32, #tpu.memory_space<hbm>>
        tpu.enqueue_indirect_dma source(%dma_start3A_937 : memref<20000x128xf32, #tpu.memory_space<hbm>>) target(%arg11 : memref<128x128xf32, #tpu.memory_space<vmem>>) offsets(%dma_start3A_934 : memref<128xi32, #tpu.memory_space<vmem>>) semaphore(%arg21 : memref<!tpu.dma_semaphore, #tpu.memory_space<semaphore_mem>>)
      } else {
      }
      %mul3A_672 = arith.constant 12 : i32
      %mul3A_673 = arith.muli %scan3A_341, %mul3A_672 : i32
      %add3A_674 = arith.constant 7 : i32
      %add3A_675 = arith.addi %mul3A_673, %add3A_674 : i32
      %dma_wait3A_676 = arith.constant 0 : i32
      %dma_wait3A_677 = arith.constant 0 : i32
      %dma_wait3A_678 = tpu.memref_slice %arg15[%dma_wait3A_676, %dma_wait3A_677] : memref<2x128xi32, #tpu.memory_space<vmem>> -> memref<1x128xi32, #tpu.memory_space<vmem>>
      %dma_wait3A_679 = tpu.memref_squeeze %dma_wait3A_678 : memref<1x128xi32, #tpu.memory_space<vmem>> -> memref<128xi32, #tpu.memory_space<vmem>>
      %dma_wait3A_680 = arith.constant 0 : i32
      %dma_wait3A_681 = arith.constant 0 : i32
      %dma_wait3A_682 = tpu.memref_slice %arg2[%dma_wait3A_680, %dma_wait3A_681] : memref<20000x128xf32, #tpu.memory_space<hbm>> -> memref<20000x128xf32, #tpu.memory_space<hbm>>
      tpu.wait_indirect_dma semaphore(%arg20 : memref<!tpu.dma_semaphore, #tpu.memory_space<semaphore_mem>>) src(%dma_wait3A_682 : memref<20000x128xf32, #tpu.memory_space<hbm>>) dst(%arg10 : memref<128x128xf32, #tpu.memory_space<vmem>>)
      %run_scoped3A_683 = arith.constant 1 : i32
      "tpu.region"() ({
        %run_scoped3A_912 = tpu.sem_alloc : memref<!tpu.dma_semaphore, #tpu.memory_space<semaphore_mem>>
        %dma_start3A_913 = arith.constant 0 : i32
        %dma_start3A_914 = tpu.memref_slice %arg15[%run_scoped3A_683, %dma_start3A_913] : memref<2x128xi32, #tpu.memory_space<vmem>> -> memref<1x128xi32, #tpu.memory_space<vmem>>
        %dma_start3A_915 = tpu.memref_squeeze %dma_start3A_914 : memref<1x128xi32, #tpu.memory_space<vmem>> -> memref<128xi32, #tpu.memory_space<vmem>>
        %dma_start3A_916 = arith.constant 0 : i32
        %dma_start3A_917 = arith.constant 0 : i32
        %dma_start3A_918 = tpu.memref_slice %arg17[%dma_start3A_916, %dma_start3A_917] : memref<10008x128xf32, #tpu.memory_space<vmem_shared>> -> memref<10008x128xf32, #tpu.memory_space<vmem_shared>>
        tpu.enqueue_indirect_dma source(%arg10 : memref<128x128xf32, #tpu.memory_space<vmem>>) target(%dma_start3A_918 : memref<10008x128xf32, #tpu.memory_space<vmem_shared>>) offsets(%dma_start3A_915 : memref<128xi32, #tpu.memory_space<vmem>>) semaphore(%run_scoped3A_912 : memref<!tpu.dma_semaphore, #tpu.memory_space<semaphore_mem>>) {add = true}
        %dma_wait3A_919 = arith.constant 0 : i32
        %dma_wait3A_920 = tpu.memref_slice %arg15[%run_scoped3A_683, %dma_wait3A_919] : memref<2x128xi32, #tpu.memory_space<vmem>> -> memref<1x128xi32, #tpu.memory_space<vmem>>
        %dma_wait3A_921 = tpu.memref_squeeze %dma_wait3A_920 : memref<1x128xi32, #tpu.memory_space<vmem>> -> memref<128xi32, #tpu.memory_space<vmem>>
        %dma_wait3A_922 = arith.constant 0 : i32
        %dma_wait3A_923 = arith.constant 0 : i32
        %dma_wait3A_924 = tpu.memref_slice %arg17[%dma_wait3A_922, %dma_wait3A_923] : memref<10008x128xf32, #tpu.memory_space<vmem_shared>> -> memref<10008x128xf32, #tpu.memory_space<vmem_shared>>
        tpu.wait_indirect_dma semaphore(%run_scoped3A_912 : memref<!tpu.dma_semaphore, #tpu.memory_space<semaphore_mem>>) src(%arg10 : memref<128x128xf32, #tpu.memory_space<vmem>>) dst(%dma_wait3A_924 : memref<10008x128xf32, #tpu.memory_space<vmem_shared>>)
        tpu.yield
      }) : () -> ()
      %jit3A_684 = arith.constant 2 : i32
      %eq3A_685 = arith.constant 0 : i32
      %eq3A_686 = arith.cmpi eq, %jit3A_684, %eq3A_685 : i32
      %jit3A_687 = arith.constant 1 : i32
      %select_n3A_688 = arith.select %eq3A_686, %jit3A_687, %jit3A_684 : i32
      %rem3A_689 = arith.remsi %add3A_675, %select_n3A_688 : i32
      %ne3A_690 = arith.constant 0 : i32
      %ne3A_691 = arith.cmpi ne, %rem3A_689, %ne3A_690 : i32
      %lt3A_692 = arith.constant 0 : i32
      %lt3A_693 = arith.cmpi slt, %rem3A_689, %lt3A_692 : i32
      %lt3A_694 = arith.constant 0 : i32
      %lt3A_695 = arith.cmpi slt, %select_n3A_688, %lt3A_694 : i32
      %ne3A_696 = arith.xori %lt3A_693, %lt3A_695 : i1
      %and3A_697 = arith.andi %ne3A_696, %ne3A_691 : i1
      %add3A_698 = arith.addi %rem3A_689, %select_n3A_688 : i32
      %select_n3A_699 = arith.select %and3A_697, %add3A_698, %rem3A_689 : i32
      %eq3A_700 = arith.cmpi eq, %select_n3A_699, %arg0 : i32
      %convert_element_type3A_701 = arith.extui %eq3A_700 : i1 to i32
      %cond3A_702 = arith.constant 0 : i32
      %cond3A_703 = arith.cmpi ne, %convert_element_type3A_701, %cond3A_702 : i32
      scf.if %cond3A_703 {
        %run_scoped3A_912 = arith.constant 1 : i32
        "tpu.region"() ({
          %run_scoped3A_913 = tpu.sem_alloc : memref<!tpu.dma_semaphore, #tpu.memory_space<semaphore_mem>>
          %dma_start3A_914 = arith.constant 0 : i32
          %dma_start3A_915 = tpu.memref_slice %arg15[%run_scoped3A_912, %dma_start3A_914] : memref<2x128xi32, #tpu.memory_space<vmem>> -> memref<1x128xi32, #tpu.memory_space<vmem>>
          %dma_start3A_916 = tpu.memref_squeeze %dma_start3A_915 : memref<1x128xi32, #tpu.memory_space<vmem>> -> memref<128xi32, #tpu.memory_space<vmem>>
          %dma_start3A_917 = arith.constant 0 : i32
          %dma_start3A_918 = tpu.memref_slice %arg18[%dma_start3A_917] : memref<10240xf32, #tpu.memory_space<vmem_shared>> -> memref<10240xf32, #tpu.memory_space<vmem_shared>>
          tpu.enqueue_indirect_dma source(%arg16 : memref<128xf32, #tpu.memory_space<vmem>>) target(%dma_start3A_918 : memref<10240xf32, #tpu.memory_space<vmem_shared>>) offsets(%dma_start3A_916 : memref<128xi32, #tpu.memory_space<vmem>>) semaphore(%run_scoped3A_913 : memref<!tpu.dma_semaphore, #tpu.memory_space<semaphore_mem>>) {add = true}
          %dma_wait3A_919 = arith.constant 0 : i32
          %dma_wait3A_920 = tpu.memref_slice %arg15[%run_scoped3A_912, %dma_wait3A_919] : memref<2x128xi32, #tpu.memory_space<vmem>> -> memref<1x128xi32, #tpu.memory_space<vmem>>
          %dma_wait3A_921 = tpu.memref_squeeze %dma_wait3A_920 : memref<1x128xi32, #tpu.memory_space<vmem>> -> memref<128xi32, #tpu.memory_space<vmem>>
          %dma_wait3A_922 = arith.constant 0 : i32
          %dma_wait3A_923 = tpu.memref_slice %arg18[%dma_wait3A_922] : memref<10240xf32, #tpu.memory_space<vmem_shared>> -> memref<10240xf32, #tpu.memory_space<vmem_shared>>
          tpu.wait_indirect_dma semaphore(%run_scoped3A_913 : memref<!tpu.dma_semaphore, #tpu.memory_space<semaphore_mem>>) src(%arg16 : memref<128xf32, #tpu.memory_space<vmem>>) dst(%dma_wait3A_923 : memref<10240xf32, #tpu.memory_space<vmem_shared>>)
          tpu.yield
        }) : () -> ()
      } else {
      }
      %add3A_704 = arith.constant 4 : i32
      %add3A_705 = arith.addi %add3A_675, %add3A_704 : i32
      %lt3A_706 = arith.constant 79 : i32
      %lt3A_707 = arith.cmpi slt, %add3A_705, %lt3A_706 : i32
      %convert_element_type3A_708 = arith.extui %lt3A_707 : i1 to i32
      %cond3A_709 = arith.constant 0 : i32
      %cond3A_710 = arith.cmpi ne, %convert_element_type3A_708, %cond3A_709 : i32
      scf.if %cond3A_710 {
        %add3A_912 = arith.constant 4 : i32
        %add3A_913 = arith.addi %add3A_675, %add3A_912 : i32
        %mul3A_914 = arith.constant 79 : i32
        %mul3A_915 = arith.muli %add3A, %mul3A_914 : i32
        %add3A_916 = arith.addi %mul3A_915, %add3A_913 : i32
        %dma_start3A_917 = arith.constant 0 : i32
        %dma_start3A_918 = arith.constant 0 : i32
        %dma_start3A_919 = tpu.memref_slice %arg3[%add3A_916, %dma_start3A_917, %dma_start3A_918] : memref<2528x2x128xi32, #tpu.memory_space<hbm>> -> memref<1x2x128xi32, #tpu.memory_space<hbm>>
        %dma_start3A_920 = tpu.memref_squeeze %dma_start3A_919 : memref<1x2x128xi32, #tpu.memory_space<hbm>> -> memref<2x128xi32, #tpu.memory_space<hbm>>
        %dma_start3A_921 = arith.constant 0 : i32
        %dma_start3A_922 = arith.constant 0 : i32
        %dma_start3A_923 = tpu.memref_slice %arg3[%add3A_916, %dma_start3A_921, %dma_start3A_922] : memref<2528x2x128xi32, #tpu.memory_space<hbm>> -> memref<1x2x128xi32, #tpu.memory_space<hbm>>
        %dma_start3A_924 = tpu.memref_squeeze %dma_start3A_923 : memref<1x2x128xi32, #tpu.memory_space<hbm>> -> memref<2x128xi32, #tpu.memory_space<hbm>>
        tpu.enqueue_dma source(%dma_start3A_924 : memref<2x128xi32, #tpu.memory_space<hbm>>) target(%arg15 : memref<2x128xi32, #tpu.memory_space<vmem>>) target_semaphore(%arg25 : memref<!tpu.dma_semaphore, #tpu.memory_space<semaphore_mem>>)
      } else {
      }
      %add3A_711 = arith.constant 3 : i32
      %add3A_712 = arith.addi %add3A_675, %add3A_711 : i32
      %sub3A_713 = arith.constant 1 : i32
      %sub3A_714 = arith.subi %add3A_712, %sub3A_713 : i32
      %lt3A_715 = arith.constant 79 : i32
      %lt3A_716 = arith.cmpi slt, %sub3A_714, %lt3A_715 : i32
      %convert_element_type3A_717 = arith.extui %lt3A_716 : i1 to i32
      %cond3A_718 = arith.constant 0 : i32
      %cond3A_719 = arith.cmpi ne, %convert_element_type3A_717, %cond3A_718 : i32
      scf.if %cond3A_719 {
        %mul3A_912 = arith.constant 79 : i32
        %mul3A_913 = arith.muli %add3A, %mul3A_912 : i32
        %add3A_914 = arith.addi %mul3A_913, %add3A_675 : i32
        %add3A_915 = arith.constant 3 : i32
        %add3A_916 = arith.addi %add3A_914, %add3A_915 : i32
        %sub3A_917 = arith.constant 1 : i32
        %sub3A_918 = arith.subi %add3A_916, %sub3A_917 : i32
        %dma_wait3A_919 = arith.constant 0 : i32
        %dma_wait3A_920 = arith.constant 0 : i32
        %dma_wait3A_921 = tpu.memref_slice %arg3[%sub3A_918, %dma_wait3A_919, %dma_wait3A_920] : memref<2528x2x128xi32, #tpu.memory_space<hbm>> -> memref<1x2x128xi32, #tpu.memory_space<hbm>>
        %dma_wait3A_922 = tpu.memref_squeeze %dma_wait3A_921 : memref<1x2x128xi32, #tpu.memory_space<hbm>> -> memref<2x128xi32, #tpu.memory_space<hbm>>
        %dma_wait3A_923 = arith.constant 0 : i32
        %dma_wait3A_924 = arith.constant 0 : i32
        %dma_wait3A_925 = tpu.memref_slice %arg3[%sub3A_918, %dma_wait3A_923, %dma_wait3A_924] : memref<2528x2x128xi32, #tpu.memory_space<hbm>> -> memref<1x2x128xi32, #tpu.memory_space<hbm>>
        %dma_wait3A_926 = tpu.memref_squeeze %dma_wait3A_925 : memref<1x2x128xi32, #tpu.memory_space<hbm>> -> memref<2x128xi32, #tpu.memory_space<hbm>>
        tpu.wait_dma2 semaphore(%arg23 : memref<!tpu.dma_semaphore, #tpu.memory_space<semaphore_mem>>) src(%dma_wait3A_926 : memref<2x128xi32, #tpu.memory_space<hbm>>) dst(%arg13 : memref<2x128xi32, #tpu.memory_space<vmem>>)
        %add3A_927 = arith.constant 3 : i32
        %add3A_928 = arith.addi %add3A_675, %add3A_927 : i32
        %sub3A_929 = arith.constant 1 : i32
        %sub3A_930 = arith.subi %add3A_928, %sub3A_929 : i32
        %dma_start3A_931 = arith.constant 0 : i32
        %dma_start3A_932 = arith.constant 0 : i32
        %dma_start3A_933 = tpu.memref_slice %arg13[%dma_start3A_931, %dma_start3A_932] : memref<2x128xi32, #tpu.memory_space<vmem>> -> memref<1x128xi32, #tpu.memory_space<vmem>>
        %dma_start3A_934 = tpu.memref_squeeze %dma_start3A_933 : memref<1x128xi32, #tpu.memory_space<vmem>> -> memref<128xi32, #tpu.memory_space<vmem>>
        %dma_start3A_935 = arith.constant 0 : i32
        %dma_start3A_936 = arith.constant 0 : i32
        %dma_start3A_937 = tpu.memref_slice %arg2[%dma_start3A_935, %dma_start3A_936] : memref<20000x128xf32, #tpu.memory_space<hbm>> -> memref<20000x128xf32, #tpu.memory_space<hbm>>
        tpu.enqueue_indirect_dma source(%dma_start3A_937 : memref<20000x128xf32, #tpu.memory_space<hbm>>) target(%arg9 : memref<128x128xf32, #tpu.memory_space<vmem>>) offsets(%dma_start3A_934 : memref<128xi32, #tpu.memory_space<vmem>>) semaphore(%arg19 : memref<!tpu.dma_semaphore, #tpu.memory_space<semaphore_mem>>)
      } else {
      }
      %mul3A_720 = arith.constant 12 : i32
      %mul3A_721 = arith.muli %scan3A_341, %mul3A_720 : i32
      %add3A_722 = arith.constant 8 : i32
      %add3A_723 = arith.addi %mul3A_721, %add3A_722 : i32
      %dma_wait3A_724 = arith.constant 0 : i32
      %dma_wait3A_725 = arith.constant 0 : i32
      %dma_wait3A_726 = tpu.memref_slice %arg12[%dma_wait3A_724, %dma_wait3A_725] : memref<2x128xi32, #tpu.memory_space<vmem>> -> memref<1x128xi32, #tpu.memory_space<vmem>>
      %dma_wait3A_727 = tpu.memref_squeeze %dma_wait3A_726 : memref<1x128xi32, #tpu.memory_space<vmem>> -> memref<128xi32, #tpu.memory_space<vmem>>
      %dma_wait3A_728 = arith.constant 0 : i32
      %dma_wait3A_729 = arith.constant 0 : i32
      %dma_wait3A_730 = tpu.memref_slice %arg2[%dma_wait3A_728, %dma_wait3A_729] : memref<20000x128xf32, #tpu.memory_space<hbm>> -> memref<20000x128xf32, #tpu.memory_space<hbm>>
      tpu.wait_indirect_dma semaphore(%arg21 : memref<!tpu.dma_semaphore, #tpu.memory_space<semaphore_mem>>) src(%dma_wait3A_730 : memref<20000x128xf32, #tpu.memory_space<hbm>>) dst(%arg11 : memref<128x128xf32, #tpu.memory_space<vmem>>)
      %run_scoped3A_731 = arith.constant 1 : i32
      "tpu.region"() ({
        %run_scoped3A_912 = tpu.sem_alloc : memref<!tpu.dma_semaphore, #tpu.memory_space<semaphore_mem>>
        %dma_start3A_913 = arith.constant 0 : i32
        %dma_start3A_914 = tpu.memref_slice %arg12[%run_scoped3A_731, %dma_start3A_913] : memref<2x128xi32, #tpu.memory_space<vmem>> -> memref<1x128xi32, #tpu.memory_space<vmem>>
        %dma_start3A_915 = tpu.memref_squeeze %dma_start3A_914 : memref<1x128xi32, #tpu.memory_space<vmem>> -> memref<128xi32, #tpu.memory_space<vmem>>
        %dma_start3A_916 = arith.constant 0 : i32
        %dma_start3A_917 = arith.constant 0 : i32
        %dma_start3A_918 = tpu.memref_slice %arg17[%dma_start3A_916, %dma_start3A_917] : memref<10008x128xf32, #tpu.memory_space<vmem_shared>> -> memref<10008x128xf32, #tpu.memory_space<vmem_shared>>
        tpu.enqueue_indirect_dma source(%arg11 : memref<128x128xf32, #tpu.memory_space<vmem>>) target(%dma_start3A_918 : memref<10008x128xf32, #tpu.memory_space<vmem_shared>>) offsets(%dma_start3A_915 : memref<128xi32, #tpu.memory_space<vmem>>) semaphore(%run_scoped3A_912 : memref<!tpu.dma_semaphore, #tpu.memory_space<semaphore_mem>>) {add = true}
        %dma_wait3A_919 = arith.constant 0 : i32
        %dma_wait3A_920 = tpu.memref_slice %arg12[%run_scoped3A_731, %dma_wait3A_919] : memref<2x128xi32, #tpu.memory_space<vmem>> -> memref<1x128xi32, #tpu.memory_space<vmem>>
        %dma_wait3A_921 = tpu.memref_squeeze %dma_wait3A_920 : memref<1x128xi32, #tpu.memory_space<vmem>> -> memref<128xi32, #tpu.memory_space<vmem>>
        %dma_wait3A_922 = arith.constant 0 : i32
        %dma_wait3A_923 = arith.constant 0 : i32
        %dma_wait3A_924 = tpu.memref_slice %arg17[%dma_wait3A_922, %dma_wait3A_923] : memref<10008x128xf32, #tpu.memory_space<vmem_shared>> -> memref<10008x128xf32, #tpu.memory_space<vmem_shared>>
        tpu.wait_indirect_dma semaphore(%run_scoped3A_912 : memref<!tpu.dma_semaphore, #tpu.memory_space<semaphore_mem>>) src(%arg11 : memref<128x128xf32, #tpu.memory_space<vmem>>) dst(%dma_wait3A_924 : memref<10008x128xf32, #tpu.memory_space<vmem_shared>>)
        tpu.yield
      }) : () -> ()
      %jit3A_732 = arith.constant 2 : i32
      %eq3A_733 = arith.constant 0 : i32
      %eq3A_734 = arith.cmpi eq, %jit3A_732, %eq3A_733 : i32
      %jit3A_735 = arith.constant 1 : i32
      %select_n3A_736 = arith.select %eq3A_734, %jit3A_735, %jit3A_732 : i32
      %rem3A_737 = arith.remsi %add3A_723, %select_n3A_736 : i32
      %ne3A_738 = arith.constant 0 : i32
      %ne3A_739 = arith.cmpi ne, %rem3A_737, %ne3A_738 : i32
      %lt3A_740 = arith.constant 0 : i32
      %lt3A_741 = arith.cmpi slt, %rem3A_737, %lt3A_740 : i32
      %lt3A_742 = arith.constant 0 : i32
      %lt3A_743 = arith.cmpi slt, %select_n3A_736, %lt3A_742 : i32
      %ne3A_744 = arith.xori %lt3A_741, %lt3A_743 : i1
      %and3A_745 = arith.andi %ne3A_744, %ne3A_739 : i1
      %add3A_746 = arith.addi %rem3A_737, %select_n3A_736 : i32
      %select_n3A_747 = arith.select %and3A_745, %add3A_746, %rem3A_737 : i32
      %eq3A_748 = arith.cmpi eq, %select_n3A_747, %arg0 : i32
      %convert_element_type3A_749 = arith.extui %eq3A_748 : i1 to i32
      %cond3A_750 = arith.constant 0 : i32
      %cond3A_751 = arith.cmpi ne, %convert_element_type3A_749, %cond3A_750 : i32
      scf.if %cond3A_751 {
        %run_scoped3A_912 = arith.constant 1 : i32
        "tpu.region"() ({
          %run_scoped3A_913 = tpu.sem_alloc : memref<!tpu.dma_semaphore, #tpu.memory_space<semaphore_mem>>
          %dma_start3A_914 = arith.constant 0 : i32
          %dma_start3A_915 = tpu.memref_slice %arg12[%run_scoped3A_912, %dma_start3A_914] : memref<2x128xi32, #tpu.memory_space<vmem>> -> memref<1x128xi32, #tpu.memory_space<vmem>>
          %dma_start3A_916 = tpu.memref_squeeze %dma_start3A_915 : memref<1x128xi32, #tpu.memory_space<vmem>> -> memref<128xi32, #tpu.memory_space<vmem>>
          %dma_start3A_917 = arith.constant 0 : i32
          %dma_start3A_918 = tpu.memref_slice %arg18[%dma_start3A_917] : memref<10240xf32, #tpu.memory_space<vmem_shared>> -> memref<10240xf32, #tpu.memory_space<vmem_shared>>
          tpu.enqueue_indirect_dma source(%arg16 : memref<128xf32, #tpu.memory_space<vmem>>) target(%dma_start3A_918 : memref<10240xf32, #tpu.memory_space<vmem_shared>>) offsets(%dma_start3A_916 : memref<128xi32, #tpu.memory_space<vmem>>) semaphore(%run_scoped3A_913 : memref<!tpu.dma_semaphore, #tpu.memory_space<semaphore_mem>>) {add = true}
          %dma_wait3A_919 = arith.constant 0 : i32
          %dma_wait3A_920 = tpu.memref_slice %arg12[%run_scoped3A_912, %dma_wait3A_919] : memref<2x128xi32, #tpu.memory_space<vmem>> -> memref<1x128xi32, #tpu.memory_space<vmem>>
          %dma_wait3A_921 = tpu.memref_squeeze %dma_wait3A_920 : memref<1x128xi32, #tpu.memory_space<vmem>> -> memref<128xi32, #tpu.memory_space<vmem>>
          %dma_wait3A_922 = arith.constant 0 : i32
          %dma_wait3A_923 = tpu.memref_slice %arg18[%dma_wait3A_922] : memref<10240xf32, #tpu.memory_space<vmem_shared>> -> memref<10240xf32, #tpu.memory_space<vmem_shared>>
          tpu.wait_indirect_dma semaphore(%run_scoped3A_913 : memref<!tpu.dma_semaphore, #tpu.memory_space<semaphore_mem>>) src(%arg16 : memref<128xf32, #tpu.memory_space<vmem>>) dst(%dma_wait3A_923 : memref<10240xf32, #tpu.memory_space<vmem_shared>>)
          tpu.yield
        }) : () -> ()
      } else {
      }
      %add3A_752 = arith.constant 4 : i32
      %add3A_753 = arith.addi %add3A_723, %add3A_752 : i32
      %lt3A_754 = arith.constant 79 : i32
      %lt3A_755 = arith.cmpi slt, %add3A_753, %lt3A_754 : i32
      %convert_element_type3A_756 = arith.extui %lt3A_755 : i1 to i32
      %cond3A_757 = arith.constant 0 : i32
      %cond3A_758 = arith.cmpi ne, %convert_element_type3A_756, %cond3A_757 : i32
      scf.if %cond3A_758 {
        %add3A_912 = arith.constant 4 : i32
        %add3A_913 = arith.addi %add3A_723, %add3A_912 : i32
        %mul3A_914 = arith.constant 79 : i32
        %mul3A_915 = arith.muli %add3A, %mul3A_914 : i32
        %add3A_916 = arith.addi %mul3A_915, %add3A_913 : i32
        %dma_start3A_917 = arith.constant 0 : i32
        %dma_start3A_918 = arith.constant 0 : i32
        %dma_start3A_919 = tpu.memref_slice %arg3[%add3A_916, %dma_start3A_917, %dma_start3A_918] : memref<2528x2x128xi32, #tpu.memory_space<hbm>> -> memref<1x2x128xi32, #tpu.memory_space<hbm>>
        %dma_start3A_920 = tpu.memref_squeeze %dma_start3A_919 : memref<1x2x128xi32, #tpu.memory_space<hbm>> -> memref<2x128xi32, #tpu.memory_space<hbm>>
        %dma_start3A_921 = arith.constant 0 : i32
        %dma_start3A_922 = arith.constant 0 : i32
        %dma_start3A_923 = tpu.memref_slice %arg3[%add3A_916, %dma_start3A_921, %dma_start3A_922] : memref<2528x2x128xi32, #tpu.memory_space<hbm>> -> memref<1x2x128xi32, #tpu.memory_space<hbm>>
        %dma_start3A_924 = tpu.memref_squeeze %dma_start3A_923 : memref<1x2x128xi32, #tpu.memory_space<hbm>> -> memref<2x128xi32, #tpu.memory_space<hbm>>
        tpu.enqueue_dma source(%dma_start3A_924 : memref<2x128xi32, #tpu.memory_space<hbm>>) target(%arg12 : memref<2x128xi32, #tpu.memory_space<vmem>>) target_semaphore(%arg22 : memref<!tpu.dma_semaphore, #tpu.memory_space<semaphore_mem>>)
      } else {
      }
      %add3A_759 = arith.constant 3 : i32
      %add3A_760 = arith.addi %add3A_723, %add3A_759 : i32
      %sub3A_761 = arith.constant 1 : i32
      %sub3A_762 = arith.subi %add3A_760, %sub3A_761 : i32
      %lt3A_763 = arith.constant 79 : i32
      %lt3A_764 = arith.cmpi slt, %sub3A_762, %lt3A_763 : i32
      %convert_element_type3A_765 = arith.extui %lt3A_764 : i1 to i32
      %cond3A_766 = arith.constant 0 : i32
      %cond3A_767 = arith.cmpi ne, %convert_element_type3A_765, %cond3A_766 : i32
      scf.if %cond3A_767 {
        %mul3A_912 = arith.constant 79 : i32
        %mul3A_913 = arith.muli %add3A, %mul3A_912 : i32
        %add3A_914 = arith.addi %mul3A_913, %add3A_723 : i32
        %add3A_915 = arith.constant 3 : i32
        %add3A_916 = arith.addi %add3A_914, %add3A_915 : i32
        %sub3A_917 = arith.constant 1 : i32
        %sub3A_918 = arith.subi %add3A_916, %sub3A_917 : i32
        %dma_wait3A_919 = arith.constant 0 : i32
        %dma_wait3A_920 = arith.constant 0 : i32
        %dma_wait3A_921 = tpu.memref_slice %arg3[%sub3A_918, %dma_wait3A_919, %dma_wait3A_920] : memref<2528x2x128xi32, #tpu.memory_space<hbm>> -> memref<1x2x128xi32, #tpu.memory_space<hbm>>
        %dma_wait3A_922 = tpu.memref_squeeze %dma_wait3A_921 : memref<1x2x128xi32, #tpu.memory_space<hbm>> -> memref<2x128xi32, #tpu.memory_space<hbm>>
        %dma_wait3A_923 = arith.constant 0 : i32
        %dma_wait3A_924 = arith.constant 0 : i32
        %dma_wait3A_925 = tpu.memref_slice %arg3[%sub3A_918, %dma_wait3A_923, %dma_wait3A_924] : memref<2528x2x128xi32, #tpu.memory_space<hbm>> -> memref<1x2x128xi32, #tpu.memory_space<hbm>>
        %dma_wait3A_926 = tpu.memref_squeeze %dma_wait3A_925 : memref<1x2x128xi32, #tpu.memory_space<hbm>> -> memref<2x128xi32, #tpu.memory_space<hbm>>
        tpu.wait_dma2 semaphore(%arg24 : memref<!tpu.dma_semaphore, #tpu.memory_space<semaphore_mem>>) src(%dma_wait3A_926 : memref<2x128xi32, #tpu.memory_space<hbm>>) dst(%arg14 : memref<2x128xi32, #tpu.memory_space<vmem>>)
        %add3A_927 = arith.constant 3 : i32
        %add3A_928 = arith.addi %add3A_723, %add3A_927 : i32
        %sub3A_929 = arith.constant 1 : i32
        %sub3A_930 = arith.subi %add3A_928, %sub3A_929 : i32
        %dma_start3A_931 = arith.constant 0 : i32
        %dma_start3A_932 = arith.constant 0 : i32
        %dma_start3A_933 = tpu.memref_slice %arg14[%dma_start3A_931, %dma_start3A_932] : memref<2x128xi32, #tpu.memory_space<vmem>> -> memref<1x128xi32, #tpu.memory_space<vmem>>
        %dma_start3A_934 = tpu.memref_squeeze %dma_start3A_933 : memref<1x128xi32, #tpu.memory_space<vmem>> -> memref<128xi32, #tpu.memory_space<vmem>>
        %dma_start3A_935 = arith.constant 0 : i32
        %dma_start3A_936 = arith.constant 0 : i32
        %dma_start3A_937 = tpu.memref_slice %arg2[%dma_start3A_935, %dma_start3A_936] : memref<20000x128xf32, #tpu.memory_space<hbm>> -> memref<20000x128xf32, #tpu.memory_space<hbm>>
        tpu.enqueue_indirect_dma source(%dma_start3A_937 : memref<20000x128xf32, #tpu.memory_space<hbm>>) target(%arg10 : memref<128x128xf32, #tpu.memory_space<vmem>>) offsets(%dma_start3A_934 : memref<128xi32, #tpu.memory_space<vmem>>) semaphore(%arg20 : memref<!tpu.dma_semaphore, #tpu.memory_space<semaphore_mem>>)
      } else {
      }
      %mul3A_768 = arith.constant 12 : i32
      %mul3A_769 = arith.muli %scan3A_341, %mul3A_768 : i32
      %add3A_770 = arith.constant 9 : i32
      %add3A_771 = arith.addi %mul3A_769, %add3A_770 : i32
      %dma_wait3A_772 = arith.constant 0 : i32
      %dma_wait3A_773 = arith.constant 0 : i32
      %dma_wait3A_774 = tpu.memref_slice %arg13[%dma_wait3A_772, %dma_wait3A_773] : memref<2x128xi32, #tpu.memory_space<vmem>> -> memref<1x128xi32, #tpu.memory_space<vmem>>
      %dma_wait3A_775 = tpu.memref_squeeze %dma_wait3A_774 : memref<1x128xi32, #tpu.memory_space<vmem>> -> memref<128xi32, #tpu.memory_space<vmem>>
      %dma_wait3A_776 = arith.constant 0 : i32
      %dma_wait3A_777 = arith.constant 0 : i32
      %dma_wait3A_778 = tpu.memref_slice %arg2[%dma_wait3A_776, %dma_wait3A_777] : memref<20000x128xf32, #tpu.memory_space<hbm>> -> memref<20000x128xf32, #tpu.memory_space<hbm>>
      tpu.wait_indirect_dma semaphore(%arg19 : memref<!tpu.dma_semaphore, #tpu.memory_space<semaphore_mem>>) src(%dma_wait3A_778 : memref<20000x128xf32, #tpu.memory_space<hbm>>) dst(%arg9 : memref<128x128xf32, #tpu.memory_space<vmem>>)
      %run_scoped3A_779 = arith.constant 1 : i32
      "tpu.region"() ({
        %run_scoped3A_912 = tpu.sem_alloc : memref<!tpu.dma_semaphore, #tpu.memory_space<semaphore_mem>>
        %dma_start3A_913 = arith.constant 0 : i32
        %dma_start3A_914 = tpu.memref_slice %arg13[%run_scoped3A_779, %dma_start3A_913] : memref<2x128xi32, #tpu.memory_space<vmem>> -> memref<1x128xi32, #tpu.memory_space<vmem>>
        %dma_start3A_915 = tpu.memref_squeeze %dma_start3A_914 : memref<1x128xi32, #tpu.memory_space<vmem>> -> memref<128xi32, #tpu.memory_space<vmem>>
        %dma_start3A_916 = arith.constant 0 : i32
        %dma_start3A_917 = arith.constant 0 : i32
        %dma_start3A_918 = tpu.memref_slice %arg17[%dma_start3A_916, %dma_start3A_917] : memref<10008x128xf32, #tpu.memory_space<vmem_shared>> -> memref<10008x128xf32, #tpu.memory_space<vmem_shared>>
        tpu.enqueue_indirect_dma source(%arg9 : memref<128x128xf32, #tpu.memory_space<vmem>>) target(%dma_start3A_918 : memref<10008x128xf32, #tpu.memory_space<vmem_shared>>) offsets(%dma_start3A_915 : memref<128xi32, #tpu.memory_space<vmem>>) semaphore(%run_scoped3A_912 : memref<!tpu.dma_semaphore, #tpu.memory_space<semaphore_mem>>) {add = true}
        %dma_wait3A_919 = arith.constant 0 : i32
        %dma_wait3A_920 = tpu.memref_slice %arg13[%run_scoped3A_779, %dma_wait3A_919] : memref<2x128xi32, #tpu.memory_space<vmem>> -> memref<1x128xi32, #tpu.memory_space<vmem>>
        %dma_wait3A_921 = tpu.memref_squeeze %dma_wait3A_920 : memref<1x128xi32, #tpu.memory_space<vmem>> -> memref<128xi32, #tpu.memory_space<vmem>>
        %dma_wait3A_922 = arith.constant 0 : i32
        %dma_wait3A_923 = arith.constant 0 : i32
        %dma_wait3A_924 = tpu.memref_slice %arg17[%dma_wait3A_922, %dma_wait3A_923] : memref<10008x128xf32, #tpu.memory_space<vmem_shared>> -> memref<10008x128xf32, #tpu.memory_space<vmem_shared>>
        tpu.wait_indirect_dma semaphore(%run_scoped3A_912 : memref<!tpu.dma_semaphore, #tpu.memory_space<semaphore_mem>>) src(%arg9 : memref<128x128xf32, #tpu.memory_space<vmem>>) dst(%dma_wait3A_924 : memref<10008x128xf32, #tpu.memory_space<vmem_shared>>)
        tpu.yield
      }) : () -> ()
      %jit3A_780 = arith.constant 2 : i32
      %eq3A_781 = arith.constant 0 : i32
      %eq3A_782 = arith.cmpi eq, %jit3A_780, %eq3A_781 : i32
      %jit3A_783 = arith.constant 1 : i32
      %select_n3A_784 = arith.select %eq3A_782, %jit3A_783, %jit3A_780 : i32
      %rem3A_785 = arith.remsi %add3A_771, %select_n3A_784 : i32
      %ne3A_786 = arith.constant 0 : i32
      %ne3A_787 = arith.cmpi ne, %rem3A_785, %ne3A_786 : i32
      %lt3A_788 = arith.constant 0 : i32
      %lt3A_789 = arith.cmpi slt, %rem3A_785, %lt3A_788 : i32
      %lt3A_790 = arith.constant 0 : i32
      %lt3A_791 = arith.cmpi slt, %select_n3A_784, %lt3A_790 : i32
      %ne3A_792 = arith.xori %lt3A_789, %lt3A_791 : i1
      %and3A_793 = arith.andi %ne3A_792, %ne3A_787 : i1
      %add3A_794 = arith.addi %rem3A_785, %select_n3A_784 : i32
      %select_n3A_795 = arith.select %and3A_793, %add3A_794, %rem3A_785 : i32
      %eq3A_796 = arith.cmpi eq, %select_n3A_795, %arg0 : i32
      %convert_element_type3A_797 = arith.extui %eq3A_796 : i1 to i32
      %cond3A_798 = arith.constant 0 : i32
      %cond3A_799 = arith.cmpi ne, %convert_element_type3A_797, %cond3A_798 : i32
      scf.if %cond3A_799 {
        %run_scoped3A_912 = arith.constant 1 : i32
        "tpu.region"() ({
          %run_scoped3A_913 = tpu.sem_alloc : memref<!tpu.dma_semaphore, #tpu.memory_space<semaphore_mem>>
          %dma_start3A_914 = arith.constant 0 : i32
          %dma_start3A_915 = tpu.memref_slice %arg13[%run_scoped3A_912, %dma_start3A_914] : memref<2x128xi32, #tpu.memory_space<vmem>> -> memref<1x128xi32, #tpu.memory_space<vmem>>
          %dma_start3A_916 = tpu.memref_squeeze %dma_start3A_915 : memref<1x128xi32, #tpu.memory_space<vmem>> -> memref<128xi32, #tpu.memory_space<vmem>>
          %dma_start3A_917 = arith.constant 0 : i32
          %dma_start3A_918 = tpu.memref_slice %arg18[%dma_start3A_917] : memref<10240xf32, #tpu.memory_space<vmem_shared>> -> memref<10240xf32, #tpu.memory_space<vmem_shared>>
          tpu.enqueue_indirect_dma source(%arg16 : memref<128xf32, #tpu.memory_space<vmem>>) target(%dma_start3A_918 : memref<10240xf32, #tpu.memory_space<vmem_shared>>) offsets(%dma_start3A_916 : memref<128xi32, #tpu.memory_space<vmem>>) semaphore(%run_scoped3A_913 : memref<!tpu.dma_semaphore, #tpu.memory_space<semaphore_mem>>) {add = true}
          %dma_wait3A_919 = arith.constant 0 : i32
          %dma_wait3A_920 = tpu.memref_slice %arg13[%run_scoped3A_912, %dma_wait3A_919] : memref<2x128xi32, #tpu.memory_space<vmem>> -> memref<1x128xi32, #tpu.memory_space<vmem>>
          %dma_wait3A_921 = tpu.memref_squeeze %dma_wait3A_920 : memref<1x128xi32, #tpu.memory_space<vmem>> -> memref<128xi32, #tpu.memory_space<vmem>>
          %dma_wait3A_922 = arith.constant 0 : i32
          %dma_wait3A_923 = tpu.memref_slice %arg18[%dma_wait3A_922] : memref<10240xf32, #tpu.memory_space<vmem_shared>> -> memref<10240xf32, #tpu.memory_space<vmem_shared>>
          tpu.wait_indirect_dma semaphore(%run_scoped3A_913 : memref<!tpu.dma_semaphore, #tpu.memory_space<semaphore_mem>>) src(%arg16 : memref<128xf32, #tpu.memory_space<vmem>>) dst(%dma_wait3A_923 : memref<10240xf32, #tpu.memory_space<vmem_shared>>)
          tpu.yield
        }) : () -> ()
      } else {
      }
      %add3A_800 = arith.constant 4 : i32
      %add3A_801 = arith.addi %add3A_771, %add3A_800 : i32
      %lt3A_802 = arith.constant 79 : i32
      %lt3A_803 = arith.cmpi slt, %add3A_801, %lt3A_802 : i32
      %convert_element_type3A_804 = arith.extui %lt3A_803 : i1 to i32
      %cond3A_805 = arith.constant 0 : i32
      %cond3A_806 = arith.cmpi ne, %convert_element_type3A_804, %cond3A_805 : i32
      scf.if %cond3A_806 {
        %add3A_912 = arith.constant 4 : i32
        %add3A_913 = arith.addi %add3A_771, %add3A_912 : i32
        %mul3A_914 = arith.constant 79 : i32
        %mul3A_915 = arith.muli %add3A, %mul3A_914 : i32
        %add3A_916 = arith.addi %mul3A_915, %add3A_913 : i32
        %dma_start3A_917 = arith.constant 0 : i32
        %dma_start3A_918 = arith.constant 0 : i32
        %dma_start3A_919 = tpu.memref_slice %arg3[%add3A_916, %dma_start3A_917, %dma_start3A_918] : memref<2528x2x128xi32, #tpu.memory_space<hbm>> -> memref<1x2x128xi32, #tpu.memory_space<hbm>>
        %dma_start3A_920 = tpu.memref_squeeze %dma_start3A_919 : memref<1x2x128xi32, #tpu.memory_space<hbm>> -> memref<2x128xi32, #tpu.memory_space<hbm>>
        %dma_start3A_921 = arith.constant 0 : i32
        %dma_start3A_922 = arith.constant 0 : i32
        %dma_start3A_923 = tpu.memref_slice %arg3[%add3A_916, %dma_start3A_921, %dma_start3A_922] : memref<2528x2x128xi32, #tpu.memory_space<hbm>> -> memref<1x2x128xi32, #tpu.memory_space<hbm>>
        %dma_start3A_924 = tpu.memref_squeeze %dma_start3A_923 : memref<1x2x128xi32, #tpu.memory_space<hbm>> -> memref<2x128xi32, #tpu.memory_space<hbm>>
        tpu.enqueue_dma source(%dma_start3A_924 : memref<2x128xi32, #tpu.memory_space<hbm>>) target(%arg13 : memref<2x128xi32, #tpu.memory_space<vmem>>) target_semaphore(%arg23 : memref<!tpu.dma_semaphore, #tpu.memory_space<semaphore_mem>>)
      } else {
      }
      %add3A_807 = arith.constant 3 : i32
      %add3A_808 = arith.addi %add3A_771, %add3A_807 : i32
      %sub3A_809 = arith.constant 1 : i32
      %sub3A_810 = arith.subi %add3A_808, %sub3A_809 : i32
      %lt3A_811 = arith.constant 79 : i32
      %lt3A_812 = arith.cmpi slt, %sub3A_810, %lt3A_811 : i32
      %convert_element_type3A_813 = arith.extui %lt3A_812 : i1 to i32
      %cond3A_814 = arith.constant 0 : i32
      %cond3A_815 = arith.cmpi ne, %convert_element_type3A_813, %cond3A_814 : i32
      scf.if %cond3A_815 {
        %mul3A_912 = arith.constant 79 : i32
        %mul3A_913 = arith.muli %add3A, %mul3A_912 : i32
        %add3A_914 = arith.addi %mul3A_913, %add3A_771 : i32
        %add3A_915 = arith.constant 3 : i32
        %add3A_916 = arith.addi %add3A_914, %add3A_915 : i32
        %sub3A_917 = arith.constant 1 : i32
        %sub3A_918 = arith.subi %add3A_916, %sub3A_917 : i32
        %dma_wait3A_919 = arith.constant 0 : i32
        %dma_wait3A_920 = arith.constant 0 : i32
        %dma_wait3A_921 = tpu.memref_slice %arg3[%sub3A_918, %dma_wait3A_919, %dma_wait3A_920] : memref<2528x2x128xi32, #tpu.memory_space<hbm>> -> memref<1x2x128xi32, #tpu.memory_space<hbm>>
        %dma_wait3A_922 = tpu.memref_squeeze %dma_wait3A_921 : memref<1x2x128xi32, #tpu.memory_space<hbm>> -> memref<2x128xi32, #tpu.memory_space<hbm>>
        %dma_wait3A_923 = arith.constant 0 : i32
        %dma_wait3A_924 = arith.constant 0 : i32
        %dma_wait3A_925 = tpu.memref_slice %arg3[%sub3A_918, %dma_wait3A_923, %dma_wait3A_924] : memref<2528x2x128xi32, #tpu.memory_space<hbm>> -> memref<1x2x128xi32, #tpu.memory_space<hbm>>
        %dma_wait3A_926 = tpu.memref_squeeze %dma_wait3A_925 : memref<1x2x128xi32, #tpu.memory_space<hbm>> -> memref<2x128xi32, #tpu.memory_space<hbm>>
        tpu.wait_dma2 semaphore(%arg25 : memref<!tpu.dma_semaphore, #tpu.memory_space<semaphore_mem>>) src(%dma_wait3A_926 : memref<2x128xi32, #tpu.memory_space<hbm>>) dst(%arg15 : memref<2x128xi32, #tpu.memory_space<vmem>>)
        %add3A_927 = arith.constant 3 : i32
        %add3A_928 = arith.addi %add3A_771, %add3A_927 : i32
        %sub3A_929 = arith.constant 1 : i32
        %sub3A_930 = arith.subi %add3A_928, %sub3A_929 : i32
        %dma_start3A_931 = arith.constant 0 : i32
        %dma_start3A_932 = arith.constant 0 : i32
        %dma_start3A_933 = tpu.memref_slice %arg15[%dma_start3A_931, %dma_start3A_932] : memref<2x128xi32, #tpu.memory_space<vmem>> -> memref<1x128xi32, #tpu.memory_space<vmem>>
        %dma_start3A_934 = tpu.memref_squeeze %dma_start3A_933 : memref<1x128xi32, #tpu.memory_space<vmem>> -> memref<128xi32, #tpu.memory_space<vmem>>
        %dma_start3A_935 = arith.constant 0 : i32
        %dma_start3A_936 = arith.constant 0 : i32
        %dma_start3A_937 = tpu.memref_slice %arg2[%dma_start3A_935, %dma_start3A_936] : memref<20000x128xf32, #tpu.memory_space<hbm>> -> memref<20000x128xf32, #tpu.memory_space<hbm>>
        tpu.enqueue_indirect_dma source(%dma_start3A_937 : memref<20000x128xf32, #tpu.memory_space<hbm>>) target(%arg11 : memref<128x128xf32, #tpu.memory_space<vmem>>) offsets(%dma_start3A_934 : memref<128xi32, #tpu.memory_space<vmem>>) semaphore(%arg21 : memref<!tpu.dma_semaphore, #tpu.memory_space<semaphore_mem>>)
      } else {
      }
      %mul3A_816 = arith.constant 12 : i32
      %mul3A_817 = arith.muli %scan3A_341, %mul3A_816 : i32
      %add3A_818 = arith.constant 10 : i32
      %add3A_819 = arith.addi %mul3A_817, %add3A_818 : i32
      %dma_wait3A_820 = arith.constant 0 : i32
      %dma_wait3A_821 = arith.constant 0 : i32
      %dma_wait3A_822 = tpu.memref_slice %arg14[%dma_wait3A_820, %dma_wait3A_821] : memref<2x128xi32, #tpu.memory_space<vmem>> -> memref<1x128xi32, #tpu.memory_space<vmem>>
      %dma_wait3A_823 = tpu.memref_squeeze %dma_wait3A_822 : memref<1x128xi32, #tpu.memory_space<vmem>> -> memref<128xi32, #tpu.memory_space<vmem>>
      %dma_wait3A_824 = arith.constant 0 : i32
      %dma_wait3A_825 = arith.constant 0 : i32
      %dma_wait3A_826 = tpu.memref_slice %arg2[%dma_wait3A_824, %dma_wait3A_825] : memref<20000x128xf32, #tpu.memory_space<hbm>> -> memref<20000x128xf32, #tpu.memory_space<hbm>>
      tpu.wait_indirect_dma semaphore(%arg20 : memref<!tpu.dma_semaphore, #tpu.memory_space<semaphore_mem>>) src(%dma_wait3A_826 : memref<20000x128xf32, #tpu.memory_space<hbm>>) dst(%arg10 : memref<128x128xf32, #tpu.memory_space<vmem>>)
      %run_scoped3A_827 = arith.constant 1 : i32
      "tpu.region"() ({
        %run_scoped3A_912 = tpu.sem_alloc : memref<!tpu.dma_semaphore, #tpu.memory_space<semaphore_mem>>
        %dma_start3A_913 = arith.constant 0 : i32
        %dma_start3A_914 = tpu.memref_slice %arg14[%run_scoped3A_827, %dma_start3A_913] : memref<2x128xi32, #tpu.memory_space<vmem>> -> memref<1x128xi32, #tpu.memory_space<vmem>>
        %dma_start3A_915 = tpu.memref_squeeze %dma_start3A_914 : memref<1x128xi32, #tpu.memory_space<vmem>> -> memref<128xi32, #tpu.memory_space<vmem>>
        %dma_start3A_916 = arith.constant 0 : i32
        %dma_start3A_917 = arith.constant 0 : i32
        %dma_start3A_918 = tpu.memref_slice %arg17[%dma_start3A_916, %dma_start3A_917] : memref<10008x128xf32, #tpu.memory_space<vmem_shared>> -> memref<10008x128xf32, #tpu.memory_space<vmem_shared>>
        tpu.enqueue_indirect_dma source(%arg10 : memref<128x128xf32, #tpu.memory_space<vmem>>) target(%dma_start3A_918 : memref<10008x128xf32, #tpu.memory_space<vmem_shared>>) offsets(%dma_start3A_915 : memref<128xi32, #tpu.memory_space<vmem>>) semaphore(%run_scoped3A_912 : memref<!tpu.dma_semaphore, #tpu.memory_space<semaphore_mem>>) {add = true}
        %dma_wait3A_919 = arith.constant 0 : i32
        %dma_wait3A_920 = tpu.memref_slice %arg14[%run_scoped3A_827, %dma_wait3A_919] : memref<2x128xi32, #tpu.memory_space<vmem>> -> memref<1x128xi32, #tpu.memory_space<vmem>>
        %dma_wait3A_921 = tpu.memref_squeeze %dma_wait3A_920 : memref<1x128xi32, #tpu.memory_space<vmem>> -> memref<128xi32, #tpu.memory_space<vmem>>
        %dma_wait3A_922 = arith.constant 0 : i32
        %dma_wait3A_923 = arith.constant 0 : i32
        %dma_wait3A_924 = tpu.memref_slice %arg17[%dma_wait3A_922, %dma_wait3A_923] : memref<10008x128xf32, #tpu.memory_space<vmem_shared>> -> memref<10008x128xf32, #tpu.memory_space<vmem_shared>>
        tpu.wait_indirect_dma semaphore(%run_scoped3A_912 : memref<!tpu.dma_semaphore, #tpu.memory_space<semaphore_mem>>) src(%arg10 : memref<128x128xf32, #tpu.memory_space<vmem>>) dst(%dma_wait3A_924 : memref<10008x128xf32, #tpu.memory_space<vmem_shared>>)
        tpu.yield
      }) : () -> ()
      %jit3A_828 = arith.constant 2 : i32
      %eq3A_829 = arith.constant 0 : i32
      %eq3A_830 = arith.cmpi eq, %jit3A_828, %eq3A_829 : i32
      %jit3A_831 = arith.constant 1 : i32
      %select_n3A_832 = arith.select %eq3A_830, %jit3A_831, %jit3A_828 : i32
      %rem3A_833 = arith.remsi %add3A_819, %select_n3A_832 : i32
      %ne3A_834 = arith.constant 0 : i32
      %ne3A_835 = arith.cmpi ne, %rem3A_833, %ne3A_834 : i32
      %lt3A_836 = arith.constant 0 : i32
      %lt3A_837 = arith.cmpi slt, %rem3A_833, %lt3A_836 : i32
      %lt3A_838 = arith.constant 0 : i32
      %lt3A_839 = arith.cmpi slt, %select_n3A_832, %lt3A_838 : i32
      %ne3A_840 = arith.xori %lt3A_837, %lt3A_839 : i1
      %and3A_841 = arith.andi %ne3A_840, %ne3A_835 : i1
      %add3A_842 = arith.addi %rem3A_833, %select_n3A_832 : i32
      %select_n3A_843 = arith.select %and3A_841, %add3A_842, %rem3A_833 : i32
      %eq3A_844 = arith.cmpi eq, %select_n3A_843, %arg0 : i32
      %convert_element_type3A_845 = arith.extui %eq3A_844 : i1 to i32
      %cond3A_846 = arith.constant 0 : i32
      %cond3A_847 = arith.cmpi ne, %convert_element_type3A_845, %cond3A_846 : i32
      scf.if %cond3A_847 {
        %run_scoped3A_912 = arith.constant 1 : i32
        "tpu.region"() ({
          %run_scoped3A_913 = tpu.sem_alloc : memref<!tpu.dma_semaphore, #tpu.memory_space<semaphore_mem>>
          %dma_start3A_914 = arith.constant 0 : i32
          %dma_start3A_915 = tpu.memref_slice %arg14[%run_scoped3A_912, %dma_start3A_914] : memref<2x128xi32, #tpu.memory_space<vmem>> -> memref<1x128xi32, #tpu.memory_space<vmem>>
          %dma_start3A_916 = tpu.memref_squeeze %dma_start3A_915 : memref<1x128xi32, #tpu.memory_space<vmem>> -> memref<128xi32, #tpu.memory_space<vmem>>
          %dma_start3A_917 = arith.constant 0 : i32
          %dma_start3A_918 = tpu.memref_slice %arg18[%dma_start3A_917] : memref<10240xf32, #tpu.memory_space<vmem_shared>> -> memref<10240xf32, #tpu.memory_space<vmem_shared>>
          tpu.enqueue_indirect_dma source(%arg16 : memref<128xf32, #tpu.memory_space<vmem>>) target(%dma_start3A_918 : memref<10240xf32, #tpu.memory_space<vmem_shared>>) offsets(%dma_start3A_916 : memref<128xi32, #tpu.memory_space<vmem>>) semaphore(%run_scoped3A_913 : memref<!tpu.dma_semaphore, #tpu.memory_space<semaphore_mem>>) {add = true}
          %dma_wait3A_919 = arith.constant 0 : i32
          %dma_wait3A_920 = tpu.memref_slice %arg14[%run_scoped3A_912, %dma_wait3A_919] : memref<2x128xi32, #tpu.memory_space<vmem>> -> memref<1x128xi32, #tpu.memory_space<vmem>>
          %dma_wait3A_921 = tpu.memref_squeeze %dma_wait3A_920 : memref<1x128xi32, #tpu.memory_space<vmem>> -> memref<128xi32, #tpu.memory_space<vmem>>
          %dma_wait3A_922 = arith.constant 0 : i32
          %dma_wait3A_923 = tpu.memref_slice %arg18[%dma_wait3A_922] : memref<10240xf32, #tpu.memory_space<vmem_shared>> -> memref<10240xf32, #tpu.memory_space<vmem_shared>>
          tpu.wait_indirect_dma semaphore(%run_scoped3A_913 : memref<!tpu.dma_semaphore, #tpu.memory_space<semaphore_mem>>) src(%arg16 : memref<128xf32, #tpu.memory_space<vmem>>) dst(%dma_wait3A_923 : memref<10240xf32, #tpu.memory_space<vmem_shared>>)
          tpu.yield
        }) : () -> ()
      } else {
      }
      %add3A_848 = arith.constant 4 : i32
      %add3A_849 = arith.addi %add3A_819, %add3A_848 : i32
      %lt3A_850 = arith.constant 79 : i32
      %lt3A_851 = arith.cmpi slt, %add3A_849, %lt3A_850 : i32
      %convert_element_type3A_852 = arith.extui %lt3A_851 : i1 to i32
      %cond3A_853 = arith.constant 0 : i32
      %cond3A_854 = arith.cmpi ne, %convert_element_type3A_852, %cond3A_853 : i32
      scf.if %cond3A_854 {
        %add3A_912 = arith.constant 4 : i32
        %add3A_913 = arith.addi %add3A_819, %add3A_912 : i32
        %mul3A_914 = arith.constant 79 : i32
        %mul3A_915 = arith.muli %add3A, %mul3A_914 : i32
        %add3A_916 = arith.addi %mul3A_915, %add3A_913 : i32
        %dma_start3A_917 = arith.constant 0 : i32
        %dma_start3A_918 = arith.constant 0 : i32
        %dma_start3A_919 = tpu.memref_slice %arg3[%add3A_916, %dma_start3A_917, %dma_start3A_918] : memref<2528x2x128xi32, #tpu.memory_space<hbm>> -> memref<1x2x128xi32, #tpu.memory_space<hbm>>
        %dma_start3A_920 = tpu.memref_squeeze %dma_start3A_919 : memref<1x2x128xi32, #tpu.memory_space<hbm>> -> memref<2x128xi32, #tpu.memory_space<hbm>>
        %dma_start3A_921 = arith.constant 0 : i32
        %dma_start3A_922 = arith.constant 0 : i32
        %dma_start3A_923 = tpu.memref_slice %arg3[%add3A_916, %dma_start3A_921, %dma_start3A_922] : memref<2528x2x128xi32, #tpu.memory_space<hbm>> -> memref<1x2x128xi32, #tpu.memory_space<hbm>>
        %dma_start3A_924 = tpu.memref_squeeze %dma_start3A_923 : memref<1x2x128xi32, #tpu.memory_space<hbm>> -> memref<2x128xi32, #tpu.memory_space<hbm>>
        tpu.enqueue_dma source(%dma_start3A_924 : memref<2x128xi32, #tpu.memory_space<hbm>>) target(%arg14 : memref<2x128xi32, #tpu.memory_space<vmem>>) target_semaphore(%arg24 : memref<!tpu.dma_semaphore, #tpu.memory_space<semaphore_mem>>)
      } else {
      }
      %add3A_855 = arith.constant 3 : i32
      %add3A_856 = arith.addi %add3A_819, %add3A_855 : i32
      %sub3A_857 = arith.constant 1 : i32
      %sub3A_858 = arith.subi %add3A_856, %sub3A_857 : i32
      %lt3A_859 = arith.constant 79 : i32
      %lt3A_860 = arith.cmpi slt, %sub3A_858, %lt3A_859 : i32
      %convert_element_type3A_861 = arith.extui %lt3A_860 : i1 to i32
      %cond3A_862 = arith.constant 0 : i32
      %cond3A_863 = arith.cmpi ne, %convert_element_type3A_861, %cond3A_862 : i32
      scf.if %cond3A_863 {
        %mul3A_912 = arith.constant 79 : i32
        %mul3A_913 = arith.muli %add3A, %mul3A_912 : i32
        %add3A_914 = arith.addi %mul3A_913, %add3A_819 : i32
        %add3A_915 = arith.constant 3 : i32
        %add3A_916 = arith.addi %add3A_914, %add3A_915 : i32
        %sub3A_917 = arith.constant 1 : i32
        %sub3A_918 = arith.subi %add3A_916, %sub3A_917 : i32
        %dma_wait3A_919 = arith.constant 0 : i32
        %dma_wait3A_920 = arith.constant 0 : i32
        %dma_wait3A_921 = tpu.memref_slice %arg3[%sub3A_918, %dma_wait3A_919, %dma_wait3A_920] : memref<2528x2x128xi32, #tpu.memory_space<hbm>> -> memref<1x2x128xi32, #tpu.memory_space<hbm>>
        %dma_wait3A_922 = tpu.memref_squeeze %dma_wait3A_921 : memref<1x2x128xi32, #tpu.memory_space<hbm>> -> memref<2x128xi32, #tpu.memory_space<hbm>>
        %dma_wait3A_923 = arith.constant 0 : i32
        %dma_wait3A_924 = arith.constant 0 : i32
        %dma_wait3A_925 = tpu.memref_slice %arg3[%sub3A_918, %dma_wait3A_923, %dma_wait3A_924] : memref<2528x2x128xi32, #tpu.memory_space<hbm>> -> memref<1x2x128xi32, #tpu.memory_space<hbm>>
        %dma_wait3A_926 = tpu.memref_squeeze %dma_wait3A_925 : memref<1x2x128xi32, #tpu.memory_space<hbm>> -> memref<2x128xi32, #tpu.memory_space<hbm>>
        tpu.wait_dma2 semaphore(%arg22 : memref<!tpu.dma_semaphore, #tpu.memory_space<semaphore_mem>>) src(%dma_wait3A_926 : memref<2x128xi32, #tpu.memory_space<hbm>>) dst(%arg12 : memref<2x128xi32, #tpu.memory_space<vmem>>)
        %add3A_927 = arith.constant 3 : i32
        %add3A_928 = arith.addi %add3A_819, %add3A_927 : i32
        %sub3A_929 = arith.constant 1 : i32
        %sub3A_930 = arith.subi %add3A_928, %sub3A_929 : i32
        %dma_start3A_931 = arith.constant 0 : i32
        %dma_start3A_932 = arith.constant 0 : i32
        %dma_start3A_933 = tpu.memref_slice %arg12[%dma_start3A_931, %dma_start3A_932] : memref<2x128xi32, #tpu.memory_space<vmem>> -> memref<1x128xi32, #tpu.memory_space<vmem>>
        %dma_start3A_934 = tpu.memref_squeeze %dma_start3A_933 : memref<1x128xi32, #tpu.memory_space<vmem>> -> memref<128xi32, #tpu.memory_space<vmem>>
        %dma_start3A_935 = arith.constant 0 : i32
        %dma_start3A_936 = arith.constant 0 : i32
        %dma_start3A_937 = tpu.memref_slice %arg2[%dma_start3A_935, %dma_start3A_936] : memref<20000x128xf32, #tpu.memory_space<hbm>> -> memref<20000x128xf32, #tpu.memory_space<hbm>>
        tpu.enqueue_indirect_dma source(%dma_start3A_937 : memref<20000x128xf32, #tpu.memory_space<hbm>>) target(%arg9 : memref<128x128xf32, #tpu.memory_space<vmem>>) offsets(%dma_start3A_934 : memref<128xi32, #tpu.memory_space<vmem>>) semaphore(%arg19 : memref<!tpu.dma_semaphore, #tpu.memory_space<semaphore_mem>>)
      } else {
      }
      %mul3A_864 = arith.constant 12 : i32
      %mul3A_865 = arith.muli %scan3A_341, %mul3A_864 : i32
      %add3A_866 = arith.constant 11 : i32
      %add3A_867 = arith.addi %mul3A_865, %add3A_866 : i32
      %dma_wait3A_868 = arith.constant 0 : i32
      %dma_wait3A_869 = arith.constant 0 : i32
      %dma_wait3A_870 = tpu.memref_slice %arg15[%dma_wait3A_868, %dma_wait3A_869] : memref<2x128xi32, #tpu.memory_space<vmem>> -> memref<1x128xi32, #tpu.memory_space<vmem>>
      %dma_wait3A_871 = tpu.memref_squeeze %dma_wait3A_870 : memref<1x128xi32, #tpu.memory_space<vmem>> -> memref<128xi32, #tpu.memory_space<vmem>>
      %dma_wait3A_872 = arith.constant 0 : i32
      %dma_wait3A_873 = arith.constant 0 : i32
      %dma_wait3A_874 = tpu.memref_slice %arg2[%dma_wait3A_872, %dma_wait3A_873] : memref<20000x128xf32, #tpu.memory_space<hbm>> -> memref<20000x128xf32, #tpu.memory_space<hbm>>
      tpu.wait_indirect_dma semaphore(%arg21 : memref<!tpu.dma_semaphore, #tpu.memory_space<semaphore_mem>>) src(%dma_wait3A_874 : memref<20000x128xf32, #tpu.memory_space<hbm>>) dst(%arg11 : memref<128x128xf32, #tpu.memory_space<vmem>>)
      %run_scoped3A_875 = arith.constant 1 : i32
      "tpu.region"() ({
        %run_scoped3A_912 = tpu.sem_alloc : memref<!tpu.dma_semaphore, #tpu.memory_space<semaphore_mem>>
        %dma_start3A_913 = arith.constant 0 : i32
        %dma_start3A_914 = tpu.memref_slice %arg15[%run_scoped3A_875, %dma_start3A_913] : memref<2x128xi32, #tpu.memory_space<vmem>> -> memref<1x128xi32, #tpu.memory_space<vmem>>
        %dma_start3A_915 = tpu.memref_squeeze %dma_start3A_914 : memref<1x128xi32, #tpu.memory_space<vmem>> -> memref<128xi32, #tpu.memory_space<vmem>>
        %dma_start3A_916 = arith.constant 0 : i32
        %dma_start3A_917 = arith.constant 0 : i32
        %dma_start3A_918 = tpu.memref_slice %arg17[%dma_start3A_916, %dma_start3A_917] : memref<10008x128xf32, #tpu.memory_space<vmem_shared>> -> memref<10008x128xf32, #tpu.memory_space<vmem_shared>>
        tpu.enqueue_indirect_dma source(%arg11 : memref<128x128xf32, #tpu.memory_space<vmem>>) target(%dma_start3A_918 : memref<10008x128xf32, #tpu.memory_space<vmem_shared>>) offsets(%dma_start3A_915 : memref<128xi32, #tpu.memory_space<vmem>>) semaphore(%run_scoped3A_912 : memref<!tpu.dma_semaphore, #tpu.memory_space<semaphore_mem>>) {add = true}
        %dma_wait3A_919 = arith.constant 0 : i32
        %dma_wait3A_920 = tpu.memref_slice %arg15[%run_scoped3A_875, %dma_wait3A_919] : memref<2x128xi32, #tpu.memory_space<vmem>> -> memref<1x128xi32, #tpu.memory_space<vmem>>
        %dma_wait3A_921 = tpu.memref_squeeze %dma_wait3A_920 : memref<1x128xi32, #tpu.memory_space<vmem>> -> memref<128xi32, #tpu.memory_space<vmem>>
        %dma_wait3A_922 = arith.constant 0 : i32
        %dma_wait3A_923 = arith.constant 0 : i32
        %dma_wait3A_924 = tpu.memref_slice %arg17[%dma_wait3A_922, %dma_wait3A_923] : memref<10008x128xf32, #tpu.memory_space<vmem_shared>> -> memref<10008x128xf32, #tpu.memory_space<vmem_shared>>
        tpu.wait_indirect_dma semaphore(%run_scoped3A_912 : memref<!tpu.dma_semaphore, #tpu.memory_space<semaphore_mem>>) src(%arg11 : memref<128x128xf32, #tpu.memory_space<vmem>>) dst(%dma_wait3A_924 : memref<10008x128xf32, #tpu.memory_space<vmem_shared>>)
        tpu.yield
      }) : () -> ()
      %jit3A_876 = arith.constant 2 : i32
      %eq3A_877 = arith.constant 0 : i32
      %eq3A_878 = arith.cmpi eq, %jit3A_876, %eq3A_877 : i32
      %jit3A_879 = arith.constant 1 : i32
      %select_n3A_880 = arith.select %eq3A_878, %jit3A_879, %jit3A_876 : i32
      %rem3A_881 = arith.remsi %add3A_867, %select_n3A_880 : i32
      %ne3A_882 = arith.constant 0 : i32
      %ne3A_883 = arith.cmpi ne, %rem3A_881, %ne3A_882 : i32
      %lt3A_884 = arith.constant 0 : i32
      %lt3A_885 = arith.cmpi slt, %rem3A_881, %lt3A_884 : i32
      %lt3A_886 = arith.constant 0 : i32
      %lt3A_887 = arith.cmpi slt, %select_n3A_880, %lt3A_886 : i32
      %ne3A_888 = arith.xori %lt3A_885, %lt3A_887 : i1
      %and3A_889 = arith.andi %ne3A_888, %ne3A_883 : i1
      %add3A_890 = arith.addi %rem3A_881, %select_n3A_880 : i32
      %select_n3A_891 = arith.select %and3A_889, %add3A_890, %rem3A_881 : i32
      %eq3A_892 = arith.cmpi eq, %select_n3A_891, %arg0 : i32
      %convert_element_type3A_893 = arith.extui %eq3A_892 : i1 to i32
      %cond3A_894 = arith.constant 0 : i32
      %cond3A_895 = arith.cmpi ne, %convert_element_type3A_893, %cond3A_894 : i32
      scf.if %cond3A_895 {
        %run_scoped3A_912 = arith.constant 1 : i32
        "tpu.region"() ({
          %run_scoped3A_913 = tpu.sem_alloc : memref<!tpu.dma_semaphore, #tpu.memory_space<semaphore_mem>>
          %dma_start3A_914 = arith.constant 0 : i32
          %dma_start3A_915 = tpu.memref_slice %arg15[%run_scoped3A_912, %dma_start3A_914] : memref<2x128xi32, #tpu.memory_space<vmem>> -> memref<1x128xi32, #tpu.memory_space<vmem>>
          %dma_start3A_916 = tpu.memref_squeeze %dma_start3A_915 : memref<1x128xi32, #tpu.memory_space<vmem>> -> memref<128xi32, #tpu.memory_space<vmem>>
          %dma_start3A_917 = arith.constant 0 : i32
          %dma_start3A_918 = tpu.memref_slice %arg18[%dma_start3A_917] : memref<10240xf32, #tpu.memory_space<vmem_shared>> -> memref<10240xf32, #tpu.memory_space<vmem_shared>>
          tpu.enqueue_indirect_dma source(%arg16 : memref<128xf32, #tpu.memory_space<vmem>>) target(%dma_start3A_918 : memref<10240xf32, #tpu.memory_space<vmem_shared>>) offsets(%dma_start3A_916 : memref<128xi32, #tpu.memory_space<vmem>>) semaphore(%run_scoped3A_913 : memref<!tpu.dma_semaphore, #tpu.memory_space<semaphore_mem>>) {add = true}
          %dma_wait3A_919 = arith.constant 0 : i32
          %dma_wait3A_920 = tpu.memref_slice %arg15[%run_scoped3A_912, %dma_wait3A_919] : memref<2x128xi32, #tpu.memory_space<vmem>> -> memref<1x128xi32, #tpu.memory_space<vmem>>
          %dma_wait3A_921 = tpu.memref_squeeze %dma_wait3A_920 : memref<1x128xi32, #tpu.memory_space<vmem>> -> memref<128xi32, #tpu.memory_space<vmem>>
          %dma_wait3A_922 = arith.constant 0 : i32
          %dma_wait3A_923 = tpu.memref_slice %arg18[%dma_wait3A_922] : memref<10240xf32, #tpu.memory_space<vmem_shared>> -> memref<10240xf32, #tpu.memory_space<vmem_shared>>
          tpu.wait_indirect_dma semaphore(%run_scoped3A_913 : memref<!tpu.dma_semaphore, #tpu.memory_space<semaphore_mem>>) src(%arg16 : memref<128xf32, #tpu.memory_space<vmem>>) dst(%dma_wait3A_923 : memref<10240xf32, #tpu.memory_space<vmem_shared>>)
          tpu.yield
        }) : () -> ()
      } else {
      }
      %add3A_896 = arith.constant 4 : i32
      %add3A_897 = arith.addi %add3A_867, %add3A_896 : i32
      %lt3A_898 = arith.constant 79 : i32
      %lt3A_899 = arith.cmpi slt, %add3A_897, %lt3A_898 : i32
      %convert_element_type3A_900 = arith.extui %lt3A_899 : i1 to i32
      %cond3A_901 = arith.constant 0 : i32
      %cond3A_902 = arith.cmpi ne, %convert_element_type3A_900, %cond3A_901 : i32
      scf.if %cond3A_902 {
        %add3A_912 = arith.constant 4 : i32
        %add3A_913 = arith.addi %add3A_867, %add3A_912 : i32
        %mul3A_914 = arith.constant 79 : i32
        %mul3A_915 = arith.muli %add3A, %mul3A_914 : i32
        %add3A_916 = arith.addi %mul3A_915, %add3A_913 : i32
        %dma_start3A_917 = arith.constant 0 : i32
        %dma_start3A_918 = arith.constant 0 : i32
        %dma_start3A_919 = tpu.memref_slice %arg3[%add3A_916, %dma_start3A_917, %dma_start3A_918] : memref<2528x2x128xi32, #tpu.memory_space<hbm>> -> memref<1x2x128xi32, #tpu.memory_space<hbm>>
        %dma_start3A_920 = tpu.memref_squeeze %dma_start3A_919 : memref<1x2x128xi32, #tpu.memory_space<hbm>> -> memref<2x128xi32, #tpu.memory_space<hbm>>
        %dma_start3A_921 = arith.constant 0 : i32
        %dma_start3A_922 = arith.constant 0 : i32
        %dma_start3A_923 = tpu.memref_slice %arg3[%add3A_916, %dma_start3A_921, %dma_start3A_922] : memref<2528x2x128xi32, #tpu.memory_space<hbm>> -> memref<1x2x128xi32, #tpu.memory_space<hbm>>
        %dma_start3A_924 = tpu.memref_squeeze %dma_start3A_923 : memref<1x2x128xi32, #tpu.memory_space<hbm>> -> memref<2x128xi32, #tpu.memory_space<hbm>>
        tpu.enqueue_dma source(%dma_start3A_924 : memref<2x128xi32, #tpu.memory_space<hbm>>) target(%arg15 : memref<2x128xi32, #tpu.memory_space<vmem>>) target_semaphore(%arg25 : memref<!tpu.dma_semaphore, #tpu.memory_space<semaphore_mem>>)
      } else {
      }
      %add3A_903 = arith.constant 3 : i32
      %add3A_904 = arith.addi %add3A_867, %add3A_903 : i32
      %sub3A_905 = arith.constant 1 : i32
      %sub3A_906 = arith.subi %add3A_904, %sub3A_905 : i32
      %lt3A_907 = arith.constant 79 : i32
      %lt3A_908 = arith.cmpi slt, %sub3A_906, %lt3A_907 : i32
      %convert_element_type3A_909 = arith.extui %lt3A_908 : i1 to i32
      %cond3A_910 = arith.constant 0 : i32
      %cond3A_911 = arith.cmpi ne, %convert_element_type3A_909, %cond3A_910 : i32
      scf.if %cond3A_911 {
        %mul3A_912 = arith.constant 79 : i32
        %mul3A_913 = arith.muli %add3A, %mul3A_912 : i32
        %add3A_914 = arith.addi %mul3A_913, %add3A_867 : i32
        %add3A_915 = arith.constant 3 : i32
        %add3A_916 = arith.addi %add3A_914, %add3A_915 : i32
        %sub3A_917 = arith.constant 1 : i32
        %sub3A_918 = arith.subi %add3A_916, %sub3A_917 : i32
        %dma_wait3A_919 = arith.constant 0 : i32
        %dma_wait3A_920 = arith.constant 0 : i32
        %dma_wait3A_921 = tpu.memref_slice %arg3[%sub3A_918, %dma_wait3A_919, %dma_wait3A_920] : memref<2528x2x128xi32, #tpu.memory_space<hbm>> -> memref<1x2x128xi32, #tpu.memory_space<hbm>>
        %dma_wait3A_922 = tpu.memref_squeeze %dma_wait3A_921 : memref<1x2x128xi32, #tpu.memory_space<hbm>> -> memref<2x128xi32, #tpu.memory_space<hbm>>
        %dma_wait3A_923 = arith.constant 0 : i32
        %dma_wait3A_924 = arith.constant 0 : i32
        %dma_wait3A_925 = tpu.memref_slice %arg3[%sub3A_918, %dma_wait3A_923, %dma_wait3A_924] : memref<2528x2x128xi32, #tpu.memory_space<hbm>> -> memref<1x2x128xi32, #tpu.memory_space<hbm>>
        %dma_wait3A_926 = tpu.memref_squeeze %dma_wait3A_925 : memref<1x2x128xi32, #tpu.memory_space<hbm>> -> memref<2x128xi32, #tpu.memory_space<hbm>>
        tpu.wait_dma2 semaphore(%arg23 : memref<!tpu.dma_semaphore, #tpu.memory_space<semaphore_mem>>) src(%dma_wait3A_926 : memref<2x128xi32, #tpu.memory_space<hbm>>) dst(%arg13 : memref<2x128xi32, #tpu.memory_space<vmem>>)
        %add3A_927 = arith.constant 3 : i32
        %add3A_928 = arith.addi %add3A_867, %add3A_927 : i32
        %sub3A_929 = arith.constant 1 : i32
        %sub3A_930 = arith.subi %add3A_928, %sub3A_929 : i32
        %dma_start3A_931 = arith.constant 0 : i32
        %dma_start3A_932 = arith.constant 0 : i32
        %dma_start3A_933 = tpu.memref_slice %arg13[%dma_start3A_931, %dma_start3A_932] : memref<2x128xi32, #tpu.memory_space<vmem>> -> memref<1x128xi32, #tpu.memory_space<vmem>>
        %dma_start3A_934 = tpu.memref_squeeze %dma_start3A_933 : memref<1x128xi32, #tpu.memory_space<vmem>> -> memref<128xi32, #tpu.memory_space<vmem>>
        %dma_start3A_935 = arith.constant 0 : i32
        %dma_start3A_936 = arith.constant 0 : i32
        %dma_start3A_937 = tpu.memref_slice %arg2[%dma_start3A_935, %dma_start3A_936] : memref<20000x128xf32, #tpu.memory_space<hbm>> -> memref<20000x128xf32, #tpu.memory_space<hbm>>
        tpu.enqueue_indirect_dma source(%dma_start3A_937 : memref<20000x128xf32, #tpu.memory_space<hbm>>) target(%arg10 : memref<128x128xf32, #tpu.memory_space<vmem>>) offsets(%dma_start3A_934 : memref<128xi32, #tpu.memory_space<vmem>>) semaphore(%arg20 : memref<!tpu.dma_semaphore, #tpu.memory_space<semaphore_mem>>)
      } else {
      }
    }
    %scan3A_95 = arith.constant 6 : i32
    %dma_wait3A_96 = arith.constant 0 : i32
    %dma_wait3A_97 = arith.constant 0 : i32
    %dma_wait3A_98 = tpu.memref_slice %arg12[%dma_wait3A_96, %dma_wait3A_97] : memref<2x128xi32, #tpu.memory_space<vmem>> -> memref<1x128xi32, #tpu.memory_space<vmem>>
    %dma_wait3A_99 = tpu.memref_squeeze %dma_wait3A_98 : memref<1x128xi32, #tpu.memory_space<vmem>> -> memref<128xi32, #tpu.memory_space<vmem>>
    %dma_wait3A_100 = arith.constant 0 : i32
    %dma_wait3A_101 = arith.constant 0 : i32
    %dma_wait3A_102 = tpu.memref_slice %arg2[%dma_wait3A_100, %dma_wait3A_101] : memref<20000x128xf32, #tpu.memory_space<hbm>> -> memref<20000x128xf32, #tpu.memory_space<hbm>>
    tpu.wait_indirect_dma semaphore(%arg19 : memref<!tpu.dma_semaphore, #tpu.memory_space<semaphore_mem>>) src(%dma_wait3A_102 : memref<20000x128xf32, #tpu.memory_space<hbm>>) dst(%arg9 : memref<128x128xf32, #tpu.memory_space<vmem>>)
    %run_scoped3A = arith.constant 1 : i32
    "tpu.region"() ({
      %run_scoped3A_341 = tpu.sem_alloc : memref<!tpu.dma_semaphore, #tpu.memory_space<semaphore_mem>>
      %dma_start3A_342 = arith.constant 0 : i32
      %dma_start3A_343 = tpu.memref_slice %arg12[%run_scoped3A, %dma_start3A_342] : memref<2x128xi32, #tpu.memory_space<vmem>> -> memref<1x128xi32, #tpu.memory_space<vmem>>
      %dma_start3A_344 = tpu.memref_squeeze %dma_start3A_343 : memref<1x128xi32, #tpu.memory_space<vmem>> -> memref<128xi32, #tpu.memory_space<vmem>>
      %dma_start3A_345 = arith.constant 0 : i32
      %dma_start3A_346 = arith.constant 0 : i32
      %dma_start3A_347 = tpu.memref_slice %arg17[%dma_start3A_345, %dma_start3A_346] : memref<10008x128xf32, #tpu.memory_space<vmem_shared>> -> memref<10008x128xf32, #tpu.memory_space<vmem_shared>>
      tpu.enqueue_indirect_dma source(%arg9 : memref<128x128xf32, #tpu.memory_space<vmem>>) target(%dma_start3A_347 : memref<10008x128xf32, #tpu.memory_space<vmem_shared>>) offsets(%dma_start3A_344 : memref<128xi32, #tpu.memory_space<vmem>>) semaphore(%run_scoped3A_341 : memref<!tpu.dma_semaphore, #tpu.memory_space<semaphore_mem>>) {add = true}
      %dma_wait3A_348 = arith.constant 0 : i32
      %dma_wait3A_349 = tpu.memref_slice %arg12[%run_scoped3A, %dma_wait3A_348] : memref<2x128xi32, #tpu.memory_space<vmem>> -> memref<1x128xi32, #tpu.memory_space<vmem>>
      %dma_wait3A_350 = tpu.memref_squeeze %dma_wait3A_349 : memref<1x128xi32, #tpu.memory_space<vmem>> -> memref<128xi32, #tpu.memory_space<vmem>>
      %dma_wait3A_351 = arith.constant 0 : i32
      %dma_wait3A_352 = arith.constant 0 : i32
      %dma_wait3A_353 = tpu.memref_slice %arg17[%dma_wait3A_351, %dma_wait3A_352] : memref<10008x128xf32, #tpu.memory_space<vmem_shared>> -> memref<10008x128xf32, #tpu.memory_space<vmem_shared>>
      tpu.wait_indirect_dma semaphore(%run_scoped3A_341 : memref<!tpu.dma_semaphore, #tpu.memory_space<semaphore_mem>>) src(%arg9 : memref<128x128xf32, #tpu.memory_space<vmem>>) dst(%dma_wait3A_353 : memref<10008x128xf32, #tpu.memory_space<vmem_shared>>)
      tpu.yield
    }) : () -> ()
    %eq3A_103 = arith.constant 0 : i32
    %eq3A_104 = arith.cmpi eq, %arg0, %eq3A_103 : i32
    %convert_element_type3A_105 = arith.extui %eq3A_104 : i1 to i32
    %cond3A_106 = arith.constant 0 : i32
    %cond3A_107 = arith.cmpi ne, %convert_element_type3A_105, %cond3A_106 : i32
    scf.if %cond3A_107 {
      %run_scoped3A_341 = arith.constant 1 : i32
      "tpu.region"() ({
        %run_scoped3A_342 = tpu.sem_alloc : memref<!tpu.dma_semaphore, #tpu.memory_space<semaphore_mem>>
        %dma_start3A_343 = arith.constant 0 : i32
        %dma_start3A_344 = tpu.memref_slice %arg12[%run_scoped3A_341, %dma_start3A_343] : memref<2x128xi32, #tpu.memory_space<vmem>> -> memref<1x128xi32, #tpu.memory_space<vmem>>
        %dma_start3A_345 = tpu.memref_squeeze %dma_start3A_344 : memref<1x128xi32, #tpu.memory_space<vmem>> -> memref<128xi32, #tpu.memory_space<vmem>>
        %dma_start3A_346 = arith.constant 0 : i32
        %dma_start3A_347 = tpu.memref_slice %arg18[%dma_start3A_346] : memref<10240xf32, #tpu.memory_space<vmem_shared>> -> memref<10240xf32, #tpu.memory_space<vmem_shared>>
        tpu.enqueue_indirect_dma source(%arg16 : memref<128xf32, #tpu.memory_space<vmem>>) target(%dma_start3A_347 : memref<10240xf32, #tpu.memory_space<vmem_shared>>) offsets(%dma_start3A_345 : memref<128xi32, #tpu.memory_space<vmem>>) semaphore(%run_scoped3A_342 : memref<!tpu.dma_semaphore, #tpu.memory_space<semaphore_mem>>) {add = true}
        %dma_wait3A_348 = arith.constant 0 : i32
        %dma_wait3A_349 = tpu.memref_slice %arg12[%run_scoped3A_341, %dma_wait3A_348] : memref<2x128xi32, #tpu.memory_space<vmem>> -> memref<1x128xi32, #tpu.memory_space<vmem>>
        %dma_wait3A_350 = tpu.memref_squeeze %dma_wait3A_349 : memref<1x128xi32, #tpu.memory_space<vmem>> -> memref<128xi32, #tpu.memory_space<vmem>>
        %dma_wait3A_351 = arith.constant 0 : i32
        %dma_wait3A_352 = tpu.memref_slice %arg18[%dma_wait3A_351] : memref<10240xf32, #tpu.memory_space<vmem_shared>> -> memref<10240xf32, #tpu.memory_space<vmem_shared>>
        tpu.wait_indirect_dma semaphore(%run_scoped3A_342 : memref<!tpu.dma_semaphore, #tpu.memory_space<semaphore_mem>>) src(%arg16 : memref<128xf32, #tpu.memory_space<vmem>>) dst(%dma_wait3A_352 : memref<10240xf32, #tpu.memory_space<vmem_shared>>)
        tpu.yield
      }) : () -> ()
    } else {
    }
    %mul3A_108 = arith.constant 79 : i32
    %mul3A_109 = arith.muli %add3A, %mul3A_108 : i32
    %add3A_110 = arith.constant 76 : i32
    %add3A_111 = arith.addi %mul3A_109, %add3A_110 : i32
    %dma_start3A_112 = arith.constant 0 : i32
    %dma_start3A_113 = arith.constant 0 : i32
    %dma_start3A_114 = tpu.memref_slice %arg3[%add3A_111, %dma_start3A_112, %dma_start3A_113] : memref<2528x2x128xi32, #tpu.memory_space<hbm>> -> memref<1x2x128xi32, #tpu.memory_space<hbm>>
    %dma_start3A_115 = tpu.memref_squeeze %dma_start3A_114 : memref<1x2x128xi32, #tpu.memory_space<hbm>> -> memref<2x128xi32, #tpu.memory_space<hbm>>
    %dma_start3A_116 = arith.constant 0 : i32
    %dma_start3A_117 = arith.constant 0 : i32
    %dma_start3A_118 = tpu.memref_slice %arg3[%add3A_111, %dma_start3A_116, %dma_start3A_117] : memref<2528x2x128xi32, #tpu.memory_space<hbm>> -> memref<1x2x128xi32, #tpu.memory_space<hbm>>
    %dma_start3A_119 = tpu.memref_squeeze %dma_start3A_118 : memref<1x2x128xi32, #tpu.memory_space<hbm>> -> memref<2x128xi32, #tpu.memory_space<hbm>>
    tpu.enqueue_dma source(%dma_start3A_119 : memref<2x128xi32, #tpu.memory_space<hbm>>) target(%arg12 : memref<2x128xi32, #tpu.memory_space<vmem>>) target_semaphore(%arg22 : memref<!tpu.dma_semaphore, #tpu.memory_space<semaphore_mem>>)
    %mul3A_120 = arith.constant 79 : i32
    %mul3A_121 = arith.muli %add3A, %mul3A_120 : i32
    %add3A_122 = arith.constant 72 : i32
    %add3A_123 = arith.addi %mul3A_121, %add3A_122 : i32
    %add3A_124 = arith.constant 3 : i32
    %add3A_125 = arith.addi %add3A_123, %add3A_124 : i32
    %sub3A = arith.constant 1 : i32
    %sub3A_126 = arith.subi %add3A_125, %sub3A : i32
    %dma_wait3A_127 = arith.constant 0 : i32
    %dma_wait3A_128 = arith.constant 0 : i32
    %dma_wait3A_129 = tpu.memref_slice %arg3[%sub3A_126, %dma_wait3A_127, %dma_wait3A_128] : memref<2528x2x128xi32, #tpu.memory_space<hbm>> -> memref<1x2x128xi32, #tpu.memory_space<hbm>>
    %dma_wait3A_130 = tpu.memref_squeeze %dma_wait3A_129 : memref<1x2x128xi32, #tpu.memory_space<hbm>> -> memref<2x128xi32, #tpu.memory_space<hbm>>
    %dma_wait3A_131 = arith.constant 0 : i32
    %dma_wait3A_132 = arith.constant 0 : i32
    %dma_wait3A_133 = tpu.memref_slice %arg3[%sub3A_126, %dma_wait3A_131, %dma_wait3A_132] : memref<2528x2x128xi32, #tpu.memory_space<hbm>> -> memref<1x2x128xi32, #tpu.memory_space<hbm>>
    %dma_wait3A_134 = tpu.memref_squeeze %dma_wait3A_133 : memref<1x2x128xi32, #tpu.memory_space<hbm>> -> memref<2x128xi32, #tpu.memory_space<hbm>>
    tpu.wait_dma2 semaphore(%arg24 : memref<!tpu.dma_semaphore, #tpu.memory_space<semaphore_mem>>) src(%dma_wait3A_134 : memref<2x128xi32, #tpu.memory_space<hbm>>) dst(%arg14 : memref<2x128xi32, #tpu.memory_space<vmem>>)
    %dma_start3A_135 = arith.constant 0 : i32
    %dma_start3A_136 = arith.constant 0 : i32
    %dma_start3A_137 = tpu.memref_slice %arg14[%dma_start3A_135, %dma_start3A_136] : memref<2x128xi32, #tpu.memory_space<vmem>> -> memref<1x128xi32, #tpu.memory_space<vmem>>
    %dma_start3A_138 = tpu.memref_squeeze %dma_start3A_137 : memref<1x128xi32, #tpu.memory_space<vmem>> -> memref<128xi32, #tpu.memory_space<vmem>>
    %dma_start3A_139 = arith.constant 0 : i32
    %dma_start3A_140 = arith.constant 0 : i32
    %dma_start3A_141 = tpu.memref_slice %arg2[%dma_start3A_139, %dma_start3A_140] : memref<20000x128xf32, #tpu.memory_space<hbm>> -> memref<20000x128xf32, #tpu.memory_space<hbm>>
    tpu.enqueue_indirect_dma source(%dma_start3A_141 : memref<20000x128xf32, #tpu.memory_space<hbm>>) target(%arg11 : memref<128x128xf32, #tpu.memory_space<vmem>>) offsets(%dma_start3A_138 : memref<128xi32, #tpu.memory_space<vmem>>) semaphore(%arg21 : memref<!tpu.dma_semaphore, #tpu.memory_space<semaphore_mem>>)
    %dma_wait3A_142 = arith.constant 0 : i32
    %dma_wait3A_143 = arith.constant 0 : i32
    %dma_wait3A_144 = tpu.memref_slice %arg13[%dma_wait3A_142, %dma_wait3A_143] : memref<2x128xi32, #tpu.memory_space<vmem>> -> memref<1x128xi32, #tpu.memory_space<vmem>>
    %dma_wait3A_145 = tpu.memref_squeeze %dma_wait3A_144 : memref<1x128xi32, #tpu.memory_space<vmem>> -> memref<128xi32, #tpu.memory_space<vmem>>
    %dma_wait3A_146 = arith.constant 0 : i32
    %dma_wait3A_147 = arith.constant 0 : i32
    %dma_wait3A_148 = tpu.memref_slice %arg2[%dma_wait3A_146, %dma_wait3A_147] : memref<20000x128xf32, #tpu.memory_space<hbm>> -> memref<20000x128xf32, #tpu.memory_space<hbm>>
    tpu.wait_indirect_dma semaphore(%arg20 : memref<!tpu.dma_semaphore, #tpu.memory_space<semaphore_mem>>) src(%dma_wait3A_148 : memref<20000x128xf32, #tpu.memory_space<hbm>>) dst(%arg10 : memref<128x128xf32, #tpu.memory_space<vmem>>)
    %run_scoped3A_149 = arith.constant 1 : i32
    "tpu.region"() ({
      %run_scoped3A_341 = tpu.sem_alloc : memref<!tpu.dma_semaphore, #tpu.memory_space<semaphore_mem>>
      %dma_start3A_342 = arith.constant 0 : i32
      %dma_start3A_343 = tpu.memref_slice %arg13[%run_scoped3A_149, %dma_start3A_342] : memref<2x128xi32, #tpu.memory_space<vmem>> -> memref<1x128xi32, #tpu.memory_space<vmem>>
      %dma_start3A_344 = tpu.memref_squeeze %dma_start3A_343 : memref<1x128xi32, #tpu.memory_space<vmem>> -> memref<128xi32, #tpu.memory_space<vmem>>
      %dma_start3A_345 = arith.constant 0 : i32
      %dma_start3A_346 = arith.constant 0 : i32
      %dma_start3A_347 = tpu.memref_slice %arg17[%dma_start3A_345, %dma_start3A_346] : memref<10008x128xf32, #tpu.memory_space<vmem_shared>> -> memref<10008x128xf32, #tpu.memory_space<vmem_shared>>
      tpu.enqueue_indirect_dma source(%arg10 : memref<128x128xf32, #tpu.memory_space<vmem>>) target(%dma_start3A_347 : memref<10008x128xf32, #tpu.memory_space<vmem_shared>>) offsets(%dma_start3A_344 : memref<128xi32, #tpu.memory_space<vmem>>) semaphore(%run_scoped3A_341 : memref<!tpu.dma_semaphore, #tpu.memory_space<semaphore_mem>>) {add = true}
      %dma_wait3A_348 = arith.constant 0 : i32
      %dma_wait3A_349 = tpu.memref_slice %arg13[%run_scoped3A_149, %dma_wait3A_348] : memref<2x128xi32, #tpu.memory_space<vmem>> -> memref<1x128xi32, #tpu.memory_space<vmem>>
      %dma_wait3A_350 = tpu.memref_squeeze %dma_wait3A_349 : memref<1x128xi32, #tpu.memory_space<vmem>> -> memref<128xi32, #tpu.memory_space<vmem>>
      %dma_wait3A_351 = arith.constant 0 : i32
      %dma_wait3A_352 = arith.constant 0 : i32
      %dma_wait3A_353 = tpu.memref_slice %arg17[%dma_wait3A_351, %dma_wait3A_352] : memref<10008x128xf32, #tpu.memory_space<vmem_shared>> -> memref<10008x128xf32, #tpu.memory_space<vmem_shared>>
      tpu.wait_indirect_dma semaphore(%run_scoped3A_341 : memref<!tpu.dma_semaphore, #tpu.memory_space<semaphore_mem>>) src(%arg10 : memref<128x128xf32, #tpu.memory_space<vmem>>) dst(%dma_wait3A_353 : memref<10008x128xf32, #tpu.memory_space<vmem_shared>>)
      tpu.yield
    }) : () -> ()
    %eq3A_150 = arith.constant 1 : i32
    %eq3A_151 = arith.cmpi eq, %arg0, %eq3A_150 : i32
    %convert_element_type3A_152 = arith.extui %eq3A_151 : i1 to i32
    %cond3A_153 = arith.constant 0 : i32
    %cond3A_154 = arith.cmpi ne, %convert_element_type3A_152, %cond3A_153 : i32
    scf.if %cond3A_154 {
      %run_scoped3A_341 = arith.constant 1 : i32
      "tpu.region"() ({
        %run_scoped3A_342 = tpu.sem_alloc : memref<!tpu.dma_semaphore, #tpu.memory_space<semaphore_mem>>
        %dma_start3A_343 = arith.constant 0 : i32
        %dma_start3A_344 = tpu.memref_slice %arg13[%run_scoped3A_341, %dma_start3A_343] : memref<2x128xi32, #tpu.memory_space<vmem>> -> memref<1x128xi32, #tpu.memory_space<vmem>>
        %dma_start3A_345 = tpu.memref_squeeze %dma_start3A_344 : memref<1x128xi32, #tpu.memory_space<vmem>> -> memref<128xi32, #tpu.memory_space<vmem>>
        %dma_start3A_346 = arith.constant 0 : i32
        %dma_start3A_347 = tpu.memref_slice %arg18[%dma_start3A_346] : memref<10240xf32, #tpu.memory_space<vmem_shared>> -> memref<10240xf32, #tpu.memory_space<vmem_shared>>
        tpu.enqueue_indirect_dma source(%arg16 : memref<128xf32, #tpu.memory_space<vmem>>) target(%dma_start3A_347 : memref<10240xf32, #tpu.memory_space<vmem_shared>>) offsets(%dma_start3A_345 : memref<128xi32, #tpu.memory_space<vmem>>) semaphore(%run_scoped3A_342 : memref<!tpu.dma_semaphore, #tpu.memory_space<semaphore_mem>>) {add = true}
        %dma_wait3A_348 = arith.constant 0 : i32
        %dma_wait3A_349 = tpu.memref_slice %arg13[%run_scoped3A_341, %dma_wait3A_348] : memref<2x128xi32, #tpu.memory_space<vmem>> -> memref<1x128xi32, #tpu.memory_space<vmem>>
        %dma_wait3A_350 = tpu.memref_squeeze %dma_wait3A_349 : memref<1x128xi32, #tpu.memory_space<vmem>> -> memref<128xi32, #tpu.memory_space<vmem>>
        %dma_wait3A_351 = arith.constant 0 : i32
        %dma_wait3A_352 = tpu.memref_slice %arg18[%dma_wait3A_351] : memref<10240xf32, #tpu.memory_space<vmem_shared>> -> memref<10240xf32, #tpu.memory_space<vmem_shared>>
        tpu.wait_indirect_dma semaphore(%run_scoped3A_342 : memref<!tpu.dma_semaphore, #tpu.memory_space<semaphore_mem>>) src(%arg16 : memref<128xf32, #tpu.memory_space<vmem>>) dst(%dma_wait3A_352 : memref<10240xf32, #tpu.memory_space<vmem_shared>>)
        tpu.yield
      }) : () -> ()
    } else {
    }
    %mul3A_155 = arith.constant 79 : i32
    %mul3A_156 = arith.muli %add3A, %mul3A_155 : i32
    %add3A_157 = arith.constant 77 : i32
    %add3A_158 = arith.addi %mul3A_156, %add3A_157 : i32
    %dma_start3A_159 = arith.constant 0 : i32
    %dma_start3A_160 = arith.constant 0 : i32
    %dma_start3A_161 = tpu.memref_slice %arg3[%add3A_158, %dma_start3A_159, %dma_start3A_160] : memref<2528x2x128xi32, #tpu.memory_space<hbm>> -> memref<1x2x128xi32, #tpu.memory_space<hbm>>
    %dma_start3A_162 = tpu.memref_squeeze %dma_start3A_161 : memref<1x2x128xi32, #tpu.memory_space<hbm>> -> memref<2x128xi32, #tpu.memory_space<hbm>>
    %dma_start3A_163 = arith.constant 0 : i32
    %dma_start3A_164 = arith.constant 0 : i32
    %dma_start3A_165 = tpu.memref_slice %arg3[%add3A_158, %dma_start3A_163, %dma_start3A_164] : memref<2528x2x128xi32, #tpu.memory_space<hbm>> -> memref<1x2x128xi32, #tpu.memory_space<hbm>>
    %dma_start3A_166 = tpu.memref_squeeze %dma_start3A_165 : memref<1x2x128xi32, #tpu.memory_space<hbm>> -> memref<2x128xi32, #tpu.memory_space<hbm>>
    tpu.enqueue_dma source(%dma_start3A_166 : memref<2x128xi32, #tpu.memory_space<hbm>>) target(%arg13 : memref<2x128xi32, #tpu.memory_space<vmem>>) target_semaphore(%arg23 : memref<!tpu.dma_semaphore, #tpu.memory_space<semaphore_mem>>)
    %mul3A_167 = arith.constant 79 : i32
    %mul3A_168 = arith.muli %add3A, %mul3A_167 : i32
    %add3A_169 = arith.constant 73 : i32
    %add3A_170 = arith.addi %mul3A_168, %add3A_169 : i32
    %add3A_171 = arith.constant 3 : i32
    %add3A_172 = arith.addi %add3A_170, %add3A_171 : i32
    %sub3A_173 = arith.constant 1 : i32
    %sub3A_174 = arith.subi %add3A_172, %sub3A_173 : i32
    %dma_wait3A_175 = arith.constant 0 : i32
    %dma_wait3A_176 = arith.constant 0 : i32
    %dma_wait3A_177 = tpu.memref_slice %arg3[%sub3A_174, %dma_wait3A_175, %dma_wait3A_176] : memref<2528x2x128xi32, #tpu.memory_space<hbm>> -> memref<1x2x128xi32, #tpu.memory_space<hbm>>
    %dma_wait3A_178 = tpu.memref_squeeze %dma_wait3A_177 : memref<1x2x128xi32, #tpu.memory_space<hbm>> -> memref<2x128xi32, #tpu.memory_space<hbm>>
    %dma_wait3A_179 = arith.constant 0 : i32
    %dma_wait3A_180 = arith.constant 0 : i32
    %dma_wait3A_181 = tpu.memref_slice %arg3[%sub3A_174, %dma_wait3A_179, %dma_wait3A_180] : memref<2528x2x128xi32, #tpu.memory_space<hbm>> -> memref<1x2x128xi32, #tpu.memory_space<hbm>>
    %dma_wait3A_182 = tpu.memref_squeeze %dma_wait3A_181 : memref<1x2x128xi32, #tpu.memory_space<hbm>> -> memref<2x128xi32, #tpu.memory_space<hbm>>
    tpu.wait_dma2 semaphore(%arg25 : memref<!tpu.dma_semaphore, #tpu.memory_space<semaphore_mem>>) src(%dma_wait3A_182 : memref<2x128xi32, #tpu.memory_space<hbm>>) dst(%arg15 : memref<2x128xi32, #tpu.memory_space<vmem>>)
    %dma_start3A_183 = arith.constant 0 : i32
    %dma_start3A_184 = arith.constant 0 : i32
    %dma_start3A_185 = tpu.memref_slice %arg15[%dma_start3A_183, %dma_start3A_184] : memref<2x128xi32, #tpu.memory_space<vmem>> -> memref<1x128xi32, #tpu.memory_space<vmem>>
    %dma_start3A_186 = tpu.memref_squeeze %dma_start3A_185 : memref<1x128xi32, #tpu.memory_space<vmem>> -> memref<128xi32, #tpu.memory_space<vmem>>
    %dma_start3A_187 = arith.constant 0 : i32
    %dma_start3A_188 = arith.constant 0 : i32
    %dma_start3A_189 = tpu.memref_slice %arg2[%dma_start3A_187, %dma_start3A_188] : memref<20000x128xf32, #tpu.memory_space<hbm>> -> memref<20000x128xf32, #tpu.memory_space<hbm>>
    tpu.enqueue_indirect_dma source(%dma_start3A_189 : memref<20000x128xf32, #tpu.memory_space<hbm>>) target(%arg9 : memref<128x128xf32, #tpu.memory_space<vmem>>) offsets(%dma_start3A_186 : memref<128xi32, #tpu.memory_space<vmem>>) semaphore(%arg19 : memref<!tpu.dma_semaphore, #tpu.memory_space<semaphore_mem>>)
    %dma_wait3A_190 = arith.constant 0 : i32
    %dma_wait3A_191 = arith.constant 0 : i32
    %dma_wait3A_192 = tpu.memref_slice %arg14[%dma_wait3A_190, %dma_wait3A_191] : memref<2x128xi32, #tpu.memory_space<vmem>> -> memref<1x128xi32, #tpu.memory_space<vmem>>
    %dma_wait3A_193 = tpu.memref_squeeze %dma_wait3A_192 : memref<1x128xi32, #tpu.memory_space<vmem>> -> memref<128xi32, #tpu.memory_space<vmem>>
    %dma_wait3A_194 = arith.constant 0 : i32
    %dma_wait3A_195 = arith.constant 0 : i32
    %dma_wait3A_196 = tpu.memref_slice %arg2[%dma_wait3A_194, %dma_wait3A_195] : memref<20000x128xf32, #tpu.memory_space<hbm>> -> memref<20000x128xf32, #tpu.memory_space<hbm>>
    tpu.wait_indirect_dma semaphore(%arg21 : memref<!tpu.dma_semaphore, #tpu.memory_space<semaphore_mem>>) src(%dma_wait3A_196 : memref<20000x128xf32, #tpu.memory_space<hbm>>) dst(%arg11 : memref<128x128xf32, #tpu.memory_space<vmem>>)
    %run_scoped3A_197 = arith.constant 1 : i32
    "tpu.region"() ({
      %run_scoped3A_341 = tpu.sem_alloc : memref<!tpu.dma_semaphore, #tpu.memory_space<semaphore_mem>>
      %dma_start3A_342 = arith.constant 0 : i32
      %dma_start3A_343 = tpu.memref_slice %arg14[%run_scoped3A_197, %dma_start3A_342] : memref<2x128xi32, #tpu.memory_space<vmem>> -> memref<1x128xi32, #tpu.memory_space<vmem>>
      %dma_start3A_344 = tpu.memref_squeeze %dma_start3A_343 : memref<1x128xi32, #tpu.memory_space<vmem>> -> memref<128xi32, #tpu.memory_space<vmem>>
      %dma_start3A_345 = arith.constant 0 : i32
      %dma_start3A_346 = arith.constant 0 : i32
      %dma_start3A_347 = tpu.memref_slice %arg17[%dma_start3A_345, %dma_start3A_346] : memref<10008x128xf32, #tpu.memory_space<vmem_shared>> -> memref<10008x128xf32, #tpu.memory_space<vmem_shared>>
      tpu.enqueue_indirect_dma source(%arg11 : memref<128x128xf32, #tpu.memory_space<vmem>>) target(%dma_start3A_347 : memref<10008x128xf32, #tpu.memory_space<vmem_shared>>) offsets(%dma_start3A_344 : memref<128xi32, #tpu.memory_space<vmem>>) semaphore(%run_scoped3A_341 : memref<!tpu.dma_semaphore, #tpu.memory_space<semaphore_mem>>) {add = true}
      %dma_wait3A_348 = arith.constant 0 : i32
      %dma_wait3A_349 = tpu.memref_slice %arg14[%run_scoped3A_197, %dma_wait3A_348] : memref<2x128xi32, #tpu.memory_space<vmem>> -> memref<1x128xi32, #tpu.memory_space<vmem>>
      %dma_wait3A_350 = tpu.memref_squeeze %dma_wait3A_349 : memref<1x128xi32, #tpu.memory_space<vmem>> -> memref<128xi32, #tpu.memory_space<vmem>>
      %dma_wait3A_351 = arith.constant 0 : i32
      %dma_wait3A_352 = arith.constant 0 : i32
      %dma_wait3A_353 = tpu.memref_slice %arg17[%dma_wait3A_351, %dma_wait3A_352] : memref<10008x128xf32, #tpu.memory_space<vmem_shared>> -> memref<10008x128xf32, #tpu.memory_space<vmem_shared>>
      tpu.wait_indirect_dma semaphore(%run_scoped3A_341 : memref<!tpu.dma_semaphore, #tpu.memory_space<semaphore_mem>>) src(%arg11 : memref<128x128xf32, #tpu.memory_space<vmem>>) dst(%dma_wait3A_353 : memref<10008x128xf32, #tpu.memory_space<vmem_shared>>)
      tpu.yield
    }) : () -> ()
    %eq3A_198 = arith.constant 0 : i32
    %eq3A_199 = arith.cmpi eq, %arg0, %eq3A_198 : i32
    %convert_element_type3A_200 = arith.extui %eq3A_199 : i1 to i32
    %cond3A_201 = arith.constant 0 : i32
    %cond3A_202 = arith.cmpi ne, %convert_element_type3A_200, %cond3A_201 : i32
    scf.if %cond3A_202 {
      %run_scoped3A_341 = arith.constant 1 : i32
      "tpu.region"() ({
        %run_scoped3A_342 = tpu.sem_alloc : memref<!tpu.dma_semaphore, #tpu.memory_space<semaphore_mem>>
        %dma_start3A_343 = arith.constant 0 : i32
        %dma_start3A_344 = tpu.memref_slice %arg14[%run_scoped3A_341, %dma_start3A_343] : memref<2x128xi32, #tpu.memory_space<vmem>> -> memref<1x128xi32, #tpu.memory_space<vmem>>
        %dma_start3A_345 = tpu.memref_squeeze %dma_start3A_344 : memref<1x128xi32, #tpu.memory_space<vmem>> -> memref<128xi32, #tpu.memory_space<vmem>>
        %dma_start3A_346 = arith.constant 0 : i32
        %dma_start3A_347 = tpu.memref_slice %arg18[%dma_start3A_346] : memref<10240xf32, #tpu.memory_space<vmem_shared>> -> memref<10240xf32, #tpu.memory_space<vmem_shared>>
        tpu.enqueue_indirect_dma source(%arg16 : memref<128xf32, #tpu.memory_space<vmem>>) target(%dma_start3A_347 : memref<10240xf32, #tpu.memory_space<vmem_shared>>) offsets(%dma_start3A_345 : memref<128xi32, #tpu.memory_space<vmem>>) semaphore(%run_scoped3A_342 : memref<!tpu.dma_semaphore, #tpu.memory_space<semaphore_mem>>) {add = true}
        %dma_wait3A_348 = arith.constant 0 : i32
        %dma_wait3A_349 = tpu.memref_slice %arg14[%run_scoped3A_341, %dma_wait3A_348] : memref<2x128xi32, #tpu.memory_space<vmem>> -> memref<1x128xi32, #tpu.memory_space<vmem>>
        %dma_wait3A_350 = tpu.memref_squeeze %dma_wait3A_349 : memref<1x128xi32, #tpu.memory_space<vmem>> -> memref<128xi32, #tpu.memory_space<vmem>>
        %dma_wait3A_351 = arith.constant 0 : i32
        %dma_wait3A_352 = tpu.memref_slice %arg18[%dma_wait3A_351] : memref<10240xf32, #tpu.memory_space<vmem_shared>> -> memref<10240xf32, #tpu.memory_space<vmem_shared>>
        tpu.wait_indirect_dma semaphore(%run_scoped3A_342 : memref<!tpu.dma_semaphore, #tpu.memory_space<semaphore_mem>>) src(%arg16 : memref<128xf32, #tpu.memory_space<vmem>>) dst(%dma_wait3A_352 : memref<10240xf32, #tpu.memory_space<vmem_shared>>)
        tpu.yield
      }) : () -> ()
    } else {
    }
    %mul3A_203 = arith.constant 79 : i32
    %mul3A_204 = arith.muli %add3A, %mul3A_203 : i32
    %add3A_205 = arith.constant 78 : i32
    %add3A_206 = arith.addi %mul3A_204, %add3A_205 : i32
    %dma_start3A_207 = arith.constant 0 : i32
    %dma_start3A_208 = arith.constant 0 : i32
    %dma_start3A_209 = tpu.memref_slice %arg3[%add3A_206, %dma_start3A_207, %dma_start3A_208] : memref<2528x2x128xi32, #tpu.memory_space<hbm>> -> memref<1x2x128xi32, #tpu.memory_space<hbm>>
    %dma_start3A_210 = tpu.memref_squeeze %dma_start3A_209 : memref<1x2x128xi32, #tpu.memory_space<hbm>> -> memref<2x128xi32, #tpu.memory_space<hbm>>
    %dma_start3A_211 = arith.constant 0 : i32
    %dma_start3A_212 = arith.constant 0 : i32
    %dma_start3A_213 = tpu.memref_slice %arg3[%add3A_206, %dma_start3A_211, %dma_start3A_212] : memref<2528x2x128xi32, #tpu.memory_space<hbm>> -> memref<1x2x128xi32, #tpu.memory_space<hbm>>
    %dma_start3A_214 = tpu.memref_squeeze %dma_start3A_213 : memref<1x2x128xi32, #tpu.memory_space<hbm>> -> memref<2x128xi32, #tpu.memory_space<hbm>>
    tpu.enqueue_dma source(%dma_start3A_214 : memref<2x128xi32, #tpu.memory_space<hbm>>) target(%arg14 : memref<2x128xi32, #tpu.memory_space<vmem>>) target_semaphore(%arg24 : memref<!tpu.dma_semaphore, #tpu.memory_space<semaphore_mem>>)
    %mul3A_215 = arith.constant 79 : i32
    %mul3A_216 = arith.muli %add3A, %mul3A_215 : i32
    %add3A_217 = arith.constant 74 : i32
    %add3A_218 = arith.addi %mul3A_216, %add3A_217 : i32
    %add3A_219 = arith.constant 3 : i32
    %add3A_220 = arith.addi %add3A_218, %add3A_219 : i32
    %sub3A_221 = arith.constant 1 : i32
    %sub3A_222 = arith.subi %add3A_220, %sub3A_221 : i32
    %dma_wait3A_223 = arith.constant 0 : i32
    %dma_wait3A_224 = arith.constant 0 : i32
    %dma_wait3A_225 = tpu.memref_slice %arg3[%sub3A_222, %dma_wait3A_223, %dma_wait3A_224] : memref<2528x2x128xi32, #tpu.memory_space<hbm>> -> memref<1x2x128xi32, #tpu.memory_space<hbm>>
    %dma_wait3A_226 = tpu.memref_squeeze %dma_wait3A_225 : memref<1x2x128xi32, #tpu.memory_space<hbm>> -> memref<2x128xi32, #tpu.memory_space<hbm>>
    %dma_wait3A_227 = arith.constant 0 : i32
    %dma_wait3A_228 = arith.constant 0 : i32
    %dma_wait3A_229 = tpu.memref_slice %arg3[%sub3A_222, %dma_wait3A_227, %dma_wait3A_228] : memref<2528x2x128xi32, #tpu.memory_space<hbm>> -> memref<1x2x128xi32, #tpu.memory_space<hbm>>
    %dma_wait3A_230 = tpu.memref_squeeze %dma_wait3A_229 : memref<1x2x128xi32, #tpu.memory_space<hbm>> -> memref<2x128xi32, #tpu.memory_space<hbm>>
    tpu.wait_dma2 semaphore(%arg22 : memref<!tpu.dma_semaphore, #tpu.memory_space<semaphore_mem>>) src(%dma_wait3A_230 : memref<2x128xi32, #tpu.memory_space<hbm>>) dst(%arg12 : memref<2x128xi32, #tpu.memory_space<vmem>>)
    %dma_start3A_231 = arith.constant 0 : i32
    %dma_start3A_232 = arith.constant 0 : i32
    %dma_start3A_233 = tpu.memref_slice %arg12[%dma_start3A_231, %dma_start3A_232] : memref<2x128xi32, #tpu.memory_space<vmem>> -> memref<1x128xi32, #tpu.memory_space<vmem>>
    %dma_start3A_234 = tpu.memref_squeeze %dma_start3A_233 : memref<1x128xi32, #tpu.memory_space<vmem>> -> memref<128xi32, #tpu.memory_space<vmem>>
    %dma_start3A_235 = arith.constant 0 : i32
    %dma_start3A_236 = arith.constant 0 : i32
    %dma_start3A_237 = tpu.memref_slice %arg2[%dma_start3A_235, %dma_start3A_236] : memref<20000x128xf32, #tpu.memory_space<hbm>> -> memref<20000x128xf32, #tpu.memory_space<hbm>>
    tpu.enqueue_indirect_dma source(%dma_start3A_237 : memref<20000x128xf32, #tpu.memory_space<hbm>>) target(%arg10 : memref<128x128xf32, #tpu.memory_space<vmem>>) offsets(%dma_start3A_234 : memref<128xi32, #tpu.memory_space<vmem>>) semaphore(%arg20 : memref<!tpu.dma_semaphore, #tpu.memory_space<semaphore_mem>>)
    %dma_wait3A_238 = arith.constant 0 : i32
    %dma_wait3A_239 = arith.constant 0 : i32
    %dma_wait3A_240 = tpu.memref_slice %arg15[%dma_wait3A_238, %dma_wait3A_239] : memref<2x128xi32, #tpu.memory_space<vmem>> -> memref<1x128xi32, #tpu.memory_space<vmem>>
    %dma_wait3A_241 = tpu.memref_squeeze %dma_wait3A_240 : memref<1x128xi32, #tpu.memory_space<vmem>> -> memref<128xi32, #tpu.memory_space<vmem>>
    %dma_wait3A_242 = arith.constant 0 : i32
    %dma_wait3A_243 = arith.constant 0 : i32
    %dma_wait3A_244 = tpu.memref_slice %arg2[%dma_wait3A_242, %dma_wait3A_243] : memref<20000x128xf32, #tpu.memory_space<hbm>> -> memref<20000x128xf32, #tpu.memory_space<hbm>>
    tpu.wait_indirect_dma semaphore(%arg19 : memref<!tpu.dma_semaphore, #tpu.memory_space<semaphore_mem>>) src(%dma_wait3A_244 : memref<20000x128xf32, #tpu.memory_space<hbm>>) dst(%arg9 : memref<128x128xf32, #tpu.memory_space<vmem>>)
    %run_scoped3A_245 = arith.constant 1 : i32
    "tpu.region"() ({
      %run_scoped3A_341 = tpu.sem_alloc : memref<!tpu.dma_semaphore, #tpu.memory_space<semaphore_mem>>
      %dma_start3A_342 = arith.constant 0 : i32
      %dma_start3A_343 = tpu.memref_slice %arg15[%run_scoped3A_245, %dma_start3A_342] : memref<2x128xi32, #tpu.memory_space<vmem>> -> memref<1x128xi32, #tpu.memory_space<vmem>>
      %dma_start3A_344 = tpu.memref_squeeze %dma_start3A_343 : memref<1x128xi32, #tpu.memory_space<vmem>> -> memref<128xi32, #tpu.memory_space<vmem>>
      %dma_start3A_345 = arith.constant 0 : i32
      %dma_start3A_346 = arith.constant 0 : i32
      %dma_start3A_347 = tpu.memref_slice %arg17[%dma_start3A_345, %dma_start3A_346] : memref<10008x128xf32, #tpu.memory_space<vmem_shared>> -> memref<10008x128xf32, #tpu.memory_space<vmem_shared>>
      tpu.enqueue_indirect_dma source(%arg9 : memref<128x128xf32, #tpu.memory_space<vmem>>) target(%dma_start3A_347 : memref<10008x128xf32, #tpu.memory_space<vmem_shared>>) offsets(%dma_start3A_344 : memref<128xi32, #tpu.memory_space<vmem>>) semaphore(%run_scoped3A_341 : memref<!tpu.dma_semaphore, #tpu.memory_space<semaphore_mem>>) {add = true}
      %dma_wait3A_348 = arith.constant 0 : i32
      %dma_wait3A_349 = tpu.memref_slice %arg15[%run_scoped3A_245, %dma_wait3A_348] : memref<2x128xi32, #tpu.memory_space<vmem>> -> memref<1x128xi32, #tpu.memory_space<vmem>>
      %dma_wait3A_350 = tpu.memref_squeeze %dma_wait3A_349 : memref<1x128xi32, #tpu.memory_space<vmem>> -> memref<128xi32, #tpu.memory_space<vmem>>
      %dma_wait3A_351 = arith.constant 0 : i32
      %dma_wait3A_352 = arith.constant 0 : i32
      %dma_wait3A_353 = tpu.memref_slice %arg17[%dma_wait3A_351, %dma_wait3A_352] : memref<10008x128xf32, #tpu.memory_space<vmem_shared>> -> memref<10008x128xf32, #tpu.memory_space<vmem_shared>>
      tpu.wait_indirect_dma semaphore(%run_scoped3A_341 : memref<!tpu.dma_semaphore, #tpu.memory_space<semaphore_mem>>) src(%arg9 : memref<128x128xf32, #tpu.memory_space<vmem>>) dst(%dma_wait3A_353 : memref<10008x128xf32, #tpu.memory_space<vmem_shared>>)
      tpu.yield
    }) : () -> ()
    %eq3A_246 = arith.constant 1 : i32
    %eq3A_247 = arith.cmpi eq, %arg0, %eq3A_246 : i32
    %convert_element_type3A_248 = arith.extui %eq3A_247 : i1 to i32
    %cond3A_249 = arith.constant 0 : i32
    %cond3A_250 = arith.cmpi ne, %convert_element_type3A_248, %cond3A_249 : i32
    scf.if %cond3A_250 {
      %run_scoped3A_341 = arith.constant 1 : i32
      "tpu.region"() ({
        %run_scoped3A_342 = tpu.sem_alloc : memref<!tpu.dma_semaphore, #tpu.memory_space<semaphore_mem>>
        %dma_start3A_343 = arith.constant 0 : i32
        %dma_start3A_344 = tpu.memref_slice %arg15[%run_scoped3A_341, %dma_start3A_343] : memref<2x128xi32, #tpu.memory_space<vmem>> -> memref<1x128xi32, #tpu.memory_space<vmem>>
        %dma_start3A_345 = tpu.memref_squeeze %dma_start3A_344 : memref<1x128xi32, #tpu.memory_space<vmem>> -> memref<128xi32, #tpu.memory_space<vmem>>
        %dma_start3A_346 = arith.constant 0 : i32
        %dma_start3A_347 = tpu.memref_slice %arg18[%dma_start3A_346] : memref<10240xf32, #tpu.memory_space<vmem_shared>> -> memref<10240xf32, #tpu.memory_space<vmem_shared>>
        tpu.enqueue_indirect_dma source(%arg16 : memref<128xf32, #tpu.memory_space<vmem>>) target(%dma_start3A_347 : memref<10240xf32, #tpu.memory_space<vmem_shared>>) offsets(%dma_start3A_345 : memref<128xi32, #tpu.memory_space<vmem>>) semaphore(%run_scoped3A_342 : memref<!tpu.dma_semaphore, #tpu.memory_space<semaphore_mem>>) {add = true}
        %dma_wait3A_348 = arith.constant 0 : i32
        %dma_wait3A_349 = tpu.memref_slice %arg15[%run_scoped3A_341, %dma_wait3A_348] : memref<2x128xi32, #tpu.memory_space<vmem>> -> memref<1x128xi32, #tpu.memory_space<vmem>>
        %dma_wait3A_350 = tpu.memref_squeeze %dma_wait3A_349 : memref<1x128xi32, #tpu.memory_space<vmem>> -> memref<128xi32, #tpu.memory_space<vmem>>
        %dma_wait3A_351 = arith.constant 0 : i32
        %dma_wait3A_352 = tpu.memref_slice %arg18[%dma_wait3A_351] : memref<10240xf32, #tpu.memory_space<vmem_shared>> -> memref<10240xf32, #tpu.memory_space<vmem_shared>>
        tpu.wait_indirect_dma semaphore(%run_scoped3A_342 : memref<!tpu.dma_semaphore, #tpu.memory_space<semaphore_mem>>) src(%arg16 : memref<128xf32, #tpu.memory_space<vmem>>) dst(%dma_wait3A_352 : memref<10240xf32, #tpu.memory_space<vmem_shared>>)
        tpu.yield
      }) : () -> ()
    } else {
    }
    %mul3A_251 = arith.constant 79 : i32
    %mul3A_252 = arith.muli %add3A, %mul3A_251 : i32
    %add3A_253 = arith.constant 75 : i32
    %add3A_254 = arith.addi %mul3A_252, %add3A_253 : i32
    %add3A_255 = arith.constant 3 : i32
    %add3A_256 = arith.addi %add3A_254, %add3A_255 : i32
    %sub3A_257 = arith.constant 1 : i32
    %sub3A_258 = arith.subi %add3A_256, %sub3A_257 : i32
    %dma_wait3A_259 = arith.constant 0 : i32
    %dma_wait3A_260 = arith.constant 0 : i32
    %dma_wait3A_261 = tpu.memref_slice %arg3[%sub3A_258, %dma_wait3A_259, %dma_wait3A_260] : memref<2528x2x128xi32, #tpu.memory_space<hbm>> -> memref<1x2x128xi32, #tpu.memory_space<hbm>>
    %dma_wait3A_262 = tpu.memref_squeeze %dma_wait3A_261 : memref<1x2x128xi32, #tpu.memory_space<hbm>> -> memref<2x128xi32, #tpu.memory_space<hbm>>
    %dma_wait3A_263 = arith.constant 0 : i32
    %dma_wait3A_264 = arith.constant 0 : i32
    %dma_wait3A_265 = tpu.memref_slice %arg3[%sub3A_258, %dma_wait3A_263, %dma_wait3A_264] : memref<2528x2x128xi32, #tpu.memory_space<hbm>> -> memref<1x2x128xi32, #tpu.memory_space<hbm>>
    %dma_wait3A_266 = tpu.memref_squeeze %dma_wait3A_265 : memref<1x2x128xi32, #tpu.memory_space<hbm>> -> memref<2x128xi32, #tpu.memory_space<hbm>>
    tpu.wait_dma2 semaphore(%arg23 : memref<!tpu.dma_semaphore, #tpu.memory_space<semaphore_mem>>) src(%dma_wait3A_266 : memref<2x128xi32, #tpu.memory_space<hbm>>) dst(%arg13 : memref<2x128xi32, #tpu.memory_space<vmem>>)
    %dma_start3A_267 = arith.constant 0 : i32
    %dma_start3A_268 = arith.constant 0 : i32
    %dma_start3A_269 = tpu.memref_slice %arg13[%dma_start3A_267, %dma_start3A_268] : memref<2x128xi32, #tpu.memory_space<vmem>> -> memref<1x128xi32, #tpu.memory_space<vmem>>
    %dma_start3A_270 = tpu.memref_squeeze %dma_start3A_269 : memref<1x128xi32, #tpu.memory_space<vmem>> -> memref<128xi32, #tpu.memory_space<vmem>>
    %dma_start3A_271 = arith.constant 0 : i32
    %dma_start3A_272 = arith.constant 0 : i32
    %dma_start3A_273 = tpu.memref_slice %arg2[%dma_start3A_271, %dma_start3A_272] : memref<20000x128xf32, #tpu.memory_space<hbm>> -> memref<20000x128xf32, #tpu.memory_space<hbm>>
    tpu.enqueue_indirect_dma source(%dma_start3A_273 : memref<20000x128xf32, #tpu.memory_space<hbm>>) target(%arg11 : memref<128x128xf32, #tpu.memory_space<vmem>>) offsets(%dma_start3A_270 : memref<128xi32, #tpu.memory_space<vmem>>) semaphore(%arg21 : memref<!tpu.dma_semaphore, #tpu.memory_space<semaphore_mem>>)
    %dma_wait3A_274 = arith.constant 0 : i32
    %dma_wait3A_275 = arith.constant 0 : i32
    %dma_wait3A_276 = tpu.memref_slice %arg12[%dma_wait3A_274, %dma_wait3A_275] : memref<2x128xi32, #tpu.memory_space<vmem>> -> memref<1x128xi32, #tpu.memory_space<vmem>>
    %dma_wait3A_277 = tpu.memref_squeeze %dma_wait3A_276 : memref<1x128xi32, #tpu.memory_space<vmem>> -> memref<128xi32, #tpu.memory_space<vmem>>
    %dma_wait3A_278 = arith.constant 0 : i32
    %dma_wait3A_279 = arith.constant 0 : i32
    %dma_wait3A_280 = tpu.memref_slice %arg2[%dma_wait3A_278, %dma_wait3A_279] : memref<20000x128xf32, #tpu.memory_space<hbm>> -> memref<20000x128xf32, #tpu.memory_space<hbm>>
    tpu.wait_indirect_dma semaphore(%arg20 : memref<!tpu.dma_semaphore, #tpu.memory_space<semaphore_mem>>) src(%dma_wait3A_280 : memref<20000x128xf32, #tpu.memory_space<hbm>>) dst(%arg10 : memref<128x128xf32, #tpu.memory_space<vmem>>)
    %run_scoped3A_281 = arith.constant 1 : i32
    "tpu.region"() ({
      %run_scoped3A_341 = tpu.sem_alloc : memref<!tpu.dma_semaphore, #tpu.memory_space<semaphore_mem>>
      %dma_start3A_342 = arith.constant 0 : i32
      %dma_start3A_343 = tpu.memref_slice %arg12[%run_scoped3A_281, %dma_start3A_342] : memref<2x128xi32, #tpu.memory_space<vmem>> -> memref<1x128xi32, #tpu.memory_space<vmem>>
      %dma_start3A_344 = tpu.memref_squeeze %dma_start3A_343 : memref<1x128xi32, #tpu.memory_space<vmem>> -> memref<128xi32, #tpu.memory_space<vmem>>
      %dma_start3A_345 = arith.constant 0 : i32
      %dma_start3A_346 = arith.constant 0 : i32
      %dma_start3A_347 = tpu.memref_slice %arg17[%dma_start3A_345, %dma_start3A_346] : memref<10008x128xf32, #tpu.memory_space<vmem_shared>> -> memref<10008x128xf32, #tpu.memory_space<vmem_shared>>
      tpu.enqueue_indirect_dma source(%arg10 : memref<128x128xf32, #tpu.memory_space<vmem>>) target(%dma_start3A_347 : memref<10008x128xf32, #tpu.memory_space<vmem_shared>>) offsets(%dma_start3A_344 : memref<128xi32, #tpu.memory_space<vmem>>) semaphore(%run_scoped3A_341 : memref<!tpu.dma_semaphore, #tpu.memory_space<semaphore_mem>>) {add = true}
      %dma_wait3A_348 = arith.constant 0 : i32
      %dma_wait3A_349 = tpu.memref_slice %arg12[%run_scoped3A_281, %dma_wait3A_348] : memref<2x128xi32, #tpu.memory_space<vmem>> -> memref<1x128xi32, #tpu.memory_space<vmem>>
      %dma_wait3A_350 = tpu.memref_squeeze %dma_wait3A_349 : memref<1x128xi32, #tpu.memory_space<vmem>> -> memref<128xi32, #tpu.memory_space<vmem>>
      %dma_wait3A_351 = arith.constant 0 : i32
      %dma_wait3A_352 = arith.constant 0 : i32
      %dma_wait3A_353 = tpu.memref_slice %arg17[%dma_wait3A_351, %dma_wait3A_352] : memref<10008x128xf32, #tpu.memory_space<vmem_shared>> -> memref<10008x128xf32, #tpu.memory_space<vmem_shared>>
      tpu.wait_indirect_dma semaphore(%run_scoped3A_341 : memref<!tpu.dma_semaphore, #tpu.memory_space<semaphore_mem>>) src(%arg10 : memref<128x128xf32, #tpu.memory_space<vmem>>) dst(%dma_wait3A_353 : memref<10008x128xf32, #tpu.memory_space<vmem_shared>>)
      tpu.yield
    }) : () -> ()
    %eq3A_282 = arith.constant 0 : i32
    %eq3A_283 = arith.cmpi eq, %arg0, %eq3A_282 : i32
    %convert_element_type3A_284 = arith.extui %eq3A_283 : i1 to i32
    %cond3A_285 = arith.constant 0 : i32
    %cond3A_286 = arith.cmpi ne, %convert_element_type3A_284, %cond3A_285 : i32
    scf.if %cond3A_286 {
      %run_scoped3A_341 = arith.constant 1 : i32
      "tpu.region"() ({
        %run_scoped3A_342 = tpu.sem_alloc : memref<!tpu.dma_semaphore, #tpu.memory_space<semaphore_mem>>
        %dma_start3A_343 = arith.constant 0 : i32
        %dma_start3A_344 = tpu.memref_slice %arg12[%run_scoped3A_341, %dma_start3A_343] : memref<2x128xi32, #tpu.memory_space<vmem>> -> memref<1x128xi32, #tpu.memory_space<vmem>>
        %dma_start3A_345 = tpu.memref_squeeze %dma_start3A_344 : memref<1x128xi32, #tpu.memory_space<vmem>> -> memref<128xi32, #tpu.memory_space<vmem>>
        %dma_start3A_346 = arith.constant 0 : i32
        %dma_start3A_347 = tpu.memref_slice %arg18[%dma_start3A_346] : memref<10240xf32, #tpu.memory_space<vmem_shared>> -> memref<10240xf32, #tpu.memory_space<vmem_shared>>
        tpu.enqueue_indirect_dma source(%arg16 : memref<128xf32, #tpu.memory_space<vmem>>) target(%dma_start3A_347 : memref<10240xf32, #tpu.memory_space<vmem_shared>>) offsets(%dma_start3A_345 : memref<128xi32, #tpu.memory_space<vmem>>) semaphore(%run_scoped3A_342 : memref<!tpu.dma_semaphore, #tpu.memory_space<semaphore_mem>>) {add = true}
        %dma_wait3A_348 = arith.constant 0 : i32
        %dma_wait3A_349 = tpu.memref_slice %arg12[%run_scoped3A_341, %dma_wait3A_348] : memref<2x128xi32, #tpu.memory_space<vmem>> -> memref<1x128xi32, #tpu.memory_space<vmem>>
        %dma_wait3A_350 = tpu.memref_squeeze %dma_wait3A_349 : memref<1x128xi32, #tpu.memory_space<vmem>> -> memref<128xi32, #tpu.memory_space<vmem>>
        %dma_wait3A_351 = arith.constant 0 : i32
        %dma_wait3A_352 = tpu.memref_slice %arg18[%dma_wait3A_351] : memref<10240xf32, #tpu.memory_space<vmem_shared>> -> memref<10240xf32, #tpu.memory_space<vmem_shared>>
        tpu.wait_indirect_dma semaphore(%run_scoped3A_342 : memref<!tpu.dma_semaphore, #tpu.memory_space<semaphore_mem>>) src(%arg16 : memref<128xf32, #tpu.memory_space<vmem>>) dst(%dma_wait3A_352 : memref<10240xf32, #tpu.memory_space<vmem_shared>>)
        tpu.yield
      }) : () -> ()
    } else {
    }
    %mul3A_287 = arith.constant 79 : i32
    %mul3A_288 = arith.muli %add3A, %mul3A_287 : i32
    %add3A_289 = arith.constant 76 : i32
    %add3A_290 = arith.addi %mul3A_288, %add3A_289 : i32
    %add3A_291 = arith.constant 3 : i32
    %add3A_292 = arith.addi %add3A_290, %add3A_291 : i32
    %sub3A_293 = arith.constant 1 : i32
    %sub3A_294 = arith.subi %add3A_292, %sub3A_293 : i32
    %dma_wait3A_295 = arith.constant 0 : i32
    %dma_wait3A_296 = arith.constant 0 : i32
    %dma_wait3A_297 = tpu.memref_slice %arg3[%sub3A_294, %dma_wait3A_295, %dma_wait3A_296] : memref<2528x2x128xi32, #tpu.memory_space<hbm>> -> memref<1x2x128xi32, #tpu.memory_space<hbm>>
    %dma_wait3A_298 = tpu.memref_squeeze %dma_wait3A_297 : memref<1x2x128xi32, #tpu.memory_space<hbm>> -> memref<2x128xi32, #tpu.memory_space<hbm>>
    %dma_wait3A_299 = arith.constant 0 : i32
    %dma_wait3A_300 = arith.constant 0 : i32
    %dma_wait3A_301 = tpu.memref_slice %arg3[%sub3A_294, %dma_wait3A_299, %dma_wait3A_300] : memref<2528x2x128xi32, #tpu.memory_space<hbm>> -> memref<1x2x128xi32, #tpu.memory_space<hbm>>
    %dma_wait3A_302 = tpu.memref_squeeze %dma_wait3A_301 : memref<1x2x128xi32, #tpu.memory_space<hbm>> -> memref<2x128xi32, #tpu.memory_space<hbm>>
    tpu.wait_dma2 semaphore(%arg24 : memref<!tpu.dma_semaphore, #tpu.memory_space<semaphore_mem>>) src(%dma_wait3A_302 : memref<2x128xi32, #tpu.memory_space<hbm>>) dst(%arg14 : memref<2x128xi32, #tpu.memory_space<vmem>>)
    %dma_start3A_303 = arith.constant 0 : i32
    %dma_start3A_304 = arith.constant 0 : i32
    %dma_start3A_305 = tpu.memref_slice %arg14[%dma_start3A_303, %dma_start3A_304] : memref<2x128xi32, #tpu.memory_space<vmem>> -> memref<1x128xi32, #tpu.memory_space<vmem>>
    %dma_start3A_306 = tpu.memref_squeeze %dma_start3A_305 : memref<1x128xi32, #tpu.memory_space<vmem>> -> memref<128xi32, #tpu.memory_space<vmem>>
    %dma_start3A_307 = arith.constant 0 : i32
    %dma_start3A_308 = arith.constant 0 : i32
    %dma_start3A_309 = tpu.memref_slice %arg2[%dma_start3A_307, %dma_start3A_308] : memref<20000x128xf32, #tpu.memory_space<hbm>> -> memref<20000x128xf32, #tpu.memory_space<hbm>>
    tpu.enqueue_indirect_dma source(%dma_start3A_309 : memref<20000x128xf32, #tpu.memory_space<hbm>>) target(%arg9 : memref<128x128xf32, #tpu.memory_space<vmem>>) offsets(%dma_start3A_306 : memref<128xi32, #tpu.memory_space<vmem>>) semaphore(%arg19 : memref<!tpu.dma_semaphore, #tpu.memory_space<semaphore_mem>>)
    %dma_wait3A_310 = arith.constant 0 : i32
    %dma_wait3A_311 = arith.constant 0 : i32
    %dma_wait3A_312 = tpu.memref_slice %arg13[%dma_wait3A_310, %dma_wait3A_311] : memref<2x128xi32, #tpu.memory_space<vmem>> -> memref<1x128xi32, #tpu.memory_space<vmem>>
    %dma_wait3A_313 = tpu.memref_squeeze %dma_wait3A_312 : memref<1x128xi32, #tpu.memory_space<vmem>> -> memref<128xi32, #tpu.memory_space<vmem>>
    %dma_wait3A_314 = arith.constant 0 : i32
    %dma_wait3A_315 = arith.constant 0 : i32
    %dma_wait3A_316 = tpu.memref_slice %arg2[%dma_wait3A_314, %dma_wait3A_315] : memref<20000x128xf32, #tpu.memory_space<hbm>> -> memref<20000x128xf32, #tpu.memory_space<hbm>>
    tpu.wait_indirect_dma semaphore(%arg21 : memref<!tpu.dma_semaphore, #tpu.memory_space<semaphore_mem>>) src(%dma_wait3A_316 : memref<20000x128xf32, #tpu.memory_space<hbm>>) dst(%arg11 : memref<128x128xf32, #tpu.memory_space<vmem>>)
    %run_scoped3A_317 = arith.constant 1 : i32
    "tpu.region"() ({
      %run_scoped3A_341 = tpu.sem_alloc : memref<!tpu.dma_semaphore, #tpu.memory_space<semaphore_mem>>
      %dma_start3A_342 = arith.constant 0 : i32
      %dma_start3A_343 = tpu.memref_slice %arg13[%run_scoped3A_317, %dma_start3A_342] : memref<2x128xi32, #tpu.memory_space<vmem>> -> memref<1x128xi32, #tpu.memory_space<vmem>>
      %dma_start3A_344 = tpu.memref_squeeze %dma_start3A_343 : memref<1x128xi32, #tpu.memory_space<vmem>> -> memref<128xi32, #tpu.memory_space<vmem>>
      %dma_start3A_345 = arith.constant 0 : i32
      %dma_start3A_346 = arith.constant 0 : i32
      %dma_start3A_347 = tpu.memref_slice %arg17[%dma_start3A_345, %dma_start3A_346] : memref<10008x128xf32, #tpu.memory_space<vmem_shared>> -> memref<10008x128xf32, #tpu.memory_space<vmem_shared>>
      tpu.enqueue_indirect_dma source(%arg11 : memref<128x128xf32, #tpu.memory_space<vmem>>) target(%dma_start3A_347 : memref<10008x128xf32, #tpu.memory_space<vmem_shared>>) offsets(%dma_start3A_344 : memref<128xi32, #tpu.memory_space<vmem>>) semaphore(%run_scoped3A_341 : memref<!tpu.dma_semaphore, #tpu.memory_space<semaphore_mem>>) {add = true}
      %dma_wait3A_348 = arith.constant 0 : i32
      %dma_wait3A_349 = tpu.memref_slice %arg13[%run_scoped3A_317, %dma_wait3A_348] : memref<2x128xi32, #tpu.memory_space<vmem>> -> memref<1x128xi32, #tpu.memory_space<vmem>>
      %dma_wait3A_350 = tpu.memref_squeeze %dma_wait3A_349 : memref<1x128xi32, #tpu.memory_space<vmem>> -> memref<128xi32, #tpu.memory_space<vmem>>
      %dma_wait3A_351 = arith.constant 0 : i32
      %dma_wait3A_352 = arith.constant 0 : i32
      %dma_wait3A_353 = tpu.memref_slice %arg17[%dma_wait3A_351, %dma_wait3A_352] : memref<10008x128xf32, #tpu.memory_space<vmem_shared>> -> memref<10008x128xf32, #tpu.memory_space<vmem_shared>>
      tpu.wait_indirect_dma semaphore(%run_scoped3A_341 : memref<!tpu.dma_semaphore, #tpu.memory_space<semaphore_mem>>) src(%arg11 : memref<128x128xf32, #tpu.memory_space<vmem>>) dst(%dma_wait3A_353 : memref<10008x128xf32, #tpu.memory_space<vmem_shared>>)
      tpu.yield
    }) : () -> ()
    %eq3A_318 = arith.constant 1 : i32
    %eq3A_319 = arith.cmpi eq, %arg0, %eq3A_318 : i32
    %convert_element_type3A_320 = arith.extui %eq3A_319 : i1 to i32
    %cond3A_321 = arith.constant 0 : i32
    %cond3A_322 = arith.cmpi ne, %convert_element_type3A_320, %cond3A_321 : i32
    scf.if %cond3A_322 {
      %run_scoped3A_341 = arith.constant 1 : i32
      "tpu.region"() ({
        %run_scoped3A_342 = tpu.sem_alloc : memref<!tpu.dma_semaphore, #tpu.memory_space<semaphore_mem>>
        %dma_start3A_343 = arith.constant 0 : i32
        %dma_start3A_344 = tpu.memref_slice %arg13[%run_scoped3A_341, %dma_start3A_343] : memref<2x128xi32, #tpu.memory_space<vmem>> -> memref<1x128xi32, #tpu.memory_space<vmem>>
        %dma_start3A_345 = tpu.memref_squeeze %dma_start3A_344 : memref<1x128xi32, #tpu.memory_space<vmem>> -> memref<128xi32, #tpu.memory_space<vmem>>
        %dma_start3A_346 = arith.constant 0 : i32
        %dma_start3A_347 = tpu.memref_slice %arg18[%dma_start3A_346] : memref<10240xf32, #tpu.memory_space<vmem_shared>> -> memref<10240xf32, #tpu.memory_space<vmem_shared>>
        tpu.enqueue_indirect_dma source(%arg16 : memref<128xf32, #tpu.memory_space<vmem>>) target(%dma_start3A_347 : memref<10240xf32, #tpu.memory_space<vmem_shared>>) offsets(%dma_start3A_345 : memref<128xi32, #tpu.memory_space<vmem>>) semaphore(%run_scoped3A_342 : memref<!tpu.dma_semaphore, #tpu.memory_space<semaphore_mem>>) {add = true}
        %dma_wait3A_348 = arith.constant 0 : i32
        %dma_wait3A_349 = tpu.memref_slice %arg13[%run_scoped3A_341, %dma_wait3A_348] : memref<2x128xi32, #tpu.memory_space<vmem>> -> memref<1x128xi32, #tpu.memory_space<vmem>>
        %dma_wait3A_350 = tpu.memref_squeeze %dma_wait3A_349 : memref<1x128xi32, #tpu.memory_space<vmem>> -> memref<128xi32, #tpu.memory_space<vmem>>
        %dma_wait3A_351 = arith.constant 0 : i32
        %dma_wait3A_352 = tpu.memref_slice %arg18[%dma_wait3A_351] : memref<10240xf32, #tpu.memory_space<vmem_shared>> -> memref<10240xf32, #tpu.memory_space<vmem_shared>>
        tpu.wait_indirect_dma semaphore(%run_scoped3A_342 : memref<!tpu.dma_semaphore, #tpu.memory_space<semaphore_mem>>) src(%arg16 : memref<128xf32, #tpu.memory_space<vmem>>) dst(%dma_wait3A_352 : memref<10240xf32, #tpu.memory_space<vmem_shared>>)
        tpu.yield
      }) : () -> ()
    } else {
    }
    %dma_wait3A_323 = arith.constant 0 : i32
    %dma_wait3A_324 = arith.constant 0 : i32
    %dma_wait3A_325 = tpu.memref_slice %arg14[%dma_wait3A_323, %dma_wait3A_324] : memref<2x128xi32, #tpu.memory_space<vmem>> -> memref<1x128xi32, #tpu.memory_space<vmem>>
    %dma_wait3A_326 = tpu.memref_squeeze %dma_wait3A_325 : memref<1x128xi32, #tpu.memory_space<vmem>> -> memref<128xi32, #tpu.memory_space<vmem>>
    %dma_wait3A_327 = arith.constant 0 : i32
    %dma_wait3A_328 = arith.constant 0 : i32
    %dma_wait3A_329 = tpu.memref_slice %arg2[%dma_wait3A_327, %dma_wait3A_328] : memref<20000x128xf32, #tpu.memory_space<hbm>> -> memref<20000x128xf32, #tpu.memory_space<hbm>>
    tpu.wait_indirect_dma semaphore(%arg19 : memref<!tpu.dma_semaphore, #tpu.memory_space<semaphore_mem>>) src(%dma_wait3A_329 : memref<20000x128xf32, #tpu.memory_space<hbm>>) dst(%arg9 : memref<128x128xf32, #tpu.memory_space<vmem>>)
    %run_scoped3A_330 = arith.constant 1 : i32
    "tpu.region"() ({
      %run_scoped3A_341 = tpu.sem_alloc : memref<!tpu.dma_semaphore, #tpu.memory_space<semaphore_mem>>
      %dma_start3A_342 = arith.constant 0 : i32
      %dma_start3A_343 = tpu.memref_slice %arg14[%run_scoped3A_330, %dma_start3A_342] : memref<2x128xi32, #tpu.memory_space<vmem>> -> memref<1x128xi32, #tpu.memory_space<vmem>>
      %dma_start3A_344 = tpu.memref_squeeze %dma_start3A_343 : memref<1x128xi32, #tpu.memory_space<vmem>> -> memref<128xi32, #tpu.memory_space<vmem>>
      %dma_start3A_345 = arith.constant 0 : i32
      %dma_start3A_346 = arith.constant 0 : i32
      %dma_start3A_347 = tpu.memref_slice %arg17[%dma_start3A_345, %dma_start3A_346] : memref<10008x128xf32, #tpu.memory_space<vmem_shared>> -> memref<10008x128xf32, #tpu.memory_space<vmem_shared>>
      tpu.enqueue_indirect_dma source(%arg9 : memref<128x128xf32, #tpu.memory_space<vmem>>) target(%dma_start3A_347 : memref<10008x128xf32, #tpu.memory_space<vmem_shared>>) offsets(%dma_start3A_344 : memref<128xi32, #tpu.memory_space<vmem>>) semaphore(%run_scoped3A_341 : memref<!tpu.dma_semaphore, #tpu.memory_space<semaphore_mem>>) {add = true}
      %dma_wait3A_348 = arith.constant 0 : i32
      %dma_wait3A_349 = tpu.memref_slice %arg14[%run_scoped3A_330, %dma_wait3A_348] : memref<2x128xi32, #tpu.memory_space<vmem>> -> memref<1x128xi32, #tpu.memory_space<vmem>>
      %dma_wait3A_350 = tpu.memref_squeeze %dma_wait3A_349 : memref<1x128xi32, #tpu.memory_space<vmem>> -> memref<128xi32, #tpu.memory_space<vmem>>
      %dma_wait3A_351 = arith.constant 0 : i32
      %dma_wait3A_352 = arith.constant 0 : i32
      %dma_wait3A_353 = tpu.memref_slice %arg17[%dma_wait3A_351, %dma_wait3A_352] : memref<10008x128xf32, #tpu.memory_space<vmem_shared>> -> memref<10008x128xf32, #tpu.memory_space<vmem_shared>>
      tpu.wait_indirect_dma semaphore(%run_scoped3A_341 : memref<!tpu.dma_semaphore, #tpu.memory_space<semaphore_mem>>) src(%arg9 : memref<128x128xf32, #tpu.memory_space<vmem>>) dst(%dma_wait3A_353 : memref<10008x128xf32, #tpu.memory_space<vmem_shared>>)
      tpu.yield
    }) : () -> ()
    %eq3A_331 = arith.constant 0 : i32
    %eq3A_332 = arith.cmpi eq, %arg0, %eq3A_331 : i32
    %convert_element_type3A_333 = arith.extui %eq3A_332 : i1 to i32
    %cond3A_334 = arith.constant 0 : i32
    %cond3A_335 = arith.cmpi ne, %convert_element_type3A_333, %cond3A_334 : i32
    scf.if %cond3A_335 {
      %run_scoped3A_341 = arith.constant 1 : i32
      "tpu.region"() ({
        %run_scoped3A_342 = tpu.sem_alloc : memref<!tpu.dma_semaphore, #tpu.memory_space<semaphore_mem>>
        %dma_start3A_343 = arith.constant 0 : i32
        %dma_start3A_344 = tpu.memref_slice %arg14[%run_scoped3A_341, %dma_start3A_343] : memref<2x128xi32, #tpu.memory_space<vmem>> -> memref<1x128xi32, #tpu.memory_space<vmem>>
        %dma_start3A_345 = tpu.memref_squeeze %dma_start3A_344 : memref<1x128xi32, #tpu.memory_space<vmem>> -> memref<128xi32, #tpu.memory_space<vmem>>
        %dma_start3A_346 = arith.constant 0 : i32
        %dma_start3A_347 = tpu.memref_slice %arg18[%dma_start3A_346] : memref<10240xf32, #tpu.memory_space<vmem_shared>> -> memref<10240xf32, #tpu.memory_space<vmem_shared>>
        tpu.enqueue_indirect_dma source(%arg16 : memref<128xf32, #tpu.memory_space<vmem>>) target(%dma_start3A_347 : memref<10240xf32, #tpu.memory_space<vmem_shared>>) offsets(%dma_start3A_345 : memref<128xi32, #tpu.memory_space<vmem>>) semaphore(%run_scoped3A_342 : memref<!tpu.dma_semaphore, #tpu.memory_space<semaphore_mem>>) {add = true}
        %dma_wait3A_348 = arith.constant 0 : i32
        %dma_wait3A_349 = tpu.memref_slice %arg14[%run_scoped3A_341, %dma_wait3A_348] : memref<2x128xi32, #tpu.memory_space<vmem>> -> memref<1x128xi32, #tpu.memory_space<vmem>>
        %dma_wait3A_350 = tpu.memref_squeeze %dma_wait3A_349 : memref<1x128xi32, #tpu.memory_space<vmem>> -> memref<128xi32, #tpu.memory_space<vmem>>
        %dma_wait3A_351 = arith.constant 0 : i32
        %dma_wait3A_352 = tpu.memref_slice %arg18[%dma_wait3A_351] : memref<10240xf32, #tpu.memory_space<vmem_shared>> -> memref<10240xf32, #tpu.memory_space<vmem_shared>>
        tpu.wait_indirect_dma semaphore(%run_scoped3A_342 : memref<!tpu.dma_semaphore, #tpu.memory_space<semaphore_mem>>) src(%arg16 : memref<128xf32, #tpu.memory_space<vmem>>) dst(%dma_wait3A_352 : memref<10240xf32, #tpu.memory_space<vmem_shared>>)
        tpu.yield
      }) : () -> ()
    } else {
    }
    %barrier3A_336 = arith.constant 0 : index
    tpu.barrier barrier_id(%barrier3A_336)
    %mul3A_337 = arith.constant 625 : i32
    %mul3A_338 = arith.muli %arg1, %mul3A_337 : i32
    "tpu.region"() ({
      %run_scoped3A_341 = tpu.sem_alloc : memref<!tpu.dma_semaphore, #tpu.memory_space<semaphore_mem>>
      %dma_start3A_342 = arith.constant 0 : i32
      %dma_start3A_343 = arith.constant 0 : i32
      %dma_start3A_344 = tpu.memref_slice %arg7[%add3A, %dma_start3A_342, %dma_start3A_343] : memref<32x625x128xf32, #tpu.memory_space<hbm>> -> memref<1x625x128xf32, #tpu.memory_space<hbm>>
      %dma_start3A_345 = tpu.memref_squeeze %dma_start3A_344 : memref<1x625x128xf32, #tpu.memory_space<hbm>> -> memref<625x128xf32, #tpu.memory_space<hbm>>
      %dma_start3A_346 = arith.constant 0 : i32
      %dma_start3A_347 = tpu.memref_slice %arg17[%mul3A_338, %dma_start3A_346] : memref<10008x128xf32, #tpu.memory_space<vmem_shared>> -> memref<625x128xf32, #tpu.memory_space<vmem_shared>>
      tpu.enqueue_dma source(%dma_start3A_347 : memref<625x128xf32, #tpu.memory_space<vmem_shared>>) target(%dma_start3A_345 : memref<625x128xf32, #tpu.memory_space<hbm>>) target_semaphore(%run_scoped3A_341 : memref<!tpu.dma_semaphore, #tpu.memory_space<semaphore_mem>>)
      %dma_wait3A_348 = arith.constant 0 : i32
      %dma_wait3A_349 = arith.constant 0 : i32
      %dma_wait3A_350 = tpu.memref_slice %arg7[%add3A, %dma_wait3A_348, %dma_wait3A_349] : memref<32x625x128xf32, #tpu.memory_space<hbm>> -> memref<1x625x128xf32, #tpu.memory_space<hbm>>
      %dma_wait3A_351 = tpu.memref_squeeze %dma_wait3A_350 : memref<1x625x128xf32, #tpu.memory_space<hbm>> -> memref<625x128xf32, #tpu.memory_space<hbm>>
      %dma_wait3A_352 = arith.constant 0 : i32
      %dma_wait3A_353 = tpu.memref_slice %arg17[%mul3A_338, %dma_wait3A_352] : memref<10008x128xf32, #tpu.memory_space<vmem_shared>> -> memref<625x128xf32, #tpu.memory_space<vmem_shared>>
      tpu.wait_dma2 semaphore(%run_scoped3A_341 : memref<!tpu.dma_semaphore, #tpu.memory_space<semaphore_mem>>) src(%dma_wait3A_353 : memref<625x128xf32, #tpu.memory_space<vmem_shared>>) dst(%dma_wait3A_351 : memref<625x128xf32, #tpu.memory_space<hbm>>)
      tpu.yield
    }) : () -> ()
    %mul3A_339 = arith.constant 640 : i32
    %mul3A_340 = arith.muli %arg1, %mul3A_339 : i32
    "tpu.region"() ({
      %run_scoped3A_341 = tpu.sem_alloc : memref<!tpu.dma_semaphore, #tpu.memory_space<semaphore_mem>>
      %dma_start3A_342 = arith.constant 0 : i32
      %dma_start3A_343 = tpu.memref_slice %arg8[%add3A, %dma_start3A_342] : memref<32x640xf32, #tpu.memory_space<hbm>> -> memref<1x640xf32, #tpu.memory_space<hbm>>
      %dma_start3A_344 = tpu.memref_squeeze %dma_start3A_343 : memref<1x640xf32, #tpu.memory_space<hbm>> -> memref<640xf32, #tpu.memory_space<hbm>>
      %dma_start3A_345 = tpu.memref_slice %arg18[%mul3A_340] : memref<10240xf32, #tpu.memory_space<vmem_shared>> -> memref<640xf32, #tpu.memory_space<vmem_shared>>
      tpu.enqueue_dma source(%dma_start3A_345 : memref<640xf32, #tpu.memory_space<vmem_shared>>) target(%dma_start3A_344 : memref<640xf32, #tpu.memory_space<hbm>>) target_semaphore(%run_scoped3A_341 : memref<!tpu.dma_semaphore, #tpu.memory_space<semaphore_mem>>)
      %dma_wait3A_346 = arith.constant 0 : i32
      %dma_wait3A_347 = tpu.memref_slice %arg8[%add3A, %dma_wait3A_346] : memref<32x640xf32, #tpu.memory_space<hbm>> -> memref<1x640xf32, #tpu.memory_space<hbm>>
      %dma_wait3A_348 = tpu.memref_squeeze %dma_wait3A_347 : memref<1x640xf32, #tpu.memory_space<hbm>> -> memref<640xf32, #tpu.memory_space<hbm>>
      %dma_wait3A_349 = tpu.memref_slice %arg18[%mul3A_340] : memref<10240xf32, #tpu.memory_space<vmem_shared>> -> memref<640xf32, #tpu.memory_space<vmem_shared>>
      tpu.wait_dma2 semaphore(%run_scoped3A_341 : memref<!tpu.dma_semaphore, #tpu.memory_space<semaphore_mem>>) src(%dma_wait3A_349 : memref<640xf32, #tpu.memory_space<vmem_shared>>) dst(%dma_wait3A_348 : memref<640xf32, #tpu.memory_space<hbm>>)
      tpu.yield
    }) : () -> ()
    return
  }
}

#map = affine_map<(d0, d1) -> (0, 0)>
#map1 = affine_map<(d0, d1) -> (0, 0, 0)>
#map2 = affine_map<(d0, d1) -> (0)>
module attributes {stable_mosaic.version = 14 : i64} {
  func.func @_sc_body(%arg0: i32, %arg1: i32, %arg2: memref<20000x128xf32, #tpu.memory_space<hbm>>, %arg3: memref<2528x2x128xi32, #tpu.memory_space<hbm>>, %arg4: memref<128xf32, #tpu.memory_space<hbm>>, %arg5: memref<625x128xf32, #tpu.memory_space<hbm>>, %arg6: memref<16x640xf32, #tpu.memory_space<hbm>>, %arg7: memref<32x625x128xf32, #tpu.memory_space<hbm>>, %arg8: memref<128x128xf32, #tpu.memory_space<vmem>>, %arg9: memref<128x128xf32, #tpu.memory_space<vmem>>, %arg10: memref<128x128xf32, #tpu.memory_space<vmem>>, %arg11: memref<2x128xi32, #tpu.memory_space<vmem>>, %arg12: memref<2x128xi32, #tpu.memory_space<vmem>>, %arg13: memref<2x128xi32, #tpu.memory_space<vmem>>, %arg14: memref<2x128xi32, #tpu.memory_space<vmem>>, %arg15: memref<128xf32, #tpu.memory_space<vmem>>, %arg16: memref<10008x128xf32, #tpu.memory_space<vmem_shared>>, %arg17: memref<10240xf32, #tpu.memory_space<vmem_shared>>, %arg18: memref<!tpu.dma_semaphore, #tpu.memory_space<semaphore_mem>>, %arg19: memref<!tpu.dma_semaphore, #tpu.memory_space<semaphore_mem>>, %arg20: memref<!tpu.dma_semaphore, #tpu.memory_space<semaphore_mem>>, %arg21: memref<!tpu.dma_semaphore, #tpu.memory_space<semaphore_mem>>, %arg22: memref<!tpu.dma_semaphore, #tpu.memory_space<semaphore_mem>>, %arg23: memref<!tpu.dma_semaphore, #tpu.memory_space<semaphore_mem>>, %arg24: memref<!tpu.dma_semaphore, #tpu.memory_space<semaphore_mem>>) attributes {dimension_semantics = [#tpu.dimension_semantics<core_parallel>, #tpu.dimension_semantics<subcore_parallel>], iteration_bounds = array<i64: 2, 16>, scalar_prefetch = 0 : i64, scratch_operands = 17 : i64, tpu.core_type = #tpu.core_type<sc_vector_subcore>, window_params = [{transform_indices = #map}, {transform_indices = #map1}, {transform_indices = #map2}, {transform_indices = #map}, {transform_indices = #map}, {transform_indices = #map1}]} {
    %mul3A = arith.constant 16 : i32
    %mul3A_0 = arith.muli %arg0, %mul3A : i32
    %add3A = arith.addi %mul3A_0, %arg1 : i32
    %mul3A_1 = arith.constant 79 : i32
    %mul3A_2 = arith.muli %add3A, %mul3A_1 : i32
    %add3A_3 = arith.constant 0 : i32
    %add3A_4 = arith.addi %mul3A_2, %add3A_3 : i32
    %dma_start3A = arith.constant 0 : i32
    %dma_start3A_5 = arith.constant 0 : i32
    %dma_start3A_6 = tpu.memref_slice %arg3[%add3A_4, %dma_start3A, %dma_start3A_5] : memref<2528x2x128xi32, #tpu.memory_space<hbm>> -> memref<1x2x128xi32, #tpu.memory_space<hbm>>
    %dma_start3A_7 = tpu.memref_squeeze %dma_start3A_6 : memref<1x2x128xi32, #tpu.memory_space<hbm>> -> memref<2x128xi32, #tpu.memory_space<hbm>>
    %dma_start3A_8 = arith.constant 0 : i32
    %dma_start3A_9 = arith.constant 0 : i32
    %dma_start3A_10 = tpu.memref_slice %arg3[%add3A_4, %dma_start3A_8, %dma_start3A_9] : memref<2528x2x128xi32, #tpu.memory_space<hbm>> -> memref<1x2x128xi32, #tpu.memory_space<hbm>>
    %dma_start3A_11 = tpu.memref_squeeze %dma_start3A_10 : memref<1x2x128xi32, #tpu.memory_space<hbm>> -> memref<2x128xi32, #tpu.memory_space<hbm>>
    tpu.enqueue_dma source(%dma_start3A_11 : memref<2x128xi32, #tpu.memory_space<hbm>>) target(%arg11 : memref<2x128xi32, #tpu.memory_space<vmem>>) target_semaphore(%arg21 : memref<!tpu.dma_semaphore, #tpu.memory_space<semaphore_mem>>)
    %mul3A_12 = arith.constant 79 : i32
    %mul3A_13 = arith.muli %add3A, %mul3A_12 : i32
    %add3A_14 = arith.constant 1 : i32
    %add3A_15 = arith.addi %mul3A_13, %add3A_14 : i32
    %dma_start3A_16 = arith.constant 0 : i32
    %dma_start3A_17 = arith.constant 0 : i32
    %dma_start3A_18 = tpu.memref_slice %arg3[%add3A_15, %dma_start3A_16, %dma_start3A_17] : memref<2528x2x128xi32, #tpu.memory_space<hbm>> -> memref<1x2x128xi32, #tpu.memory_space<hbm>>
    %dma_start3A_19 = tpu.memref_squeeze %dma_start3A_18 : memref<1x2x128xi32, #tpu.memory_space<hbm>> -> memref<2x128xi32, #tpu.memory_space<hbm>>
    %dma_start3A_20 = arith.constant 0 : i32
    %dma_start3A_21 = arith.constant 0 : i32
    %dma_start3A_22 = tpu.memref_slice %arg3[%add3A_15, %dma_start3A_20, %dma_start3A_21] : memref<2528x2x128xi32, #tpu.memory_space<hbm>> -> memref<1x2x128xi32, #tpu.memory_space<hbm>>
    %dma_start3A_23 = tpu.memref_squeeze %dma_start3A_22 : memref<1x2x128xi32, #tpu.memory_space<hbm>> -> memref<2x128xi32, #tpu.memory_space<hbm>>
    tpu.enqueue_dma source(%dma_start3A_23 : memref<2x128xi32, #tpu.memory_space<hbm>>) target(%arg12 : memref<2x128xi32, #tpu.memory_space<vmem>>) target_semaphore(%arg22 : memref<!tpu.dma_semaphore, #tpu.memory_space<semaphore_mem>>)
    %mul3A_24 = arith.constant 79 : i32
    %mul3A_25 = arith.muli %add3A, %mul3A_24 : i32
    %add3A_26 = arith.constant 2 : i32
    %add3A_27 = arith.addi %mul3A_25, %add3A_26 : i32
    %dma_start3A_28 = arith.constant 0 : i32
    %dma_start3A_29 = arith.constant 0 : i32
    %dma_start3A_30 = tpu.memref_slice %arg3[%add3A_27, %dma_start3A_28, %dma_start3A_29] : memref<2528x2x128xi32, #tpu.memory_space<hbm>> -> memref<1x2x128xi32, #tpu.memory_space<hbm>>
    %dma_start3A_31 = tpu.memref_squeeze %dma_start3A_30 : memref<1x2x128xi32, #tpu.memory_space<hbm>> -> memref<2x128xi32, #tpu.memory_space<hbm>>
    %dma_start3A_32 = arith.constant 0 : i32
    %dma_start3A_33 = arith.constant 0 : i32
    %dma_start3A_34 = tpu.memref_slice %arg3[%add3A_27, %dma_start3A_32, %dma_start3A_33] : memref<2528x2x128xi32, #tpu.memory_space<hbm>> -> memref<1x2x128xi32, #tpu.memory_space<hbm>>
    %dma_start3A_35 = tpu.memref_squeeze %dma_start3A_34 : memref<1x2x128xi32, #tpu.memory_space<hbm>> -> memref<2x128xi32, #tpu.memory_space<hbm>>
    tpu.enqueue_dma source(%dma_start3A_35 : memref<2x128xi32, #tpu.memory_space<hbm>>) target(%arg13 : memref<2x128xi32, #tpu.memory_space<vmem>>) target_semaphore(%arg23 : memref<!tpu.dma_semaphore, #tpu.memory_space<semaphore_mem>>)
    %mul3A_36 = arith.constant 79 : i32
    %mul3A_37 = arith.muli %add3A, %mul3A_36 : i32
    %add3A_38 = arith.constant 3 : i32
    %add3A_39 = arith.addi %mul3A_37, %add3A_38 : i32
    %dma_start3A_40 = arith.constant 0 : i32
    %dma_start3A_41 = arith.constant 0 : i32
    %dma_start3A_42 = tpu.memref_slice %arg3[%add3A_39, %dma_start3A_40, %dma_start3A_41] : memref<2528x2x128xi32, #tpu.memory_space<hbm>> -> memref<1x2x128xi32, #tpu.memory_space<hbm>>
    %dma_start3A_43 = tpu.memref_squeeze %dma_start3A_42 : memref<1x2x128xi32, #tpu.memory_space<hbm>> -> memref<2x128xi32, #tpu.memory_space<hbm>>
    %dma_start3A_44 = arith.constant 0 : i32
    %dma_start3A_45 = arith.constant 0 : i32
    %dma_start3A_46 = tpu.memref_slice %arg3[%add3A_39, %dma_start3A_44, %dma_start3A_45] : memref<2528x2x128xi32, #tpu.memory_space<hbm>> -> memref<1x2x128xi32, #tpu.memory_space<hbm>>
    %dma_start3A_47 = tpu.memref_squeeze %dma_start3A_46 : memref<1x2x128xi32, #tpu.memory_space<hbm>> -> memref<2x128xi32, #tpu.memory_space<hbm>>
    tpu.enqueue_dma source(%dma_start3A_47 : memref<2x128xi32, #tpu.memory_space<hbm>>) target(%arg14 : memref<2x128xi32, #tpu.memory_space<vmem>>) target_semaphore(%arg24 : memref<!tpu.dma_semaphore, #tpu.memory_space<semaphore_mem>>)
    %mul3A_48 = arith.constant 79 : i32
    %mul3A_49 = arith.muli %add3A, %mul3A_48 : i32
    %add3A_50 = arith.constant 0 : i32
    %add3A_51 = arith.addi %mul3A_49, %add3A_50 : i32
    %dma_wait3A = arith.constant 0 : i32
    %dma_wait3A_52 = arith.constant 0 : i32
    %dma_wait3A_53 = tpu.memref_slice %arg3[%add3A_51, %dma_wait3A, %dma_wait3A_52] : memref<2528x2x128xi32, #tpu.memory_space<hbm>> -> memref<1x2x128xi32, #tpu.memory_space<hbm>>
    %dma_wait3A_54 = tpu.memref_squeeze %dma_wait3A_53 : memref<1x2x128xi32, #tpu.memory_space<hbm>> -> memref<2x128xi32, #tpu.memory_space<hbm>>
    %dma_wait3A_55 = arith.constant 0 : i32
    %dma_wait3A_56 = arith.constant 0 : i32
    %dma_wait3A_57 = tpu.memref_slice %arg3[%add3A_51, %dma_wait3A_55, %dma_wait3A_56] : memref<2528x2x128xi32, #tpu.memory_space<hbm>> -> memref<1x2x128xi32, #tpu.memory_space<hbm>>
    %dma_wait3A_58 = tpu.memref_squeeze %dma_wait3A_57 : memref<1x2x128xi32, #tpu.memory_space<hbm>> -> memref<2x128xi32, #tpu.memory_space<hbm>>
    tpu.wait_dma2 semaphore(%arg21 : memref<!tpu.dma_semaphore, #tpu.memory_space<semaphore_mem>>) src(%dma_wait3A_58 : memref<2x128xi32, #tpu.memory_space<hbm>>) dst(%arg11 : memref<2x128xi32, #tpu.memory_space<vmem>>)
    %dma_start3A_59 = arith.constant 0 : i32
    %dma_start3A_60 = arith.constant 0 : i32
    %dma_start3A_61 = tpu.memref_slice %arg11[%dma_start3A_59, %dma_start3A_60] : memref<2x128xi32, #tpu.memory_space<vmem>> -> memref<1x128xi32, #tpu.memory_space<vmem>>
    %dma_start3A_62 = tpu.memref_squeeze %dma_start3A_61 : memref<1x128xi32, #tpu.memory_space<vmem>> -> memref<128xi32, #tpu.memory_space<vmem>>
    %dma_start3A_63 = arith.constant 0 : i32
    %dma_start3A_64 = arith.constant 0 : i32
    %dma_start3A_65 = tpu.memref_slice %arg2[%dma_start3A_63, %dma_start3A_64] : memref<20000x128xf32, #tpu.memory_space<hbm>> -> memref<20000x128xf32, #tpu.memory_space<hbm>>
    tpu.enqueue_indirect_dma source(%dma_start3A_65 : memref<20000x128xf32, #tpu.memory_space<hbm>>) target(%arg8 : memref<128x128xf32, #tpu.memory_space<vmem>>) offsets(%dma_start3A_62 : memref<128xi32, #tpu.memory_space<vmem>>) semaphore(%arg18 : memref<!tpu.dma_semaphore, #tpu.memory_space<semaphore_mem>>)
    %mul3A_66 = arith.constant 79 : i32
    %mul3A_67 = arith.muli %add3A, %mul3A_66 : i32
    %add3A_68 = arith.constant 1 : i32
    %add3A_69 = arith.addi %mul3A_67, %add3A_68 : i32
    %dma_wait3A_70 = arith.constant 0 : i32
    %dma_wait3A_71 = arith.constant 0 : i32
    %dma_wait3A_72 = tpu.memref_slice %arg3[%add3A_69, %dma_wait3A_70, %dma_wait3A_71] : memref<2528x2x128xi32, #tpu.memory_space<hbm>> -> memref<1x2x128xi32, #tpu.memory_space<hbm>>
    %dma_wait3A_73 = tpu.memref_squeeze %dma_wait3A_72 : memref<1x2x128xi32, #tpu.memory_space<hbm>> -> memref<2x128xi32, #tpu.memory_space<hbm>>
    %dma_wait3A_74 = arith.constant 0 : i32
    %dma_wait3A_75 = arith.constant 0 : i32
    %dma_wait3A_76 = tpu.memref_slice %arg3[%add3A_69, %dma_wait3A_74, %dma_wait3A_75] : memref<2528x2x128xi32, #tpu.memory_space<hbm>> -> memref<1x2x128xi32, #tpu.memory_space<hbm>>
    %dma_wait3A_77 = tpu.memref_squeeze %dma_wait3A_76 : memref<1x2x128xi32, #tpu.memory_space<hbm>> -> memref<2x128xi32, #tpu.memory_space<hbm>>
    tpu.wait_dma2 semaphore(%arg22 : memref<!tpu.dma_semaphore, #tpu.memory_space<semaphore_mem>>) src(%dma_wait3A_77 : memref<2x128xi32, #tpu.memory_space<hbm>>) dst(%arg12 : memref<2x128xi32, #tpu.memory_space<vmem>>)
    %dma_start3A_78 = arith.constant 0 : i32
    %dma_start3A_79 = arith.constant 0 : i32
    %dma_start3A_80 = tpu.memref_slice %arg12[%dma_start3A_78, %dma_start3A_79] : memref<2x128xi32, #tpu.memory_space<vmem>> -> memref<1x128xi32, #tpu.memory_space<vmem>>
    %dma_start3A_81 = tpu.memref_squeeze %dma_start3A_80 : memref<1x128xi32, #tpu.memory_space<vmem>> -> memref<128xi32, #tpu.memory_space<vmem>>
    %dma_start3A_82 = arith.constant 0 : i32
    %dma_start3A_83 = arith.constant 0 : i32
    %dma_start3A_84 = tpu.memref_slice %arg2[%dma_start3A_82, %dma_start3A_83] : memref<20000x128xf32, #tpu.memory_space<hbm>> -> memref<20000x128xf32, #tpu.memory_space<hbm>>
    tpu.enqueue_indirect_dma source(%dma_start3A_84 : memref<20000x128xf32, #tpu.memory_space<hbm>>) target(%arg9 : memref<128x128xf32, #tpu.memory_space<vmem>>) offsets(%dma_start3A_81 : memref<128xi32, #tpu.memory_space<vmem>>) semaphore(%arg19 : memref<!tpu.dma_semaphore, #tpu.memory_space<semaphore_mem>>)
    %mul3A_85 = arith.constant 625 : i32
    %mul3A_86 = arith.muli %arg1, %mul3A_85 : i32
    "tpu.region"() ({
      %run_scoped3A_302 = tpu.sem_alloc : memref<!tpu.dma_semaphore, #tpu.memory_space<semaphore_mem>>
      %dma_start3A_303 = arith.constant 0 : i32
      %dma_start3A_304 = tpu.memref_slice %arg16[%mul3A_86, %dma_start3A_303] : memref<10008x128xf32, #tpu.memory_space<vmem_shared>> -> memref<625x128xf32, #tpu.memory_space<vmem_shared>>
      tpu.enqueue_dma source(%arg5 : memref<625x128xf32, #tpu.memory_space<hbm>>) target(%dma_start3A_304 : memref<625x128xf32, #tpu.memory_space<vmem_shared>>) target_semaphore(%run_scoped3A_302 : memref<!tpu.dma_semaphore, #tpu.memory_space<semaphore_mem>>)
      %dma_wait3A_305 = arith.constant 0 : i32
      %dma_wait3A_306 = tpu.memref_slice %arg16[%mul3A_86, %dma_wait3A_305] : memref<10008x128xf32, #tpu.memory_space<vmem_shared>> -> memref<625x128xf32, #tpu.memory_space<vmem_shared>>
      tpu.wait_dma2 semaphore(%run_scoped3A_302 : memref<!tpu.dma_semaphore, #tpu.memory_space<semaphore_mem>>) src(%arg5 : memref<625x128xf32, #tpu.memory_space<hbm>>) dst(%dma_wait3A_306 : memref<625x128xf32, #tpu.memory_space<vmem_shared>>)
      tpu.yield
    }) : () -> ()
    %eq3A = arith.constant 0 : i32
    %eq3A_87 = arith.cmpi eq, %arg1, %eq3A : i32
    %convert_element_type3A = arith.extui %eq3A_87 : i1 to i32
    %cond3A = arith.constant 0 : i32
    %cond3A_88 = arith.cmpi ne, %convert_element_type3A, %cond3A : i32
    scf.if %cond3A_88 {
      "tpu.region"() ({
        %run_scoped3A_302 = tpu.sem_alloc : memref<!tpu.dma_semaphore, #tpu.memory_space<semaphore_mem>>
        %dma_start3A_303 = arith.constant 10000 : i32
        %dma_start3A_304 = arith.constant 0 : i32
        %dma_start3A_305 = tpu.memref_slice %arg16[%dma_start3A_303, %dma_start3A_304] : memref<10008x128xf32, #tpu.memory_space<vmem_shared>> -> memref<8x128xf32, #tpu.memory_space<vmem_shared>>
        %dma_start3A_306 = arith.constant 0 : i32
        %dma_start3A_307 = arith.constant 0 : i32
        %dma_start3A_308 = tpu.memref_slice %arg5[%dma_start3A_306, %dma_start3A_307] : memref<625x128xf32, #tpu.memory_space<hbm>> -> memref<8x128xf32, #tpu.memory_space<hbm>>
        tpu.enqueue_dma source(%dma_start3A_308 : memref<8x128xf32, #tpu.memory_space<hbm>>) target(%dma_start3A_305 : memref<8x128xf32, #tpu.memory_space<vmem_shared>>) target_semaphore(%run_scoped3A_302 : memref<!tpu.dma_semaphore, #tpu.memory_space<semaphore_mem>>)
        %dma_wait3A_309 = arith.constant 10000 : i32
        %dma_wait3A_310 = arith.constant 0 : i32
        %dma_wait3A_311 = tpu.memref_slice %arg16[%dma_wait3A_309, %dma_wait3A_310] : memref<10008x128xf32, #tpu.memory_space<vmem_shared>> -> memref<8x128xf32, #tpu.memory_space<vmem_shared>>
        %dma_wait3A_312 = arith.constant 0 : i32
        %dma_wait3A_313 = arith.constant 0 : i32
        %dma_wait3A_314 = tpu.memref_slice %arg5[%dma_wait3A_312, %dma_wait3A_313] : memref<625x128xf32, #tpu.memory_space<hbm>> -> memref<8x128xf32, #tpu.memory_space<hbm>>
        tpu.wait_dma2 semaphore(%run_scoped3A_302 : memref<!tpu.dma_semaphore, #tpu.memory_space<semaphore_mem>>) src(%dma_wait3A_314 : memref<8x128xf32, #tpu.memory_space<hbm>>) dst(%dma_wait3A_311 : memref<8x128xf32, #tpu.memory_space<vmem_shared>>)
        tpu.yield
      }) : () -> ()
    } else {
    }
    %barrier3A = arith.constant 0 : index
    tpu.barrier barrier_id(%barrier3A)
    %scan3A = arith.constant 0 : i32
    %scan3A_89 = arith.constant 0 : i32
    %scan3A_90 = arith.constant 6 : i32
    %scan3A_91 = arith.addi %scan3A_89, %scan3A_90 : i32
    %scan3A_92 = arith.constant 1 : i32
    scf.for %scan3A_302 = %scan3A_89 to %scan3A_91 step %scan3A_92  : i32 {
      %mul3A_303 = arith.constant 12 : i32
      %mul3A_304 = arith.muli %scan3A_302, %mul3A_303 : i32
      %add3A_305 = arith.constant 0 : i32
      %add3A_306 = arith.addi %mul3A_304, %add3A_305 : i32
      %dma_wait3A_307 = arith.constant 0 : i32
      %dma_wait3A_308 = arith.constant 0 : i32
      %dma_wait3A_309 = tpu.memref_slice %arg11[%dma_wait3A_307, %dma_wait3A_308] : memref<2x128xi32, #tpu.memory_space<vmem>> -> memref<1x128xi32, #tpu.memory_space<vmem>>
      %dma_wait3A_310 = tpu.memref_squeeze %dma_wait3A_309 : memref<1x128xi32, #tpu.memory_space<vmem>> -> memref<128xi32, #tpu.memory_space<vmem>>
      %dma_wait3A_311 = arith.constant 0 : i32
      %dma_wait3A_312 = arith.constant 0 : i32
      %dma_wait3A_313 = tpu.memref_slice %arg2[%dma_wait3A_311, %dma_wait3A_312] : memref<20000x128xf32, #tpu.memory_space<hbm>> -> memref<20000x128xf32, #tpu.memory_space<hbm>>
      tpu.wait_indirect_dma semaphore(%arg18 : memref<!tpu.dma_semaphore, #tpu.memory_space<semaphore_mem>>) src(%dma_wait3A_313 : memref<20000x128xf32, #tpu.memory_space<hbm>>) dst(%arg8 : memref<128x128xf32, #tpu.memory_space<vmem>>)
      %run_scoped3A_314 = arith.constant 1 : i32
      "tpu.region"() ({
        %run_scoped3A_638 = tpu.sem_alloc : memref<!tpu.dma_semaphore, #tpu.memory_space<semaphore_mem>>
        %dma_start3A_639 = arith.constant 0 : i32
        %dma_start3A_640 = tpu.memref_slice %arg11[%run_scoped3A_314, %dma_start3A_639] : memref<2x128xi32, #tpu.memory_space<vmem>> -> memref<1x128xi32, #tpu.memory_space<vmem>>
        %dma_start3A_641 = tpu.memref_squeeze %dma_start3A_640 : memref<1x128xi32, #tpu.memory_space<vmem>> -> memref<128xi32, #tpu.memory_space<vmem>>
        %dma_start3A_642 = arith.constant 0 : i32
        %dma_start3A_643 = arith.constant 0 : i32
        %dma_start3A_644 = tpu.memref_slice %arg16[%dma_start3A_642, %dma_start3A_643] : memref<10008x128xf32, #tpu.memory_space<vmem_shared>> -> memref<10008x128xf32, #tpu.memory_space<vmem_shared>>
        tpu.enqueue_indirect_dma source(%arg8 : memref<128x128xf32, #tpu.memory_space<vmem>>) target(%dma_start3A_644 : memref<10008x128xf32, #tpu.memory_space<vmem_shared>>) offsets(%dma_start3A_641 : memref<128xi32, #tpu.memory_space<vmem>>) semaphore(%run_scoped3A_638 : memref<!tpu.dma_semaphore, #tpu.memory_space<semaphore_mem>>) {add = true}
        %dma_wait3A_645 = arith.constant 0 : i32
        %dma_wait3A_646 = tpu.memref_slice %arg11[%run_scoped3A_314, %dma_wait3A_645] : memref<2x128xi32, #tpu.memory_space<vmem>> -> memref<1x128xi32, #tpu.memory_space<vmem>>
        %dma_wait3A_647 = tpu.memref_squeeze %dma_wait3A_646 : memref<1x128xi32, #tpu.memory_space<vmem>> -> memref<128xi32, #tpu.memory_space<vmem>>
        %dma_wait3A_648 = arith.constant 0 : i32
        %dma_wait3A_649 = arith.constant 0 : i32
        %dma_wait3A_650 = tpu.memref_slice %arg16[%dma_wait3A_648, %dma_wait3A_649] : memref<10008x128xf32, #tpu.memory_space<vmem_shared>> -> memref<10008x128xf32, #tpu.memory_space<vmem_shared>>
        tpu.wait_indirect_dma semaphore(%run_scoped3A_638 : memref<!tpu.dma_semaphore, #tpu.memory_space<semaphore_mem>>) src(%arg8 : memref<128x128xf32, #tpu.memory_space<vmem>>) dst(%dma_wait3A_650 : memref<10008x128xf32, #tpu.memory_space<vmem_shared>>)
        tpu.yield
      }) : () -> ()
      %add3A_315 = arith.constant 4 : i32
      %add3A_316 = arith.addi %add3A_306, %add3A_315 : i32
      %lt3A = arith.constant 79 : i32
      %lt3A_317 = arith.cmpi slt, %add3A_316, %lt3A : i32
      %convert_element_type3A_318 = arith.extui %lt3A_317 : i1 to i32
      %cond3A_319 = arith.constant 0 : i32
      %cond3A_320 = arith.cmpi ne, %convert_element_type3A_318, %cond3A_319 : i32
      scf.if %cond3A_320 {
        %add3A_638 = arith.constant 4 : i32
        %add3A_639 = arith.addi %add3A_306, %add3A_638 : i32
        %mul3A_640 = arith.constant 79 : i32
        %mul3A_641 = arith.muli %add3A, %mul3A_640 : i32
        %add3A_642 = arith.addi %mul3A_641, %add3A_639 : i32
        %dma_start3A_643 = arith.constant 0 : i32
        %dma_start3A_644 = arith.constant 0 : i32
        %dma_start3A_645 = tpu.memref_slice %arg3[%add3A_642, %dma_start3A_643, %dma_start3A_644] : memref<2528x2x128xi32, #tpu.memory_space<hbm>> -> memref<1x2x128xi32, #tpu.memory_space<hbm>>
        %dma_start3A_646 = tpu.memref_squeeze %dma_start3A_645 : memref<1x2x128xi32, #tpu.memory_space<hbm>> -> memref<2x128xi32, #tpu.memory_space<hbm>>
        %dma_start3A_647 = arith.constant 0 : i32
        %dma_start3A_648 = arith.constant 0 : i32
        %dma_start3A_649 = tpu.memref_slice %arg3[%add3A_642, %dma_start3A_647, %dma_start3A_648] : memref<2528x2x128xi32, #tpu.memory_space<hbm>> -> memref<1x2x128xi32, #tpu.memory_space<hbm>>
        %dma_start3A_650 = tpu.memref_squeeze %dma_start3A_649 : memref<1x2x128xi32, #tpu.memory_space<hbm>> -> memref<2x128xi32, #tpu.memory_space<hbm>>
        tpu.enqueue_dma source(%dma_start3A_650 : memref<2x128xi32, #tpu.memory_space<hbm>>) target(%arg11 : memref<2x128xi32, #tpu.memory_space<vmem>>) target_semaphore(%arg21 : memref<!tpu.dma_semaphore, #tpu.memory_space<semaphore_mem>>)
      } else {
      }
      %add3A_321 = arith.constant 3 : i32
      %add3A_322 = arith.addi %add3A_306, %add3A_321 : i32
      %sub3A_323 = arith.constant 1 : i32
      %sub3A_324 = arith.subi %add3A_322, %sub3A_323 : i32
      %lt3A_325 = arith.constant 79 : i32
      %lt3A_326 = arith.cmpi slt, %sub3A_324, %lt3A_325 : i32
      %convert_element_type3A_327 = arith.extui %lt3A_326 : i1 to i32
      %cond3A_328 = arith.constant 0 : i32
      %cond3A_329 = arith.cmpi ne, %convert_element_type3A_327, %cond3A_328 : i32
      scf.if %cond3A_329 {
        %mul3A_638 = arith.constant 79 : i32
        %mul3A_639 = arith.muli %add3A, %mul3A_638 : i32
        %add3A_640 = arith.addi %mul3A_639, %add3A_306 : i32
        %add3A_641 = arith.constant 3 : i32
        %add3A_642 = arith.addi %add3A_640, %add3A_641 : i32
        %sub3A_643 = arith.constant 1 : i32
        %sub3A_644 = arith.subi %add3A_642, %sub3A_643 : i32
        %dma_wait3A_645 = arith.constant 0 : i32
        %dma_wait3A_646 = arith.constant 0 : i32
        %dma_wait3A_647 = tpu.memref_slice %arg3[%sub3A_644, %dma_wait3A_645, %dma_wait3A_646] : memref<2528x2x128xi32, #tpu.memory_space<hbm>> -> memref<1x2x128xi32, #tpu.memory_space<hbm>>
        %dma_wait3A_648 = tpu.memref_squeeze %dma_wait3A_647 : memref<1x2x128xi32, #tpu.memory_space<hbm>> -> memref<2x128xi32, #tpu.memory_space<hbm>>
        %dma_wait3A_649 = arith.constant 0 : i32
        %dma_wait3A_650 = arith.constant 0 : i32
        %dma_wait3A_651 = tpu.memref_slice %arg3[%sub3A_644, %dma_wait3A_649, %dma_wait3A_650] : memref<2528x2x128xi32, #tpu.memory_space<hbm>> -> memref<1x2x128xi32, #tpu.memory_space<hbm>>
        %dma_wait3A_652 = tpu.memref_squeeze %dma_wait3A_651 : memref<1x2x128xi32, #tpu.memory_space<hbm>> -> memref<2x128xi32, #tpu.memory_space<hbm>>
        tpu.wait_dma2 semaphore(%arg23 : memref<!tpu.dma_semaphore, #tpu.memory_space<semaphore_mem>>) src(%dma_wait3A_652 : memref<2x128xi32, #tpu.memory_space<hbm>>) dst(%arg13 : memref<2x128xi32, #tpu.memory_space<vmem>>)
        %add3A_653 = arith.constant 3 : i32
        %add3A_654 = arith.addi %add3A_306, %add3A_653 : i32
        %sub3A_655 = arith.constant 1 : i32
        %sub3A_656 = arith.subi %add3A_654, %sub3A_655 : i32
        %dma_start3A_657 = arith.constant 0 : i32
        %dma_start3A_658 = arith.constant 0 : i32
        %dma_start3A_659 = tpu.memref_slice %arg13[%dma_start3A_657, %dma_start3A_658] : memref<2x128xi32, #tpu.memory_space<vmem>> -> memref<1x128xi32, #tpu.memory_space<vmem>>
        %dma_start3A_660 = tpu.memref_squeeze %dma_start3A_659 : memref<1x128xi32, #tpu.memory_space<vmem>> -> memref<128xi32, #tpu.memory_space<vmem>>
        %dma_start3A_661 = arith.constant 0 : i32
        %dma_start3A_662 = arith.constant 0 : i32
        %dma_start3A_663 = tpu.memref_slice %arg2[%dma_start3A_661, %dma_start3A_662] : memref<20000x128xf32, #tpu.memory_space<hbm>> -> memref<20000x128xf32, #tpu.memory_space<hbm>>
        tpu.enqueue_indirect_dma source(%dma_start3A_663 : memref<20000x128xf32, #tpu.memory_space<hbm>>) target(%arg10 : memref<128x128xf32, #tpu.memory_space<vmem>>) offsets(%dma_start3A_660 : memref<128xi32, #tpu.memory_space<vmem>>) semaphore(%arg20 : memref<!tpu.dma_semaphore, #tpu.memory_space<semaphore_mem>>)
      } else {
      }
      %mul3A_330 = arith.constant 12 : i32
      %mul3A_331 = arith.muli %scan3A_302, %mul3A_330 : i32
      %add3A_332 = arith.constant 1 : i32
      %add3A_333 = arith.addi %mul3A_331, %add3A_332 : i32
      %dma_wait3A_334 = arith.constant 0 : i32
      %dma_wait3A_335 = arith.constant 0 : i32
      %dma_wait3A_336 = tpu.memref_slice %arg12[%dma_wait3A_334, %dma_wait3A_335] : memref<2x128xi32, #tpu.memory_space<vmem>> -> memref<1x128xi32, #tpu.memory_space<vmem>>
      %dma_wait3A_337 = tpu.memref_squeeze %dma_wait3A_336 : memref<1x128xi32, #tpu.memory_space<vmem>> -> memref<128xi32, #tpu.memory_space<vmem>>
      %dma_wait3A_338 = arith.constant 0 : i32
      %dma_wait3A_339 = arith.constant 0 : i32
      %dma_wait3A_340 = tpu.memref_slice %arg2[%dma_wait3A_338, %dma_wait3A_339] : memref<20000x128xf32, #tpu.memory_space<hbm>> -> memref<20000x128xf32, #tpu.memory_space<hbm>>
      tpu.wait_indirect_dma semaphore(%arg19 : memref<!tpu.dma_semaphore, #tpu.memory_space<semaphore_mem>>) src(%dma_wait3A_340 : memref<20000x128xf32, #tpu.memory_space<hbm>>) dst(%arg9 : memref<128x128xf32, #tpu.memory_space<vmem>>)
      %run_scoped3A_341 = arith.constant 1 : i32
      "tpu.region"() ({
        %run_scoped3A_638 = tpu.sem_alloc : memref<!tpu.dma_semaphore, #tpu.memory_space<semaphore_mem>>
        %dma_start3A_639 = arith.constant 0 : i32
        %dma_start3A_640 = tpu.memref_slice %arg12[%run_scoped3A_341, %dma_start3A_639] : memref<2x128xi32, #tpu.memory_space<vmem>> -> memref<1x128xi32, #tpu.memory_space<vmem>>
        %dma_start3A_641 = tpu.memref_squeeze %dma_start3A_640 : memref<1x128xi32, #tpu.memory_space<vmem>> -> memref<128xi32, #tpu.memory_space<vmem>>
        %dma_start3A_642 = arith.constant 0 : i32
        %dma_start3A_643 = arith.constant 0 : i32
        %dma_start3A_644 = tpu.memref_slice %arg16[%dma_start3A_642, %dma_start3A_643] : memref<10008x128xf32, #tpu.memory_space<vmem_shared>> -> memref<10008x128xf32, #tpu.memory_space<vmem_shared>>
        tpu.enqueue_indirect_dma source(%arg9 : memref<128x128xf32, #tpu.memory_space<vmem>>) target(%dma_start3A_644 : memref<10008x128xf32, #tpu.memory_space<vmem_shared>>) offsets(%dma_start3A_641 : memref<128xi32, #tpu.memory_space<vmem>>) semaphore(%run_scoped3A_638 : memref<!tpu.dma_semaphore, #tpu.memory_space<semaphore_mem>>) {add = true}
        %dma_wait3A_645 = arith.constant 0 : i32
        %dma_wait3A_646 = tpu.memref_slice %arg12[%run_scoped3A_341, %dma_wait3A_645] : memref<2x128xi32, #tpu.memory_space<vmem>> -> memref<1x128xi32, #tpu.memory_space<vmem>>
        %dma_wait3A_647 = tpu.memref_squeeze %dma_wait3A_646 : memref<1x128xi32, #tpu.memory_space<vmem>> -> memref<128xi32, #tpu.memory_space<vmem>>
        %dma_wait3A_648 = arith.constant 0 : i32
        %dma_wait3A_649 = arith.constant 0 : i32
        %dma_wait3A_650 = tpu.memref_slice %arg16[%dma_wait3A_648, %dma_wait3A_649] : memref<10008x128xf32, #tpu.memory_space<vmem_shared>> -> memref<10008x128xf32, #tpu.memory_space<vmem_shared>>
        tpu.wait_indirect_dma semaphore(%run_scoped3A_638 : memref<!tpu.dma_semaphore, #tpu.memory_space<semaphore_mem>>) src(%arg9 : memref<128x128xf32, #tpu.memory_space<vmem>>) dst(%dma_wait3A_650 : memref<10008x128xf32, #tpu.memory_space<vmem_shared>>)
        tpu.yield
      }) : () -> ()
      %add3A_342 = arith.constant 4 : i32
      %add3A_343 = arith.addi %add3A_333, %add3A_342 : i32
      %lt3A_344 = arith.constant 79 : i32
      %lt3A_345 = arith.cmpi slt, %add3A_343, %lt3A_344 : i32
      %convert_element_type3A_346 = arith.extui %lt3A_345 : i1 to i32
      %cond3A_347 = arith.constant 0 : i32
      %cond3A_348 = arith.cmpi ne, %convert_element_type3A_346, %cond3A_347 : i32
      scf.if %cond3A_348 {
        %add3A_638 = arith.constant 4 : i32
        %add3A_639 = arith.addi %add3A_333, %add3A_638 : i32
        %mul3A_640 = arith.constant 79 : i32
        %mul3A_641 = arith.muli %add3A, %mul3A_640 : i32
        %add3A_642 = arith.addi %mul3A_641, %add3A_639 : i32
        %dma_start3A_643 = arith.constant 0 : i32
        %dma_start3A_644 = arith.constant 0 : i32
        %dma_start3A_645 = tpu.memref_slice %arg3[%add3A_642, %dma_start3A_643, %dma_start3A_644] : memref<2528x2x128xi32, #tpu.memory_space<hbm>> -> memref<1x2x128xi32, #tpu.memory_space<hbm>>
        %dma_start3A_646 = tpu.memref_squeeze %dma_start3A_645 : memref<1x2x128xi32, #tpu.memory_space<hbm>> -> memref<2x128xi32, #tpu.memory_space<hbm>>
        %dma_start3A_647 = arith.constant 0 : i32
        %dma_start3A_648 = arith.constant 0 : i32
        %dma_start3A_649 = tpu.memref_slice %arg3[%add3A_642, %dma_start3A_647, %dma_start3A_648] : memref<2528x2x128xi32, #tpu.memory_space<hbm>> -> memref<1x2x128xi32, #tpu.memory_space<hbm>>
        %dma_start3A_650 = tpu.memref_squeeze %dma_start3A_649 : memref<1x2x128xi32, #tpu.memory_space<hbm>> -> memref<2x128xi32, #tpu.memory_space<hbm>>
        tpu.enqueue_dma source(%dma_start3A_650 : memref<2x128xi32, #tpu.memory_space<hbm>>) target(%arg12 : memref<2x128xi32, #tpu.memory_space<vmem>>) target_semaphore(%arg22 : memref<!tpu.dma_semaphore, #tpu.memory_space<semaphore_mem>>)
      } else {
      }
      %add3A_349 = arith.constant 3 : i32
      %add3A_350 = arith.addi %add3A_333, %add3A_349 : i32
      %sub3A_351 = arith.constant 1 : i32
      %sub3A_352 = arith.subi %add3A_350, %sub3A_351 : i32
      %lt3A_353 = arith.constant 79 : i32
      %lt3A_354 = arith.cmpi slt, %sub3A_352, %lt3A_353 : i32
      %convert_element_type3A_355 = arith.extui %lt3A_354 : i1 to i32
      %cond3A_356 = arith.constant 0 : i32
      %cond3A_357 = arith.cmpi ne, %convert_element_type3A_355, %cond3A_356 : i32
      scf.if %cond3A_357 {
        %mul3A_638 = arith.constant 79 : i32
        %mul3A_639 = arith.muli %add3A, %mul3A_638 : i32
        %add3A_640 = arith.addi %mul3A_639, %add3A_333 : i32
        %add3A_641 = arith.constant 3 : i32
        %add3A_642 = arith.addi %add3A_640, %add3A_641 : i32
        %sub3A_643 = arith.constant 1 : i32
        %sub3A_644 = arith.subi %add3A_642, %sub3A_643 : i32
        %dma_wait3A_645 = arith.constant 0 : i32
        %dma_wait3A_646 = arith.constant 0 : i32
        %dma_wait3A_647 = tpu.memref_slice %arg3[%sub3A_644, %dma_wait3A_645, %dma_wait3A_646] : memref<2528x2x128xi32, #tpu.memory_space<hbm>> -> memref<1x2x128xi32, #tpu.memory_space<hbm>>
        %dma_wait3A_648 = tpu.memref_squeeze %dma_wait3A_647 : memref<1x2x128xi32, #tpu.memory_space<hbm>> -> memref<2x128xi32, #tpu.memory_space<hbm>>
        %dma_wait3A_649 = arith.constant 0 : i32
        %dma_wait3A_650 = arith.constant 0 : i32
        %dma_wait3A_651 = tpu.memref_slice %arg3[%sub3A_644, %dma_wait3A_649, %dma_wait3A_650] : memref<2528x2x128xi32, #tpu.memory_space<hbm>> -> memref<1x2x128xi32, #tpu.memory_space<hbm>>
        %dma_wait3A_652 = tpu.memref_squeeze %dma_wait3A_651 : memref<1x2x128xi32, #tpu.memory_space<hbm>> -> memref<2x128xi32, #tpu.memory_space<hbm>>
        tpu.wait_dma2 semaphore(%arg24 : memref<!tpu.dma_semaphore, #tpu.memory_space<semaphore_mem>>) src(%dma_wait3A_652 : memref<2x128xi32, #tpu.memory_space<hbm>>) dst(%arg14 : memref<2x128xi32, #tpu.memory_space<vmem>>)
        %add3A_653 = arith.constant 3 : i32
        %add3A_654 = arith.addi %add3A_333, %add3A_653 : i32
        %sub3A_655 = arith.constant 1 : i32
        %sub3A_656 = arith.subi %add3A_654, %sub3A_655 : i32
        %dma_start3A_657 = arith.constant 0 : i32
        %dma_start3A_658 = arith.constant 0 : i32
        %dma_start3A_659 = tpu.memref_slice %arg14[%dma_start3A_657, %dma_start3A_658] : memref<2x128xi32, #tpu.memory_space<vmem>> -> memref<1x128xi32, #tpu.memory_space<vmem>>
        %dma_start3A_660 = tpu.memref_squeeze %dma_start3A_659 : memref<1x128xi32, #tpu.memory_space<vmem>> -> memref<128xi32, #tpu.memory_space<vmem>>
        %dma_start3A_661 = arith.constant 0 : i32
        %dma_start3A_662 = arith.constant 0 : i32
        %dma_start3A_663 = tpu.memref_slice %arg2[%dma_start3A_661, %dma_start3A_662] : memref<20000x128xf32, #tpu.memory_space<hbm>> -> memref<20000x128xf32, #tpu.memory_space<hbm>>
        tpu.enqueue_indirect_dma source(%dma_start3A_663 : memref<20000x128xf32, #tpu.memory_space<hbm>>) target(%arg8 : memref<128x128xf32, #tpu.memory_space<vmem>>) offsets(%dma_start3A_660 : memref<128xi32, #tpu.memory_space<vmem>>) semaphore(%arg18 : memref<!tpu.dma_semaphore, #tpu.memory_space<semaphore_mem>>)
      } else {
      }
      %mul3A_358 = arith.constant 12 : i32
      %mul3A_359 = arith.muli %scan3A_302, %mul3A_358 : i32
      %add3A_360 = arith.constant 2 : i32
      %add3A_361 = arith.addi %mul3A_359, %add3A_360 : i32
      %dma_wait3A_362 = arith.constant 0 : i32
      %dma_wait3A_363 = arith.constant 0 : i32
      %dma_wait3A_364 = tpu.memref_slice %arg13[%dma_wait3A_362, %dma_wait3A_363] : memref<2x128xi32, #tpu.memory_space<vmem>> -> memref<1x128xi32, #tpu.memory_space<vmem>>
      %dma_wait3A_365 = tpu.memref_squeeze %dma_wait3A_364 : memref<1x128xi32, #tpu.memory_space<vmem>> -> memref<128xi32, #tpu.memory_space<vmem>>
      %dma_wait3A_366 = arith.constant 0 : i32
      %dma_wait3A_367 = arith.constant 0 : i32
      %dma_wait3A_368 = tpu.memref_slice %arg2[%dma_wait3A_366, %dma_wait3A_367] : memref<20000x128xf32, #tpu.memory_space<hbm>> -> memref<20000x128xf32, #tpu.memory_space<hbm>>
      tpu.wait_indirect_dma semaphore(%arg20 : memref<!tpu.dma_semaphore, #tpu.memory_space<semaphore_mem>>) src(%dma_wait3A_368 : memref<20000x128xf32, #tpu.memory_space<hbm>>) dst(%arg10 : memref<128x128xf32, #tpu.memory_space<vmem>>)
      %run_scoped3A_369 = arith.constant 1 : i32
      "tpu.region"() ({
        %run_scoped3A_638 = tpu.sem_alloc : memref<!tpu.dma_semaphore, #tpu.memory_space<semaphore_mem>>
        %dma_start3A_639 = arith.constant 0 : i32
        %dma_start3A_640 = tpu.memref_slice %arg13[%run_scoped3A_369, %dma_start3A_639] : memref<2x128xi32, #tpu.memory_space<vmem>> -> memref<1x128xi32, #tpu.memory_space<vmem>>
        %dma_start3A_641 = tpu.memref_squeeze %dma_start3A_640 : memref<1x128xi32, #tpu.memory_space<vmem>> -> memref<128xi32, #tpu.memory_space<vmem>>
        %dma_start3A_642 = arith.constant 0 : i32
        %dma_start3A_643 = arith.constant 0 : i32
        %dma_start3A_644 = tpu.memref_slice %arg16[%dma_start3A_642, %dma_start3A_643] : memref<10008x128xf32, #tpu.memory_space<vmem_shared>> -> memref<10008x128xf32, #tpu.memory_space<vmem_shared>>
        tpu.enqueue_indirect_dma source(%arg10 : memref<128x128xf32, #tpu.memory_space<vmem>>) target(%dma_start3A_644 : memref<10008x128xf32, #tpu.memory_space<vmem_shared>>) offsets(%dma_start3A_641 : memref<128xi32, #tpu.memory_space<vmem>>) semaphore(%run_scoped3A_638 : memref<!tpu.dma_semaphore, #tpu.memory_space<semaphore_mem>>) {add = true}
        %dma_wait3A_645 = arith.constant 0 : i32
        %dma_wait3A_646 = tpu.memref_slice %arg13[%run_scoped3A_369, %dma_wait3A_645] : memref<2x128xi32, #tpu.memory_space<vmem>> -> memref<1x128xi32, #tpu.memory_space<vmem>>
        %dma_wait3A_647 = tpu.memref_squeeze %dma_wait3A_646 : memref<1x128xi32, #tpu.memory_space<vmem>> -> memref<128xi32, #tpu.memory_space<vmem>>
        %dma_wait3A_648 = arith.constant 0 : i32
        %dma_wait3A_649 = arith.constant 0 : i32
        %dma_wait3A_650 = tpu.memref_slice %arg16[%dma_wait3A_648, %dma_wait3A_649] : memref<10008x128xf32, #tpu.memory_space<vmem_shared>> -> memref<10008x128xf32, #tpu.memory_space<vmem_shared>>
        tpu.wait_indirect_dma semaphore(%run_scoped3A_638 : memref<!tpu.dma_semaphore, #tpu.memory_space<semaphore_mem>>) src(%arg10 : memref<128x128xf32, #tpu.memory_space<vmem>>) dst(%dma_wait3A_650 : memref<10008x128xf32, #tpu.memory_space<vmem_shared>>)
        tpu.yield
      }) : () -> ()
      %add3A_370 = arith.constant 4 : i32
      %add3A_371 = arith.addi %add3A_361, %add3A_370 : i32
      %lt3A_372 = arith.constant 79 : i32
      %lt3A_373 = arith.cmpi slt, %add3A_371, %lt3A_372 : i32
      %convert_element_type3A_374 = arith.extui %lt3A_373 : i1 to i32
      %cond3A_375 = arith.constant 0 : i32
      %cond3A_376 = arith.cmpi ne, %convert_element_type3A_374, %cond3A_375 : i32
      scf.if %cond3A_376 {
        %add3A_638 = arith.constant 4 : i32
        %add3A_639 = arith.addi %add3A_361, %add3A_638 : i32
        %mul3A_640 = arith.constant 79 : i32
        %mul3A_641 = arith.muli %add3A, %mul3A_640 : i32
        %add3A_642 = arith.addi %mul3A_641, %add3A_639 : i32
        %dma_start3A_643 = arith.constant 0 : i32
        %dma_start3A_644 = arith.constant 0 : i32
        %dma_start3A_645 = tpu.memref_slice %arg3[%add3A_642, %dma_start3A_643, %dma_start3A_644] : memref<2528x2x128xi32, #tpu.memory_space<hbm>> -> memref<1x2x128xi32, #tpu.memory_space<hbm>>
        %dma_start3A_646 = tpu.memref_squeeze %dma_start3A_645 : memref<1x2x128xi32, #tpu.memory_space<hbm>> -> memref<2x128xi32, #tpu.memory_space<hbm>>
        %dma_start3A_647 = arith.constant 0 : i32
        %dma_start3A_648 = arith.constant 0 : i32
        %dma_start3A_649 = tpu.memref_slice %arg3[%add3A_642, %dma_start3A_647, %dma_start3A_648] : memref<2528x2x128xi32, #tpu.memory_space<hbm>> -> memref<1x2x128xi32, #tpu.memory_space<hbm>>
        %dma_start3A_650 = tpu.memref_squeeze %dma_start3A_649 : memref<1x2x128xi32, #tpu.memory_space<hbm>> -> memref<2x128xi32, #tpu.memory_space<hbm>>
        tpu.enqueue_dma source(%dma_start3A_650 : memref<2x128xi32, #tpu.memory_space<hbm>>) target(%arg13 : memref<2x128xi32, #tpu.memory_space<vmem>>) target_semaphore(%arg23 : memref<!tpu.dma_semaphore, #tpu.memory_space<semaphore_mem>>)
      } else {
      }
      %add3A_377 = arith.constant 3 : i32
      %add3A_378 = arith.addi %add3A_361, %add3A_377 : i32
      %sub3A_379 = arith.constant 1 : i32
      %sub3A_380 = arith.subi %add3A_378, %sub3A_379 : i32
      %lt3A_381 = arith.constant 79 : i32
      %lt3A_382 = arith.cmpi slt, %sub3A_380, %lt3A_381 : i32
      %convert_element_type3A_383 = arith.extui %lt3A_382 : i1 to i32
      %cond3A_384 = arith.constant 0 : i32
      %cond3A_385 = arith.cmpi ne, %convert_element_type3A_383, %cond3A_384 : i32
      scf.if %cond3A_385 {
        %mul3A_638 = arith.constant 79 : i32
        %mul3A_639 = arith.muli %add3A, %mul3A_638 : i32
        %add3A_640 = arith.addi %mul3A_639, %add3A_361 : i32
        %add3A_641 = arith.constant 3 : i32
        %add3A_642 = arith.addi %add3A_640, %add3A_641 : i32
        %sub3A_643 = arith.constant 1 : i32
        %sub3A_644 = arith.subi %add3A_642, %sub3A_643 : i32
        %dma_wait3A_645 = arith.constant 0 : i32
        %dma_wait3A_646 = arith.constant 0 : i32
        %dma_wait3A_647 = tpu.memref_slice %arg3[%sub3A_644, %dma_wait3A_645, %dma_wait3A_646] : memref<2528x2x128xi32, #tpu.memory_space<hbm>> -> memref<1x2x128xi32, #tpu.memory_space<hbm>>
        %dma_wait3A_648 = tpu.memref_squeeze %dma_wait3A_647 : memref<1x2x128xi32, #tpu.memory_space<hbm>> -> memref<2x128xi32, #tpu.memory_space<hbm>>
        %dma_wait3A_649 = arith.constant 0 : i32
        %dma_wait3A_650 = arith.constant 0 : i32
        %dma_wait3A_651 = tpu.memref_slice %arg3[%sub3A_644, %dma_wait3A_649, %dma_wait3A_650] : memref<2528x2x128xi32, #tpu.memory_space<hbm>> -> memref<1x2x128xi32, #tpu.memory_space<hbm>>
        %dma_wait3A_652 = tpu.memref_squeeze %dma_wait3A_651 : memref<1x2x128xi32, #tpu.memory_space<hbm>> -> memref<2x128xi32, #tpu.memory_space<hbm>>
        tpu.wait_dma2 semaphore(%arg21 : memref<!tpu.dma_semaphore, #tpu.memory_space<semaphore_mem>>) src(%dma_wait3A_652 : memref<2x128xi32, #tpu.memory_space<hbm>>) dst(%arg11 : memref<2x128xi32, #tpu.memory_space<vmem>>)
        %add3A_653 = arith.constant 3 : i32
        %add3A_654 = arith.addi %add3A_361, %add3A_653 : i32
        %sub3A_655 = arith.constant 1 : i32
        %sub3A_656 = arith.subi %add3A_654, %sub3A_655 : i32
        %dma_start3A_657 = arith.constant 0 : i32
        %dma_start3A_658 = arith.constant 0 : i32
        %dma_start3A_659 = tpu.memref_slice %arg11[%dma_start3A_657, %dma_start3A_658] : memref<2x128xi32, #tpu.memory_space<vmem>> -> memref<1x128xi32, #tpu.memory_space<vmem>>
        %dma_start3A_660 = tpu.memref_squeeze %dma_start3A_659 : memref<1x128xi32, #tpu.memory_space<vmem>> -> memref<128xi32, #tpu.memory_space<vmem>>
        %dma_start3A_661 = arith.constant 0 : i32
        %dma_start3A_662 = arith.constant 0 : i32
        %dma_start3A_663 = tpu.memref_slice %arg2[%dma_start3A_661, %dma_start3A_662] : memref<20000x128xf32, #tpu.memory_space<hbm>> -> memref<20000x128xf32, #tpu.memory_space<hbm>>
        tpu.enqueue_indirect_dma source(%dma_start3A_663 : memref<20000x128xf32, #tpu.memory_space<hbm>>) target(%arg9 : memref<128x128xf32, #tpu.memory_space<vmem>>) offsets(%dma_start3A_660 : memref<128xi32, #tpu.memory_space<vmem>>) semaphore(%arg19 : memref<!tpu.dma_semaphore, #tpu.memory_space<semaphore_mem>>)
      } else {
      }
      %mul3A_386 = arith.constant 12 : i32
      %mul3A_387 = arith.muli %scan3A_302, %mul3A_386 : i32
      %add3A_388 = arith.constant 3 : i32
      %add3A_389 = arith.addi %mul3A_387, %add3A_388 : i32
      %dma_wait3A_390 = arith.constant 0 : i32
      %dma_wait3A_391 = arith.constant 0 : i32
      %dma_wait3A_392 = tpu.memref_slice %arg14[%dma_wait3A_390, %dma_wait3A_391] : memref<2x128xi32, #tpu.memory_space<vmem>> -> memref<1x128xi32, #tpu.memory_space<vmem>>
      %dma_wait3A_393 = tpu.memref_squeeze %dma_wait3A_392 : memref<1x128xi32, #tpu.memory_space<vmem>> -> memref<128xi32, #tpu.memory_space<vmem>>
      %dma_wait3A_394 = arith.constant 0 : i32
      %dma_wait3A_395 = arith.constant 0 : i32
      %dma_wait3A_396 = tpu.memref_slice %arg2[%dma_wait3A_394, %dma_wait3A_395] : memref<20000x128xf32, #tpu.memory_space<hbm>> -> memref<20000x128xf32, #tpu.memory_space<hbm>>
      tpu.wait_indirect_dma semaphore(%arg18 : memref<!tpu.dma_semaphore, #tpu.memory_space<semaphore_mem>>) src(%dma_wait3A_396 : memref<20000x128xf32, #tpu.memory_space<hbm>>) dst(%arg8 : memref<128x128xf32, #tpu.memory_space<vmem>>)
      %run_scoped3A_397 = arith.constant 1 : i32
      "tpu.region"() ({
        %run_scoped3A_638 = tpu.sem_alloc : memref<!tpu.dma_semaphore, #tpu.memory_space<semaphore_mem>>
        %dma_start3A_639 = arith.constant 0 : i32
        %dma_start3A_640 = tpu.memref_slice %arg14[%run_scoped3A_397, %dma_start3A_639] : memref<2x128xi32, #tpu.memory_space<vmem>> -> memref<1x128xi32, #tpu.memory_space<vmem>>
        %dma_start3A_641 = tpu.memref_squeeze %dma_start3A_640 : memref<1x128xi32, #tpu.memory_space<vmem>> -> memref<128xi32, #tpu.memory_space<vmem>>
        %dma_start3A_642 = arith.constant 0 : i32
        %dma_start3A_643 = arith.constant 0 : i32
        %dma_start3A_644 = tpu.memref_slice %arg16[%dma_start3A_642, %dma_start3A_643] : memref<10008x128xf32, #tpu.memory_space<vmem_shared>> -> memref<10008x128xf32, #tpu.memory_space<vmem_shared>>
        tpu.enqueue_indirect_dma source(%arg8 : memref<128x128xf32, #tpu.memory_space<vmem>>) target(%dma_start3A_644 : memref<10008x128xf32, #tpu.memory_space<vmem_shared>>) offsets(%dma_start3A_641 : memref<128xi32, #tpu.memory_space<vmem>>) semaphore(%run_scoped3A_638 : memref<!tpu.dma_semaphore, #tpu.memory_space<semaphore_mem>>) {add = true}
        %dma_wait3A_645 = arith.constant 0 : i32
        %dma_wait3A_646 = tpu.memref_slice %arg14[%run_scoped3A_397, %dma_wait3A_645] : memref<2x128xi32, #tpu.memory_space<vmem>> -> memref<1x128xi32, #tpu.memory_space<vmem>>
        %dma_wait3A_647 = tpu.memref_squeeze %dma_wait3A_646 : memref<1x128xi32, #tpu.memory_space<vmem>> -> memref<128xi32, #tpu.memory_space<vmem>>
        %dma_wait3A_648 = arith.constant 0 : i32
        %dma_wait3A_649 = arith.constant 0 : i32
        %dma_wait3A_650 = tpu.memref_slice %arg16[%dma_wait3A_648, %dma_wait3A_649] : memref<10008x128xf32, #tpu.memory_space<vmem_shared>> -> memref<10008x128xf32, #tpu.memory_space<vmem_shared>>
        tpu.wait_indirect_dma semaphore(%run_scoped3A_638 : memref<!tpu.dma_semaphore, #tpu.memory_space<semaphore_mem>>) src(%arg8 : memref<128x128xf32, #tpu.memory_space<vmem>>) dst(%dma_wait3A_650 : memref<10008x128xf32, #tpu.memory_space<vmem_shared>>)
        tpu.yield
      }) : () -> ()
      %add3A_398 = arith.constant 4 : i32
      %add3A_399 = arith.addi %add3A_389, %add3A_398 : i32
      %lt3A_400 = arith.constant 79 : i32
      %lt3A_401 = arith.cmpi slt, %add3A_399, %lt3A_400 : i32
      %convert_element_type3A_402 = arith.extui %lt3A_401 : i1 to i32
      %cond3A_403 = arith.constant 0 : i32
      %cond3A_404 = arith.cmpi ne, %convert_element_type3A_402, %cond3A_403 : i32
      scf.if %cond3A_404 {
        %add3A_638 = arith.constant 4 : i32
        %add3A_639 = arith.addi %add3A_389, %add3A_638 : i32
        %mul3A_640 = arith.constant 79 : i32
        %mul3A_641 = arith.muli %add3A, %mul3A_640 : i32
        %add3A_642 = arith.addi %mul3A_641, %add3A_639 : i32
        %dma_start3A_643 = arith.constant 0 : i32
        %dma_start3A_644 = arith.constant 0 : i32
        %dma_start3A_645 = tpu.memref_slice %arg3[%add3A_642, %dma_start3A_643, %dma_start3A_644] : memref<2528x2x128xi32, #tpu.memory_space<hbm>> -> memref<1x2x128xi32, #tpu.memory_space<hbm>>
        %dma_start3A_646 = tpu.memref_squeeze %dma_start3A_645 : memref<1x2x128xi32, #tpu.memory_space<hbm>> -> memref<2x128xi32, #tpu.memory_space<hbm>>
        %dma_start3A_647 = arith.constant 0 : i32
        %dma_start3A_648 = arith.constant 0 : i32
        %dma_start3A_649 = tpu.memref_slice %arg3[%add3A_642, %dma_start3A_647, %dma_start3A_648] : memref<2528x2x128xi32, #tpu.memory_space<hbm>> -> memref<1x2x128xi32, #tpu.memory_space<hbm>>
        %dma_start3A_650 = tpu.memref_squeeze %dma_start3A_649 : memref<1x2x128xi32, #tpu.memory_space<hbm>> -> memref<2x128xi32, #tpu.memory_space<hbm>>
        tpu.enqueue_dma source(%dma_start3A_650 : memref<2x128xi32, #tpu.memory_space<hbm>>) target(%arg14 : memref<2x128xi32, #tpu.memory_space<vmem>>) target_semaphore(%arg24 : memref<!tpu.dma_semaphore, #tpu.memory_space<semaphore_mem>>)
      } else {
      }
      %add3A_405 = arith.constant 3 : i32
      %add3A_406 = arith.addi %add3A_389, %add3A_405 : i32
      %sub3A_407 = arith.constant 1 : i32
      %sub3A_408 = arith.subi %add3A_406, %sub3A_407 : i32
      %lt3A_409 = arith.constant 79 : i32
      %lt3A_410 = arith.cmpi slt, %sub3A_408, %lt3A_409 : i32
      %convert_element_type3A_411 = arith.extui %lt3A_410 : i1 to i32
      %cond3A_412 = arith.constant 0 : i32
      %cond3A_413 = arith.cmpi ne, %convert_element_type3A_411, %cond3A_412 : i32
      scf.if %cond3A_413 {
        %mul3A_638 = arith.constant 79 : i32
        %mul3A_639 = arith.muli %add3A, %mul3A_638 : i32
        %add3A_640 = arith.addi %mul3A_639, %add3A_389 : i32
        %add3A_641 = arith.constant 3 : i32
        %add3A_642 = arith.addi %add3A_640, %add3A_641 : i32
        %sub3A_643 = arith.constant 1 : i32
        %sub3A_644 = arith.subi %add3A_642, %sub3A_643 : i32
        %dma_wait3A_645 = arith.constant 0 : i32
        %dma_wait3A_646 = arith.constant 0 : i32
        %dma_wait3A_647 = tpu.memref_slice %arg3[%sub3A_644, %dma_wait3A_645, %dma_wait3A_646] : memref<2528x2x128xi32, #tpu.memory_space<hbm>> -> memref<1x2x128xi32, #tpu.memory_space<hbm>>
        %dma_wait3A_648 = tpu.memref_squeeze %dma_wait3A_647 : memref<1x2x128xi32, #tpu.memory_space<hbm>> -> memref<2x128xi32, #tpu.memory_space<hbm>>
        %dma_wait3A_649 = arith.constant 0 : i32
        %dma_wait3A_650 = arith.constant 0 : i32
        %dma_wait3A_651 = tpu.memref_slice %arg3[%sub3A_644, %dma_wait3A_649, %dma_wait3A_650] : memref<2528x2x128xi32, #tpu.memory_space<hbm>> -> memref<1x2x128xi32, #tpu.memory_space<hbm>>
        %dma_wait3A_652 = tpu.memref_squeeze %dma_wait3A_651 : memref<1x2x128xi32, #tpu.memory_space<hbm>> -> memref<2x128xi32, #tpu.memory_space<hbm>>
        tpu.wait_dma2 semaphore(%arg22 : memref<!tpu.dma_semaphore, #tpu.memory_space<semaphore_mem>>) src(%dma_wait3A_652 : memref<2x128xi32, #tpu.memory_space<hbm>>) dst(%arg12 : memref<2x128xi32, #tpu.memory_space<vmem>>)
        %add3A_653 = arith.constant 3 : i32
        %add3A_654 = arith.addi %add3A_389, %add3A_653 : i32
        %sub3A_655 = arith.constant 1 : i32
        %sub3A_656 = arith.subi %add3A_654, %sub3A_655 : i32
        %dma_start3A_657 = arith.constant 0 : i32
        %dma_start3A_658 = arith.constant 0 : i32
        %dma_start3A_659 = tpu.memref_slice %arg12[%dma_start3A_657, %dma_start3A_658] : memref<2x128xi32, #tpu.memory_space<vmem>> -> memref<1x128xi32, #tpu.memory_space<vmem>>
        %dma_start3A_660 = tpu.memref_squeeze %dma_start3A_659 : memref<1x128xi32, #tpu.memory_space<vmem>> -> memref<128xi32, #tpu.memory_space<vmem>>
        %dma_start3A_661 = arith.constant 0 : i32
        %dma_start3A_662 = arith.constant 0 : i32
        %dma_start3A_663 = tpu.memref_slice %arg2[%dma_start3A_661, %dma_start3A_662] : memref<20000x128xf32, #tpu.memory_space<hbm>> -> memref<20000x128xf32, #tpu.memory_space<hbm>>
        tpu.enqueue_indirect_dma source(%dma_start3A_663 : memref<20000x128xf32, #tpu.memory_space<hbm>>) target(%arg10 : memref<128x128xf32, #tpu.memory_space<vmem>>) offsets(%dma_start3A_660 : memref<128xi32, #tpu.memory_space<vmem>>) semaphore(%arg20 : memref<!tpu.dma_semaphore, #tpu.memory_space<semaphore_mem>>)
      } else {
      }
      %mul3A_414 = arith.constant 12 : i32
      %mul3A_415 = arith.muli %scan3A_302, %mul3A_414 : i32
      %add3A_416 = arith.constant 4 : i32
      %add3A_417 = arith.addi %mul3A_415, %add3A_416 : i32
      %dma_wait3A_418 = arith.constant 0 : i32
      %dma_wait3A_419 = arith.constant 0 : i32
      %dma_wait3A_420 = tpu.memref_slice %arg11[%dma_wait3A_418, %dma_wait3A_419] : memref<2x128xi32, #tpu.memory_space<vmem>> -> memref<1x128xi32, #tpu.memory_space<vmem>>
      %dma_wait3A_421 = tpu.memref_squeeze %dma_wait3A_420 : memref<1x128xi32, #tpu.memory_space<vmem>> -> memref<128xi32, #tpu.memory_space<vmem>>
      %dma_wait3A_422 = arith.constant 0 : i32
      %dma_wait3A_423 = arith.constant 0 : i32
      %dma_wait3A_424 = tpu.memref_slice %arg2[%dma_wait3A_422, %dma_wait3A_423] : memref<20000x128xf32, #tpu.memory_space<hbm>> -> memref<20000x128xf32, #tpu.memory_space<hbm>>
      tpu.wait_indirect_dma semaphore(%arg19 : memref<!tpu.dma_semaphore, #tpu.memory_space<semaphore_mem>>) src(%dma_wait3A_424 : memref<20000x128xf32, #tpu.memory_space<hbm>>) dst(%arg9 : memref<128x128xf32, #tpu.memory_space<vmem>>)
      %run_scoped3A_425 = arith.constant 1 : i32
      "tpu.region"() ({
        %run_scoped3A_638 = tpu.sem_alloc : memref<!tpu.dma_semaphore, #tpu.memory_space<semaphore_mem>>
        %dma_start3A_639 = arith.constant 0 : i32
        %dma_start3A_640 = tpu.memref_slice %arg11[%run_scoped3A_425, %dma_start3A_639] : memref<2x128xi32, #tpu.memory_space<vmem>> -> memref<1x128xi32, #tpu.memory_space<vmem>>
        %dma_start3A_641 = tpu.memref_squeeze %dma_start3A_640 : memref<1x128xi32, #tpu.memory_space<vmem>> -> memref<128xi32, #tpu.memory_space<vmem>>
        %dma_start3A_642 = arith.constant 0 : i32
        %dma_start3A_643 = arith.constant 0 : i32
        %dma_start3A_644 = tpu.memref_slice %arg16[%dma_start3A_642, %dma_start3A_643] : memref<10008x128xf32, #tpu.memory_space<vmem_shared>> -> memref<10008x128xf32, #tpu.memory_space<vmem_shared>>
        tpu.enqueue_indirect_dma source(%arg9 : memref<128x128xf32, #tpu.memory_space<vmem>>) target(%dma_start3A_644 : memref<10008x128xf32, #tpu.memory_space<vmem_shared>>) offsets(%dma_start3A_641 : memref<128xi32, #tpu.memory_space<vmem>>) semaphore(%run_scoped3A_638 : memref<!tpu.dma_semaphore, #tpu.memory_space<semaphore_mem>>) {add = true}
        %dma_wait3A_645 = arith.constant 0 : i32
        %dma_wait3A_646 = tpu.memref_slice %arg11[%run_scoped3A_425, %dma_wait3A_645] : memref<2x128xi32, #tpu.memory_space<vmem>> -> memref<1x128xi32, #tpu.memory_space<vmem>>
        %dma_wait3A_647 = tpu.memref_squeeze %dma_wait3A_646 : memref<1x128xi32, #tpu.memory_space<vmem>> -> memref<128xi32, #tpu.memory_space<vmem>>
        %dma_wait3A_648 = arith.constant 0 : i32
        %dma_wait3A_649 = arith.constant 0 : i32
        %dma_wait3A_650 = tpu.memref_slice %arg16[%dma_wait3A_648, %dma_wait3A_649] : memref<10008x128xf32, #tpu.memory_space<vmem_shared>> -> memref<10008x128xf32, #tpu.memory_space<vmem_shared>>
        tpu.wait_indirect_dma semaphore(%run_scoped3A_638 : memref<!tpu.dma_semaphore, #tpu.memory_space<semaphore_mem>>) src(%arg9 : memref<128x128xf32, #tpu.memory_space<vmem>>) dst(%dma_wait3A_650 : memref<10008x128xf32, #tpu.memory_space<vmem_shared>>)
        tpu.yield
      }) : () -> ()
      %add3A_426 = arith.constant 4 : i32
      %add3A_427 = arith.addi %add3A_417, %add3A_426 : i32
      %lt3A_428 = arith.constant 79 : i32
      %lt3A_429 = arith.cmpi slt, %add3A_427, %lt3A_428 : i32
      %convert_element_type3A_430 = arith.extui %lt3A_429 : i1 to i32
      %cond3A_431 = arith.constant 0 : i32
      %cond3A_432 = arith.cmpi ne, %convert_element_type3A_430, %cond3A_431 : i32
      scf.if %cond3A_432 {
        %add3A_638 = arith.constant 4 : i32
        %add3A_639 = arith.addi %add3A_417, %add3A_638 : i32
        %mul3A_640 = arith.constant 79 : i32
        %mul3A_641 = arith.muli %add3A, %mul3A_640 : i32
        %add3A_642 = arith.addi %mul3A_641, %add3A_639 : i32
        %dma_start3A_643 = arith.constant 0 : i32
        %dma_start3A_644 = arith.constant 0 : i32
        %dma_start3A_645 = tpu.memref_slice %arg3[%add3A_642, %dma_start3A_643, %dma_start3A_644] : memref<2528x2x128xi32, #tpu.memory_space<hbm>> -> memref<1x2x128xi32, #tpu.memory_space<hbm>>
        %dma_start3A_646 = tpu.memref_squeeze %dma_start3A_645 : memref<1x2x128xi32, #tpu.memory_space<hbm>> -> memref<2x128xi32, #tpu.memory_space<hbm>>
        %dma_start3A_647 = arith.constant 0 : i32
        %dma_start3A_648 = arith.constant 0 : i32
        %dma_start3A_649 = tpu.memref_slice %arg3[%add3A_642, %dma_start3A_647, %dma_start3A_648] : memref<2528x2x128xi32, #tpu.memory_space<hbm>> -> memref<1x2x128xi32, #tpu.memory_space<hbm>>
        %dma_start3A_650 = tpu.memref_squeeze %dma_start3A_649 : memref<1x2x128xi32, #tpu.memory_space<hbm>> -> memref<2x128xi32, #tpu.memory_space<hbm>>
        tpu.enqueue_dma source(%dma_start3A_650 : memref<2x128xi32, #tpu.memory_space<hbm>>) target(%arg11 : memref<2x128xi32, #tpu.memory_space<vmem>>) target_semaphore(%arg21 : memref<!tpu.dma_semaphore, #tpu.memory_space<semaphore_mem>>)
      } else {
      }
      %add3A_433 = arith.constant 3 : i32
      %add3A_434 = arith.addi %add3A_417, %add3A_433 : i32
      %sub3A_435 = arith.constant 1 : i32
      %sub3A_436 = arith.subi %add3A_434, %sub3A_435 : i32
      %lt3A_437 = arith.constant 79 : i32
      %lt3A_438 = arith.cmpi slt, %sub3A_436, %lt3A_437 : i32
      %convert_element_type3A_439 = arith.extui %lt3A_438 : i1 to i32
      %cond3A_440 = arith.constant 0 : i32
      %cond3A_441 = arith.cmpi ne, %convert_element_type3A_439, %cond3A_440 : i32
      scf.if %cond3A_441 {
        %mul3A_638 = arith.constant 79 : i32
        %mul3A_639 = arith.muli %add3A, %mul3A_638 : i32
        %add3A_640 = arith.addi %mul3A_639, %add3A_417 : i32
        %add3A_641 = arith.constant 3 : i32
        %add3A_642 = arith.addi %add3A_640, %add3A_641 : i32
        %sub3A_643 = arith.constant 1 : i32
        %sub3A_644 = arith.subi %add3A_642, %sub3A_643 : i32
        %dma_wait3A_645 = arith.constant 0 : i32
        %dma_wait3A_646 = arith.constant 0 : i32
        %dma_wait3A_647 = tpu.memref_slice %arg3[%sub3A_644, %dma_wait3A_645, %dma_wait3A_646] : memref<2528x2x128xi32, #tpu.memory_space<hbm>> -> memref<1x2x128xi32, #tpu.memory_space<hbm>>
        %dma_wait3A_648 = tpu.memref_squeeze %dma_wait3A_647 : memref<1x2x128xi32, #tpu.memory_space<hbm>> -> memref<2x128xi32, #tpu.memory_space<hbm>>
        %dma_wait3A_649 = arith.constant 0 : i32
        %dma_wait3A_650 = arith.constant 0 : i32
        %dma_wait3A_651 = tpu.memref_slice %arg3[%sub3A_644, %dma_wait3A_649, %dma_wait3A_650] : memref<2528x2x128xi32, #tpu.memory_space<hbm>> -> memref<1x2x128xi32, #tpu.memory_space<hbm>>
        %dma_wait3A_652 = tpu.memref_squeeze %dma_wait3A_651 : memref<1x2x128xi32, #tpu.memory_space<hbm>> -> memref<2x128xi32, #tpu.memory_space<hbm>>
        tpu.wait_dma2 semaphore(%arg23 : memref<!tpu.dma_semaphore, #tpu.memory_space<semaphore_mem>>) src(%dma_wait3A_652 : memref<2x128xi32, #tpu.memory_space<hbm>>) dst(%arg13 : memref<2x128xi32, #tpu.memory_space<vmem>>)
        %add3A_653 = arith.constant 3 : i32
        %add3A_654 = arith.addi %add3A_417, %add3A_653 : i32
        %sub3A_655 = arith.constant 1 : i32
        %sub3A_656 = arith.subi %add3A_654, %sub3A_655 : i32
        %dma_start3A_657 = arith.constant 0 : i32
        %dma_start3A_658 = arith.constant 0 : i32
        %dma_start3A_659 = tpu.memref_slice %arg13[%dma_start3A_657, %dma_start3A_658] : memref<2x128xi32, #tpu.memory_space<vmem>> -> memref<1x128xi32, #tpu.memory_space<vmem>>
        %dma_start3A_660 = tpu.memref_squeeze %dma_start3A_659 : memref<1x128xi32, #tpu.memory_space<vmem>> -> memref<128xi32, #tpu.memory_space<vmem>>
        %dma_start3A_661 = arith.constant 0 : i32
        %dma_start3A_662 = arith.constant 0 : i32
        %dma_start3A_663 = tpu.memref_slice %arg2[%dma_start3A_661, %dma_start3A_662] : memref<20000x128xf32, #tpu.memory_space<hbm>> -> memref<20000x128xf32, #tpu.memory_space<hbm>>
        tpu.enqueue_indirect_dma source(%dma_start3A_663 : memref<20000x128xf32, #tpu.memory_space<hbm>>) target(%arg8 : memref<128x128xf32, #tpu.memory_space<vmem>>) offsets(%dma_start3A_660 : memref<128xi32, #tpu.memory_space<vmem>>) semaphore(%arg18 : memref<!tpu.dma_semaphore, #tpu.memory_space<semaphore_mem>>)
      } else {
      }
      %mul3A_442 = arith.constant 12 : i32
      %mul3A_443 = arith.muli %scan3A_302, %mul3A_442 : i32
      %add3A_444 = arith.constant 5 : i32
      %add3A_445 = arith.addi %mul3A_443, %add3A_444 : i32
      %dma_wait3A_446 = arith.constant 0 : i32
      %dma_wait3A_447 = arith.constant 0 : i32
      %dma_wait3A_448 = tpu.memref_slice %arg12[%dma_wait3A_446, %dma_wait3A_447] : memref<2x128xi32, #tpu.memory_space<vmem>> -> memref<1x128xi32, #tpu.memory_space<vmem>>
      %dma_wait3A_449 = tpu.memref_squeeze %dma_wait3A_448 : memref<1x128xi32, #tpu.memory_space<vmem>> -> memref<128xi32, #tpu.memory_space<vmem>>
      %dma_wait3A_450 = arith.constant 0 : i32
      %dma_wait3A_451 = arith.constant 0 : i32
      %dma_wait3A_452 = tpu.memref_slice %arg2[%dma_wait3A_450, %dma_wait3A_451] : memref<20000x128xf32, #tpu.memory_space<hbm>> -> memref<20000x128xf32, #tpu.memory_space<hbm>>
      tpu.wait_indirect_dma semaphore(%arg20 : memref<!tpu.dma_semaphore, #tpu.memory_space<semaphore_mem>>) src(%dma_wait3A_452 : memref<20000x128xf32, #tpu.memory_space<hbm>>) dst(%arg10 : memref<128x128xf32, #tpu.memory_space<vmem>>)
      %run_scoped3A_453 = arith.constant 1 : i32
      "tpu.region"() ({
        %run_scoped3A_638 = tpu.sem_alloc : memref<!tpu.dma_semaphore, #tpu.memory_space<semaphore_mem>>
        %dma_start3A_639 = arith.constant 0 : i32
        %dma_start3A_640 = tpu.memref_slice %arg12[%run_scoped3A_453, %dma_start3A_639] : memref<2x128xi32, #tpu.memory_space<vmem>> -> memref<1x128xi32, #tpu.memory_space<vmem>>
        %dma_start3A_641 = tpu.memref_squeeze %dma_start3A_640 : memref<1x128xi32, #tpu.memory_space<vmem>> -> memref<128xi32, #tpu.memory_space<vmem>>
        %dma_start3A_642 = arith.constant 0 : i32
        %dma_start3A_643 = arith.constant 0 : i32
        %dma_start3A_644 = tpu.memref_slice %arg16[%dma_start3A_642, %dma_start3A_643] : memref<10008x128xf32, #tpu.memory_space<vmem_shared>> -> memref<10008x128xf32, #tpu.memory_space<vmem_shared>>
        tpu.enqueue_indirect_dma source(%arg10 : memref<128x128xf32, #tpu.memory_space<vmem>>) target(%dma_start3A_644 : memref<10008x128xf32, #tpu.memory_space<vmem_shared>>) offsets(%dma_start3A_641 : memref<128xi32, #tpu.memory_space<vmem>>) semaphore(%run_scoped3A_638 : memref<!tpu.dma_semaphore, #tpu.memory_space<semaphore_mem>>) {add = true}
        %dma_wait3A_645 = arith.constant 0 : i32
        %dma_wait3A_646 = tpu.memref_slice %arg12[%run_scoped3A_453, %dma_wait3A_645] : memref<2x128xi32, #tpu.memory_space<vmem>> -> memref<1x128xi32, #tpu.memory_space<vmem>>
        %dma_wait3A_647 = tpu.memref_squeeze %dma_wait3A_646 : memref<1x128xi32, #tpu.memory_space<vmem>> -> memref<128xi32, #tpu.memory_space<vmem>>
        %dma_wait3A_648 = arith.constant 0 : i32
        %dma_wait3A_649 = arith.constant 0 : i32
        %dma_wait3A_650 = tpu.memref_slice %arg16[%dma_wait3A_648, %dma_wait3A_649] : memref<10008x128xf32, #tpu.memory_space<vmem_shared>> -> memref<10008x128xf32, #tpu.memory_space<vmem_shared>>
        tpu.wait_indirect_dma semaphore(%run_scoped3A_638 : memref<!tpu.dma_semaphore, #tpu.memory_space<semaphore_mem>>) src(%arg10 : memref<128x128xf32, #tpu.memory_space<vmem>>) dst(%dma_wait3A_650 : memref<10008x128xf32, #tpu.memory_space<vmem_shared>>)
        tpu.yield
      }) : () -> ()
      %add3A_454 = arith.constant 4 : i32
      %add3A_455 = arith.addi %add3A_445, %add3A_454 : i32
      %lt3A_456 = arith.constant 79 : i32
      %lt3A_457 = arith.cmpi slt, %add3A_455, %lt3A_456 : i32
      %convert_element_type3A_458 = arith.extui %lt3A_457 : i1 to i32
      %cond3A_459 = arith.constant 0 : i32
      %cond3A_460 = arith.cmpi ne, %convert_element_type3A_458, %cond3A_459 : i32
      scf.if %cond3A_460 {
        %add3A_638 = arith.constant 4 : i32
        %add3A_639 = arith.addi %add3A_445, %add3A_638 : i32
        %mul3A_640 = arith.constant 79 : i32
        %mul3A_641 = arith.muli %add3A, %mul3A_640 : i32
        %add3A_642 = arith.addi %mul3A_641, %add3A_639 : i32
        %dma_start3A_643 = arith.constant 0 : i32
        %dma_start3A_644 = arith.constant 0 : i32
        %dma_start3A_645 = tpu.memref_slice %arg3[%add3A_642, %dma_start3A_643, %dma_start3A_644] : memref<2528x2x128xi32, #tpu.memory_space<hbm>> -> memref<1x2x128xi32, #tpu.memory_space<hbm>>
        %dma_start3A_646 = tpu.memref_squeeze %dma_start3A_645 : memref<1x2x128xi32, #tpu.memory_space<hbm>> -> memref<2x128xi32, #tpu.memory_space<hbm>>
        %dma_start3A_647 = arith.constant 0 : i32
        %dma_start3A_648 = arith.constant 0 : i32
        %dma_start3A_649 = tpu.memref_slice %arg3[%add3A_642, %dma_start3A_647, %dma_start3A_648] : memref<2528x2x128xi32, #tpu.memory_space<hbm>> -> memref<1x2x128xi32, #tpu.memory_space<hbm>>
        %dma_start3A_650 = tpu.memref_squeeze %dma_start3A_649 : memref<1x2x128xi32, #tpu.memory_space<hbm>> -> memref<2x128xi32, #tpu.memory_space<hbm>>
        tpu.enqueue_dma source(%dma_start3A_650 : memref<2x128xi32, #tpu.memory_space<hbm>>) target(%arg12 : memref<2x128xi32, #tpu.memory_space<vmem>>) target_semaphore(%arg22 : memref<!tpu.dma_semaphore, #tpu.memory_space<semaphore_mem>>)
      } else {
      }
      %add3A_461 = arith.constant 3 : i32
      %add3A_462 = arith.addi %add3A_445, %add3A_461 : i32
      %sub3A_463 = arith.constant 1 : i32
      %sub3A_464 = arith.subi %add3A_462, %sub3A_463 : i32
      %lt3A_465 = arith.constant 79 : i32
      %lt3A_466 = arith.cmpi slt, %sub3A_464, %lt3A_465 : i32
      %convert_element_type3A_467 = arith.extui %lt3A_466 : i1 to i32
      %cond3A_468 = arith.constant 0 : i32
      %cond3A_469 = arith.cmpi ne, %convert_element_type3A_467, %cond3A_468 : i32
      scf.if %cond3A_469 {
        %mul3A_638 = arith.constant 79 : i32
        %mul3A_639 = arith.muli %add3A, %mul3A_638 : i32
        %add3A_640 = arith.addi %mul3A_639, %add3A_445 : i32
        %add3A_641 = arith.constant 3 : i32
        %add3A_642 = arith.addi %add3A_640, %add3A_641 : i32
        %sub3A_643 = arith.constant 1 : i32
        %sub3A_644 = arith.subi %add3A_642, %sub3A_643 : i32
        %dma_wait3A_645 = arith.constant 0 : i32
        %dma_wait3A_646 = arith.constant 0 : i32
        %dma_wait3A_647 = tpu.memref_slice %arg3[%sub3A_644, %dma_wait3A_645, %dma_wait3A_646] : memref<2528x2x128xi32, #tpu.memory_space<hbm>> -> memref<1x2x128xi32, #tpu.memory_space<hbm>>
        %dma_wait3A_648 = tpu.memref_squeeze %dma_wait3A_647 : memref<1x2x128xi32, #tpu.memory_space<hbm>> -> memref<2x128xi32, #tpu.memory_space<hbm>>
        %dma_wait3A_649 = arith.constant 0 : i32
        %dma_wait3A_650 = arith.constant 0 : i32
        %dma_wait3A_651 = tpu.memref_slice %arg3[%sub3A_644, %dma_wait3A_649, %dma_wait3A_650] : memref<2528x2x128xi32, #tpu.memory_space<hbm>> -> memref<1x2x128xi32, #tpu.memory_space<hbm>>
        %dma_wait3A_652 = tpu.memref_squeeze %dma_wait3A_651 : memref<1x2x128xi32, #tpu.memory_space<hbm>> -> memref<2x128xi32, #tpu.memory_space<hbm>>
        tpu.wait_dma2 semaphore(%arg24 : memref<!tpu.dma_semaphore, #tpu.memory_space<semaphore_mem>>) src(%dma_wait3A_652 : memref<2x128xi32, #tpu.memory_space<hbm>>) dst(%arg14 : memref<2x128xi32, #tpu.memory_space<vmem>>)
        %add3A_653 = arith.constant 3 : i32
        %add3A_654 = arith.addi %add3A_445, %add3A_653 : i32
        %sub3A_655 = arith.constant 1 : i32
        %sub3A_656 = arith.subi %add3A_654, %sub3A_655 : i32
        %dma_start3A_657 = arith.constant 0 : i32
        %dma_start3A_658 = arith.constant 0 : i32
        %dma_start3A_659 = tpu.memref_slice %arg14[%dma_start3A_657, %dma_start3A_658] : memref<2x128xi32, #tpu.memory_space<vmem>> -> memref<1x128xi32, #tpu.memory_space<vmem>>
        %dma_start3A_660 = tpu.memref_squeeze %dma_start3A_659 : memref<1x128xi32, #tpu.memory_space<vmem>> -> memref<128xi32, #tpu.memory_space<vmem>>
        %dma_start3A_661 = arith.constant 0 : i32
        %dma_start3A_662 = arith.constant 0 : i32
        %dma_start3A_663 = tpu.memref_slice %arg2[%dma_start3A_661, %dma_start3A_662] : memref<20000x128xf32, #tpu.memory_space<hbm>> -> memref<20000x128xf32, #tpu.memory_space<hbm>>
        tpu.enqueue_indirect_dma source(%dma_start3A_663 : memref<20000x128xf32, #tpu.memory_space<hbm>>) target(%arg9 : memref<128x128xf32, #tpu.memory_space<vmem>>) offsets(%dma_start3A_660 : memref<128xi32, #tpu.memory_space<vmem>>) semaphore(%arg19 : memref<!tpu.dma_semaphore, #tpu.memory_space<semaphore_mem>>)
      } else {
      }
      %mul3A_470 = arith.constant 12 : i32
      %mul3A_471 = arith.muli %scan3A_302, %mul3A_470 : i32
      %add3A_472 = arith.constant 6 : i32
      %add3A_473 = arith.addi %mul3A_471, %add3A_472 : i32
      %dma_wait3A_474 = arith.constant 0 : i32
      %dma_wait3A_475 = arith.constant 0 : i32
      %dma_wait3A_476 = tpu.memref_slice %arg13[%dma_wait3A_474, %dma_wait3A_475] : memref<2x128xi32, #tpu.memory_space<vmem>> -> memref<1x128xi32, #tpu.memory_space<vmem>>
      %dma_wait3A_477 = tpu.memref_squeeze %dma_wait3A_476 : memref<1x128xi32, #tpu.memory_space<vmem>> -> memref<128xi32, #tpu.memory_space<vmem>>
      %dma_wait3A_478 = arith.constant 0 : i32
      %dma_wait3A_479 = arith.constant 0 : i32
      %dma_wait3A_480 = tpu.memref_slice %arg2[%dma_wait3A_478, %dma_wait3A_479] : memref<20000x128xf32, #tpu.memory_space<hbm>> -> memref<20000x128xf32, #tpu.memory_space<hbm>>
      tpu.wait_indirect_dma semaphore(%arg18 : memref<!tpu.dma_semaphore, #tpu.memory_space<semaphore_mem>>) src(%dma_wait3A_480 : memref<20000x128xf32, #tpu.memory_space<hbm>>) dst(%arg8 : memref<128x128xf32, #tpu.memory_space<vmem>>)
      %run_scoped3A_481 = arith.constant 1 : i32
      "tpu.region"() ({
        %run_scoped3A_638 = tpu.sem_alloc : memref<!tpu.dma_semaphore, #tpu.memory_space<semaphore_mem>>
        %dma_start3A_639 = arith.constant 0 : i32
        %dma_start3A_640 = tpu.memref_slice %arg13[%run_scoped3A_481, %dma_start3A_639] : memref<2x128xi32, #tpu.memory_space<vmem>> -> memref<1x128xi32, #tpu.memory_space<vmem>>
        %dma_start3A_641 = tpu.memref_squeeze %dma_start3A_640 : memref<1x128xi32, #tpu.memory_space<vmem>> -> memref<128xi32, #tpu.memory_space<vmem>>
        %dma_start3A_642 = arith.constant 0 : i32
        %dma_start3A_643 = arith.constant 0 : i32
        %dma_start3A_644 = tpu.memref_slice %arg16[%dma_start3A_642, %dma_start3A_643] : memref<10008x128xf32, #tpu.memory_space<vmem_shared>> -> memref<10008x128xf32, #tpu.memory_space<vmem_shared>>
        tpu.enqueue_indirect_dma source(%arg8 : memref<128x128xf32, #tpu.memory_space<vmem>>) target(%dma_start3A_644 : memref<10008x128xf32, #tpu.memory_space<vmem_shared>>) offsets(%dma_start3A_641 : memref<128xi32, #tpu.memory_space<vmem>>) semaphore(%run_scoped3A_638 : memref<!tpu.dma_semaphore, #tpu.memory_space<semaphore_mem>>) {add = true}
        %dma_wait3A_645 = arith.constant 0 : i32
        %dma_wait3A_646 = tpu.memref_slice %arg13[%run_scoped3A_481, %dma_wait3A_645] : memref<2x128xi32, #tpu.memory_space<vmem>> -> memref<1x128xi32, #tpu.memory_space<vmem>>
        %dma_wait3A_647 = tpu.memref_squeeze %dma_wait3A_646 : memref<1x128xi32, #tpu.memory_space<vmem>> -> memref<128xi32, #tpu.memory_space<vmem>>
        %dma_wait3A_648 = arith.constant 0 : i32
        %dma_wait3A_649 = arith.constant 0 : i32
        %dma_wait3A_650 = tpu.memref_slice %arg16[%dma_wait3A_648, %dma_wait3A_649] : memref<10008x128xf32, #tpu.memory_space<vmem_shared>> -> memref<10008x128xf32, #tpu.memory_space<vmem_shared>>
        tpu.wait_indirect_dma semaphore(%run_scoped3A_638 : memref<!tpu.dma_semaphore, #tpu.memory_space<semaphore_mem>>) src(%arg8 : memref<128x128xf32, #tpu.memory_space<vmem>>) dst(%dma_wait3A_650 : memref<10008x128xf32, #tpu.memory_space<vmem_shared>>)
        tpu.yield
      }) : () -> ()
      %add3A_482 = arith.constant 4 : i32
      %add3A_483 = arith.addi %add3A_473, %add3A_482 : i32
      %lt3A_484 = arith.constant 79 : i32
      %lt3A_485 = arith.cmpi slt, %add3A_483, %lt3A_484 : i32
      %convert_element_type3A_486 = arith.extui %lt3A_485 : i1 to i32
      %cond3A_487 = arith.constant 0 : i32
      %cond3A_488 = arith.cmpi ne, %convert_element_type3A_486, %cond3A_487 : i32
      scf.if %cond3A_488 {
        %add3A_638 = arith.constant 4 : i32
        %add3A_639 = arith.addi %add3A_473, %add3A_638 : i32
        %mul3A_640 = arith.constant 79 : i32
        %mul3A_641 = arith.muli %add3A, %mul3A_640 : i32
        %add3A_642 = arith.addi %mul3A_641, %add3A_639 : i32
        %dma_start3A_643 = arith.constant 0 : i32
        %dma_start3A_644 = arith.constant 0 : i32
        %dma_start3A_645 = tpu.memref_slice %arg3[%add3A_642, %dma_start3A_643, %dma_start3A_644] : memref<2528x2x128xi32, #tpu.memory_space<hbm>> -> memref<1x2x128xi32, #tpu.memory_space<hbm>>
        %dma_start3A_646 = tpu.memref_squeeze %dma_start3A_645 : memref<1x2x128xi32, #tpu.memory_space<hbm>> -> memref<2x128xi32, #tpu.memory_space<hbm>>
        %dma_start3A_647 = arith.constant 0 : i32
        %dma_start3A_648 = arith.constant 0 : i32
        %dma_start3A_649 = tpu.memref_slice %arg3[%add3A_642, %dma_start3A_647, %dma_start3A_648] : memref<2528x2x128xi32, #tpu.memory_space<hbm>> -> memref<1x2x128xi32, #tpu.memory_space<hbm>>
        %dma_start3A_650 = tpu.memref_squeeze %dma_start3A_649 : memref<1x2x128xi32, #tpu.memory_space<hbm>> -> memref<2x128xi32, #tpu.memory_space<hbm>>
        tpu.enqueue_dma source(%dma_start3A_650 : memref<2x128xi32, #tpu.memory_space<hbm>>) target(%arg13 : memref<2x128xi32, #tpu.memory_space<vmem>>) target_semaphore(%arg23 : memref<!tpu.dma_semaphore, #tpu.memory_space<semaphore_mem>>)
      } else {
      }
      %add3A_489 = arith.constant 3 : i32
      %add3A_490 = arith.addi %add3A_473, %add3A_489 : i32
      %sub3A_491 = arith.constant 1 : i32
      %sub3A_492 = arith.subi %add3A_490, %sub3A_491 : i32
      %lt3A_493 = arith.constant 79 : i32
      %lt3A_494 = arith.cmpi slt, %sub3A_492, %lt3A_493 : i32
      %convert_element_type3A_495 = arith.extui %lt3A_494 : i1 to i32
      %cond3A_496 = arith.constant 0 : i32
      %cond3A_497 = arith.cmpi ne, %convert_element_type3A_495, %cond3A_496 : i32
      scf.if %cond3A_497 {
        %mul3A_638 = arith.constant 79 : i32
        %mul3A_639 = arith.muli %add3A, %mul3A_638 : i32
        %add3A_640 = arith.addi %mul3A_639, %add3A_473 : i32
        %add3A_641 = arith.constant 3 : i32
        %add3A_642 = arith.addi %add3A_640, %add3A_641 : i32
        %sub3A_643 = arith.constant 1 : i32
        %sub3A_644 = arith.subi %add3A_642, %sub3A_643 : i32
        %dma_wait3A_645 = arith.constant 0 : i32
        %dma_wait3A_646 = arith.constant 0 : i32
        %dma_wait3A_647 = tpu.memref_slice %arg3[%sub3A_644, %dma_wait3A_645, %dma_wait3A_646] : memref<2528x2x128xi32, #tpu.memory_space<hbm>> -> memref<1x2x128xi32, #tpu.memory_space<hbm>>
        %dma_wait3A_648 = tpu.memref_squeeze %dma_wait3A_647 : memref<1x2x128xi32, #tpu.memory_space<hbm>> -> memref<2x128xi32, #tpu.memory_space<hbm>>
        %dma_wait3A_649 = arith.constant 0 : i32
        %dma_wait3A_650 = arith.constant 0 : i32
        %dma_wait3A_651 = tpu.memref_slice %arg3[%sub3A_644, %dma_wait3A_649, %dma_wait3A_650] : memref<2528x2x128xi32, #tpu.memory_space<hbm>> -> memref<1x2x128xi32, #tpu.memory_space<hbm>>
        %dma_wait3A_652 = tpu.memref_squeeze %dma_wait3A_651 : memref<1x2x128xi32, #tpu.memory_space<hbm>> -> memref<2x128xi32, #tpu.memory_space<hbm>>
        tpu.wait_dma2 semaphore(%arg21 : memref<!tpu.dma_semaphore, #tpu.memory_space<semaphore_mem>>) src(%dma_wait3A_652 : memref<2x128xi32, #tpu.memory_space<hbm>>) dst(%arg11 : memref<2x128xi32, #tpu.memory_space<vmem>>)
        %add3A_653 = arith.constant 3 : i32
        %add3A_654 = arith.addi %add3A_473, %add3A_653 : i32
        %sub3A_655 = arith.constant 1 : i32
        %sub3A_656 = arith.subi %add3A_654, %sub3A_655 : i32
        %dma_start3A_657 = arith.constant 0 : i32
        %dma_start3A_658 = arith.constant 0 : i32
        %dma_start3A_659 = tpu.memref_slice %arg11[%dma_start3A_657, %dma_start3A_658] : memref<2x128xi32, #tpu.memory_space<vmem>> -> memref<1x128xi32, #tpu.memory_space<vmem>>
        %dma_start3A_660 = tpu.memref_squeeze %dma_start3A_659 : memref<1x128xi32, #tpu.memory_space<vmem>> -> memref<128xi32, #tpu.memory_space<vmem>>
        %dma_start3A_661 = arith.constant 0 : i32
        %dma_start3A_662 = arith.constant 0 : i32
        %dma_start3A_663 = tpu.memref_slice %arg2[%dma_start3A_661, %dma_start3A_662] : memref<20000x128xf32, #tpu.memory_space<hbm>> -> memref<20000x128xf32, #tpu.memory_space<hbm>>
        tpu.enqueue_indirect_dma source(%dma_start3A_663 : memref<20000x128xf32, #tpu.memory_space<hbm>>) target(%arg10 : memref<128x128xf32, #tpu.memory_space<vmem>>) offsets(%dma_start3A_660 : memref<128xi32, #tpu.memory_space<vmem>>) semaphore(%arg20 : memref<!tpu.dma_semaphore, #tpu.memory_space<semaphore_mem>>)
      } else {
      }
      %mul3A_498 = arith.constant 12 : i32
      %mul3A_499 = arith.muli %scan3A_302, %mul3A_498 : i32
      %add3A_500 = arith.constant 7 : i32
      %add3A_501 = arith.addi %mul3A_499, %add3A_500 : i32
      %dma_wait3A_502 = arith.constant 0 : i32
      %dma_wait3A_503 = arith.constant 0 : i32
      %dma_wait3A_504 = tpu.memref_slice %arg14[%dma_wait3A_502, %dma_wait3A_503] : memref<2x128xi32, #tpu.memory_space<vmem>> -> memref<1x128xi32, #tpu.memory_space<vmem>>
      %dma_wait3A_505 = tpu.memref_squeeze %dma_wait3A_504 : memref<1x128xi32, #tpu.memory_space<vmem>> -> memref<128xi32, #tpu.memory_space<vmem>>
      %dma_wait3A_506 = arith.constant 0 : i32
      %dma_wait3A_507 = arith.constant 0 : i32
      %dma_wait3A_508 = tpu.memref_slice %arg2[%dma_wait3A_506, %dma_wait3A_507] : memref<20000x128xf32, #tpu.memory_space<hbm>> -> memref<20000x128xf32, #tpu.memory_space<hbm>>
      tpu.wait_indirect_dma semaphore(%arg19 : memref<!tpu.dma_semaphore, #tpu.memory_space<semaphore_mem>>) src(%dma_wait3A_508 : memref<20000x128xf32, #tpu.memory_space<hbm>>) dst(%arg9 : memref<128x128xf32, #tpu.memory_space<vmem>>)
      %run_scoped3A_509 = arith.constant 1 : i32
      "tpu.region"() ({
        %run_scoped3A_638 = tpu.sem_alloc : memref<!tpu.dma_semaphore, #tpu.memory_space<semaphore_mem>>
        %dma_start3A_639 = arith.constant 0 : i32
        %dma_start3A_640 = tpu.memref_slice %arg14[%run_scoped3A_509, %dma_start3A_639] : memref<2x128xi32, #tpu.memory_space<vmem>> -> memref<1x128xi32, #tpu.memory_space<vmem>>
        %dma_start3A_641 = tpu.memref_squeeze %dma_start3A_640 : memref<1x128xi32, #tpu.memory_space<vmem>> -> memref<128xi32, #tpu.memory_space<vmem>>
        %dma_start3A_642 = arith.constant 0 : i32
        %dma_start3A_643 = arith.constant 0 : i32
        %dma_start3A_644 = tpu.memref_slice %arg16[%dma_start3A_642, %dma_start3A_643] : memref<10008x128xf32, #tpu.memory_space<vmem_shared>> -> memref<10008x128xf32, #tpu.memory_space<vmem_shared>>
        tpu.enqueue_indirect_dma source(%arg9 : memref<128x128xf32, #tpu.memory_space<vmem>>) target(%dma_start3A_644 : memref<10008x128xf32, #tpu.memory_space<vmem_shared>>) offsets(%dma_start3A_641 : memref<128xi32, #tpu.memory_space<vmem>>) semaphore(%run_scoped3A_638 : memref<!tpu.dma_semaphore, #tpu.memory_space<semaphore_mem>>) {add = true}
        %dma_wait3A_645 = arith.constant 0 : i32
        %dma_wait3A_646 = tpu.memref_slice %arg14[%run_scoped3A_509, %dma_wait3A_645] : memref<2x128xi32, #tpu.memory_space<vmem>> -> memref<1x128xi32, #tpu.memory_space<vmem>>
        %dma_wait3A_647 = tpu.memref_squeeze %dma_wait3A_646 : memref<1x128xi32, #tpu.memory_space<vmem>> -> memref<128xi32, #tpu.memory_space<vmem>>
        %dma_wait3A_648 = arith.constant 0 : i32
        %dma_wait3A_649 = arith.constant 0 : i32
        %dma_wait3A_650 = tpu.memref_slice %arg16[%dma_wait3A_648, %dma_wait3A_649] : memref<10008x128xf32, #tpu.memory_space<vmem_shared>> -> memref<10008x128xf32, #tpu.memory_space<vmem_shared>>
        tpu.wait_indirect_dma semaphore(%run_scoped3A_638 : memref<!tpu.dma_semaphore, #tpu.memory_space<semaphore_mem>>) src(%arg9 : memref<128x128xf32, #tpu.memory_space<vmem>>) dst(%dma_wait3A_650 : memref<10008x128xf32, #tpu.memory_space<vmem_shared>>)
        tpu.yield
      }) : () -> ()
      %add3A_510 = arith.constant 4 : i32
      %add3A_511 = arith.addi %add3A_501, %add3A_510 : i32
      %lt3A_512 = arith.constant 79 : i32
      %lt3A_513 = arith.cmpi slt, %add3A_511, %lt3A_512 : i32
      %convert_element_type3A_514 = arith.extui %lt3A_513 : i1 to i32
      %cond3A_515 = arith.constant 0 : i32
      %cond3A_516 = arith.cmpi ne, %convert_element_type3A_514, %cond3A_515 : i32
      scf.if %cond3A_516 {
        %add3A_638 = arith.constant 4 : i32
        %add3A_639 = arith.addi %add3A_501, %add3A_638 : i32
        %mul3A_640 = arith.constant 79 : i32
        %mul3A_641 = arith.muli %add3A, %mul3A_640 : i32
        %add3A_642 = arith.addi %mul3A_641, %add3A_639 : i32
        %dma_start3A_643 = arith.constant 0 : i32
        %dma_start3A_644 = arith.constant 0 : i32
        %dma_start3A_645 = tpu.memref_slice %arg3[%add3A_642, %dma_start3A_643, %dma_start3A_644] : memref<2528x2x128xi32, #tpu.memory_space<hbm>> -> memref<1x2x128xi32, #tpu.memory_space<hbm>>
        %dma_start3A_646 = tpu.memref_squeeze %dma_start3A_645 : memref<1x2x128xi32, #tpu.memory_space<hbm>> -> memref<2x128xi32, #tpu.memory_space<hbm>>
        %dma_start3A_647 = arith.constant 0 : i32
        %dma_start3A_648 = arith.constant 0 : i32
        %dma_start3A_649 = tpu.memref_slice %arg3[%add3A_642, %dma_start3A_647, %dma_start3A_648] : memref<2528x2x128xi32, #tpu.memory_space<hbm>> -> memref<1x2x128xi32, #tpu.memory_space<hbm>>
        %dma_start3A_650 = tpu.memref_squeeze %dma_start3A_649 : memref<1x2x128xi32, #tpu.memory_space<hbm>> -> memref<2x128xi32, #tpu.memory_space<hbm>>
        tpu.enqueue_dma source(%dma_start3A_650 : memref<2x128xi32, #tpu.memory_space<hbm>>) target(%arg14 : memref<2x128xi32, #tpu.memory_space<vmem>>) target_semaphore(%arg24 : memref<!tpu.dma_semaphore, #tpu.memory_space<semaphore_mem>>)
      } else {
      }
      %add3A_517 = arith.constant 3 : i32
      %add3A_518 = arith.addi %add3A_501, %add3A_517 : i32
      %sub3A_519 = arith.constant 1 : i32
      %sub3A_520 = arith.subi %add3A_518, %sub3A_519 : i32
      %lt3A_521 = arith.constant 79 : i32
      %lt3A_522 = arith.cmpi slt, %sub3A_520, %lt3A_521 : i32
      %convert_element_type3A_523 = arith.extui %lt3A_522 : i1 to i32
      %cond3A_524 = arith.constant 0 : i32
      %cond3A_525 = arith.cmpi ne, %convert_element_type3A_523, %cond3A_524 : i32
      scf.if %cond3A_525 {
        %mul3A_638 = arith.constant 79 : i32
        %mul3A_639 = arith.muli %add3A, %mul3A_638 : i32
        %add3A_640 = arith.addi %mul3A_639, %add3A_501 : i32
        %add3A_641 = arith.constant 3 : i32
        %add3A_642 = arith.addi %add3A_640, %add3A_641 : i32
        %sub3A_643 = arith.constant 1 : i32
        %sub3A_644 = arith.subi %add3A_642, %sub3A_643 : i32
        %dma_wait3A_645 = arith.constant 0 : i32
        %dma_wait3A_646 = arith.constant 0 : i32
        %dma_wait3A_647 = tpu.memref_slice %arg3[%sub3A_644, %dma_wait3A_645, %dma_wait3A_646] : memref<2528x2x128xi32, #tpu.memory_space<hbm>> -> memref<1x2x128xi32, #tpu.memory_space<hbm>>
        %dma_wait3A_648 = tpu.memref_squeeze %dma_wait3A_647 : memref<1x2x128xi32, #tpu.memory_space<hbm>> -> memref<2x128xi32, #tpu.memory_space<hbm>>
        %dma_wait3A_649 = arith.constant 0 : i32
        %dma_wait3A_650 = arith.constant 0 : i32
        %dma_wait3A_651 = tpu.memref_slice %arg3[%sub3A_644, %dma_wait3A_649, %dma_wait3A_650] : memref<2528x2x128xi32, #tpu.memory_space<hbm>> -> memref<1x2x128xi32, #tpu.memory_space<hbm>>
        %dma_wait3A_652 = tpu.memref_squeeze %dma_wait3A_651 : memref<1x2x128xi32, #tpu.memory_space<hbm>> -> memref<2x128xi32, #tpu.memory_space<hbm>>
        tpu.wait_dma2 semaphore(%arg22 : memref<!tpu.dma_semaphore, #tpu.memory_space<semaphore_mem>>) src(%dma_wait3A_652 : memref<2x128xi32, #tpu.memory_space<hbm>>) dst(%arg12 : memref<2x128xi32, #tpu.memory_space<vmem>>)
        %add3A_653 = arith.constant 3 : i32
        %add3A_654 = arith.addi %add3A_501, %add3A_653 : i32
        %sub3A_655 = arith.constant 1 : i32
        %sub3A_656 = arith.subi %add3A_654, %sub3A_655 : i32
        %dma_start3A_657 = arith.constant 0 : i32
        %dma_start3A_658 = arith.constant 0 : i32
        %dma_start3A_659 = tpu.memref_slice %arg12[%dma_start3A_657, %dma_start3A_658] : memref<2x128xi32, #tpu.memory_space<vmem>> -> memref<1x128xi32, #tpu.memory_space<vmem>>
        %dma_start3A_660 = tpu.memref_squeeze %dma_start3A_659 : memref<1x128xi32, #tpu.memory_space<vmem>> -> memref<128xi32, #tpu.memory_space<vmem>>
        %dma_start3A_661 = arith.constant 0 : i32
        %dma_start3A_662 = arith.constant 0 : i32
        %dma_start3A_663 = tpu.memref_slice %arg2[%dma_start3A_661, %dma_start3A_662] : memref<20000x128xf32, #tpu.memory_space<hbm>> -> memref<20000x128xf32, #tpu.memory_space<hbm>>
        tpu.enqueue_indirect_dma source(%dma_start3A_663 : memref<20000x128xf32, #tpu.memory_space<hbm>>) target(%arg8 : memref<128x128xf32, #tpu.memory_space<vmem>>) offsets(%dma_start3A_660 : memref<128xi32, #tpu.memory_space<vmem>>) semaphore(%arg18 : memref<!tpu.dma_semaphore, #tpu.memory_space<semaphore_mem>>)
      } else {
      }
      %mul3A_526 = arith.constant 12 : i32
      %mul3A_527 = arith.muli %scan3A_302, %mul3A_526 : i32
      %add3A_528 = arith.constant 8 : i32
      %add3A_529 = arith.addi %mul3A_527, %add3A_528 : i32
      %dma_wait3A_530 = arith.constant 0 : i32
      %dma_wait3A_531 = arith.constant 0 : i32
      %dma_wait3A_532 = tpu.memref_slice %arg11[%dma_wait3A_530, %dma_wait3A_531] : memref<2x128xi32, #tpu.memory_space<vmem>> -> memref<1x128xi32, #tpu.memory_space<vmem>>
      %dma_wait3A_533 = tpu.memref_squeeze %dma_wait3A_532 : memref<1x128xi32, #tpu.memory_space<vmem>> -> memref<128xi32, #tpu.memory_space<vmem>>
      %dma_wait3A_534 = arith.constant 0 : i32
      %dma_wait3A_535 = arith.constant 0 : i32
      %dma_wait3A_536 = tpu.memref_slice %arg2[%dma_wait3A_534, %dma_wait3A_535] : memref<20000x128xf32, #tpu.memory_space<hbm>> -> memref<20000x128xf32, #tpu.memory_space<hbm>>
      tpu.wait_indirect_dma semaphore(%arg20 : memref<!tpu.dma_semaphore, #tpu.memory_space<semaphore_mem>>) src(%dma_wait3A_536 : memref<20000x128xf32, #tpu.memory_space<hbm>>) dst(%arg10 : memref<128x128xf32, #tpu.memory_space<vmem>>)
      %run_scoped3A_537 = arith.constant 1 : i32
      "tpu.region"() ({
        %run_scoped3A_638 = tpu.sem_alloc : memref<!tpu.dma_semaphore, #tpu.memory_space<semaphore_mem>>
        %dma_start3A_639 = arith.constant 0 : i32
        %dma_start3A_640 = tpu.memref_slice %arg11[%run_scoped3A_537, %dma_start3A_639] : memref<2x128xi32, #tpu.memory_space<vmem>> -> memref<1x128xi32, #tpu.memory_space<vmem>>
        %dma_start3A_641 = tpu.memref_squeeze %dma_start3A_640 : memref<1x128xi32, #tpu.memory_space<vmem>> -> memref<128xi32, #tpu.memory_space<vmem>>
        %dma_start3A_642 = arith.constant 0 : i32
        %dma_start3A_643 = arith.constant 0 : i32
        %dma_start3A_644 = tpu.memref_slice %arg16[%dma_start3A_642, %dma_start3A_643] : memref<10008x128xf32, #tpu.memory_space<vmem_shared>> -> memref<10008x128xf32, #tpu.memory_space<vmem_shared>>
        tpu.enqueue_indirect_dma source(%arg10 : memref<128x128xf32, #tpu.memory_space<vmem>>) target(%dma_start3A_644 : memref<10008x128xf32, #tpu.memory_space<vmem_shared>>) offsets(%dma_start3A_641 : memref<128xi32, #tpu.memory_space<vmem>>) semaphore(%run_scoped3A_638 : memref<!tpu.dma_semaphore, #tpu.memory_space<semaphore_mem>>) {add = true}
        %dma_wait3A_645 = arith.constant 0 : i32
        %dma_wait3A_646 = tpu.memref_slice %arg11[%run_scoped3A_537, %dma_wait3A_645] : memref<2x128xi32, #tpu.memory_space<vmem>> -> memref<1x128xi32, #tpu.memory_space<vmem>>
        %dma_wait3A_647 = tpu.memref_squeeze %dma_wait3A_646 : memref<1x128xi32, #tpu.memory_space<vmem>> -> memref<128xi32, #tpu.memory_space<vmem>>
        %dma_wait3A_648 = arith.constant 0 : i32
        %dma_wait3A_649 = arith.constant 0 : i32
        %dma_wait3A_650 = tpu.memref_slice %arg16[%dma_wait3A_648, %dma_wait3A_649] : memref<10008x128xf32, #tpu.memory_space<vmem_shared>> -> memref<10008x128xf32, #tpu.memory_space<vmem_shared>>
        tpu.wait_indirect_dma semaphore(%run_scoped3A_638 : memref<!tpu.dma_semaphore, #tpu.memory_space<semaphore_mem>>) src(%arg10 : memref<128x128xf32, #tpu.memory_space<vmem>>) dst(%dma_wait3A_650 : memref<10008x128xf32, #tpu.memory_space<vmem_shared>>)
        tpu.yield
      }) : () -> ()
      %add3A_538 = arith.constant 4 : i32
      %add3A_539 = arith.addi %add3A_529, %add3A_538 : i32
      %lt3A_540 = arith.constant 79 : i32
      %lt3A_541 = arith.cmpi slt, %add3A_539, %lt3A_540 : i32
      %convert_element_type3A_542 = arith.extui %lt3A_541 : i1 to i32
      %cond3A_543 = arith.constant 0 : i32
      %cond3A_544 = arith.cmpi ne, %convert_element_type3A_542, %cond3A_543 : i32
      scf.if %cond3A_544 {
        %add3A_638 = arith.constant 4 : i32
        %add3A_639 = arith.addi %add3A_529, %add3A_638 : i32
        %mul3A_640 = arith.constant 79 : i32
        %mul3A_641 = arith.muli %add3A, %mul3A_640 : i32
        %add3A_642 = arith.addi %mul3A_641, %add3A_639 : i32
        %dma_start3A_643 = arith.constant 0 : i32
        %dma_start3A_644 = arith.constant 0 : i32
        %dma_start3A_645 = tpu.memref_slice %arg3[%add3A_642, %dma_start3A_643, %dma_start3A_644] : memref<2528x2x128xi32, #tpu.memory_space<hbm>> -> memref<1x2x128xi32, #tpu.memory_space<hbm>>
        %dma_start3A_646 = tpu.memref_squeeze %dma_start3A_645 : memref<1x2x128xi32, #tpu.memory_space<hbm>> -> memref<2x128xi32, #tpu.memory_space<hbm>>
        %dma_start3A_647 = arith.constant 0 : i32
        %dma_start3A_648 = arith.constant 0 : i32
        %dma_start3A_649 = tpu.memref_slice %arg3[%add3A_642, %dma_start3A_647, %dma_start3A_648] : memref<2528x2x128xi32, #tpu.memory_space<hbm>> -> memref<1x2x128xi32, #tpu.memory_space<hbm>>
        %dma_start3A_650 = tpu.memref_squeeze %dma_start3A_649 : memref<1x2x128xi32, #tpu.memory_space<hbm>> -> memref<2x128xi32, #tpu.memory_space<hbm>>
        tpu.enqueue_dma source(%dma_start3A_650 : memref<2x128xi32, #tpu.memory_space<hbm>>) target(%arg11 : memref<2x128xi32, #tpu.memory_space<vmem>>) target_semaphore(%arg21 : memref<!tpu.dma_semaphore, #tpu.memory_space<semaphore_mem>>)
      } else {
      }
      %add3A_545 = arith.constant 3 : i32
      %add3A_546 = arith.addi %add3A_529, %add3A_545 : i32
      %sub3A_547 = arith.constant 1 : i32
      %sub3A_548 = arith.subi %add3A_546, %sub3A_547 : i32
      %lt3A_549 = arith.constant 79 : i32
      %lt3A_550 = arith.cmpi slt, %sub3A_548, %lt3A_549 : i32
      %convert_element_type3A_551 = arith.extui %lt3A_550 : i1 to i32
      %cond3A_552 = arith.constant 0 : i32
      %cond3A_553 = arith.cmpi ne, %convert_element_type3A_551, %cond3A_552 : i32
      scf.if %cond3A_553 {
        %mul3A_638 = arith.constant 79 : i32
        %mul3A_639 = arith.muli %add3A, %mul3A_638 : i32
        %add3A_640 = arith.addi %mul3A_639, %add3A_529 : i32
        %add3A_641 = arith.constant 3 : i32
        %add3A_642 = arith.addi %add3A_640, %add3A_641 : i32
        %sub3A_643 = arith.constant 1 : i32
        %sub3A_644 = arith.subi %add3A_642, %sub3A_643 : i32
        %dma_wait3A_645 = arith.constant 0 : i32
        %dma_wait3A_646 = arith.constant 0 : i32
        %dma_wait3A_647 = tpu.memref_slice %arg3[%sub3A_644, %dma_wait3A_645, %dma_wait3A_646] : memref<2528x2x128xi32, #tpu.memory_space<hbm>> -> memref<1x2x128xi32, #tpu.memory_space<hbm>>
        %dma_wait3A_648 = tpu.memref_squeeze %dma_wait3A_647 : memref<1x2x128xi32, #tpu.memory_space<hbm>> -> memref<2x128xi32, #tpu.memory_space<hbm>>
        %dma_wait3A_649 = arith.constant 0 : i32
        %dma_wait3A_650 = arith.constant 0 : i32
        %dma_wait3A_651 = tpu.memref_slice %arg3[%sub3A_644, %dma_wait3A_649, %dma_wait3A_650] : memref<2528x2x128xi32, #tpu.memory_space<hbm>> -> memref<1x2x128xi32, #tpu.memory_space<hbm>>
        %dma_wait3A_652 = tpu.memref_squeeze %dma_wait3A_651 : memref<1x2x128xi32, #tpu.memory_space<hbm>> -> memref<2x128xi32, #tpu.memory_space<hbm>>
        tpu.wait_dma2 semaphore(%arg23 : memref<!tpu.dma_semaphore, #tpu.memory_space<semaphore_mem>>) src(%dma_wait3A_652 : memref<2x128xi32, #tpu.memory_space<hbm>>) dst(%arg13 : memref<2x128xi32, #tpu.memory_space<vmem>>)
        %add3A_653 = arith.constant 3 : i32
        %add3A_654 = arith.addi %add3A_529, %add3A_653 : i32
        %sub3A_655 = arith.constant 1 : i32
        %sub3A_656 = arith.subi %add3A_654, %sub3A_655 : i32
        %dma_start3A_657 = arith.constant 0 : i32
        %dma_start3A_658 = arith.constant 0 : i32
        %dma_start3A_659 = tpu.memref_slice %arg13[%dma_start3A_657, %dma_start3A_658] : memref<2x128xi32, #tpu.memory_space<vmem>> -> memref<1x128xi32, #tpu.memory_space<vmem>>
        %dma_start3A_660 = tpu.memref_squeeze %dma_start3A_659 : memref<1x128xi32, #tpu.memory_space<vmem>> -> memref<128xi32, #tpu.memory_space<vmem>>
        %dma_start3A_661 = arith.constant 0 : i32
        %dma_start3A_662 = arith.constant 0 : i32
        %dma_start3A_663 = tpu.memref_slice %arg2[%dma_start3A_661, %dma_start3A_662] : memref<20000x128xf32, #tpu.memory_space<hbm>> -> memref<20000x128xf32, #tpu.memory_space<hbm>>
        tpu.enqueue_indirect_dma source(%dma_start3A_663 : memref<20000x128xf32, #tpu.memory_space<hbm>>) target(%arg9 : memref<128x128xf32, #tpu.memory_space<vmem>>) offsets(%dma_start3A_660 : memref<128xi32, #tpu.memory_space<vmem>>) semaphore(%arg19 : memref<!tpu.dma_semaphore, #tpu.memory_space<semaphore_mem>>)
      } else {
      }
      %mul3A_554 = arith.constant 12 : i32
      %mul3A_555 = arith.muli %scan3A_302, %mul3A_554 : i32
      %add3A_556 = arith.constant 9 : i32
      %add3A_557 = arith.addi %mul3A_555, %add3A_556 : i32
      %dma_wait3A_558 = arith.constant 0 : i32
      %dma_wait3A_559 = arith.constant 0 : i32
      %dma_wait3A_560 = tpu.memref_slice %arg12[%dma_wait3A_558, %dma_wait3A_559] : memref<2x128xi32, #tpu.memory_space<vmem>> -> memref<1x128xi32, #tpu.memory_space<vmem>>
      %dma_wait3A_561 = tpu.memref_squeeze %dma_wait3A_560 : memref<1x128xi32, #tpu.memory_space<vmem>> -> memref<128xi32, #tpu.memory_space<vmem>>
      %dma_wait3A_562 = arith.constant 0 : i32
      %dma_wait3A_563 = arith.constant 0 : i32
      %dma_wait3A_564 = tpu.memref_slice %arg2[%dma_wait3A_562, %dma_wait3A_563] : memref<20000x128xf32, #tpu.memory_space<hbm>> -> memref<20000x128xf32, #tpu.memory_space<hbm>>
      tpu.wait_indirect_dma semaphore(%arg18 : memref<!tpu.dma_semaphore, #tpu.memory_space<semaphore_mem>>) src(%dma_wait3A_564 : memref<20000x128xf32, #tpu.memory_space<hbm>>) dst(%arg8 : memref<128x128xf32, #tpu.memory_space<vmem>>)
      %run_scoped3A_565 = arith.constant 1 : i32
      "tpu.region"() ({
        %run_scoped3A_638 = tpu.sem_alloc : memref<!tpu.dma_semaphore, #tpu.memory_space<semaphore_mem>>
        %dma_start3A_639 = arith.constant 0 : i32
        %dma_start3A_640 = tpu.memref_slice %arg12[%run_scoped3A_565, %dma_start3A_639] : memref<2x128xi32, #tpu.memory_space<vmem>> -> memref<1x128xi32, #tpu.memory_space<vmem>>
        %dma_start3A_641 = tpu.memref_squeeze %dma_start3A_640 : memref<1x128xi32, #tpu.memory_space<vmem>> -> memref<128xi32, #tpu.memory_space<vmem>>
        %dma_start3A_642 = arith.constant 0 : i32
        %dma_start3A_643 = arith.constant 0 : i32
        %dma_start3A_644 = tpu.memref_slice %arg16[%dma_start3A_642, %dma_start3A_643] : memref<10008x128xf32, #tpu.memory_space<vmem_shared>> -> memref<10008x128xf32, #tpu.memory_space<vmem_shared>>
        tpu.enqueue_indirect_dma source(%arg8 : memref<128x128xf32, #tpu.memory_space<vmem>>) target(%dma_start3A_644 : memref<10008x128xf32, #tpu.memory_space<vmem_shared>>) offsets(%dma_start3A_641 : memref<128xi32, #tpu.memory_space<vmem>>) semaphore(%run_scoped3A_638 : memref<!tpu.dma_semaphore, #tpu.memory_space<semaphore_mem>>) {add = true}
        %dma_wait3A_645 = arith.constant 0 : i32
        %dma_wait3A_646 = tpu.memref_slice %arg12[%run_scoped3A_565, %dma_wait3A_645] : memref<2x128xi32, #tpu.memory_space<vmem>> -> memref<1x128xi32, #tpu.memory_space<vmem>>
        %dma_wait3A_647 = tpu.memref_squeeze %dma_wait3A_646 : memref<1x128xi32, #tpu.memory_space<vmem>> -> memref<128xi32, #tpu.memory_space<vmem>>
        %dma_wait3A_648 = arith.constant 0 : i32
        %dma_wait3A_649 = arith.constant 0 : i32
        %dma_wait3A_650 = tpu.memref_slice %arg16[%dma_wait3A_648, %dma_wait3A_649] : memref<10008x128xf32, #tpu.memory_space<vmem_shared>> -> memref<10008x128xf32, #tpu.memory_space<vmem_shared>>
        tpu.wait_indirect_dma semaphore(%run_scoped3A_638 : memref<!tpu.dma_semaphore, #tpu.memory_space<semaphore_mem>>) src(%arg8 : memref<128x128xf32, #tpu.memory_space<vmem>>) dst(%dma_wait3A_650 : memref<10008x128xf32, #tpu.memory_space<vmem_shared>>)
        tpu.yield
      }) : () -> ()
      %add3A_566 = arith.constant 4 : i32
      %add3A_567 = arith.addi %add3A_557, %add3A_566 : i32
      %lt3A_568 = arith.constant 79 : i32
      %lt3A_569 = arith.cmpi slt, %add3A_567, %lt3A_568 : i32
      %convert_element_type3A_570 = arith.extui %lt3A_569 : i1 to i32
      %cond3A_571 = arith.constant 0 : i32
      %cond3A_572 = arith.cmpi ne, %convert_element_type3A_570, %cond3A_571 : i32
      scf.if %cond3A_572 {
        %add3A_638 = arith.constant 4 : i32
        %add3A_639 = arith.addi %add3A_557, %add3A_638 : i32
        %mul3A_640 = arith.constant 79 : i32
        %mul3A_641 = arith.muli %add3A, %mul3A_640 : i32
        %add3A_642 = arith.addi %mul3A_641, %add3A_639 : i32
        %dma_start3A_643 = arith.constant 0 : i32
        %dma_start3A_644 = arith.constant 0 : i32
        %dma_start3A_645 = tpu.memref_slice %arg3[%add3A_642, %dma_start3A_643, %dma_start3A_644] : memref<2528x2x128xi32, #tpu.memory_space<hbm>> -> memref<1x2x128xi32, #tpu.memory_space<hbm>>
        %dma_start3A_646 = tpu.memref_squeeze %dma_start3A_645 : memref<1x2x128xi32, #tpu.memory_space<hbm>> -> memref<2x128xi32, #tpu.memory_space<hbm>>
        %dma_start3A_647 = arith.constant 0 : i32
        %dma_start3A_648 = arith.constant 0 : i32
        %dma_start3A_649 = tpu.memref_slice %arg3[%add3A_642, %dma_start3A_647, %dma_start3A_648] : memref<2528x2x128xi32, #tpu.memory_space<hbm>> -> memref<1x2x128xi32, #tpu.memory_space<hbm>>
        %dma_start3A_650 = tpu.memref_squeeze %dma_start3A_649 : memref<1x2x128xi32, #tpu.memory_space<hbm>> -> memref<2x128xi32, #tpu.memory_space<hbm>>
        tpu.enqueue_dma source(%dma_start3A_650 : memref<2x128xi32, #tpu.memory_space<hbm>>) target(%arg12 : memref<2x128xi32, #tpu.memory_space<vmem>>) target_semaphore(%arg22 : memref<!tpu.dma_semaphore, #tpu.memory_space<semaphore_mem>>)
      } else {
      }
      %add3A_573 = arith.constant 3 : i32
      %add3A_574 = arith.addi %add3A_557, %add3A_573 : i32
      %sub3A_575 = arith.constant 1 : i32
      %sub3A_576 = arith.subi %add3A_574, %sub3A_575 : i32
      %lt3A_577 = arith.constant 79 : i32
      %lt3A_578 = arith.cmpi slt, %sub3A_576, %lt3A_577 : i32
      %convert_element_type3A_579 = arith.extui %lt3A_578 : i1 to i32
      %cond3A_580 = arith.constant 0 : i32
      %cond3A_581 = arith.cmpi ne, %convert_element_type3A_579, %cond3A_580 : i32
      scf.if %cond3A_581 {
        %mul3A_638 = arith.constant 79 : i32
        %mul3A_639 = arith.muli %add3A, %mul3A_638 : i32
        %add3A_640 = arith.addi %mul3A_639, %add3A_557 : i32
        %add3A_641 = arith.constant 3 : i32
        %add3A_642 = arith.addi %add3A_640, %add3A_641 : i32
        %sub3A_643 = arith.constant 1 : i32
        %sub3A_644 = arith.subi %add3A_642, %sub3A_643 : i32
        %dma_wait3A_645 = arith.constant 0 : i32
        %dma_wait3A_646 = arith.constant 0 : i32
        %dma_wait3A_647 = tpu.memref_slice %arg3[%sub3A_644, %dma_wait3A_645, %dma_wait3A_646] : memref<2528x2x128xi32, #tpu.memory_space<hbm>> -> memref<1x2x128xi32, #tpu.memory_space<hbm>>
        %dma_wait3A_648 = tpu.memref_squeeze %dma_wait3A_647 : memref<1x2x128xi32, #tpu.memory_space<hbm>> -> memref<2x128xi32, #tpu.memory_space<hbm>>
        %dma_wait3A_649 = arith.constant 0 : i32
        %dma_wait3A_650 = arith.constant 0 : i32
        %dma_wait3A_651 = tpu.memref_slice %arg3[%sub3A_644, %dma_wait3A_649, %dma_wait3A_650] : memref<2528x2x128xi32, #tpu.memory_space<hbm>> -> memref<1x2x128xi32, #tpu.memory_space<hbm>>
        %dma_wait3A_652 = tpu.memref_squeeze %dma_wait3A_651 : memref<1x2x128xi32, #tpu.memory_space<hbm>> -> memref<2x128xi32, #tpu.memory_space<hbm>>
        tpu.wait_dma2 semaphore(%arg24 : memref<!tpu.dma_semaphore, #tpu.memory_space<semaphore_mem>>) src(%dma_wait3A_652 : memref<2x128xi32, #tpu.memory_space<hbm>>) dst(%arg14 : memref<2x128xi32, #tpu.memory_space<vmem>>)
        %add3A_653 = arith.constant 3 : i32
        %add3A_654 = arith.addi %add3A_557, %add3A_653 : i32
        %sub3A_655 = arith.constant 1 : i32
        %sub3A_656 = arith.subi %add3A_654, %sub3A_655 : i32
        %dma_start3A_657 = arith.constant 0 : i32
        %dma_start3A_658 = arith.constant 0 : i32
        %dma_start3A_659 = tpu.memref_slice %arg14[%dma_start3A_657, %dma_start3A_658] : memref<2x128xi32, #tpu.memory_space<vmem>> -> memref<1x128xi32, #tpu.memory_space<vmem>>
        %dma_start3A_660 = tpu.memref_squeeze %dma_start3A_659 : memref<1x128xi32, #tpu.memory_space<vmem>> -> memref<128xi32, #tpu.memory_space<vmem>>
        %dma_start3A_661 = arith.constant 0 : i32
        %dma_start3A_662 = arith.constant 0 : i32
        %dma_start3A_663 = tpu.memref_slice %arg2[%dma_start3A_661, %dma_start3A_662] : memref<20000x128xf32, #tpu.memory_space<hbm>> -> memref<20000x128xf32, #tpu.memory_space<hbm>>
        tpu.enqueue_indirect_dma source(%dma_start3A_663 : memref<20000x128xf32, #tpu.memory_space<hbm>>) target(%arg10 : memref<128x128xf32, #tpu.memory_space<vmem>>) offsets(%dma_start3A_660 : memref<128xi32, #tpu.memory_space<vmem>>) semaphore(%arg20 : memref<!tpu.dma_semaphore, #tpu.memory_space<semaphore_mem>>)
      } else {
      }
      %mul3A_582 = arith.constant 12 : i32
      %mul3A_583 = arith.muli %scan3A_302, %mul3A_582 : i32
      %add3A_584 = arith.constant 10 : i32
      %add3A_585 = arith.addi %mul3A_583, %add3A_584 : i32
      %dma_wait3A_586 = arith.constant 0 : i32
      %dma_wait3A_587 = arith.constant 0 : i32
      %dma_wait3A_588 = tpu.memref_slice %arg13[%dma_wait3A_586, %dma_wait3A_587] : memref<2x128xi32, #tpu.memory_space<vmem>> -> memref<1x128xi32, #tpu.memory_space<vmem>>
      %dma_wait3A_589 = tpu.memref_squeeze %dma_wait3A_588 : memref<1x128xi32, #tpu.memory_space<vmem>> -> memref<128xi32, #tpu.memory_space<vmem>>
      %dma_wait3A_590 = arith.constant 0 : i32
      %dma_wait3A_591 = arith.constant 0 : i32
      %dma_wait3A_592 = tpu.memref_slice %arg2[%dma_wait3A_590, %dma_wait3A_591] : memref<20000x128xf32, #tpu.memory_space<hbm>> -> memref<20000x128xf32, #tpu.memory_space<hbm>>
      tpu.wait_indirect_dma semaphore(%arg19 : memref<!tpu.dma_semaphore, #tpu.memory_space<semaphore_mem>>) src(%dma_wait3A_592 : memref<20000x128xf32, #tpu.memory_space<hbm>>) dst(%arg9 : memref<128x128xf32, #tpu.memory_space<vmem>>)
      %run_scoped3A_593 = arith.constant 1 : i32
      "tpu.region"() ({
        %run_scoped3A_638 = tpu.sem_alloc : memref<!tpu.dma_semaphore, #tpu.memory_space<semaphore_mem>>
        %dma_start3A_639 = arith.constant 0 : i32
        %dma_start3A_640 = tpu.memref_slice %arg13[%run_scoped3A_593, %dma_start3A_639] : memref<2x128xi32, #tpu.memory_space<vmem>> -> memref<1x128xi32, #tpu.memory_space<vmem>>
        %dma_start3A_641 = tpu.memref_squeeze %dma_start3A_640 : memref<1x128xi32, #tpu.memory_space<vmem>> -> memref<128xi32, #tpu.memory_space<vmem>>
        %dma_start3A_642 = arith.constant 0 : i32
        %dma_start3A_643 = arith.constant 0 : i32
        %dma_start3A_644 = tpu.memref_slice %arg16[%dma_start3A_642, %dma_start3A_643] : memref<10008x128xf32, #tpu.memory_space<vmem_shared>> -> memref<10008x128xf32, #tpu.memory_space<vmem_shared>>
        tpu.enqueue_indirect_dma source(%arg9 : memref<128x128xf32, #tpu.memory_space<vmem>>) target(%dma_start3A_644 : memref<10008x128xf32, #tpu.memory_space<vmem_shared>>) offsets(%dma_start3A_641 : memref<128xi32, #tpu.memory_space<vmem>>) semaphore(%run_scoped3A_638 : memref<!tpu.dma_semaphore, #tpu.memory_space<semaphore_mem>>) {add = true}
        %dma_wait3A_645 = arith.constant 0 : i32
        %dma_wait3A_646 = tpu.memref_slice %arg13[%run_scoped3A_593, %dma_wait3A_645] : memref<2x128xi32, #tpu.memory_space<vmem>> -> memref<1x128xi32, #tpu.memory_space<vmem>>
        %dma_wait3A_647 = tpu.memref_squeeze %dma_wait3A_646 : memref<1x128xi32, #tpu.memory_space<vmem>> -> memref<128xi32, #tpu.memory_space<vmem>>
        %dma_wait3A_648 = arith.constant 0 : i32
        %dma_wait3A_649 = arith.constant 0 : i32
        %dma_wait3A_650 = tpu.memref_slice %arg16[%dma_wait3A_648, %dma_wait3A_649] : memref<10008x128xf32, #tpu.memory_space<vmem_shared>> -> memref<10008x128xf32, #tpu.memory_space<vmem_shared>>
        tpu.wait_indirect_dma semaphore(%run_scoped3A_638 : memref<!tpu.dma_semaphore, #tpu.memory_space<semaphore_mem>>) src(%arg9 : memref<128x128xf32, #tpu.memory_space<vmem>>) dst(%dma_wait3A_650 : memref<10008x128xf32, #tpu.memory_space<vmem_shared>>)
        tpu.yield
      }) : () -> ()
      %add3A_594 = arith.constant 4 : i32
      %add3A_595 = arith.addi %add3A_585, %add3A_594 : i32
      %lt3A_596 = arith.constant 79 : i32
      %lt3A_597 = arith.cmpi slt, %add3A_595, %lt3A_596 : i32
      %convert_element_type3A_598 = arith.extui %lt3A_597 : i1 to i32
      %cond3A_599 = arith.constant 0 : i32
      %cond3A_600 = arith.cmpi ne, %convert_element_type3A_598, %cond3A_599 : i32
      scf.if %cond3A_600 {
        %add3A_638 = arith.constant 4 : i32
        %add3A_639 = arith.addi %add3A_585, %add3A_638 : i32
        %mul3A_640 = arith.constant 79 : i32
        %mul3A_641 = arith.muli %add3A, %mul3A_640 : i32
        %add3A_642 = arith.addi %mul3A_641, %add3A_639 : i32
        %dma_start3A_643 = arith.constant 0 : i32
        %dma_start3A_644 = arith.constant 0 : i32
        %dma_start3A_645 = tpu.memref_slice %arg3[%add3A_642, %dma_start3A_643, %dma_start3A_644] : memref<2528x2x128xi32, #tpu.memory_space<hbm>> -> memref<1x2x128xi32, #tpu.memory_space<hbm>>
        %dma_start3A_646 = tpu.memref_squeeze %dma_start3A_645 : memref<1x2x128xi32, #tpu.memory_space<hbm>> -> memref<2x128xi32, #tpu.memory_space<hbm>>
        %dma_start3A_647 = arith.constant 0 : i32
        %dma_start3A_648 = arith.constant 0 : i32
        %dma_start3A_649 = tpu.memref_slice %arg3[%add3A_642, %dma_start3A_647, %dma_start3A_648] : memref<2528x2x128xi32, #tpu.memory_space<hbm>> -> memref<1x2x128xi32, #tpu.memory_space<hbm>>
        %dma_start3A_650 = tpu.memref_squeeze %dma_start3A_649 : memref<1x2x128xi32, #tpu.memory_space<hbm>> -> memref<2x128xi32, #tpu.memory_space<hbm>>
        tpu.enqueue_dma source(%dma_start3A_650 : memref<2x128xi32, #tpu.memory_space<hbm>>) target(%arg13 : memref<2x128xi32, #tpu.memory_space<vmem>>) target_semaphore(%arg23 : memref<!tpu.dma_semaphore, #tpu.memory_space<semaphore_mem>>)
      } else {
      }
      %add3A_601 = arith.constant 3 : i32
      %add3A_602 = arith.addi %add3A_585, %add3A_601 : i32
      %sub3A_603 = arith.constant 1 : i32
      %sub3A_604 = arith.subi %add3A_602, %sub3A_603 : i32
      %lt3A_605 = arith.constant 79 : i32
      %lt3A_606 = arith.cmpi slt, %sub3A_604, %lt3A_605 : i32
      %convert_element_type3A_607 = arith.extui %lt3A_606 : i1 to i32
      %cond3A_608 = arith.constant 0 : i32
      %cond3A_609 = arith.cmpi ne, %convert_element_type3A_607, %cond3A_608 : i32
      scf.if %cond3A_609 {
        %mul3A_638 = arith.constant 79 : i32
        %mul3A_639 = arith.muli %add3A, %mul3A_638 : i32
        %add3A_640 = arith.addi %mul3A_639, %add3A_585 : i32
        %add3A_641 = arith.constant 3 : i32
        %add3A_642 = arith.addi %add3A_640, %add3A_641 : i32
        %sub3A_643 = arith.constant 1 : i32
        %sub3A_644 = arith.subi %add3A_642, %sub3A_643 : i32
        %dma_wait3A_645 = arith.constant 0 : i32
        %dma_wait3A_646 = arith.constant 0 : i32
        %dma_wait3A_647 = tpu.memref_slice %arg3[%sub3A_644, %dma_wait3A_645, %dma_wait3A_646] : memref<2528x2x128xi32, #tpu.memory_space<hbm>> -> memref<1x2x128xi32, #tpu.memory_space<hbm>>
        %dma_wait3A_648 = tpu.memref_squeeze %dma_wait3A_647 : memref<1x2x128xi32, #tpu.memory_space<hbm>> -> memref<2x128xi32, #tpu.memory_space<hbm>>
        %dma_wait3A_649 = arith.constant 0 : i32
        %dma_wait3A_650 = arith.constant 0 : i32
        %dma_wait3A_651 = tpu.memref_slice %arg3[%sub3A_644, %dma_wait3A_649, %dma_wait3A_650] : memref<2528x2x128xi32, #tpu.memory_space<hbm>> -> memref<1x2x128xi32, #tpu.memory_space<hbm>>
        %dma_wait3A_652 = tpu.memref_squeeze %dma_wait3A_651 : memref<1x2x128xi32, #tpu.memory_space<hbm>> -> memref<2x128xi32, #tpu.memory_space<hbm>>
        tpu.wait_dma2 semaphore(%arg21 : memref<!tpu.dma_semaphore, #tpu.memory_space<semaphore_mem>>) src(%dma_wait3A_652 : memref<2x128xi32, #tpu.memory_space<hbm>>) dst(%arg11 : memref<2x128xi32, #tpu.memory_space<vmem>>)
        %add3A_653 = arith.constant 3 : i32
        %add3A_654 = arith.addi %add3A_585, %add3A_653 : i32
        %sub3A_655 = arith.constant 1 : i32
        %sub3A_656 = arith.subi %add3A_654, %sub3A_655 : i32
        %dma_start3A_657 = arith.constant 0 : i32
        %dma_start3A_658 = arith.constant 0 : i32
        %dma_start3A_659 = tpu.memref_slice %arg11[%dma_start3A_657, %dma_start3A_658] : memref<2x128xi32, #tpu.memory_space<vmem>> -> memref<1x128xi32, #tpu.memory_space<vmem>>
        %dma_start3A_660 = tpu.memref_squeeze %dma_start3A_659 : memref<1x128xi32, #tpu.memory_space<vmem>> -> memref<128xi32, #tpu.memory_space<vmem>>
        %dma_start3A_661 = arith.constant 0 : i32
        %dma_start3A_662 = arith.constant 0 : i32
        %dma_start3A_663 = tpu.memref_slice %arg2[%dma_start3A_661, %dma_start3A_662] : memref<20000x128xf32, #tpu.memory_space<hbm>> -> memref<20000x128xf32, #tpu.memory_space<hbm>>
        tpu.enqueue_indirect_dma source(%dma_start3A_663 : memref<20000x128xf32, #tpu.memory_space<hbm>>) target(%arg8 : memref<128x128xf32, #tpu.memory_space<vmem>>) offsets(%dma_start3A_660 : memref<128xi32, #tpu.memory_space<vmem>>) semaphore(%arg18 : memref<!tpu.dma_semaphore, #tpu.memory_space<semaphore_mem>>)
      } else {
      }
      %mul3A_610 = arith.constant 12 : i32
      %mul3A_611 = arith.muli %scan3A_302, %mul3A_610 : i32
      %add3A_612 = arith.constant 11 : i32
      %add3A_613 = arith.addi %mul3A_611, %add3A_612 : i32
      %dma_wait3A_614 = arith.constant 0 : i32
      %dma_wait3A_615 = arith.constant 0 : i32
      %dma_wait3A_616 = tpu.memref_slice %arg14[%dma_wait3A_614, %dma_wait3A_615] : memref<2x128xi32, #tpu.memory_space<vmem>> -> memref<1x128xi32, #tpu.memory_space<vmem>>
      %dma_wait3A_617 = tpu.memref_squeeze %dma_wait3A_616 : memref<1x128xi32, #tpu.memory_space<vmem>> -> memref<128xi32, #tpu.memory_space<vmem>>
      %dma_wait3A_618 = arith.constant 0 : i32
      %dma_wait3A_619 = arith.constant 0 : i32
      %dma_wait3A_620 = tpu.memref_slice %arg2[%dma_wait3A_618, %dma_wait3A_619] : memref<20000x128xf32, #tpu.memory_space<hbm>> -> memref<20000x128xf32, #tpu.memory_space<hbm>>
      tpu.wait_indirect_dma semaphore(%arg20 : memref<!tpu.dma_semaphore, #tpu.memory_space<semaphore_mem>>) src(%dma_wait3A_620 : memref<20000x128xf32, #tpu.memory_space<hbm>>) dst(%arg10 : memref<128x128xf32, #tpu.memory_space<vmem>>)
      %run_scoped3A_621 = arith.constant 1 : i32
      "tpu.region"() ({
        %run_scoped3A_638 = tpu.sem_alloc : memref<!tpu.dma_semaphore, #tpu.memory_space<semaphore_mem>>
        %dma_start3A_639 = arith.constant 0 : i32
        %dma_start3A_640 = tpu.memref_slice %arg14[%run_scoped3A_621, %dma_start3A_639] : memref<2x128xi32, #tpu.memory_space<vmem>> -> memref<1x128xi32, #tpu.memory_space<vmem>>
        %dma_start3A_641 = tpu.memref_squeeze %dma_start3A_640 : memref<1x128xi32, #tpu.memory_space<vmem>> -> memref<128xi32, #tpu.memory_space<vmem>>
        %dma_start3A_642 = arith.constant 0 : i32
        %dma_start3A_643 = arith.constant 0 : i32
        %dma_start3A_644 = tpu.memref_slice %arg16[%dma_start3A_642, %dma_start3A_643] : memref<10008x128xf32, #tpu.memory_space<vmem_shared>> -> memref<10008x128xf32, #tpu.memory_space<vmem_shared>>
        tpu.enqueue_indirect_dma source(%arg10 : memref<128x128xf32, #tpu.memory_space<vmem>>) target(%dma_start3A_644 : memref<10008x128xf32, #tpu.memory_space<vmem_shared>>) offsets(%dma_start3A_641 : memref<128xi32, #tpu.memory_space<vmem>>) semaphore(%run_scoped3A_638 : memref<!tpu.dma_semaphore, #tpu.memory_space<semaphore_mem>>) {add = true}
        %dma_wait3A_645 = arith.constant 0 : i32
        %dma_wait3A_646 = tpu.memref_slice %arg14[%run_scoped3A_621, %dma_wait3A_645] : memref<2x128xi32, #tpu.memory_space<vmem>> -> memref<1x128xi32, #tpu.memory_space<vmem>>
        %dma_wait3A_647 = tpu.memref_squeeze %dma_wait3A_646 : memref<1x128xi32, #tpu.memory_space<vmem>> -> memref<128xi32, #tpu.memory_space<vmem>>
        %dma_wait3A_648 = arith.constant 0 : i32
        %dma_wait3A_649 = arith.constant 0 : i32
        %dma_wait3A_650 = tpu.memref_slice %arg16[%dma_wait3A_648, %dma_wait3A_649] : memref<10008x128xf32, #tpu.memory_space<vmem_shared>> -> memref<10008x128xf32, #tpu.memory_space<vmem_shared>>
        tpu.wait_indirect_dma semaphore(%run_scoped3A_638 : memref<!tpu.dma_semaphore, #tpu.memory_space<semaphore_mem>>) src(%arg10 : memref<128x128xf32, #tpu.memory_space<vmem>>) dst(%dma_wait3A_650 : memref<10008x128xf32, #tpu.memory_space<vmem_shared>>)
        tpu.yield
      }) : () -> ()
      %add3A_622 = arith.constant 4 : i32
      %add3A_623 = arith.addi %add3A_613, %add3A_622 : i32
      %lt3A_624 = arith.constant 79 : i32
      %lt3A_625 = arith.cmpi slt, %add3A_623, %lt3A_624 : i32
      %convert_element_type3A_626 = arith.extui %lt3A_625 : i1 to i32
      %cond3A_627 = arith.constant 0 : i32
      %cond3A_628 = arith.cmpi ne, %convert_element_type3A_626, %cond3A_627 : i32
      scf.if %cond3A_628 {
        %add3A_638 = arith.constant 4 : i32
        %add3A_639 = arith.addi %add3A_613, %add3A_638 : i32
        %mul3A_640 = arith.constant 79 : i32
        %mul3A_641 = arith.muli %add3A, %mul3A_640 : i32
        %add3A_642 = arith.addi %mul3A_641, %add3A_639 : i32
        %dma_start3A_643 = arith.constant 0 : i32
        %dma_start3A_644 = arith.constant 0 : i32
        %dma_start3A_645 = tpu.memref_slice %arg3[%add3A_642, %dma_start3A_643, %dma_start3A_644] : memref<2528x2x128xi32, #tpu.memory_space<hbm>> -> memref<1x2x128xi32, #tpu.memory_space<hbm>>
        %dma_start3A_646 = tpu.memref_squeeze %dma_start3A_645 : memref<1x2x128xi32, #tpu.memory_space<hbm>> -> memref<2x128xi32, #tpu.memory_space<hbm>>
        %dma_start3A_647 = arith.constant 0 : i32
        %dma_start3A_648 = arith.constant 0 : i32
        %dma_start3A_649 = tpu.memref_slice %arg3[%add3A_642, %dma_start3A_647, %dma_start3A_648] : memref<2528x2x128xi32, #tpu.memory_space<hbm>> -> memref<1x2x128xi32, #tpu.memory_space<hbm>>
        %dma_start3A_650 = tpu.memref_squeeze %dma_start3A_649 : memref<1x2x128xi32, #tpu.memory_space<hbm>> -> memref<2x128xi32, #tpu.memory_space<hbm>>
        tpu.enqueue_dma source(%dma_start3A_650 : memref<2x128xi32, #tpu.memory_space<hbm>>) target(%arg14 : memref<2x128xi32, #tpu.memory_space<vmem>>) target_semaphore(%arg24 : memref<!tpu.dma_semaphore, #tpu.memory_space<semaphore_mem>>)
      } else {
      }
      %add3A_629 = arith.constant 3 : i32
      %add3A_630 = arith.addi %add3A_613, %add3A_629 : i32
      %sub3A_631 = arith.constant 1 : i32
      %sub3A_632 = arith.subi %add3A_630, %sub3A_631 : i32
      %lt3A_633 = arith.constant 79 : i32
      %lt3A_634 = arith.cmpi slt, %sub3A_632, %lt3A_633 : i32
      %convert_element_type3A_635 = arith.extui %lt3A_634 : i1 to i32
      %cond3A_636 = arith.constant 0 : i32
      %cond3A_637 = arith.cmpi ne, %convert_element_type3A_635, %cond3A_636 : i32
      scf.if %cond3A_637 {
        %mul3A_638 = arith.constant 79 : i32
        %mul3A_639 = arith.muli %add3A, %mul3A_638 : i32
        %add3A_640 = arith.addi %mul3A_639, %add3A_613 : i32
        %add3A_641 = arith.constant 3 : i32
        %add3A_642 = arith.addi %add3A_640, %add3A_641 : i32
        %sub3A_643 = arith.constant 1 : i32
        %sub3A_644 = arith.subi %add3A_642, %sub3A_643 : i32
        %dma_wait3A_645 = arith.constant 0 : i32
        %dma_wait3A_646 = arith.constant 0 : i32
        %dma_wait3A_647 = tpu.memref_slice %arg3[%sub3A_644, %dma_wait3A_645, %dma_wait3A_646] : memref<2528x2x128xi32, #tpu.memory_space<hbm>> -> memref<1x2x128xi32, #tpu.memory_space<hbm>>
        %dma_wait3A_648 = tpu.memref_squeeze %dma_wait3A_647 : memref<1x2x128xi32, #tpu.memory_space<hbm>> -> memref<2x128xi32, #tpu.memory_space<hbm>>
        %dma_wait3A_649 = arith.constant 0 : i32
        %dma_wait3A_650 = arith.constant 0 : i32
        %dma_wait3A_651 = tpu.memref_slice %arg3[%sub3A_644, %dma_wait3A_649, %dma_wait3A_650] : memref<2528x2x128xi32, #tpu.memory_space<hbm>> -> memref<1x2x128xi32, #tpu.memory_space<hbm>>
        %dma_wait3A_652 = tpu.memref_squeeze %dma_wait3A_651 : memref<1x2x128xi32, #tpu.memory_space<hbm>> -> memref<2x128xi32, #tpu.memory_space<hbm>>
        tpu.wait_dma2 semaphore(%arg22 : memref<!tpu.dma_semaphore, #tpu.memory_space<semaphore_mem>>) src(%dma_wait3A_652 : memref<2x128xi32, #tpu.memory_space<hbm>>) dst(%arg12 : memref<2x128xi32, #tpu.memory_space<vmem>>)
        %add3A_653 = arith.constant 3 : i32
        %add3A_654 = arith.addi %add3A_613, %add3A_653 : i32
        %sub3A_655 = arith.constant 1 : i32
        %sub3A_656 = arith.subi %add3A_654, %sub3A_655 : i32
        %dma_start3A_657 = arith.constant 0 : i32
        %dma_start3A_658 = arith.constant 0 : i32
        %dma_start3A_659 = tpu.memref_slice %arg12[%dma_start3A_657, %dma_start3A_658] : memref<2x128xi32, #tpu.memory_space<vmem>> -> memref<1x128xi32, #tpu.memory_space<vmem>>
        %dma_start3A_660 = tpu.memref_squeeze %dma_start3A_659 : memref<1x128xi32, #tpu.memory_space<vmem>> -> memref<128xi32, #tpu.memory_space<vmem>>
        %dma_start3A_661 = arith.constant 0 : i32
        %dma_start3A_662 = arith.constant 0 : i32
        %dma_start3A_663 = tpu.memref_slice %arg2[%dma_start3A_661, %dma_start3A_662] : memref<20000x128xf32, #tpu.memory_space<hbm>> -> memref<20000x128xf32, #tpu.memory_space<hbm>>
        tpu.enqueue_indirect_dma source(%dma_start3A_663 : memref<20000x128xf32, #tpu.memory_space<hbm>>) target(%arg9 : memref<128x128xf32, #tpu.memory_space<vmem>>) offsets(%dma_start3A_660 : memref<128xi32, #tpu.memory_space<vmem>>) semaphore(%arg19 : memref<!tpu.dma_semaphore, #tpu.memory_space<semaphore_mem>>)
      } else {
      }
    }
    %scan3A_93 = arith.constant 6 : i32
    %dma_wait3A_94 = arith.constant 0 : i32
    %dma_wait3A_95 = arith.constant 0 : i32
    %dma_wait3A_96 = tpu.memref_slice %arg11[%dma_wait3A_94, %dma_wait3A_95] : memref<2x128xi32, #tpu.memory_space<vmem>> -> memref<1x128xi32, #tpu.memory_space<vmem>>
    %dma_wait3A_97 = tpu.memref_squeeze %dma_wait3A_96 : memref<1x128xi32, #tpu.memory_space<vmem>> -> memref<128xi32, #tpu.memory_space<vmem>>
    %dma_wait3A_98 = arith.constant 0 : i32
    %dma_wait3A_99 = arith.constant 0 : i32
    %dma_wait3A_100 = tpu.memref_slice %arg2[%dma_wait3A_98, %dma_wait3A_99] : memref<20000x128xf32, #tpu.memory_space<hbm>> -> memref<20000x128xf32, #tpu.memory_space<hbm>>
    tpu.wait_indirect_dma semaphore(%arg18 : memref<!tpu.dma_semaphore, #tpu.memory_space<semaphore_mem>>) src(%dma_wait3A_100 : memref<20000x128xf32, #tpu.memory_space<hbm>>) dst(%arg8 : memref<128x128xf32, #tpu.memory_space<vmem>>)
    %run_scoped3A = arith.constant 1 : i32
    "tpu.region"() ({
      %run_scoped3A_302 = tpu.sem_alloc : memref<!tpu.dma_semaphore, #tpu.memory_space<semaphore_mem>>
      %dma_start3A_303 = arith.constant 0 : i32
      %dma_start3A_304 = tpu.memref_slice %arg11[%run_scoped3A, %dma_start3A_303] : memref<2x128xi32, #tpu.memory_space<vmem>> -> memref<1x128xi32, #tpu.memory_space<vmem>>
      %dma_start3A_305 = tpu.memref_squeeze %dma_start3A_304 : memref<1x128xi32, #tpu.memory_space<vmem>> -> memref<128xi32, #tpu.memory_space<vmem>>
      %dma_start3A_306 = arith.constant 0 : i32
      %dma_start3A_307 = arith.constant 0 : i32
      %dma_start3A_308 = tpu.memref_slice %arg16[%dma_start3A_306, %dma_start3A_307] : memref<10008x128xf32, #tpu.memory_space<vmem_shared>> -> memref<10008x128xf32, #tpu.memory_space<vmem_shared>>
      tpu.enqueue_indirect_dma source(%arg8 : memref<128x128xf32, #tpu.memory_space<vmem>>) target(%dma_start3A_308 : memref<10008x128xf32, #tpu.memory_space<vmem_shared>>) offsets(%dma_start3A_305 : memref<128xi32, #tpu.memory_space<vmem>>) semaphore(%run_scoped3A_302 : memref<!tpu.dma_semaphore, #tpu.memory_space<semaphore_mem>>) {add = true}
      %dma_wait3A_309 = arith.constant 0 : i32
      %dma_wait3A_310 = tpu.memref_slice %arg11[%run_scoped3A, %dma_wait3A_309] : memref<2x128xi32, #tpu.memory_space<vmem>> -> memref<1x128xi32, #tpu.memory_space<vmem>>
      %dma_wait3A_311 = tpu.memref_squeeze %dma_wait3A_310 : memref<1x128xi32, #tpu.memory_space<vmem>> -> memref<128xi32, #tpu.memory_space<vmem>>
      %dma_wait3A_312 = arith.constant 0 : i32
      %dma_wait3A_313 = arith.constant 0 : i32
      %dma_wait3A_314 = tpu.memref_slice %arg16[%dma_wait3A_312, %dma_wait3A_313] : memref<10008x128xf32, #tpu.memory_space<vmem_shared>> -> memref<10008x128xf32, #tpu.memory_space<vmem_shared>>
      tpu.wait_indirect_dma semaphore(%run_scoped3A_302 : memref<!tpu.dma_semaphore, #tpu.memory_space<semaphore_mem>>) src(%arg8 : memref<128x128xf32, #tpu.memory_space<vmem>>) dst(%dma_wait3A_314 : memref<10008x128xf32, #tpu.memory_space<vmem_shared>>)
      tpu.yield
    }) : () -> ()
    %mul3A_101 = arith.constant 79 : i32
    %mul3A_102 = arith.muli %add3A, %mul3A_101 : i32
    %add3A_103 = arith.constant 76 : i32
    %add3A_104 = arith.addi %mul3A_102, %add3A_103 : i32
    %dma_start3A_105 = arith.constant 0 : i32
    %dma_start3A_106 = arith.constant 0 : i32
    %dma_start3A_107 = tpu.memref_slice %arg3[%add3A_104, %dma_start3A_105, %dma_start3A_106] : memref<2528x2x128xi32, #tpu.memory_space<hbm>> -> memref<1x2x128xi32, #tpu.memory_space<hbm>>
    %dma_start3A_108 = tpu.memref_squeeze %dma_start3A_107 : memref<1x2x128xi32, #tpu.memory_space<hbm>> -> memref<2x128xi32, #tpu.memory_space<hbm>>
    %dma_start3A_109 = arith.constant 0 : i32
    %dma_start3A_110 = arith.constant 0 : i32
    %dma_start3A_111 = tpu.memref_slice %arg3[%add3A_104, %dma_start3A_109, %dma_start3A_110] : memref<2528x2x128xi32, #tpu.memory_space<hbm>> -> memref<1x2x128xi32, #tpu.memory_space<hbm>>
    %dma_start3A_112 = tpu.memref_squeeze %dma_start3A_111 : memref<1x2x128xi32, #tpu.memory_space<hbm>> -> memref<2x128xi32, #tpu.memory_space<hbm>>
    tpu.enqueue_dma source(%dma_start3A_112 : memref<2x128xi32, #tpu.memory_space<hbm>>) target(%arg11 : memref<2x128xi32, #tpu.memory_space<vmem>>) target_semaphore(%arg21 : memref<!tpu.dma_semaphore, #tpu.memory_space<semaphore_mem>>)
    %mul3A_113 = arith.constant 79 : i32
    %mul3A_114 = arith.muli %add3A, %mul3A_113 : i32
    %add3A_115 = arith.constant 72 : i32
    %add3A_116 = arith.addi %mul3A_114, %add3A_115 : i32
    %add3A_117 = arith.constant 3 : i32
    %add3A_118 = arith.addi %add3A_116, %add3A_117 : i32
    %sub3A = arith.constant 1 : i32
    %sub3A_119 = arith.subi %add3A_118, %sub3A : i32
    %dma_wait3A_120 = arith.constant 0 : i32
    %dma_wait3A_121 = arith.constant 0 : i32
    %dma_wait3A_122 = tpu.memref_slice %arg3[%sub3A_119, %dma_wait3A_120, %dma_wait3A_121] : memref<2528x2x128xi32, #tpu.memory_space<hbm>> -> memref<1x2x128xi32, #tpu.memory_space<hbm>>
    %dma_wait3A_123 = tpu.memref_squeeze %dma_wait3A_122 : memref<1x2x128xi32, #tpu.memory_space<hbm>> -> memref<2x128xi32, #tpu.memory_space<hbm>>
    %dma_wait3A_124 = arith.constant 0 : i32
    %dma_wait3A_125 = arith.constant 0 : i32
    %dma_wait3A_126 = tpu.memref_slice %arg3[%sub3A_119, %dma_wait3A_124, %dma_wait3A_125] : memref<2528x2x128xi32, #tpu.memory_space<hbm>> -> memref<1x2x128xi32, #tpu.memory_space<hbm>>
    %dma_wait3A_127 = tpu.memref_squeeze %dma_wait3A_126 : memref<1x2x128xi32, #tpu.memory_space<hbm>> -> memref<2x128xi32, #tpu.memory_space<hbm>>
    tpu.wait_dma2 semaphore(%arg23 : memref<!tpu.dma_semaphore, #tpu.memory_space<semaphore_mem>>) src(%dma_wait3A_127 : memref<2x128xi32, #tpu.memory_space<hbm>>) dst(%arg13 : memref<2x128xi32, #tpu.memory_space<vmem>>)
    %dma_start3A_128 = arith.constant 0 : i32
    %dma_start3A_129 = arith.constant 0 : i32
    %dma_start3A_130 = tpu.memref_slice %arg13[%dma_start3A_128, %dma_start3A_129] : memref<2x128xi32, #tpu.memory_space<vmem>> -> memref<1x128xi32, #tpu.memory_space<vmem>>
    %dma_start3A_131 = tpu.memref_squeeze %dma_start3A_130 : memref<1x128xi32, #tpu.memory_space<vmem>> -> memref<128xi32, #tpu.memory_space<vmem>>
    %dma_start3A_132 = arith.constant 0 : i32
    %dma_start3A_133 = arith.constant 0 : i32
    %dma_start3A_134 = tpu.memref_slice %arg2[%dma_start3A_132, %dma_start3A_133] : memref<20000x128xf32, #tpu.memory_space<hbm>> -> memref<20000x128xf32, #tpu.memory_space<hbm>>
    tpu.enqueue_indirect_dma source(%dma_start3A_134 : memref<20000x128xf32, #tpu.memory_space<hbm>>) target(%arg10 : memref<128x128xf32, #tpu.memory_space<vmem>>) offsets(%dma_start3A_131 : memref<128xi32, #tpu.memory_space<vmem>>) semaphore(%arg20 : memref<!tpu.dma_semaphore, #tpu.memory_space<semaphore_mem>>)
    %dma_wait3A_135 = arith.constant 0 : i32
    %dma_wait3A_136 = arith.constant 0 : i32
    %dma_wait3A_137 = tpu.memref_slice %arg12[%dma_wait3A_135, %dma_wait3A_136] : memref<2x128xi32, #tpu.memory_space<vmem>> -> memref<1x128xi32, #tpu.memory_space<vmem>>
    %dma_wait3A_138 = tpu.memref_squeeze %dma_wait3A_137 : memref<1x128xi32, #tpu.memory_space<vmem>> -> memref<128xi32, #tpu.memory_space<vmem>>
    %dma_wait3A_139 = arith.constant 0 : i32
    %dma_wait3A_140 = arith.constant 0 : i32
    %dma_wait3A_141 = tpu.memref_slice %arg2[%dma_wait3A_139, %dma_wait3A_140] : memref<20000x128xf32, #tpu.memory_space<hbm>> -> memref<20000x128xf32, #tpu.memory_space<hbm>>
    tpu.wait_indirect_dma semaphore(%arg19 : memref<!tpu.dma_semaphore, #tpu.memory_space<semaphore_mem>>) src(%dma_wait3A_141 : memref<20000x128xf32, #tpu.memory_space<hbm>>) dst(%arg9 : memref<128x128xf32, #tpu.memory_space<vmem>>)
    %run_scoped3A_142 = arith.constant 1 : i32
    "tpu.region"() ({
      %run_scoped3A_302 = tpu.sem_alloc : memref<!tpu.dma_semaphore, #tpu.memory_space<semaphore_mem>>
      %dma_start3A_303 = arith.constant 0 : i32
      %dma_start3A_304 = tpu.memref_slice %arg12[%run_scoped3A_142, %dma_start3A_303] : memref<2x128xi32, #tpu.memory_space<vmem>> -> memref<1x128xi32, #tpu.memory_space<vmem>>
      %dma_start3A_305 = tpu.memref_squeeze %dma_start3A_304 : memref<1x128xi32, #tpu.memory_space<vmem>> -> memref<128xi32, #tpu.memory_space<vmem>>
      %dma_start3A_306 = arith.constant 0 : i32
      %dma_start3A_307 = arith.constant 0 : i32
      %dma_start3A_308 = tpu.memref_slice %arg16[%dma_start3A_306, %dma_start3A_307] : memref<10008x128xf32, #tpu.memory_space<vmem_shared>> -> memref<10008x128xf32, #tpu.memory_space<vmem_shared>>
      tpu.enqueue_indirect_dma source(%arg9 : memref<128x128xf32, #tpu.memory_space<vmem>>) target(%dma_start3A_308 : memref<10008x128xf32, #tpu.memory_space<vmem_shared>>) offsets(%dma_start3A_305 : memref<128xi32, #tpu.memory_space<vmem>>) semaphore(%run_scoped3A_302 : memref<!tpu.dma_semaphore, #tpu.memory_space<semaphore_mem>>) {add = true}
      %dma_wait3A_309 = arith.constant 0 : i32
      %dma_wait3A_310 = tpu.memref_slice %arg12[%run_scoped3A_142, %dma_wait3A_309] : memref<2x128xi32, #tpu.memory_space<vmem>> -> memref<1x128xi32, #tpu.memory_space<vmem>>
      %dma_wait3A_311 = tpu.memref_squeeze %dma_wait3A_310 : memref<1x128xi32, #tpu.memory_space<vmem>> -> memref<128xi32, #tpu.memory_space<vmem>>
      %dma_wait3A_312 = arith.constant 0 : i32
      %dma_wait3A_313 = arith.constant 0 : i32
      %dma_wait3A_314 = tpu.memref_slice %arg16[%dma_wait3A_312, %dma_wait3A_313] : memref<10008x128xf32, #tpu.memory_space<vmem_shared>> -> memref<10008x128xf32, #tpu.memory_space<vmem_shared>>
      tpu.wait_indirect_dma semaphore(%run_scoped3A_302 : memref<!tpu.dma_semaphore, #tpu.memory_space<semaphore_mem>>) src(%arg9 : memref<128x128xf32, #tpu.memory_space<vmem>>) dst(%dma_wait3A_314 : memref<10008x128xf32, #tpu.memory_space<vmem_shared>>)
      tpu.yield
    }) : () -> ()
    %mul3A_143 = arith.constant 79 : i32
    %mul3A_144 = arith.muli %add3A, %mul3A_143 : i32
    %add3A_145 = arith.constant 77 : i32
    %add3A_146 = arith.addi %mul3A_144, %add3A_145 : i32
    %dma_start3A_147 = arith.constant 0 : i32
    %dma_start3A_148 = arith.constant 0 : i32
    %dma_start3A_149 = tpu.memref_slice %arg3[%add3A_146, %dma_start3A_147, %dma_start3A_148] : memref<2528x2x128xi32, #tpu.memory_space<hbm>> -> memref<1x2x128xi32, #tpu.memory_space<hbm>>
    %dma_start3A_150 = tpu.memref_squeeze %dma_start3A_149 : memref<1x2x128xi32, #tpu.memory_space<hbm>> -> memref<2x128xi32, #tpu.memory_space<hbm>>
    %dma_start3A_151 = arith.constant 0 : i32
    %dma_start3A_152 = arith.constant 0 : i32
    %dma_start3A_153 = tpu.memref_slice %arg3[%add3A_146, %dma_start3A_151, %dma_start3A_152] : memref<2528x2x128xi32, #tpu.memory_space<hbm>> -> memref<1x2x128xi32, #tpu.memory_space<hbm>>
    %dma_start3A_154 = tpu.memref_squeeze %dma_start3A_153 : memref<1x2x128xi32, #tpu.memory_space<hbm>> -> memref<2x128xi32, #tpu.memory_space<hbm>>
    tpu.enqueue_dma source(%dma_start3A_154 : memref<2x128xi32, #tpu.memory_space<hbm>>) target(%arg12 : memref<2x128xi32, #tpu.memory_space<vmem>>) target_semaphore(%arg22 : memref<!tpu.dma_semaphore, #tpu.memory_space<semaphore_mem>>)
    %mul3A_155 = arith.constant 79 : i32
    %mul3A_156 = arith.muli %add3A, %mul3A_155 : i32
    %add3A_157 = arith.constant 73 : i32
    %add3A_158 = arith.addi %mul3A_156, %add3A_157 : i32
    %add3A_159 = arith.constant 3 : i32
    %add3A_160 = arith.addi %add3A_158, %add3A_159 : i32
    %sub3A_161 = arith.constant 1 : i32
    %sub3A_162 = arith.subi %add3A_160, %sub3A_161 : i32
    %dma_wait3A_163 = arith.constant 0 : i32
    %dma_wait3A_164 = arith.constant 0 : i32
    %dma_wait3A_165 = tpu.memref_slice %arg3[%sub3A_162, %dma_wait3A_163, %dma_wait3A_164] : memref<2528x2x128xi32, #tpu.memory_space<hbm>> -> memref<1x2x128xi32, #tpu.memory_space<hbm>>
    %dma_wait3A_166 = tpu.memref_squeeze %dma_wait3A_165 : memref<1x2x128xi32, #tpu.memory_space<hbm>> -> memref<2x128xi32, #tpu.memory_space<hbm>>
    %dma_wait3A_167 = arith.constant 0 : i32
    %dma_wait3A_168 = arith.constant 0 : i32
    %dma_wait3A_169 = tpu.memref_slice %arg3[%sub3A_162, %dma_wait3A_167, %dma_wait3A_168] : memref<2528x2x128xi32, #tpu.memory_space<hbm>> -> memref<1x2x128xi32, #tpu.memory_space<hbm>>
    %dma_wait3A_170 = tpu.memref_squeeze %dma_wait3A_169 : memref<1x2x128xi32, #tpu.memory_space<hbm>> -> memref<2x128xi32, #tpu.memory_space<hbm>>
    tpu.wait_dma2 semaphore(%arg24 : memref<!tpu.dma_semaphore, #tpu.memory_space<semaphore_mem>>) src(%dma_wait3A_170 : memref<2x128xi32, #tpu.memory_space<hbm>>) dst(%arg14 : memref<2x128xi32, #tpu.memory_space<vmem>>)
    %dma_start3A_171 = arith.constant 0 : i32
    %dma_start3A_172 = arith.constant 0 : i32
    %dma_start3A_173 = tpu.memref_slice %arg14[%dma_start3A_171, %dma_start3A_172] : memref<2x128xi32, #tpu.memory_space<vmem>> -> memref<1x128xi32, #tpu.memory_space<vmem>>
    %dma_start3A_174 = tpu.memref_squeeze %dma_start3A_173 : memref<1x128xi32, #tpu.memory_space<vmem>> -> memref<128xi32, #tpu.memory_space<vmem>>
    %dma_start3A_175 = arith.constant 0 : i32
    %dma_start3A_176 = arith.constant 0 : i32
    %dma_start3A_177 = tpu.memref_slice %arg2[%dma_start3A_175, %dma_start3A_176] : memref<20000x128xf32, #tpu.memory_space<hbm>> -> memref<20000x128xf32, #tpu.memory_space<hbm>>
    tpu.enqueue_indirect_dma source(%dma_start3A_177 : memref<20000x128xf32, #tpu.memory_space<hbm>>) target(%arg8 : memref<128x128xf32, #tpu.memory_space<vmem>>) offsets(%dma_start3A_174 : memref<128xi32, #tpu.memory_space<vmem>>) semaphore(%arg18 : memref<!tpu.dma_semaphore, #tpu.memory_space<semaphore_mem>>)
    %dma_wait3A_178 = arith.constant 0 : i32
    %dma_wait3A_179 = arith.constant 0 : i32
    %dma_wait3A_180 = tpu.memref_slice %arg13[%dma_wait3A_178, %dma_wait3A_179] : memref<2x128xi32, #tpu.memory_space<vmem>> -> memref<1x128xi32, #tpu.memory_space<vmem>>
    %dma_wait3A_181 = tpu.memref_squeeze %dma_wait3A_180 : memref<1x128xi32, #tpu.memory_space<vmem>> -> memref<128xi32, #tpu.memory_space<vmem>>
    %dma_wait3A_182 = arith.constant 0 : i32
    %dma_wait3A_183 = arith.constant 0 : i32
    %dma_wait3A_184 = tpu.memref_slice %arg2[%dma_wait3A_182, %dma_wait3A_183] : memref<20000x128xf32, #tpu.memory_space<hbm>> -> memref<20000x128xf32, #tpu.memory_space<hbm>>
    tpu.wait_indirect_dma semaphore(%arg20 : memref<!tpu.dma_semaphore, #tpu.memory_space<semaphore_mem>>) src(%dma_wait3A_184 : memref<20000x128xf32, #tpu.memory_space<hbm>>) dst(%arg10 : memref<128x128xf32, #tpu.memory_space<vmem>>)
    %run_scoped3A_185 = arith.constant 1 : i32
    "tpu.region"() ({
      %run_scoped3A_302 = tpu.sem_alloc : memref<!tpu.dma_semaphore, #tpu.memory_space<semaphore_mem>>
      %dma_start3A_303 = arith.constant 0 : i32
      %dma_start3A_304 = tpu.memref_slice %arg13[%run_scoped3A_185, %dma_start3A_303] : memref<2x128xi32, #tpu.memory_space<vmem>> -> memref<1x128xi32, #tpu.memory_space<vmem>>
      %dma_start3A_305 = tpu.memref_squeeze %dma_start3A_304 : memref<1x128xi32, #tpu.memory_space<vmem>> -> memref<128xi32, #tpu.memory_space<vmem>>
      %dma_start3A_306 = arith.constant 0 : i32
      %dma_start3A_307 = arith.constant 0 : i32
      %dma_start3A_308 = tpu.memref_slice %arg16[%dma_start3A_306, %dma_start3A_307] : memref<10008x128xf32, #tpu.memory_space<vmem_shared>> -> memref<10008x128xf32, #tpu.memory_space<vmem_shared>>
      tpu.enqueue_indirect_dma source(%arg10 : memref<128x128xf32, #tpu.memory_space<vmem>>) target(%dma_start3A_308 : memref<10008x128xf32, #tpu.memory_space<vmem_shared>>) offsets(%dma_start3A_305 : memref<128xi32, #tpu.memory_space<vmem>>) semaphore(%run_scoped3A_302 : memref<!tpu.dma_semaphore, #tpu.memory_space<semaphore_mem>>) {add = true}
      %dma_wait3A_309 = arith.constant 0 : i32
      %dma_wait3A_310 = tpu.memref_slice %arg13[%run_scoped3A_185, %dma_wait3A_309] : memref<2x128xi32, #tpu.memory_space<vmem>> -> memref<1x128xi32, #tpu.memory_space<vmem>>
      %dma_wait3A_311 = tpu.memref_squeeze %dma_wait3A_310 : memref<1x128xi32, #tpu.memory_space<vmem>> -> memref<128xi32, #tpu.memory_space<vmem>>
      %dma_wait3A_312 = arith.constant 0 : i32
      %dma_wait3A_313 = arith.constant 0 : i32
      %dma_wait3A_314 = tpu.memref_slice %arg16[%dma_wait3A_312, %dma_wait3A_313] : memref<10008x128xf32, #tpu.memory_space<vmem_shared>> -> memref<10008x128xf32, #tpu.memory_space<vmem_shared>>
      tpu.wait_indirect_dma semaphore(%run_scoped3A_302 : memref<!tpu.dma_semaphore, #tpu.memory_space<semaphore_mem>>) src(%arg10 : memref<128x128xf32, #tpu.memory_space<vmem>>) dst(%dma_wait3A_314 : memref<10008x128xf32, #tpu.memory_space<vmem_shared>>)
      tpu.yield
    }) : () -> ()
    %mul3A_186 = arith.constant 79 : i32
    %mul3A_187 = arith.muli %add3A, %mul3A_186 : i32
    %add3A_188 = arith.constant 78 : i32
    %add3A_189 = arith.addi %mul3A_187, %add3A_188 : i32
    %dma_start3A_190 = arith.constant 0 : i32
    %dma_start3A_191 = arith.constant 0 : i32
    %dma_start3A_192 = tpu.memref_slice %arg3[%add3A_189, %dma_start3A_190, %dma_start3A_191] : memref<2528x2x128xi32, #tpu.memory_space<hbm>> -> memref<1x2x128xi32, #tpu.memory_space<hbm>>
    %dma_start3A_193 = tpu.memref_squeeze %dma_start3A_192 : memref<1x2x128xi32, #tpu.memory_space<hbm>> -> memref<2x128xi32, #tpu.memory_space<hbm>>
    %dma_start3A_194 = arith.constant 0 : i32
    %dma_start3A_195 = arith.constant 0 : i32
    %dma_start3A_196 = tpu.memref_slice %arg3[%add3A_189, %dma_start3A_194, %dma_start3A_195] : memref<2528x2x128xi32, #tpu.memory_space<hbm>> -> memref<1x2x128xi32, #tpu.memory_space<hbm>>
    %dma_start3A_197 = tpu.memref_squeeze %dma_start3A_196 : memref<1x2x128xi32, #tpu.memory_space<hbm>> -> memref<2x128xi32, #tpu.memory_space<hbm>>
    tpu.enqueue_dma source(%dma_start3A_197 : memref<2x128xi32, #tpu.memory_space<hbm>>) target(%arg13 : memref<2x128xi32, #tpu.memory_space<vmem>>) target_semaphore(%arg23 : memref<!tpu.dma_semaphore, #tpu.memory_space<semaphore_mem>>)
    %mul3A_198 = arith.constant 79 : i32
    %mul3A_199 = arith.muli %add3A, %mul3A_198 : i32
    %add3A_200 = arith.constant 74 : i32
    %add3A_201 = arith.addi %mul3A_199, %add3A_200 : i32
    %add3A_202 = arith.constant 3 : i32
    %add3A_203 = arith.addi %add3A_201, %add3A_202 : i32
    %sub3A_204 = arith.constant 1 : i32
    %sub3A_205 = arith.subi %add3A_203, %sub3A_204 : i32
    %dma_wait3A_206 = arith.constant 0 : i32
    %dma_wait3A_207 = arith.constant 0 : i32
    %dma_wait3A_208 = tpu.memref_slice %arg3[%sub3A_205, %dma_wait3A_206, %dma_wait3A_207] : memref<2528x2x128xi32, #tpu.memory_space<hbm>> -> memref<1x2x128xi32, #tpu.memory_space<hbm>>
    %dma_wait3A_209 = tpu.memref_squeeze %dma_wait3A_208 : memref<1x2x128xi32, #tpu.memory_space<hbm>> -> memref<2x128xi32, #tpu.memory_space<hbm>>
    %dma_wait3A_210 = arith.constant 0 : i32
    %dma_wait3A_211 = arith.constant 0 : i32
    %dma_wait3A_212 = tpu.memref_slice %arg3[%sub3A_205, %dma_wait3A_210, %dma_wait3A_211] : memref<2528x2x128xi32, #tpu.memory_space<hbm>> -> memref<1x2x128xi32, #tpu.memory_space<hbm>>
    %dma_wait3A_213 = tpu.memref_squeeze %dma_wait3A_212 : memref<1x2x128xi32, #tpu.memory_space<hbm>> -> memref<2x128xi32, #tpu.memory_space<hbm>>
    tpu.wait_dma2 semaphore(%arg21 : memref<!tpu.dma_semaphore, #tpu.memory_space<semaphore_mem>>) src(%dma_wait3A_213 : memref<2x128xi32, #tpu.memory_space<hbm>>) dst(%arg11 : memref<2x128xi32, #tpu.memory_space<vmem>>)
    %dma_start3A_214 = arith.constant 0 : i32
    %dma_start3A_215 = arith.constant 0 : i32
    %dma_start3A_216 = tpu.memref_slice %arg11[%dma_start3A_214, %dma_start3A_215] : memref<2x128xi32, #tpu.memory_space<vmem>> -> memref<1x128xi32, #tpu.memory_space<vmem>>
    %dma_start3A_217 = tpu.memref_squeeze %dma_start3A_216 : memref<1x128xi32, #tpu.memory_space<vmem>> -> memref<128xi32, #tpu.memory_space<vmem>>
    %dma_start3A_218 = arith.constant 0 : i32
    %dma_start3A_219 = arith.constant 0 : i32
    %dma_start3A_220 = tpu.memref_slice %arg2[%dma_start3A_218, %dma_start3A_219] : memref<20000x128xf32, #tpu.memory_space<hbm>> -> memref<20000x128xf32, #tpu.memory_space<hbm>>
    tpu.enqueue_indirect_dma source(%dma_start3A_220 : memref<20000x128xf32, #tpu.memory_space<hbm>>) target(%arg9 : memref<128x128xf32, #tpu.memory_space<vmem>>) offsets(%dma_start3A_217 : memref<128xi32, #tpu.memory_space<vmem>>) semaphore(%arg19 : memref<!tpu.dma_semaphore, #tpu.memory_space<semaphore_mem>>)
    %dma_wait3A_221 = arith.constant 0 : i32
    %dma_wait3A_222 = arith.constant 0 : i32
    %dma_wait3A_223 = tpu.memref_slice %arg14[%dma_wait3A_221, %dma_wait3A_222] : memref<2x128xi32, #tpu.memory_space<vmem>> -> memref<1x128xi32, #tpu.memory_space<vmem>>
    %dma_wait3A_224 = tpu.memref_squeeze %dma_wait3A_223 : memref<1x128xi32, #tpu.memory_space<vmem>> -> memref<128xi32, #tpu.memory_space<vmem>>
    %dma_wait3A_225 = arith.constant 0 : i32
    %dma_wait3A_226 = arith.constant 0 : i32
    %dma_wait3A_227 = tpu.memref_slice %arg2[%dma_wait3A_225, %dma_wait3A_226] : memref<20000x128xf32, #tpu.memory_space<hbm>> -> memref<20000x128xf32, #tpu.memory_space<hbm>>
    tpu.wait_indirect_dma semaphore(%arg18 : memref<!tpu.dma_semaphore, #tpu.memory_space<semaphore_mem>>) src(%dma_wait3A_227 : memref<20000x128xf32, #tpu.memory_space<hbm>>) dst(%arg8 : memref<128x128xf32, #tpu.memory_space<vmem>>)
    %run_scoped3A_228 = arith.constant 1 : i32
    "tpu.region"() ({
      %run_scoped3A_302 = tpu.sem_alloc : memref<!tpu.dma_semaphore, #tpu.memory_space<semaphore_mem>>
      %dma_start3A_303 = arith.constant 0 : i32
      %dma_start3A_304 = tpu.memref_slice %arg14[%run_scoped3A_228, %dma_start3A_303] : memref<2x128xi32, #tpu.memory_space<vmem>> -> memref<1x128xi32, #tpu.memory_space<vmem>>
      %dma_start3A_305 = tpu.memref_squeeze %dma_start3A_304 : memref<1x128xi32, #tpu.memory_space<vmem>> -> memref<128xi32, #tpu.memory_space<vmem>>
      %dma_start3A_306 = arith.constant 0 : i32
      %dma_start3A_307 = arith.constant 0 : i32
      %dma_start3A_308 = tpu.memref_slice %arg16[%dma_start3A_306, %dma_start3A_307] : memref<10008x128xf32, #tpu.memory_space<vmem_shared>> -> memref<10008x128xf32, #tpu.memory_space<vmem_shared>>
      tpu.enqueue_indirect_dma source(%arg8 : memref<128x128xf32, #tpu.memory_space<vmem>>) target(%dma_start3A_308 : memref<10008x128xf32, #tpu.memory_space<vmem_shared>>) offsets(%dma_start3A_305 : memref<128xi32, #tpu.memory_space<vmem>>) semaphore(%run_scoped3A_302 : memref<!tpu.dma_semaphore, #tpu.memory_space<semaphore_mem>>) {add = true}
      %dma_wait3A_309 = arith.constant 0 : i32
      %dma_wait3A_310 = tpu.memref_slice %arg14[%run_scoped3A_228, %dma_wait3A_309] : memref<2x128xi32, #tpu.memory_space<vmem>> -> memref<1x128xi32, #tpu.memory_space<vmem>>
      %dma_wait3A_311 = tpu.memref_squeeze %dma_wait3A_310 : memref<1x128xi32, #tpu.memory_space<vmem>> -> memref<128xi32, #tpu.memory_space<vmem>>
      %dma_wait3A_312 = arith.constant 0 : i32
      %dma_wait3A_313 = arith.constant 0 : i32
      %dma_wait3A_314 = tpu.memref_slice %arg16[%dma_wait3A_312, %dma_wait3A_313] : memref<10008x128xf32, #tpu.memory_space<vmem_shared>> -> memref<10008x128xf32, #tpu.memory_space<vmem_shared>>
      tpu.wait_indirect_dma semaphore(%run_scoped3A_302 : memref<!tpu.dma_semaphore, #tpu.memory_space<semaphore_mem>>) src(%arg8 : memref<128x128xf32, #tpu.memory_space<vmem>>) dst(%dma_wait3A_314 : memref<10008x128xf32, #tpu.memory_space<vmem_shared>>)
      tpu.yield
    }) : () -> ()
    %mul3A_229 = arith.constant 79 : i32
    %mul3A_230 = arith.muli %add3A, %mul3A_229 : i32
    %add3A_231 = arith.constant 75 : i32
    %add3A_232 = arith.addi %mul3A_230, %add3A_231 : i32
    %add3A_233 = arith.constant 3 : i32
    %add3A_234 = arith.addi %add3A_232, %add3A_233 : i32
    %sub3A_235 = arith.constant 1 : i32
    %sub3A_236 = arith.subi %add3A_234, %sub3A_235 : i32
    %dma_wait3A_237 = arith.constant 0 : i32
    %dma_wait3A_238 = arith.constant 0 : i32
    %dma_wait3A_239 = tpu.memref_slice %arg3[%sub3A_236, %dma_wait3A_237, %dma_wait3A_238] : memref<2528x2x128xi32, #tpu.memory_space<hbm>> -> memref<1x2x128xi32, #tpu.memory_space<hbm>>
    %dma_wait3A_240 = tpu.memref_squeeze %dma_wait3A_239 : memref<1x2x128xi32, #tpu.memory_space<hbm>> -> memref<2x128xi32, #tpu.memory_space<hbm>>
    %dma_wait3A_241 = arith.constant 0 : i32
    %dma_wait3A_242 = arith.constant 0 : i32
    %dma_wait3A_243 = tpu.memref_slice %arg3[%sub3A_236, %dma_wait3A_241, %dma_wait3A_242] : memref<2528x2x128xi32, #tpu.memory_space<hbm>> -> memref<1x2x128xi32, #tpu.memory_space<hbm>>
    %dma_wait3A_244 = tpu.memref_squeeze %dma_wait3A_243 : memref<1x2x128xi32, #tpu.memory_space<hbm>> -> memref<2x128xi32, #tpu.memory_space<hbm>>
    tpu.wait_dma2 semaphore(%arg22 : memref<!tpu.dma_semaphore, #tpu.memory_space<semaphore_mem>>) src(%dma_wait3A_244 : memref<2x128xi32, #tpu.memory_space<hbm>>) dst(%arg12 : memref<2x128xi32, #tpu.memory_space<vmem>>)
    %dma_start3A_245 = arith.constant 0 : i32
    %dma_start3A_246 = arith.constant 0 : i32
    %dma_start3A_247 = tpu.memref_slice %arg12[%dma_start3A_245, %dma_start3A_246] : memref<2x128xi32, #tpu.memory_space<vmem>> -> memref<1x128xi32, #tpu.memory_space<vmem>>
    %dma_start3A_248 = tpu.memref_squeeze %dma_start3A_247 : memref<1x128xi32, #tpu.memory_space<vmem>> -> memref<128xi32, #tpu.memory_space<vmem>>
    %dma_start3A_249 = arith.constant 0 : i32
    %dma_start3A_250 = arith.constant 0 : i32
    %dma_start3A_251 = tpu.memref_slice %arg2[%dma_start3A_249, %dma_start3A_250] : memref<20000x128xf32, #tpu.memory_space<hbm>> -> memref<20000x128xf32, #tpu.memory_space<hbm>>
    tpu.enqueue_indirect_dma source(%dma_start3A_251 : memref<20000x128xf32, #tpu.memory_space<hbm>>) target(%arg10 : memref<128x128xf32, #tpu.memory_space<vmem>>) offsets(%dma_start3A_248 : memref<128xi32, #tpu.memory_space<vmem>>) semaphore(%arg20 : memref<!tpu.dma_semaphore, #tpu.memory_space<semaphore_mem>>)
    %dma_wait3A_252 = arith.constant 0 : i32
    %dma_wait3A_253 = arith.constant 0 : i32
    %dma_wait3A_254 = tpu.memref_slice %arg11[%dma_wait3A_252, %dma_wait3A_253] : memref<2x128xi32, #tpu.memory_space<vmem>> -> memref<1x128xi32, #tpu.memory_space<vmem>>
    %dma_wait3A_255 = tpu.memref_squeeze %dma_wait3A_254 : memref<1x128xi32, #tpu.memory_space<vmem>> -> memref<128xi32, #tpu.memory_space<vmem>>
    %dma_wait3A_256 = arith.constant 0 : i32
    %dma_wait3A_257 = arith.constant 0 : i32
    %dma_wait3A_258 = tpu.memref_slice %arg2[%dma_wait3A_256, %dma_wait3A_257] : memref<20000x128xf32, #tpu.memory_space<hbm>> -> memref<20000x128xf32, #tpu.memory_space<hbm>>
    tpu.wait_indirect_dma semaphore(%arg19 : memref<!tpu.dma_semaphore, #tpu.memory_space<semaphore_mem>>) src(%dma_wait3A_258 : memref<20000x128xf32, #tpu.memory_space<hbm>>) dst(%arg9 : memref<128x128xf32, #tpu.memory_space<vmem>>)
    %run_scoped3A_259 = arith.constant 1 : i32
    "tpu.region"() ({
      %run_scoped3A_302 = tpu.sem_alloc : memref<!tpu.dma_semaphore, #tpu.memory_space<semaphore_mem>>
      %dma_start3A_303 = arith.constant 0 : i32
      %dma_start3A_304 = tpu.memref_slice %arg11[%run_scoped3A_259, %dma_start3A_303] : memref<2x128xi32, #tpu.memory_space<vmem>> -> memref<1x128xi32, #tpu.memory_space<vmem>>
      %dma_start3A_305 = tpu.memref_squeeze %dma_start3A_304 : memref<1x128xi32, #tpu.memory_space<vmem>> -> memref<128xi32, #tpu.memory_space<vmem>>
      %dma_start3A_306 = arith.constant 0 : i32
      %dma_start3A_307 = arith.constant 0 : i32
      %dma_start3A_308 = tpu.memref_slice %arg16[%dma_start3A_306, %dma_start3A_307] : memref<10008x128xf32, #tpu.memory_space<vmem_shared>> -> memref<10008x128xf32, #tpu.memory_space<vmem_shared>>
      tpu.enqueue_indirect_dma source(%arg9 : memref<128x128xf32, #tpu.memory_space<vmem>>) target(%dma_start3A_308 : memref<10008x128xf32, #tpu.memory_space<vmem_shared>>) offsets(%dma_start3A_305 : memref<128xi32, #tpu.memory_space<vmem>>) semaphore(%run_scoped3A_302 : memref<!tpu.dma_semaphore, #tpu.memory_space<semaphore_mem>>) {add = true}
      %dma_wait3A_309 = arith.constant 0 : i32
      %dma_wait3A_310 = tpu.memref_slice %arg11[%run_scoped3A_259, %dma_wait3A_309] : memref<2x128xi32, #tpu.memory_space<vmem>> -> memref<1x128xi32, #tpu.memory_space<vmem>>
      %dma_wait3A_311 = tpu.memref_squeeze %dma_wait3A_310 : memref<1x128xi32, #tpu.memory_space<vmem>> -> memref<128xi32, #tpu.memory_space<vmem>>
      %dma_wait3A_312 = arith.constant 0 : i32
      %dma_wait3A_313 = arith.constant 0 : i32
      %dma_wait3A_314 = tpu.memref_slice %arg16[%dma_wait3A_312, %dma_wait3A_313] : memref<10008x128xf32, #tpu.memory_space<vmem_shared>> -> memref<10008x128xf32, #tpu.memory_space<vmem_shared>>
      tpu.wait_indirect_dma semaphore(%run_scoped3A_302 : memref<!tpu.dma_semaphore, #tpu.memory_space<semaphore_mem>>) src(%arg9 : memref<128x128xf32, #tpu.memory_space<vmem>>) dst(%dma_wait3A_314 : memref<10008x128xf32, #tpu.memory_space<vmem_shared>>)
      tpu.yield
    }) : () -> ()
    %mul3A_260 = arith.constant 79 : i32
    %mul3A_261 = arith.muli %add3A, %mul3A_260 : i32
    %add3A_262 = arith.constant 76 : i32
    %add3A_263 = arith.addi %mul3A_261, %add3A_262 : i32
    %add3A_264 = arith.constant 3 : i32
    %add3A_265 = arith.addi %add3A_263, %add3A_264 : i32
    %sub3A_266 = arith.constant 1 : i32
    %sub3A_267 = arith.subi %add3A_265, %sub3A_266 : i32
    %dma_wait3A_268 = arith.constant 0 : i32
    %dma_wait3A_269 = arith.constant 0 : i32
    %dma_wait3A_270 = tpu.memref_slice %arg3[%sub3A_267, %dma_wait3A_268, %dma_wait3A_269] : memref<2528x2x128xi32, #tpu.memory_space<hbm>> -> memref<1x2x128xi32, #tpu.memory_space<hbm>>
    %dma_wait3A_271 = tpu.memref_squeeze %dma_wait3A_270 : memref<1x2x128xi32, #tpu.memory_space<hbm>> -> memref<2x128xi32, #tpu.memory_space<hbm>>
    %dma_wait3A_272 = arith.constant 0 : i32
    %dma_wait3A_273 = arith.constant 0 : i32
    %dma_wait3A_274 = tpu.memref_slice %arg3[%sub3A_267, %dma_wait3A_272, %dma_wait3A_273] : memref<2528x2x128xi32, #tpu.memory_space<hbm>> -> memref<1x2x128xi32, #tpu.memory_space<hbm>>
    %dma_wait3A_275 = tpu.memref_squeeze %dma_wait3A_274 : memref<1x2x128xi32, #tpu.memory_space<hbm>> -> memref<2x128xi32, #tpu.memory_space<hbm>>
    tpu.wait_dma2 semaphore(%arg23 : memref<!tpu.dma_semaphore, #tpu.memory_space<semaphore_mem>>) src(%dma_wait3A_275 : memref<2x128xi32, #tpu.memory_space<hbm>>) dst(%arg13 : memref<2x128xi32, #tpu.memory_space<vmem>>)
    %dma_start3A_276 = arith.constant 0 : i32
    %dma_start3A_277 = arith.constant 0 : i32
    %dma_start3A_278 = tpu.memref_slice %arg13[%dma_start3A_276, %dma_start3A_277] : memref<2x128xi32, #tpu.memory_space<vmem>> -> memref<1x128xi32, #tpu.memory_space<vmem>>
    %dma_start3A_279 = tpu.memref_squeeze %dma_start3A_278 : memref<1x128xi32, #tpu.memory_space<vmem>> -> memref<128xi32, #tpu.memory_space<vmem>>
    %dma_start3A_280 = arith.constant 0 : i32
    %dma_start3A_281 = arith.constant 0 : i32
    %dma_start3A_282 = tpu.memref_slice %arg2[%dma_start3A_280, %dma_start3A_281] : memref<20000x128xf32, #tpu.memory_space<hbm>> -> memref<20000x128xf32, #tpu.memory_space<hbm>>
    tpu.enqueue_indirect_dma source(%dma_start3A_282 : memref<20000x128xf32, #tpu.memory_space<hbm>>) target(%arg8 : memref<128x128xf32, #tpu.memory_space<vmem>>) offsets(%dma_start3A_279 : memref<128xi32, #tpu.memory_space<vmem>>) semaphore(%arg18 : memref<!tpu.dma_semaphore, #tpu.memory_space<semaphore_mem>>)
    %dma_wait3A_283 = arith.constant 0 : i32
    %dma_wait3A_284 = arith.constant 0 : i32
    %dma_wait3A_285 = tpu.memref_slice %arg12[%dma_wait3A_283, %dma_wait3A_284] : memref<2x128xi32, #tpu.memory_space<vmem>> -> memref<1x128xi32, #tpu.memory_space<vmem>>
    %dma_wait3A_286 = tpu.memref_squeeze %dma_wait3A_285 : memref<1x128xi32, #tpu.memory_space<vmem>> -> memref<128xi32, #tpu.memory_space<vmem>>
    %dma_wait3A_287 = arith.constant 0 : i32
    %dma_wait3A_288 = arith.constant 0 : i32
    %dma_wait3A_289 = tpu.memref_slice %arg2[%dma_wait3A_287, %dma_wait3A_288] : memref<20000x128xf32, #tpu.memory_space<hbm>> -> memref<20000x128xf32, #tpu.memory_space<hbm>>
    tpu.wait_indirect_dma semaphore(%arg20 : memref<!tpu.dma_semaphore, #tpu.memory_space<semaphore_mem>>) src(%dma_wait3A_289 : memref<20000x128xf32, #tpu.memory_space<hbm>>) dst(%arg10 : memref<128x128xf32, #tpu.memory_space<vmem>>)
    %run_scoped3A_290 = arith.constant 1 : i32
    "tpu.region"() ({
      %run_scoped3A_302 = tpu.sem_alloc : memref<!tpu.dma_semaphore, #tpu.memory_space<semaphore_mem>>
      %dma_start3A_303 = arith.constant 0 : i32
      %dma_start3A_304 = tpu.memref_slice %arg12[%run_scoped3A_290, %dma_start3A_303] : memref<2x128xi32, #tpu.memory_space<vmem>> -> memref<1x128xi32, #tpu.memory_space<vmem>>
      %dma_start3A_305 = tpu.memref_squeeze %dma_start3A_304 : memref<1x128xi32, #tpu.memory_space<vmem>> -> memref<128xi32, #tpu.memory_space<vmem>>
      %dma_start3A_306 = arith.constant 0 : i32
      %dma_start3A_307 = arith.constant 0 : i32
      %dma_start3A_308 = tpu.memref_slice %arg16[%dma_start3A_306, %dma_start3A_307] : memref<10008x128xf32, #tpu.memory_space<vmem_shared>> -> memref<10008x128xf32, #tpu.memory_space<vmem_shared>>
      tpu.enqueue_indirect_dma source(%arg10 : memref<128x128xf32, #tpu.memory_space<vmem>>) target(%dma_start3A_308 : memref<10008x128xf32, #tpu.memory_space<vmem_shared>>) offsets(%dma_start3A_305 : memref<128xi32, #tpu.memory_space<vmem>>) semaphore(%run_scoped3A_302 : memref<!tpu.dma_semaphore, #tpu.memory_space<semaphore_mem>>) {add = true}
      %dma_wait3A_309 = arith.constant 0 : i32
      %dma_wait3A_310 = tpu.memref_slice %arg12[%run_scoped3A_290, %dma_wait3A_309] : memref<2x128xi32, #tpu.memory_space<vmem>> -> memref<1x128xi32, #tpu.memory_space<vmem>>
      %dma_wait3A_311 = tpu.memref_squeeze %dma_wait3A_310 : memref<1x128xi32, #tpu.memory_space<vmem>> -> memref<128xi32, #tpu.memory_space<vmem>>
      %dma_wait3A_312 = arith.constant 0 : i32
      %dma_wait3A_313 = arith.constant 0 : i32
      %dma_wait3A_314 = tpu.memref_slice %arg16[%dma_wait3A_312, %dma_wait3A_313] : memref<10008x128xf32, #tpu.memory_space<vmem_shared>> -> memref<10008x128xf32, #tpu.memory_space<vmem_shared>>
      tpu.wait_indirect_dma semaphore(%run_scoped3A_302 : memref<!tpu.dma_semaphore, #tpu.memory_space<semaphore_mem>>) src(%arg10 : memref<128x128xf32, #tpu.memory_space<vmem>>) dst(%dma_wait3A_314 : memref<10008x128xf32, #tpu.memory_space<vmem_shared>>)
      tpu.yield
    }) : () -> ()
    %dma_wait3A_291 = arith.constant 0 : i32
    %dma_wait3A_292 = arith.constant 0 : i32
    %dma_wait3A_293 = tpu.memref_slice %arg13[%dma_wait3A_291, %dma_wait3A_292] : memref<2x128xi32, #tpu.memory_space<vmem>> -> memref<1x128xi32, #tpu.memory_space<vmem>>
    %dma_wait3A_294 = tpu.memref_squeeze %dma_wait3A_293 : memref<1x128xi32, #tpu.memory_space<vmem>> -> memref<128xi32, #tpu.memory_space<vmem>>
    %dma_wait3A_295 = arith.constant 0 : i32
    %dma_wait3A_296 = arith.constant 0 : i32
    %dma_wait3A_297 = tpu.memref_slice %arg2[%dma_wait3A_295, %dma_wait3A_296] : memref<20000x128xf32, #tpu.memory_space<hbm>> -> memref<20000x128xf32, #tpu.memory_space<hbm>>
    tpu.wait_indirect_dma semaphore(%arg18 : memref<!tpu.dma_semaphore, #tpu.memory_space<semaphore_mem>>) src(%dma_wait3A_297 : memref<20000x128xf32, #tpu.memory_space<hbm>>) dst(%arg8 : memref<128x128xf32, #tpu.memory_space<vmem>>)
    %run_scoped3A_298 = arith.constant 1 : i32
    "tpu.region"() ({
      %run_scoped3A_302 = tpu.sem_alloc : memref<!tpu.dma_semaphore, #tpu.memory_space<semaphore_mem>>
      %dma_start3A_303 = arith.constant 0 : i32
      %dma_start3A_304 = tpu.memref_slice %arg13[%run_scoped3A_298, %dma_start3A_303] : memref<2x128xi32, #tpu.memory_space<vmem>> -> memref<1x128xi32, #tpu.memory_space<vmem>>
      %dma_start3A_305 = tpu.memref_squeeze %dma_start3A_304 : memref<1x128xi32, #tpu.memory_space<vmem>> -> memref<128xi32, #tpu.memory_space<vmem>>
      %dma_start3A_306 = arith.constant 0 : i32
      %dma_start3A_307 = arith.constant 0 : i32
      %dma_start3A_308 = tpu.memref_slice %arg16[%dma_start3A_306, %dma_start3A_307] : memref<10008x128xf32, #tpu.memory_space<vmem_shared>> -> memref<10008x128xf32, #tpu.memory_space<vmem_shared>>
      tpu.enqueue_indirect_dma source(%arg8 : memref<128x128xf32, #tpu.memory_space<vmem>>) target(%dma_start3A_308 : memref<10008x128xf32, #tpu.memory_space<vmem_shared>>) offsets(%dma_start3A_305 : memref<128xi32, #tpu.memory_space<vmem>>) semaphore(%run_scoped3A_302 : memref<!tpu.dma_semaphore, #tpu.memory_space<semaphore_mem>>) {add = true}
      %dma_wait3A_309 = arith.constant 0 : i32
      %dma_wait3A_310 = tpu.memref_slice %arg13[%run_scoped3A_298, %dma_wait3A_309] : memref<2x128xi32, #tpu.memory_space<vmem>> -> memref<1x128xi32, #tpu.memory_space<vmem>>
      %dma_wait3A_311 = tpu.memref_squeeze %dma_wait3A_310 : memref<1x128xi32, #tpu.memory_space<vmem>> -> memref<128xi32, #tpu.memory_space<vmem>>
      %dma_wait3A_312 = arith.constant 0 : i32
      %dma_wait3A_313 = arith.constant 0 : i32
      %dma_wait3A_314 = tpu.memref_slice %arg16[%dma_wait3A_312, %dma_wait3A_313] : memref<10008x128xf32, #tpu.memory_space<vmem_shared>> -> memref<10008x128xf32, #tpu.memory_space<vmem_shared>>
      tpu.wait_indirect_dma semaphore(%run_scoped3A_302 : memref<!tpu.dma_semaphore, #tpu.memory_space<semaphore_mem>>) src(%arg8 : memref<128x128xf32, #tpu.memory_space<vmem>>) dst(%dma_wait3A_314 : memref<10008x128xf32, #tpu.memory_space<vmem_shared>>)
      tpu.yield
    }) : () -> ()
    %barrier3A_299 = arith.constant 0 : index
    tpu.barrier barrier_id(%barrier3A_299)
    %mul3A_300 = arith.constant 625 : i32
    %mul3A_301 = arith.muli %arg1, %mul3A_300 : i32
    "tpu.region"() ({
      %run_scoped3A_302 = tpu.sem_alloc : memref<!tpu.dma_semaphore, #tpu.memory_space<semaphore_mem>>
      %dma_start3A_303 = arith.constant 0 : i32
      %dma_start3A_304 = arith.constant 0 : i32
      %dma_start3A_305 = tpu.memref_slice %arg7[%add3A, %dma_start3A_303, %dma_start3A_304] : memref<32x625x128xf32, #tpu.memory_space<hbm>> -> memref<1x625x128xf32, #tpu.memory_space<hbm>>
      %dma_start3A_306 = tpu.memref_squeeze %dma_start3A_305 : memref<1x625x128xf32, #tpu.memory_space<hbm>> -> memref<625x128xf32, #tpu.memory_space<hbm>>
      %dma_start3A_307 = arith.constant 0 : i32
      %dma_start3A_308 = tpu.memref_slice %arg16[%mul3A_301, %dma_start3A_307] : memref<10008x128xf32, #tpu.memory_space<vmem_shared>> -> memref<625x128xf32, #tpu.memory_space<vmem_shared>>
      tpu.enqueue_dma source(%dma_start3A_308 : memref<625x128xf32, #tpu.memory_space<vmem_shared>>) target(%dma_start3A_306 : memref<625x128xf32, #tpu.memory_space<hbm>>) target_semaphore(%run_scoped3A_302 : memref<!tpu.dma_semaphore, #tpu.memory_space<semaphore_mem>>)
      %dma_wait3A_309 = arith.constant 0 : i32
      %dma_wait3A_310 = arith.constant 0 : i32
      %dma_wait3A_311 = tpu.memref_slice %arg7[%add3A, %dma_wait3A_309, %dma_wait3A_310] : memref<32x625x128xf32, #tpu.memory_space<hbm>> -> memref<1x625x128xf32, #tpu.memory_space<hbm>>
      %dma_wait3A_312 = tpu.memref_squeeze %dma_wait3A_311 : memref<1x625x128xf32, #tpu.memory_space<hbm>> -> memref<625x128xf32, #tpu.memory_space<hbm>>
      %dma_wait3A_313 = arith.constant 0 : i32
      %dma_wait3A_314 = tpu.memref_slice %arg16[%mul3A_301, %dma_wait3A_313] : memref<10008x128xf32, #tpu.memory_space<vmem_shared>> -> memref<625x128xf32, #tpu.memory_space<vmem_shared>>
      tpu.wait_dma2 semaphore(%run_scoped3A_302 : memref<!tpu.dma_semaphore, #tpu.memory_space<semaphore_mem>>) src(%dma_wait3A_314 : memref<625x128xf32, #tpu.memory_space<vmem_shared>>) dst(%dma_wait3A_312 : memref<625x128xf32, #tpu.memory_space<hbm>>)
      tpu.yield
    }) : () -> ()
    return
  }
}

module attributes {stable_mosaic.version = 14 : i64} {
  func.func @_tc_body(%arg0: i32, %arg1: memref<2x5000x128xf32, #tpu.memory_space<vmem>>, %arg2: memref<2x5000x1xf32, #tpu.memory_space<vmem>>, %arg3: memref<256x256xf32, #tpu.memory_space<vmem>>, %arg4: memref<5000x256xf32, #tpu.memory_space<vmem>>) attributes {dimension_semantics = [#tpu.dimension_semantics<arbitrary>], iteration_bounds = array<i64: 2>, scalar_prefetch = 0 : i64, scratch_operands = 0 : i64, tpu.core_type = #tpu.core_type<tc>, window_params = [{transform_indices = @transform_0, window_bounds = array<i64: 2, 5000, 128>}, {transform_indices = @transform_1, window_bounds = array<i64: 2, 5000, 1>}, {pipeline_mode = #tpu.pipeline_mode<synchronous>, transform_indices = @transform_2, window_bounds = array<i64: 256, 256>}, {transform_indices = @transform_3, window_bounds = array<i64: 5000, 256>}]} {
    %get3A = arith.constant 0 : index
    %get3A_0 = arith.constant 0 : index
    %get3A_1 = arith.constant 0 : index
    %get3A_2 = vector.load %arg1[%get3A, %get3A_0, %get3A_1] : memref<2x5000x128xf32, #tpu.memory_space<vmem>>, vector<1x5000x128xf32>
    %get3A_3 = vector.shape_cast %get3A_2 : vector<1x5000x128xf32> to vector<5000x128xf32>
    %get3A_4 = arith.constant 1 : index
    %get3A_5 = arith.constant 0 : index
    %get3A_6 = arith.constant 0 : index
    %get3A_7 = vector.load %arg1[%get3A_4, %get3A_5, %get3A_6] : memref<2x5000x128xf32, #tpu.memory_space<vmem>>, vector<1x5000x128xf32>
    %get3A_8 = vector.shape_cast %get3A_7 : vector<1x5000x128xf32> to vector<5000x128xf32>
    %concatenate3A = tpu.concatenate %get3A_3, %get3A_8 in 1 : vector<5000x128xf32>, vector<5000x128xf32> -> vector<5000x256xf32>
    %get3A_9 = arith.constant 0 : index
    %get3A_10 = arith.constant 0 : index
    %get3A_11 = arith.constant 0 : index
    %get3A_12 = vector.load %arg2[%get3A_9, %get3A_10, %get3A_11] : memref<2x5000x1xf32, #tpu.memory_space<vmem>>, vector<1x5000x1xf32>
    %get3A_13 = vector.shape_cast %get3A_12 : vector<1x5000x1xf32> to vector<5000x1xf32>
    %get3A_14 = arith.constant 1 : index
    %get3A_15 = arith.constant 0 : index
    %get3A_16 = arith.constant 0 : index
    %get3A_17 = vector.load %arg2[%get3A_14, %get3A_15, %get3A_16] : memref<2x5000x1xf32, #tpu.memory_space<vmem>>, vector<1x5000x1xf32>
    %get3A_18 = vector.shape_cast %get3A_17 : vector<1x5000x1xf32> to vector<5000x1xf32>
    %add3A = arith.addf %get3A_13, %get3A_18 : vector<5000x1xf32>
    %max3A = arith.constant 1.000000e+00 : f32
    %max3A_19 = vector.broadcast %max3A : f32 to vector<5000x1xf32>
    %max3A_20 = arith.maximumf %add3A, %max3A_19 : vector<5000x1xf32>
    %div3A = vector.broadcast %max3A_20 : vector<5000x1xf32> to vector<5000x256xf32>
    %div3A_21 = arith.divf %concatenate3A, %div3A : vector<5000x256xf32>
    %get3A_22 = arith.constant 0 : index
    %get3A_23 = arith.constant 0 : index
    %get3A_24 = vector.load %arg3[%get3A_22, %get3A_23] : memref<256x256xf32, #tpu.memory_space<vmem>>, vector<256x256xf32>
    %dot_general3A = arith.constant dense<0.000000e+00> : vector<5000x256xf32>
    %dot_general3A_25 = tpu.matmul %div3A_21, %get3A_24, %dot_general3A {dimension_numbers = #tpu.dot_dimension_numbers<[1], [0], [0], [1], [0, 0, 1, 1], [], []>, transpose_lhs_hint = false} : vector<5000x256xf32>, vector<256x256xf32>, vector<5000x256xf32> -> vector<5000x256xf32>
    %max3A_26 = arith.constant 0.000000e+00 : f32
    %max3A_27 = vector.broadcast %max3A_26 : f32 to vector<5000x256xf32>
    %max3A_28 = arith.maximumf %dot_general3A_25, %max3A_27 : vector<5000x256xf32>
    %swap3A = arith.constant 0 : index
    %swap3A_29 = arith.constant 0 : index
    %swap3A_30 = vector.load %arg4[%swap3A, %swap3A_29] : memref<5000x256xf32, #tpu.memory_space<vmem>>, vector<5000x256xf32>
    tpu.vector_store %arg4[%swap3A, %swap3A_29], %max3A_28 {strides = array<i32>} : memref<5000x256xf32, #tpu.memory_space<vmem>>, vector<5000x256xf32>,
    return
  }
  func.func @transform_0(%arg0: i32) -> (i32, i32, i32) {
    %c0_i32 = arith.constant 0 : i32
    %c0_i32_0 = arith.constant 0 : i32
    %c0_i32_1 = arith.constant 0 : i32
    return %c0_i32, %arg0, %c0_i32_0 : i32, i32, i32
  }
  func.func @transform_1(%arg0: i32) -> (i32, i32, i32) {
    %c0_i32 = arith.constant 0 : i32
    %c0_i32_0 = arith.constant 0 : i32
    %c0_i32_1 = arith.constant 0 : i32
    return %c0_i32, %arg0, %c0_i32_0 : i32, i32, i32
  }
  func.func @transform_2(%arg0: i32) -> (i32, i32) {
    %c0_i32 = arith.constant 0 : i32
    %c0_i32_0 = arith.constant 0 : i32
    %c0_i32_1 = arith.constant 0 : i32
    return %c0_i32, %c0_i32_0 : i32, i32
  }
  func.func @transform_3(%arg0: i32) -> (i32, i32) {
    %c0_i32 = arith.constant 0 : i32
    %c0_i32_0 = arith.constant 0 : i32
    return %arg0, %c0_i32 : i32, i32
  }
}

module attributes {stable_mosaic.version = 14 : i64} {
  func.func @_tc_body(%arg0: i32, %arg1: memref<2x5000x128xf32, #tpu.memory_space<vmem>>, %arg2: memref<2x5000x1xf32, #tpu.memory_space<vmem>>, %arg3: memref<256x256xf32, #tpu.memory_space<vmem>>, %arg4: memref<5000x256xf32, #tpu.memory_space<vmem>>) attributes {dimension_semantics = [#tpu.dimension_semantics<arbitrary>], iteration_bounds = array<i64: 2>, scalar_prefetch = 0 : i64, scratch_operands = 0 : i64, tpu.core_type = #tpu.core_type<tc>, window_params = [{transform_indices = @transform_0, window_bounds = array<i64: 2, 5000, 128>}, {transform_indices = @transform_1, window_bounds = array<i64: 2, 5000, 1>}, {pipeline_mode = #tpu.pipeline_mode<synchronous>, transform_indices = @transform_2, window_bounds = array<i64: 256, 256>}, {transform_indices = @transform_3, window_bounds = array<i64: 5000, 256>}]} {
    %get3A = arith.constant 0 : index
    %get3A_0 = arith.constant 0 : index
    %get3A_1 = arith.constant 0 : index
    %get3A_2 = vector.load %arg1[%get3A, %get3A_0, %get3A_1] : memref<2x5000x128xf32, #tpu.memory_space<vmem>>, vector<1x5000x128xf32>
    %get3A_3 = vector.shape_cast %get3A_2 : vector<1x5000x128xf32> to vector<5000x128xf32>
    %get3A_4 = arith.constant 1 : index
    %get3A_5 = arith.constant 0 : index
    %get3A_6 = arith.constant 0 : index
    %get3A_7 = vector.load %arg1[%get3A_4, %get3A_5, %get3A_6] : memref<2x5000x128xf32, #tpu.memory_space<vmem>>, vector<1x5000x128xf32>
    %get3A_8 = vector.shape_cast %get3A_7 : vector<1x5000x128xf32> to vector<5000x128xf32>
    %concatenate3A = tpu.concatenate %get3A_3, %get3A_8 in 1 : vector<5000x128xf32>, vector<5000x128xf32> -> vector<5000x256xf32>
    %get3A_9 = arith.constant 0 : index
    %get3A_10 = arith.constant 0 : index
    %get3A_11 = arith.constant 0 : index
    %get3A_12 = vector.load %arg2[%get3A_9, %get3A_10, %get3A_11] : memref<2x5000x1xf32, #tpu.memory_space<vmem>>, vector<1x5000x1xf32>
    %get3A_13 = vector.shape_cast %get3A_12 : vector<1x5000x1xf32> to vector<5000x1xf32>
    %get3A_14 = arith.constant 1 : index
    %get3A_15 = arith.constant 0 : index
    %get3A_16 = arith.constant 0 : index
    %get3A_17 = vector.load %arg2[%get3A_14, %get3A_15, %get3A_16] : memref<2x5000x1xf32, #tpu.memory_space<vmem>>, vector<1x5000x1xf32>
    %get3A_18 = vector.shape_cast %get3A_17 : vector<1x5000x1xf32> to vector<5000x1xf32>
    %add3A = arith.addf %get3A_13, %get3A_18 : vector<5000x1xf32>
    %max3A = arith.constant 1.000000e+00 : f32
    %max3A_19 = vector.broadcast %max3A : f32 to vector<5000x1xf32>
    %max3A_20 = arith.maximumf %add3A, %max3A_19 : vector<5000x1xf32>
    %div3A = vector.broadcast %max3A_20 : vector<5000x1xf32> to vector<5000x256xf32>
    %div3A_21 = arith.divf %concatenate3A, %div3A : vector<5000x256xf32>
    %get3A_22 = arith.constant 0 : index
    %get3A_23 = arith.constant 0 : index
    %get3A_24 = vector.load %arg3[%get3A_22, %get3A_23] : memref<256x256xf32, #tpu.memory_space<vmem>>, vector<256x256xf32>
    %dot_general3A = arith.constant dense<0.000000e+00> : vector<5000x256xf32>
    %dot_general3A_25 = tpu.matmul %div3A_21, %get3A_24, %dot_general3A {dimension_numbers = #tpu.dot_dimension_numbers<[1], [0], [0], [1], [0, 0, 1, 1], [], []>, transpose_lhs_hint = false} : vector<5000x256xf32>, vector<256x256xf32>, vector<5000x256xf32> -> vector<5000x256xf32>
    %max3A_26 = arith.constant 0.000000e+00 : f32
    %max3A_27 = vector.broadcast %max3A_26 : f32 to vector<5000x256xf32>
    %max3A_28 = arith.maximumf %dot_general3A_25, %max3A_27 : vector<5000x256xf32>
    %swap3A = arith.constant 0 : index
    %swap3A_29 = arith.constant 0 : index
    %swap3A_30 = vector.load %arg4[%swap3A, %swap3A_29] : memref<5000x256xf32, #tpu.memory_space<vmem>>, vector<5000x256xf32>
    tpu.vector_store %arg4[%swap3A, %swap3A_29], %max3A_28 {strides = array<i32>} : memref<5000x256xf32, #tpu.memory_space<vmem>>, vector<5000x256xf32>,
    return
  }
  func.func @transform_0(%arg0: i32) -> (i32, i32, i32) {
    %c0_i32 = arith.constant 0 : i32
    %c0_i32_0 = arith.constant 0 : i32
    %c0_i32_1 = arith.constant 0 : i32
    return %c0_i32, %arg0, %c0_i32_0 : i32, i32, i32
  }
  func.func @transform_1(%arg0: i32) -> (i32, i32, i32) {
    %c0_i32 = arith.constant 0 : i32
    %c0_i32_0 = arith.constant 0 : i32
    %c0_i32_1 = arith.constant 0 : i32
    return %c0_i32, %arg0, %c0_i32_0 : i32, i32, i32
  }
  func.func @transform_2(%arg0: i32) -> (i32, i32) {
    %c0_i32 = arith.constant 0 : i32
    %c0_i32_0 = arith.constant 0 : i32
    %c0_i32_1 = arith.constant 0 : i32
    return %c0_i32, %c0_i32_0 : i32, i32
  }
  func.func @transform_3(%arg0: i32) -> (i32, i32) {
    %c0_i32 = arith.constant 0 : i32
    %c0_i32_0 = arith.constant 0 : i32
    return %arg0, %c0_i32 : i32, i32
  }
}

</mosaic_0001>

<sc_bundles>
// kernel: kernel.6.cloned.1.call-start
scs
__scs_entry_jumppad:
0x0: {  	(pc) =	sbr.rel $0x88, $3  }
0x1: {  	(tag) =	ssettag $0x0;
	lr =	simm.s32 $0x1  }
0x2: {  	[smem:$0x3F9D] =	sst lr;
	_ =	strace $0xD0000000  }
0x3: {  	_ = 	snop  }
0x4: {  	_ = 	snop  }
0x5: {  	_ = 	snop  }
0x6: {  	_ = 	snop  }
0x7: {  	_ = 	snop  }
__scs_overlays_trampoline_lowered:
0x8: {  	[smem:$0x3FAC] =	sst s0  }
0x9: {  	[smem:$0x3FAD] =	sst s1  }
0xa: {  	[smem:$0x3FAE] =	sst s2  }
0xb: {  	[smem:$0x3FAF] =	sst s3  }
0xc: {  	[smem:$0x3FB0] =	sst s4  }
0xd: {  	[smem:$0x3FB1] =	sst s5  }
0xe: {  	[smem:$0x3FB2] =	sst s6  }
0xf: {  	[smem:$0x3FB3] =	sst s7  }
0x10: {  	[smem:$0x3FB4] =	sst s8  }
0x11: {  	[smem:$0x3FB5] =	sst s9;
	s0 =	simm.s32 @!p0 $0x0  }
0x12: {  	s1 =	sld [smem:$0x3F9B];
	s0 =	simm.s32 @p0 $0x1  }
0x13: {  	[smem:$0x3FB6] =	sst s0;
	s0 =	simm.s32 @!p1 $0x0  }
0x14: {  	s2 =	sld [smem:$0x3F9A];
	s0 =	simm.s32 @p1 $0x1  }
0x15: {  	[smem:$0x3FB7] =	sst s0;
	s0 =	simm.s32 @!p2 $0x0  }
0x16: {  	s3 =	sld [smem:$0x3FDB];
	s0 =	simm.s32 @p2 $0x1  }
0x17: {  	s4 =	simm.s32 $0x1BF5;
	[smem:$0x3FB9] =	sst s0  }
0x18: {  	s0 =	sld [smem:$0x3F9C];
	_ =	swait.ge [sflag:s4], $0x0  }
0x19: {  	s7 =	sld [smem:$0x3F9D]  }
0x1a: {  	s8 =	sadd.s32 $0xFFFFE003, lr  }
0x1b: {  	s9 =	sadd.s32 $0xFFFFFEF7, lr;
	s5 =	simm.s32 $0xFFFFFFFF;
	p2 =	slt.u32 s8, $0xFFFFF086  }
0x1c: {  	p1 =	slt.u32 s9, $0xF7A;
	s5 =	simm.s32 @!p2 $0x0  }
0x1d: {  	s5 =	simm.s32 @p1 $0x1;
	p0 =	seq.s32 s7, s2  }
0x1e: {  	s7 =	smul.u32 @!p0 $0xF7A, s2;
	p2 =	seq.s32 @!p0 s5, $0x0  }
0x1f: {  	s9 =	smul.u32 $0xF7A, s1;
	s8 =	simm.s32 @!p0 $0x1BF5;
	p2 =	por !p2, p0  }
0x20: {  	[sflag:s8] =	ssyncset.s32 @!p0 $0xFFFFF086;
	s6 =	sadd.s32 @!p0 s3, s7;
	s7 =	simm.s32 @!p0 $0x108  }
0x21: {  	s3 =	sadd.s32 s3, s9;
	s6 =	sadd.s32 @!p0 $0x88, s6;
	s7 =	simm.s32 @p2 $0x1082  }
0x22: {  	[simem:s7], [sflag:s8] =	dma.local @!p0 [hbm:s6], $0xF7A  }
0x23: {  	s9 =	sor.u32 $0xD0000000, s2;
	s6 =	simm.s32 $0x108;
	_ =	swait.ge @!p0 [sflag:s8], $0x0  }
0x24: {  	s3 =	sadd.s32 $0x88, s3;
	s6 =	simm.s32 @!p1 $0x1082;
	[sflag:s4] =	ssyncset.s32 $0xFFFFF086  }
0x25: {  	[simem:s6], [sflag:s4] =	dma.local [hbm:s3], $0xF7A  }
0x26: {  	[smem:$0x3F9D] =	sst s1;
	(tag) =	ssettag s2;
	_ =	strace s9  }
0x27: {  	s1 =	sld [smem:$0x3FAD]  }
0x28: {  	s2 =	sld [smem:$0x3FAE]  }
0x29: {  	s4 =	sld [smem:$0x3FB0]  }
0x2a: {  	p0 =	seq.s32 s5, $0x0;
	s5 =	sld [smem:$0x3FB1]  }
0x2b: {  	s6 =	sld [smem:$0x3FB2]  }
0x2c: {  	s7 =	sld [smem:$0x3FB3]  }
0x2d: {  	s3 =	simm.s32 $0x108;
	s8 =	sld [smem:$0x3FB4]  }
0x2e: {  	s3 =	simm.s32 @!p0 $0x1082;
	s9 =	sld [smem:$0x3FB5]  }
0x2f: {  	lr =	sadd.s32 s0, s3;
	s0 =	sld [smem:$0x3FAC]  }
0x30: {  	s3 =	sld [smem:$0x3FAF]  }
0x31: {  	[smem:$0x3FB8] =	sst s10  }
0x32: {  	s10 =	sld [smem:$0x3FB6];
	_ =	sdelay $0x3  }
0x33: {  	p0 =	seq.s32 s10, $0x1;
	s10 =	sld [smem:$0x3FB8];
	_ =	sdelay $0x3  }
0x34: {  	[smem:$0x3FB8] =	sst s10  }
0x35: {  	s10 =	sld [smem:$0x3FB7];
	_ =	sdelay $0x3  }
0x36: {  	p1 =	seq.s32 s10, $0x1;
	s10 =	sld [smem:$0x3FB8];
	_ =	sdelay $0x3  }
0x37: {  	[smem:$0x3FB8] =	sst s10  }
0x38: {  	s10 =	sld [smem:$0x3FB9]  }
0x39: {  	_ = 	snop;
	(pc) =	sbr.ind lr, $3  }
0x3a: {  	_ = 	snop  }
0x3b: {  	_ = 	snop  }
0x3c: {  	p2 =	seq.s32 s10, $0x1;
	s10 =	sld [smem:$0x3FB8]  }
0x3d: {  	_ =	shalt  }
0x3e: {  	_ =	shalt  }
0x3f: {  	_ =	shalt  }
0x40: {  	_ =	shalt  }
0x41: {  	_ =	shalt  }
0x42: {  	_ =	shalt  }
0x43: {  	_ =	shalt  }
0x44: {  	_ =	shalt  }
0x45: {  	_ =	shalt  }
0x46: {  	_ =	shalt  }
0x47: {  	_ =	shalt  }
0x48: {  	_ =	shalt  }
0x49: {  	_ =	shalt  }
0x4a: {  	_ =	shalt  }
0x4b: {  	_ =	shalt  }
0x4c: {  	_ =	shalt  }
0x4d: {  	_ =	shalt  }
0x4e: {  	_ =	shalt  }
0x4f: {  	_ =	shalt  }
0x50: {  	_ =	shalt  }
0x51: {  	_ =	shalt  }
0x52: {  	_ =	shalt  }
0x53: {  	_ =	shalt  }
0x54: {  	_ =	shalt  }
0x55: {  	_ =	shalt  }
0x56: {  	_ =	shalt  }
0x57: {  	_ =	shalt  }
0x58: {  	_ =	shalt  }
0x59: {  	_ =	shalt  }
0x5a: {  	_ =	shalt  }
0x5b: {  	_ =	shalt  }
0x5c: {  	_ =	shalt  }
0x5d: {  	_ =	shalt  }
0x5e: {  	_ =	shalt  }
0x5f: {  	_ =	shalt  }
0x60: {  	_ =	shalt  }
0x61: {  	_ =	shalt  }
0x62: {  	_ =	shalt  }
0x63: {  	_ =	shalt  }
0x64: {  	_ =	shalt  }
0x65: {  	_ =	shalt  }
0x66: {  	_ =	shalt  }
0x67: {  	_ =	shalt  }
0x68: {  	_ =	shalt  }
0x69: {  	_ =	shalt  }
0x6a: {  	_ =	shalt  }
0x6b: {  	_ =	shalt  }
0x6c: {  	_ =	shalt  }
0x6d: {  	_ =	shalt  }
0x6e: {  	_ =	shalt  }
0x6f: {  	_ =	shalt  }
0x70: {  	_ =	shalt  }
0x71: {  	_ =	shalt  }
0x72: {  	_ =	shalt  }
0x73: {  	_ =	shalt  }
0x74: {  	_ =	shalt  }
0x75: {  	_ =	shalt  }
0x76: {  	_ =	shalt  }
0x77: {  	_ =	shalt  }
0x78: {  	_ =	shalt  }
0x79: {  	_ =	shalt  }
0x7a: {  	_ =	shalt  }
0x7b: {  	_ =	shalt  }
0x7c: {  	_ =	shalt  }
0x7d: {  	_ =	shalt  }
0x7e: {  	_ =	shalt  }
0x7f: {  	_ =	shalt  }
0x80: {  	_ =	shalt  }
0x81: {  	_ =	shalt  }
0x82: {  	_ =	shalt  }
0x83: {  	_ =	shalt  }
0x84: {  	_ =	shalt  }
0x85: {  	_ =	shalt  }
0x86: {  	_ =	shalt  }
0x87: {  	_ =	shalt  }
.Lfunc_end0:
.L_simem_size_0:
called_computation_lowered:
.L_overlay_start_0:
0x88: {  	s2 =	sld [smem:$0x3FD9]  }
0x89: {  	s3 =	sld [smem:$0x3FFE];
	_ =	sdelay $0x1  }
0x8a: {  	s1 =	srdreg.scid  }
0x8b: {  	s0 =	sand.u32 $0x1, s1  }
0x8c: {  	s17 =	sshll.u32 s0, $0xA;
	s2 =	sadd.s32 s3, s2  }
0x8d: {  	s2 =	sadd.s32 s2, s17  }
0x8e: {  	[smem:$0x3FC4] =	sst s2  }
0x8f: {  	_ = 	snop  }
0x90: {  	s2 =	sld [smem:$0x3FD0];
	(tm) =	ssettm $0x1  }
0x91: {  	s18 =	sld [smem:$0x3FFB];
	_ =	sdelay $0x3  }
0x92: {  	_ =	strace s18  }
0x93: {  	s3 =	sld [smem:$0x3FFC];
	_ =	sdelay $0x3  }
0x94: {  	_ =	strace s3  }
0x95: {  	s3 =	sld [smem:$0x3FFD];
	_ =	sdelay $0x3  }
0x96: {  	_ =	strace s3  }
0x97: {  	_ =	strace $0x8FFFFFFF  }
0x98: {  	s19 =	sld [smem:$0x3FDB];
	_ =	sdelay $0x1  }
0x99: {  	s4 =	simm.s32 $_scs_section_size  }
0x9a: {  	s5 =	simm.s32 $_size__tile_overlayer_lowered;
	s6 =	simm.s32 $_tile_overlayer_lowered  }
0x9b: {  	s22 =	simm.s32 $0x1BFF;
	s21 =	sshll.u32 s6, $0x1;
	s3 =	sadd.s32 s4, s19  }
0x9c: {  	s7 =	simm.s32 $0x0;
	s20 =	sshll.u32 s5, $0x1;
	s5 =	sadd.s32 s21, s3  }
0x9d: {  	[timem:s7], [sflag:s22] =	dma.local [hbm:s5], s20  }
0x9e: {  	_ =	swait.ge [sflag:s22], s20  }
0x9f: {  	s4 =	ssub.s32 $0x0, s20;
	[sflag:s22] =	ssyncset.done $0x0  }
0xa0: {  	[sflag:s22] =	ssyncadd.s32 s4;
	_ =	sdelay $0x1  }
0xa1: {  	s23 =	simm.s32 $0x1B8B  }
0xa2: {  	_ =	swait.ge [sflag:s23], $0x1  }
0xa3: {  	[sflag:s23] =	ssyncset.done $0x0  }
0xa4: {  	s25 =	simm.s32 $0x1B8E;
	s24 =	sld [smem:$0x3FFE];
	[sflag:s23] =	ssyncadd.s32 $0xFFFFFFFF  }
0xa5: {  	s26 =	simm.s32 $execute0_lowered;
	[smem:$0x3FD2] =	sst s25  }
0xa6: {  	s5 =	sshll.u32 s26, $0x1;
	_ =	strace $0x80000046;
	[dreg:$0x1] =	wrdreg $0xFFFFFFFF  }
0xa7: {  	s28 =	simm.s32 $_size_execute0_lowered;
	s3 =	sadd.s32 s3, s5;
	[dreg:$0x0] =	wrdreg $0x0  }
0xa8: {  	s5 =	sshll.u32 s28, $0x1;
	[dreg:$0x2] =	wrdreg s3  }
0xa9: {  	[dreg:$0x3] =	wrdreg s5  }
0xaa: {  	[dreg:$0x4] =	wrdreg $0xC0  }
0xab: {  	_ =	task [dreg:s7], $0x5FFFF  }
0xac: {  	[dreg:$0x1] =	wrdreg $0xFFFFFFFF  }
0xad: {  	[dreg:$0x0] =	wrdreg $0x60  }
0xae: {  	[dreg:$0x2] =	wrdreg s2  }
0xaf: {  	[dreg:$0x3] =	wrdreg s24  }
0xb0: {  	[dreg:$0x4] =	wrdreg $0xC4800  }
0xb1: {  	[dreg:$0x5] =	wrdreg $0x1FD400  }
0xb2: {  	[dreg:$0x6] =	wrdreg $0x9  }
0xb3: {  	_ =	task.clear_ibuf [dreg:s7], $0x7FFFF;
	_ =	strace $0x90000046  }
0xb4: {  	s29 =	simm.s32 $0x9;
	_ =	strace $0x80000048  }
0xb5: {  	_ =	swait.ge [sflag:s29], $0x1  }
0xb6: {  	[sflag:s29] =	ssyncadd.s32 $0xFFFFFFFF  }
0xb7: {  	_ =	strace $0x90000048  }
0xb8: {  	_ =	sfence  }
0xb9: {  	s30 =	sld [smem:$0x0];
	_ =	sdelay $0x2  }
0xba: {  	s31 =	sshll.u32 s1, $0xD;
	s1 =	sshrl.u32 s1, $0x2  }
0xbb: {  	s3 =	sand.u32 $0x4000, s31;
	s1 =	sadd.s32 s1, s30  }
0xbc: {  	s0 =	sor.u32 s3, s0;
	s1 =	sshll.u32 s1, $0x11  }
0xbd: {  	s0 =	sor.u32 s1, s0  }
0xbe: {  	s0 =	sadd.s32 $0x8F2B, s0  }
0xbf: {  	[sflag:s0] =	ssyncadd.remote.s32 $0x1  }
0xc0: {  	_ =	sfence.sel $0xFFFF  }
0xc1: {  	[dreg:$0x0] =	wrdreg $0xFFFFFFFF;
	(pc) =	sbr.abs _section_cstart, $3  }
0xc2: {  	[dreg:$0x1] =	wrdreg $0xFFFFFFFF  }
0xc3: {  	_ =	task.clear_ibuf [dreg:s7], $0x2FFFF;
	_ =	strace $0x9FFFFFFF  }
0xc4: {  	(tm) =	ssettm $0x7FFFFFFF  }
0xc5: {  	_ =	shalt  }
tec
execute0_lowered:
.L_overlay_start_1:
0x0: {  	(tag) =	ssettag $0x1  }
0x1: {  	s5 =	rddreg [dreg:$0x1]  }
0x2: {  	s1 =	rddreg [dreg:$0x2]  }
0x3: {  	s2 =	rddreg [dreg:$0x3];
	s4 =	simm.s32 $0x0;
	s15 =	stileid.u32  }
0x4: {  	s0 =	srdreg.scid;
	[smem:$0x7FF] =	sst s4;
	s6 =	sshrl.u32 s15, $0x3  }
0x5: {  	s0 =	sand.u32 $0x1, s0;
	s7 =	sshll.u32 s15, $0x7;
	s14 =	smul.u32 $0x4F, s15  }
0x6: {  	s11 =	sadd.s32 $0x1800, s5;
	s12 =	sadd.s32 $0x15400, s5;
	s22 =	smul.u32 $0x4E200, s15  }
0x7: {  	s18 =	sadd.s32 $0x15C00, s5;
	s3 =	smul.u32 $0xA00, s15;
	p0 =	sne.s32 s15, $0x0  }
0x8: {  	s6 =	smul.u32 $0x1400, s6;
	_ =	strace $0x80000047;
	[dreg:$0x11] =	wrdreg s12  }
0x9: {  	s8 =	sshll.u32 s0, $0x4;
	s7 =	sand.u32 $0x380, s7;
	[dreg:$0x12] =	wrdreg s18  }
0xa: {  	s20 =	ssub.s32 $0x2, s0;
	s13 =	smul.u32 $0x4F0, s0;
	s8 =	sor.u32 s15, s8  }
0xb: {  	p1 =	sne.s32 s0, $0x0;
	p2 =	seq.s32 s0, $0x0;
	s9 =	smul.u32 $0x2780, s8  }
0xc: {  	s12 =	sshrl.u32 s22, $0x2;
	s6 =	sor.u32 s7, s6;
	s19 =	smul.u32 $0x4F00, s8  }
0xd: {  	s10 =	sshrl.u32 s8, $0x3;
	s8 =	smul.u32 $0x9E0, s8;
	s13 =	sadd.s32 s14, s13  }
0xe: {  	s29 =	sadd.s32 s12, s1;
	s12 =	sshrl.u32 s3, $0x2;
	s6 =	sshrl.u32 s6, $0x3  }
0xf: {  	s24 =	sshll.u32 s13, $0x5;
	[dreg:$0x17] =	wrdreg s29;
	s12 =	sadd.s32 s12, s2  }
0x10: {  	s13 =	sadd.s32 $0x138800, s1;
	s8 =	sadd.s32 s11, s8;
	[dreg:$0x18] =	wrdreg s12  }
0x11: {  	s6 =	sadd.s32 s6, s5;
	s0 =	sshrl.u32 @!p0 s13, $0x3;
	[dreg:$0x13] =	wrdreg s8  }
0x12: {  	s9 =	sadd.s32 s9, s5;
	s6 =	sadd.s32 $0x15600, s6;
	[smem:$0x7FD] =	sst s0  }
0x13: {  	s8 =	sadd.s32 s24, s11;
	s9 =	sadd.s32 $0x18400, s9;
	[dreg:$0x19] =	wrdreg s6  }
0x14: {  	s30 =	sadd.s32 $0x1E0, s8;
	[dreg:$0x1d] =	wrdreg s9  }
0x15: {  	s14 =	sadd.s32 $0x1C0, s8;
	[dreg:$0x5] =	wrdreg s30  }
0x16: {  	s10 =	smul.u32 $0x1400, s10;
	s16 =	sadd.s32 $0x1A0, s8;
	[dreg:$0x6] =	wrdreg s14  }
0x17: {  	s17 =	sadd.s32 $0x180, s8;
	[dreg:$0x7] =	wrdreg s16  }
0x18: {  	s7 =	sor.u32 s7, s10;
	s18 =	sadd.s32 $0x160, s8;
	[dreg:$0x8] =	wrdreg s17  }
0x19: {  	s10 =	sshrl.u32 s19, $0x3;
	s19 =	sadd.s32 $0x140, s8;
	[dreg:$0x9] =	wrdreg s18  }
0x1a: {  	s10 =	sadd.s32 s11, s10;
	s24 =	sadd.s32 $0xE0, s8;
	[dreg:$0xa] =	wrdreg s19  }
0x1b: {  	s21 =	sshrl.u32 s20, $0x1;
	s23 =	sadd.s32 $0x20, s10;
	[dreg:$0xd] =	wrdreg s24  }
0x1c: {  	s7 =	sshrl.u32 s7, $0x3;
	s25 =	sadd.s32 $0x40, s10;
	[dreg:$0x14] =	wrdreg s23  }
0x1d: {  	s5 =	sadd.s32 s7, s5;
	s26 =	sadd.s32 $0x60, s10;
	[dreg:$0x15] =	wrdreg s25  }
0x1e: {  	s7 =	ssub.s32 s20, s21;
	s20 =	sadd.s32 $0x980, s10;
	[dreg:$0x16] =	wrdreg s26  }
0x1f: {  	s22 =	sadd.s32 $0x9A0, s10;
	[dreg:$0x1a] =	wrdreg s20  }
0x20: {  	s21 =	sadd.s32 $0x120, s8;
	[dreg:$0x1b] =	wrdreg s22  }
0x21: {  	s10 =	sadd.s32 $0x9C0, s10;
	[dreg:$0xb] =	wrdreg s21  }
0x22: {  	s30 =	sadd.s32 $0x80, s8;
	[dreg:$0x1c] =	wrdreg s10  }
0x23: {  	s28 =	simm.s32 $0x80;
	s23 =	sadd.s32 $0x100, s8;
	[dreg:$0x10] =	wrdreg s30  }
0x24: {  	s31 =	simm.s32 $0x8;
	s5 =	sadd.s32 $0x67400, s5;
	[dreg:$0xc] =	wrdreg s23  }
0x25: {  	s13 =	simm.s32 $0x3;
	s25 =	sadd.s32 $0xC0, s8;
	[dreg:$0x1e] =	wrdreg s5  }
0x26: {  	s6 =	simm.s32 $0x0;
	s29 =	smax.u32 s7, $0x1;
	[dreg:$0xe] =	wrdreg s25  }
0x27: {  	s26 =	sadd.s32 $0xA0, s8;
	s21 =	simm.s32 $0x1;
	[dreg:$0x1f] =	wrdreg s29  }
0x28: {  	s7 =	simm.s32 $0x10;
	s10 =	simm.s32 $0x2;
	[dreg:$0xf] =	wrdreg s26  }
.LBB2_1:
0x29: {  	[smem:$0x7F9] =	sst s6  }
0x2a: {  	s5 =	rddreg [dreg:$0x13];
	s0 =	simm.s32 $0xC000  }
0x2b: {  	[tilespmem:s0], [sflag:$0x4] =	stream.linear.gather [hbm4b:s5+s4], $0x100, $0x38;
	v63 =	vld [tilespmem:$0x0]  }
0x2c: {  	s18 =	rddreg [dreg:$0x14];
	s16 =	simm.s32 $0xC100  }
0x2d: {  	[tilespmem:s16], [sflag:$0x5] =	stream.linear.gather [hbm4b:s18+s4], $0x100, $0x38;
	v63 =	vld [tilespmem:$0x0]  }
0x2e: {  	s19 =	rddreg [dreg:$0x15];
	s22 =	simm.s32 $0xC200  }
0x2f: {  	[tilespmem:s22], [sflag:$0x6] =	stream.linear.gather [hbm4b:s19+s4], $0x100, $0x38;
	v63 =	vld [tilespmem:$0x0]  }
0x30: {  	s20 =	rddreg [dreg:$0x16];
	s23 =	simm.s32 $0xC300;
	s26 =	simm.s32 $0x4  }
0x31: {  	[tilespmem:s23], [sflag:$0x7] =	stream.linear.gather [hbm4b:s20+s4], $0x100, $0x38;
	v63 =	vld [tilespmem:$0x0]  }
0x32: {  	_ =	swait.ge [sflag:s26], $0x100  }
0x33: {  	[sflag:s26] =	ssyncset.done $0x0  }
0x34: {  	[sflag:s26] =	ssyncadd.s32 $0xFFFFFF00  }
0x35: {  	s8 =	simm.s32 $0x5;
	s24 =	stileid.u32;
	s2 =	rddreg [dreg:$0x0]  }
0x36: {  	[tilespmem:s4], [sflag:$0x1] =	stream.indirect.gather [hbm4b:s2+s28], $0x80, s0, s28, $0xb8;
	v63 =	vld [tilespmem:$0x0]  }
0x37: {  	s9 =	simm.s32 $0x4000;
	s5 =	sshll.u32 s24, $0x6;
	_ =	swait.ge [sflag:s8], $0x100  }
0x38: {  	s11 =	sor.u32 $0x1C08, s5;
	[sflag:s8] =	ssyncset.done $0x0;
	s25 =	rddreg [dreg:$0x17]  }
0x39: {  	s5 =	rddreg [dreg:$0x12];
	[sflag:s8] =	ssyncadd.s32 $0xFFFFFF00;
	s29 =	sshrl.u32 s25, $0x3  }
0x3a: {  	[tilespmem:s9], [sflag:$0x2] =	stream.indirect.gather [hbm4b:s2+s28], $0x80, s16, s28, $0xb8;
	v63 =	vld [tilespmem:$0x0]  }
0x3b: {  	[smem:$0x7FA] =	sst s29  }
0x3c: {  	[spmem:s29], [sflag:s11] =	dma.local [hbm:s5], $0x2710  }
0x3d: {  	_ =	swait.ge [sflag:s31], $0x2710  }
0x3e: {  	s6 =	sld [smem:$0x7FD]  }
0x3f: {  	[sflag:s31] =	ssyncset.done $0x0  }
0x40: {  	[sflag:s31] =	ssyncadd.s32 $0xFFFFD8F0  }
0x41: {  	[spmem:s6], [sflag:s11] =	dma.local @!p0 [hbm:s5], $0x80  }
0x42: {  	s5 =	simm.s32 @!p0 $0x8  }
0x43: {  	_ =	swait.ge @!p0 [sflag:s5], $0x80  }
0x44: {  	s30 =	rddreg [dreg:$0x18]  }
0x45: {  	s3 =	rddreg [dreg:$0x19]  }
0x46: {  	[sflag:s5] =	ssyncset.done @!p0 $0x0;
	[smem:$0x7FB] =	sst s11;
	s1 =	sshrl.u32 s30, $0x3  }
0x47: {  	[sflag:s5] =	ssyncadd.s32 @!p0 $0xFFFFFF80;
	[smem:$0x7FC] =	sst s1  }
0x48: {  	[spmem:s1@s7], [sflag:s11] =	dma.strided [hbm:s3@s28], $0x50, s21, $0x10   }
0x49: {  	_ =	swait.ge [sflag:s31], $0x50  }
0x4a: {  	[sflag:s31] =	ssyncset.done $0x0  }
0x4b: {  	s11 =	simm.s32 $0xC400;
	s7 =	rddreg [dreg:$0x11];
	[sflag:s31] =	ssyncadd.s32 $0xFFFFFFB0  }
0x4c: {  	[tilespmem:s11], [sflag:$0x8] =	stream.linear.gather [hbm4b:s7+s4], $0x80, $0x38;
	v63 =	vld [tilespmem:$0x0]  }
0x4d: {  	_ =	swait.ge [sflag:s31], $0x80  }
0x4e: {  	[sflag:s31] =	ssyncset.done $0x0  }
0x4f: {  	[sflag:s31] =	ssyncadd.s32 $0xFFFFFF80  }
0x50: {  	[bflag:$0x0] =	sbarrier.arrive $0xFFFF  }
0x51: {  	_ =	swait.ge [sflag:s21], $0x4000  }
0x52: {  	[sflag:s21] =	ssyncset.done $0x0  }
0x53: {  	[sflag:s21] =	ssyncadd.s32 $0xFFFFC000  }
0x54: {  	s1 =	simm.s32 $0xC080;
	s3 =	rddreg [dreg:$0x2]  }
0x55: {  	[spmem:s3] =	stream.indirect.scatter.add.f32 [tilespmem:s4], [sflag:$0x8], $0x80, s1, s28, $0xb8;
	v63 =	vld [tilespmem:$0x0]  }
0x56: {  	_ =	swait.ge [sflag:s31], $0x4000  }
0x57: {  	[sflag:s31] =	ssyncset.done $0x0  }
0x58: {  	s24 =	simm.s32 @!p1 $0xC400;
	s18 =	simm.s32 @!p1 $0x8;
	[sflag:s31] =	ssyncadd.s32 $0xFFFFC000  }
0x59: {  	s30 =	simm.s32 @!p1 $0x80;
	s1 =	simm.s32 @!p1 $0xC080;
	s29 =	rddreg [dreg:$0x3]  }
0x5a: {  	[spmem:s29] =	stream.indirect.scatter.add.f32 @!p1 [tilespmem:s24], [sflag:$0x8], $0x1, s1, s30, $0xb8;
	v63 =	vld [tilespmem:$0x0]  }
0x5b: {  	_ =	swait.ge @!p1 [sflag:s18], $0x80  }
0x5c: {  	s12 =	rddreg [dreg:$0x10];
	[sflag:s18] =	ssyncset.done @!p1 $0x0  }
0x5d: {  	[sflag:s18] =	ssyncadd.s32 @!p1 $0xFFFFFF80;
	s5 =	sadd.s32 $0x0, s12;
	s12 =	simm.s32 $0x6  }
0x5e: {  	[tilespmem:s0], [sflag:$0x4] =	stream.linear.gather [hbm4b:s5+s4], $0x100, $0x38;
	v63 =	vld [tilespmem:$0x0]  }
0x5f: {  	_ =	swait.ge [sflag:s12], $0x100  }
0x60: {  	[sflag:s12] =	ssyncset.done $0x0  }
0x61: {  	s25 =	simm.s32 $0x8000;
	[sflag:s12] =	ssyncadd.s32 $0xFFFFFF00  }
0x62: {  	[tilespmem:s25], [sflag:$0x3] =	stream.indirect.gather [hbm4b:s2+s28], $0x80, s22, s28, $0xb8;
	v63 =	vld [tilespmem:$0x0]  }
0x63: {  	_ =	swait.ge [sflag:s10], $0x4000  }
0x64: {  	[sflag:s10] =	ssyncset.done $0x0  }
0x65: {  	s14 =	simm.s32 $0xC180;
	[sflag:s10] =	ssyncadd.s32 $0xFFFFC000  }
0x66: {  	[spmem:s3] =	stream.indirect.scatter.add.f32 [tilespmem:s9], [sflag:$0x8], $0x80, s14, s28, $0xb8;
	v63 =	vld [tilespmem:$0x0]  }
0x67: {  	_ =	swait.ge [sflag:s31], $0x4000  }
0x68: {  	s19 =	simm.s32 @!p2 $0xC400;
	s20 =	simm.s32 @!p2 $0x8;
	[sflag:s31] =	ssyncset.done $0x0  }
0x69: {  	s1 =	simm.s32 @!p2 $0xC180;
	s5 =	simm.s32 @!p2 $0x80;
	[sflag:s31] =	ssyncadd.s32 $0xFFFFC000  }
0x6a: {  	[spmem:s29] =	stream.indirect.scatter.add.f32 @!p2 [tilespmem:s19], [sflag:$0x8], $0x1, s1, s5, $0xb8;
	v63 =	vld [tilespmem:$0x0]  }
0x6b: {  	_ =	swait.ge @!p2 [sflag:s20], $0x80  }
0x6c: {  	s15 =	rddreg [dreg:$0xf];
	[sflag:s20] =	ssyncset.done @!p2 $0x0  }
0x6d: {  	s1 =	simm.s32 $0x7;
	[sflag:s20] =	ssyncadd.s32 @!p2 $0xFFFFFF80;
	s6 =	sadd.s32 $0x0, s15  }
0x6e: {  	[tilespmem:s16], [sflag:$0x5] =	stream.linear.gather [hbm4b:s6+s4], $0x100, $0x38;
	v63 =	vld [tilespmem:$0x0]  }
0x6f: {  	_ =	swait.ge [sflag:s1], $0x100  }
0x70: {  	[sflag:s1] =	ssyncset.done $0x0  }
0x71: {  	[sflag:s1] =	ssyncadd.s32 $0xFFFFFF00  }
0x72: {  	[tilespmem:s4], [sflag:$0x1] =	stream.indirect.gather [hbm4b:s2+s28], $0x80, s23, s28, $0xb8;
	v63 =	vld [tilespmem:$0x0]  }
0x73: {  	_ =	swait.ge [sflag:s13], $0x4000  }
0x74: {  	[sflag:s13] =	ssyncset.done $0x0  }
0x75: {  	s17 =	simm.s32 $0xC280;
	[sflag:s13] =	ssyncadd.s32 $0xFFFFC000  }
0x76: {  	[spmem:s3] =	stream.indirect.scatter.add.f32 [tilespmem:s25], [sflag:$0x8], $0x80, s17, s28, $0xb8;
	v63 =	vld [tilespmem:$0x0]  }
0x77: {  	_ =	swait.ge [sflag:s31], $0x4000  }
0x78: {  	[sflag:s31] =	ssyncset.done $0x0  }
0x79: {  	s6 =	simm.s32 @!p1 $0xC280;
	[sflag:s31] =	ssyncadd.s32 $0xFFFFC000  }
0x7a: {  	[spmem:s29] =	stream.indirect.scatter.add.f32 @!p1 [tilespmem:s24], [sflag:$0x8], $0x1, s6, s30, $0xb8;
	v63 =	vld [tilespmem:$0x0]  }
0x7b: {  	_ =	swait.ge @!p1 [sflag:s18], $0x80  }
0x7c: {  	s7 =	rddreg [dreg:$0xe];
	[sflag:s18] =	ssyncset.done @!p1 $0x0  }
0x7d: {  	[sflag:s18] =	ssyncadd.s32 @!p1 $0xFFFFFF80;
	s11 =	sadd.s32 $0x0, s7  }
0x7e: {  	[tilespmem:s22], [sflag:$0x6] =	stream.linear.gather [hbm4b:s11+s4], $0x100, $0x38;
	v63 =	vld [tilespmem:$0x0]  }
0x7f: {  	_ =	swait.ge [sflag:s26], $0x100  }
0x80: {  	[sflag:s26] =	ssyncset.done $0x0  }
0x81: {  	[sflag:s26] =	ssyncadd.s32 $0xFFFFFF00  }
0x82: {  	[tilespmem:s9], [sflag:$0x2] =	stream.indirect.gather [hbm4b:s2+s28], $0x80, s0, s28, $0xb8;
	v63 =	vld [tilespmem:$0x0]  }
0x83: {  	_ =	swait.ge [sflag:s21], $0x4000  }
0x84: {  	[sflag:s21] =	ssyncset.done $0x0  }
0x85: {  	s15 =	simm.s32 $0xC380;
	[sflag:s21] =	ssyncadd.s32 $0xFFFFC000  }
0x86: {  	[spmem:s3] =	stream.indirect.scatter.add.f32 [tilespmem:s4], [sflag:$0x8], $0x80, s15, s28, $0xb8;
	v63 =	vld [tilespmem:$0x0]  }
0x87: {  	_ =	swait.ge [sflag:s31], $0x4000  }
0x88: {  	[sflag:s31] =	ssyncset.done $0x0  }
0x89: {  	s17 =	simm.s32 @!p2 $0xC380;
	[sflag:s31] =	ssyncadd.s32 $0xFFFFC000  }
0x8a: {  	[spmem:s29] =	stream.indirect.scatter.add.f32 @!p2 [tilespmem:s19], [sflag:$0x8], $0x1, s17, s5, $0xb8;
	v63 =	vld [tilespmem:$0x0]  }
0x8b: {  	_ =	swait.ge @!p2 [sflag:s20], $0x80  }
0x8c: {  	s14 =	rddreg [dreg:$0xd];
	[sflag:s20] =	ssyncset.done @!p2 $0x0  }
0x8d: {  	[sflag:s20] =	ssyncadd.s32 @!p2 $0xFFFFFF80;
	s14 =	sadd.s32 $0x0, s14  }
0x8e: {  	[tilespmem:s23], [sflag:$0x7] =	stream.linear.gather [hbm4b:s14+s4], $0x100, $0x38;
	v63 =	vld [tilespmem:$0x0]  }
0x8f: {  	_ =	swait.ge [sflag:s8], $0x100  }
0x90: {  	[sflag:s8] =	ssyncset.done $0x0  }
0x91: {  	[sflag:s8] =	ssyncadd.s32 $0xFFFFFF00  }
0x92: {  	[tilespmem:s25], [sflag:$0x3] =	stream.indirect.gather [hbm4b:s2+s28], $0x80, s16, s28, $0xb8;
	v63 =	vld [tilespmem:$0x0]  }
0x93: {  	_ =	swait.ge [sflag:s10], $0x4000  }
0x94: {  	[sflag:s10] =	ssyncset.done $0x0  }
0x95: {  	s6 =	simm.s32 $0xC080;
	[sflag:s10] =	ssyncadd.s32 $0xFFFFC000  }
0x96: {  	[spmem:s3] =	stream.indirect.scatter.add.f32 [tilespmem:s9], [sflag:$0x8], $0x80, s6, s28, $0xb8;
	v63 =	vld [tilespmem:$0x0]  }
0x97: {  	_ =	swait.ge [sflag:s31], $0x4000  }
0x98: {  	[sflag:s31] =	ssyncset.done $0x0  }
0x99: {  	s7 =	simm.s32 @!p1 $0xC080;
	[sflag:s31] =	ssyncadd.s32 $0xFFFFC000  }
0x9a: {  	[spmem:s29] =	stream.indirect.scatter.add.f32 @!p1 [tilespmem:s24], [sflag:$0x8], $0x1, s7, s30, $0xb8;
	v63 =	vld [tilespmem:$0x0]  }
0x9b: {  	_ =	swait.ge @!p1 [sflag:s18], $0x80  }
0x9c: {  	s11 =	rddreg [dreg:$0xc];
	[sflag:s18] =	ssyncset.done @!p1 $0x0  }
0x9d: {  	[sflag:s18] =	ssyncadd.s32 @!p1 $0xFFFFFF80;
	s14 =	sadd.s32 $0x0, s11  }
0x9e: {  	[tilespmem:s0], [sflag:$0x4] =	stream.linear.gather [hbm4b:s14+s4], $0x100, $0x38;
	v63 =	vld [tilespmem:$0x0]  }
0x9f: {  	_ =	swait.ge [sflag:s12], $0x100  }
0xa0: {  	[sflag:s12] =	ssyncset.done $0x0  }
0xa1: {  	[sflag:s12] =	ssyncadd.s32 $0xFFFFFF00  }
0xa2: {  	[tilespmem:s4], [sflag:$0x1] =	stream.indirect.gather [hbm4b:s2+s28], $0x80, s22, s28, $0xb8;
	v63 =	vld [tilespmem:$0x0]  }
0xa3: {  	_ =	swait.ge [sflag:s13], $0x4000  }
0xa4: {  	[sflag:s13] =	ssyncset.done $0x0  }
0xa5: {  	s11 =	simm.s32 $0xC180;
	[sflag:s13] =	ssyncadd.s32 $0xFFFFC000  }
0xa6: {  	[spmem:s3] =	stream.indirect.scatter.add.f32 [tilespmem:s25], [sflag:$0x8], $0x80, s11, s28, $0xb8;
	v63 =	vld [tilespmem:$0x0]  }
0xa7: {  	_ =	swait.ge [sflag:s31], $0x4000  }
0xa8: {  	[sflag:s31] =	ssyncset.done $0x0  }
0xa9: {  	s14 =	simm.s32 @!p2 $0xC180;
	[sflag:s31] =	ssyncadd.s32 $0xFFFFC000  }
0xaa: {  	[spmem:s29] =	stream.indirect.scatter.add.f32 @!p2 [tilespmem:s19], [sflag:$0x8], $0x1, s14, s5, $0xb8;
	v63 =	vld [tilespmem:$0x0]  }
0xab: {  	_ =	swait.ge @!p2 [sflag:s20], $0x80  }
0xac: {  	s14 =	rddreg [dreg:$0xb];
	[sflag:s20] =	ssyncset.done @!p2 $0x0  }
0xad: {  	[sflag:s20] =	ssyncadd.s32 @!p2 $0xFFFFFF80;
	s14 =	sadd.s32 $0x0, s14  }
0xae: {  	[tilespmem:s16], [sflag:$0x5] =	stream.linear.gather [hbm4b:s14+s4], $0x100, $0x38;
	v63 =	vld [tilespmem:$0x0]  }
0xaf: {  	_ =	swait.ge [sflag:s1], $0x100  }
0xb0: {  	[sflag:s1] =	ssyncset.done $0x0  }
0xb1: {  	[sflag:s1] =	ssyncadd.s32 $0xFFFFFF00  }
0xb2: {  	[tilespmem:s9], [sflag:$0x2] =	stream.indirect.gather [hbm4b:s2+s28], $0x80, s23, s28, $0xb8;
	v63 =	vld [tilespmem:$0x0]  }
0xb3: {  	_ =	swait.ge [sflag:s21], $0x4000  }
0xb4: {  	[sflag:s21] =	ssyncset.done $0x0  }
0xb5: {  	s14 =	simm.s32 $0xC280;
	[sflag:s21] =	ssyncadd.s32 $0xFFFFC000  }
0xb6: {  	[spmem:s3] =	stream.indirect.scatter.add.f32 [tilespmem:s4], [sflag:$0x8], $0x80, s14, s28, $0xb8;
	v63 =	vld [tilespmem:$0x0]  }
0xb7: {  	_ =	swait.ge [sflag:s31], $0x4000  }
0xb8: {  	[sflag:s31] =	ssyncset.done $0x0  }
0xb9: {  	s14 =	simm.s32 @!p1 $0xC280;
	[sflag:s31] =	ssyncadd.s32 $0xFFFFC000  }
0xba: {  	[spmem:s29] =	stream.indirect.scatter.add.f32 @!p1 [tilespmem:s24], [sflag:$0x8], $0x1, s14, s30, $0xb8;
	v63 =	vld [tilespmem:$0x0]  }
0xbb: {  	_ =	swait.ge @!p1 [sflag:s18], $0x80  }
0xbc: {  	s14 =	rddreg [dreg:$0xa];
	[sflag:s18] =	ssyncset.done @!p1 $0x0  }
0xbd: {  	[sflag:s18] =	ssyncadd.s32 @!p1 $0xFFFFFF80;
	s14 =	sadd.s32 $0x0, s14  }
0xbe: {  	[tilespmem:s22], [sflag:$0x6] =	stream.linear.gather [hbm4b:s14+s4], $0x100, $0x38;
	v63 =	vld [tilespmem:$0x0]  }
0xbf: {  	_ =	swait.ge [sflag:s26], $0x100  }
0xc0: {  	[sflag:s26] =	ssyncset.done $0x0  }
0xc1: {  	[sflag:s26] =	ssyncadd.s32 $0xFFFFFF00  }
0xc2: {  	[tilespmem:s25], [sflag:$0x3] =	stream.indirect.gather [hbm4b:s2+s28], $0x80, s0, s28, $0xb8;
	v63 =	vld [tilespmem:$0x0]  }
0xc3: {  	_ =	swait.ge [sflag:s10], $0x4000  }
0xc4: {  	[sflag:s10] =	ssyncset.done $0x0  }
0xc5: {  	[sflag:s10] =	ssyncadd.s32 $0xFFFFC000  }
0xc6: {  	[spmem:s3] =	stream.indirect.scatter.add.f32 [tilespmem:s9], [sflag:$0x8], $0x80, s15, s28, $0xb8;
	v63 =	vld [tilespmem:$0x0]  }
0xc7: {  	_ =	swait.ge [sflag:s31], $0x4000  }
0xc8: {  	[sflag:s31] =	ssyncset.done $0x0  }
0xc9: {  	[sflag:s31] =	ssyncadd.s32 $0xFFFFC000  }
0xca: {  	[spmem:s29] =	stream.indirect.scatter.add.f32 @!p2 [tilespmem:s19], [sflag:$0x8], $0x1, s17, s5, $0xb8;
	v63 =	vld [tilespmem:$0x0]  }
0xcb: {  	_ =	swait.ge @!p2 [sflag:s20], $0x80  }
0xcc: {  	s14 =	rddreg [dreg:$0x9];
	[sflag:s20] =	ssyncset.done @!p2 $0x0  }
0xcd: {  	[sflag:s20] =	ssyncadd.s32 @!p2 $0xFFFFFF80;
	s14 =	sadd.s32 $0x0, s14  }
0xce: {  	[tilespmem:s23], [sflag:$0x7] =	stream.linear.gather [hbm4b:s14+s4], $0x100, $0x38;
	v63 =	vld [tilespmem:$0x0]  }
0xcf: {  	_ =	swait.ge [sflag:s8], $0x100  }
0xd0: {  	[sflag:s8] =	ssyncset.done $0x0  }
0xd1: {  	[sflag:s8] =	ssyncadd.s32 $0xFFFFFF00  }
0xd2: {  	[tilespmem:s4], [sflag:$0x1] =	stream.indirect.gather [hbm4b:s2+s28], $0x80, s16, s28, $0xb8;
	v63 =	vld [tilespmem:$0x0]  }
0xd3: {  	_ =	swait.ge [sflag:s13], $0x4000  }
0xd4: {  	[sflag:s13] =	ssyncset.done $0x0  }
0xd5: {  	[sflag:s13] =	ssyncadd.s32 $0xFFFFC000  }
0xd6: {  	[spmem:s3] =	stream.indirect.scatter.add.f32 [tilespmem:s25], [sflag:$0x8], $0x80, s6, s28, $0xb8;
	v63 =	vld [tilespmem:$0x0]  }
0xd7: {  	_ =	swait.ge [sflag:s31], $0x4000  }
0xd8: {  	[sflag:s31] =	ssyncset.done $0x0  }
0xd9: {  	[sflag:s31] =	ssyncadd.s32 $0xFFFFC000  }
0xda: {  	[spmem:s29] =	stream.indirect.scatter.add.f32 @!p1 [tilespmem:s24], [sflag:$0x8], $0x1, s7, s30, $0xb8;
	v63 =	vld [tilespmem:$0x0]  }
0xdb: {  	_ =	swait.ge @!p1 [sflag:s18], $0x80  }
0xdc: {  	s7 =	rddreg [dreg:$0x8];
	[sflag:s18] =	ssyncset.done @!p1 $0x0  }
0xdd: {  	[sflag:s18] =	ssyncadd.s32 @!p1 $0xFFFFFF80;
	s14 =	sadd.s32 $0x0, s7  }
0xde: {  	[tilespmem:s0], [sflag:$0x4] =	stream.linear.gather [hbm4b:s14+s4], $0x100, $0x38;
	v63 =	vld [tilespmem:$0x0]  }
0xdf: {  	_ =	swait.ge [sflag:s12], $0x100  }
0xe0: {  	[sflag:s12] =	ssyncset.done $0x0  }
0xe1: {  	[sflag:s12] =	ssyncadd.s32 $0xFFFFFF00  }
0xe2: {  	[tilespmem:s9], [sflag:$0x2] =	stream.indirect.gather [hbm4b:s2+s28], $0x80, s22, s28, $0xb8;
	v63 =	vld [tilespmem:$0x0]  }
0xe3: {  	_ =	swait.ge [sflag:s21], $0x4000  }
0xe4: {  	[sflag:s21] =	ssyncset.done $0x0  }
0xe5: {  	[sflag:s21] =	ssyncadd.s32 $0xFFFFC000  }
0xe6: {  	[spmem:s3] =	stream.indirect.scatter.add.f32 [tilespmem:s4], [sflag:$0x8], $0x80, s11, s28, $0xb8;
	v63 =	vld [tilespmem:$0x0]  }
0xe7: {  	_ =	swait.ge [sflag:s31], $0x4000  }
0xe8: {  	[sflag:s31] =	ssyncset.done $0x0  }
0xe9: {  	s6 =	simm.s32 @!p2 $0xC180;
	[sflag:s31] =	ssyncadd.s32 $0xFFFFC000  }
0xea: {  	[spmem:s29] =	stream.indirect.scatter.add.f32 @!p2 [tilespmem:s19], [sflag:$0x8], $0x1, s6, s5, $0xb8;
	v63 =	vld [tilespmem:$0x0]  }
0xeb: {  	_ =	swait.ge @!p2 [sflag:s20], $0x80  }
0xec: {  	s12 =	rddreg [dreg:$0x7];
	[sflag:s20] =	ssyncset.done @!p2 $0x0  }
0xed: {  	[sflag:s20] =	ssyncadd.s32 @!p2 $0xFFFFFF80;
	s14 =	sadd.s32 $0x0, s12  }
0xee: {  	[tilespmem:s16], [sflag:$0x5] =	stream.linear.gather [hbm4b:s14+s4], $0x100, $0x38;
	v63 =	vld [tilespmem:$0x0]  }
0xef: {  	_ =	swait.ge [sflag:s1], $0x100  }
0xf0: {  	[sflag:s1] =	ssyncset.done $0x0  }
0xf1: {  	[sflag:s1] =	ssyncadd.s32 $0xFFFFFF00  }
0xf2: {  	[tilespmem:s25], [sflag:$0x3] =	stream.indirect.gather [hbm4b:s2+s28], $0x80, s23, s28, $0xb8;
	v63 =	vld [tilespmem:$0x0]  }
0xf3: {  	_ =	swait.ge [sflag:s10], $0x4000  }
0xf4: {  	[sflag:s10] =	ssyncset.done $0x0  }
0xf5: {  	s16 =	simm.s32 $0xC280;
	[sflag:s10] =	ssyncadd.s32 $0xFFFFC000  }
0xf6: {  	[spmem:s3] =	stream.indirect.scatter.add.f32 [tilespmem:s9], [sflag:$0x8], $0x80, s16, s28, $0xb8;
	v63 =	vld [tilespmem:$0x0]  }
0xf7: {  	_ =	swait.ge [sflag:s31], $0x4000  }
0xf8: {  	[sflag:s31] =	ssyncset.done $0x0  }
0xf9: {  	s1 =	simm.s32 @!p1 $0xC280;
	[sflag:s31] =	ssyncadd.s32 $0xFFFFC000  }
0xfa: {  	[spmem:s29] =	stream.indirect.scatter.add.f32 @!p1 [tilespmem:s24], [sflag:$0x8], $0x1, s1, s30, $0xb8;
	v63 =	vld [tilespmem:$0x0]  }
0xfb: {  	_ =	swait.ge @!p1 [sflag:s18], $0x80  }
0xfc: {  	s24 =	rddreg [dreg:$0x6];
	[sflag:s18] =	ssyncset.done @!p1 $0x0  }
0xfd: {  	[sflag:s18] =	ssyncadd.s32 @!p1 $0xFFFFFF80;
	s14 =	sadd.s32 $0x0, s24  }
0xfe: {  	[tilespmem:s22], [sflag:$0x6] =	stream.linear.gather [hbm4b:s14+s4], $0x100, $0x38;
	v63 =	vld [tilespmem:$0x0]  }
0xff: {  	_ =	swait.ge [sflag:s26], $0x100  }
0x100: {  	[sflag:s26] =	ssyncset.done $0x0  }
0x101: {  	[sflag:s26] =	ssyncadd.s32 $0xFFFFFF00  }
0x102: {  	[tilespmem:s4], [sflag:$0x1] =	stream.indirect.gather [hbm4b:s2+s28], $0x80, s0, s28, $0xb8;
	v63 =	vld [tilespmem:$0x0]  }
0x103: {  	_ =	swait.ge [sflag:s13], $0x4000  }
0x104: {  	[sflag:s13] =	ssyncset.done $0x0  }
0x105: {  	[sflag:s13] =	ssyncadd.s32 $0xFFFFC000  }
0x106: {  	[spmem:s3] =	stream.indirect.scatter.add.f32 [tilespmem:s25], [sflag:$0x8], $0x80, s15, s28, $0xb8;
	v63 =	vld [tilespmem:$0x0]  }
0x107: {  	_ =	swait.ge [sflag:s31], $0x4000  }
0x108: {  	[sflag:s31] =	ssyncset.done $0x0  }
0x109: {  	[sflag:s31] =	ssyncadd.s32 $0xFFFFC000  }
0x10a: {  	[spmem:s29] =	stream.indirect.scatter.add.f32 @!p2 [tilespmem:s19], [sflag:$0x8], $0x1, s17, s5, $0xb8;
	v63 =	vld [tilespmem:$0x0]  }
0x10b: {  	_ =	swait.ge @!p2 [sflag:s20], $0x80  }
0x10c: {  	s30 =	rddreg [dreg:$0x5];
	[sflag:s20] =	ssyncset.done @!p2 $0x0  }
0x10d: {  	[sflag:s20] =	ssyncadd.s32 @!p2 $0xFFFFFF80;
	s14 =	sadd.s32 $0x0, s30  }
0x10e: {  	[tilespmem:s23], [sflag:$0x7] =	stream.linear.gather [hbm4b:s14+s4], $0x100, $0x38;
	v63 =	vld [tilespmem:$0x0]  }
0x10f: {  	_ =	swait.ge [sflag:s8], $0x100  }
0x110: {  	[sflag:s8] =	ssyncset.done $0x0  }
0x111: {  	s14 =	simm.s32 $0x180;
	[sflag:s8] =	ssyncadd.s32 $0xFFFFFF00  }
.LBB2_2:
0x112: {  	s23 =	simm.s32 $0xC100;
	s9 =	simm.s32 $0x4000;
	s2 =	rddreg [dreg:$0x0]  }
0x113: {  	[tilespmem:s9], [sflag:$0x2] =	stream.indirect.gather [hbm4b:s2+s28], $0x80, s23, s28, $0xb8;
	v63 =	vld [tilespmem:$0x0]  }
0x114: {  	_ =	swait.ge [sflag:s21], $0x4000  }
0x115: {  	[sflag:s21] =	ssyncset.done $0x0  }
0x116: {  	[sflag:s21] =	ssyncadd.s32 $0xFFFFC000  }
0x117: {  	s0 =	simm.s32 $0xC080;
	s3 =	rddreg [dreg:$0x2]  }
0x118: {  	[spmem:s3] =	stream.indirect.scatter.add.f32 [tilespmem:s4], [sflag:$0x8], $0x80, s0, s28, $0xb8;
	v63 =	vld [tilespmem:$0x0]  }
0x119: {  	_ =	swait.ge [sflag:s31], $0x4000  }
0x11a: {  	[sflag:s31] =	ssyncset.done $0x0  }
0x11b: {  	s30 =	simm.s32 @!p1 $0xC400;
	[sflag:s31] =	ssyncadd.s32 $0xFFFFC000  }
0x11c: {  	s16 =	simm.s32 @!p1 $0x80;
	s6 =	simm.s32 @!p1 $0xC080;
	s0 =	rddreg [dreg:$0x3]  }
0x11d: {  	[spmem:s0] =	stream.indirect.scatter.add.f32 @!p1 [tilespmem:s30], [sflag:$0x8], $0x1, s6, s16, $0xb8;
	v63 =	vld [tilespmem:$0x0]  }
0x11e: {  	s15 =	smov.u32 s14;
	_ =	swait.ge @!p1 [sflag:s18], $0x80  }
0x11f: {  	s22 =	simm.s32 $0xC000;
	s7 =	rddreg [dreg:$0x10];
	[sflag:s18] =	ssyncset.done @!p1 $0x0  }
0x120: {  	s12 =	simm.s32 $0x6;
	[sflag:s18] =	ssyncadd.s32 @!p1 $0xFFFFFF80;
	s7 =	sadd.s32 s15, s7  }
0x121: {  	[tilespmem:s22], [sflag:$0x4] =	stream.linear.gather [hbm4b:s7+s4], $0x100, $0x38;
	v63 =	vld [tilespmem:$0x0]  }
0x122: {  	_ =	swait.ge [sflag:s12], $0x100  }
0x123: {  	[sflag:s12] =	ssyncset.done $0x0  }
0x124: {  	s24 =	simm.s32 $0xC200;
	s26 =	simm.s32 $0x8000;
	[sflag:s12] =	ssyncadd.s32 $0xFFFFFF00  }
0x125: {  	[tilespmem:s26], [sflag:$0x3] =	stream.indirect.gather [hbm4b:s2+s28], $0x80, s24, s28, $0xb8;
	v63 =	vld [tilespmem:$0x0]  }
0x126: {  	_ =	swait.ge [sflag:s10], $0x4000  }
0x127: {  	[sflag:s10] =	ssyncset.done $0x0  }
0x128: {  	s1 =	simm.s32 $0xC180;
	[sflag:s10] =	ssyncadd.s32 $0xFFFFC000  }
0x129: {  	[spmem:s3] =	stream.indirect.scatter.add.f32 [tilespmem:s9], [sflag:$0x8], $0x80, s1, s28, $0xb8;
	v63 =	vld [tilespmem:$0x0]  }
0x12a: {  	_ =	swait.ge [sflag:s31], $0x4000  }
0x12b: {  	s25 =	simm.s32 @!p2 $0x80;
	[sflag:s31] =	ssyncset.done $0x0  }
0x12c: {  	s19 =	simm.s32 @!p2 $0xC400;
	s17 =	simm.s32 @!p2 $0xC180;
	[sflag:s31] =	ssyncadd.s32 $0xFFFFC000  }
0x12d: {  	[spmem:s0] =	stream.indirect.scatter.add.f32 @!p2 [tilespmem:s19], [sflag:$0x8], $0x1, s17, s25, $0xb8;
	v63 =	vld [tilespmem:$0x0]  }
0x12e: {  	_ =	swait.ge @!p2 [sflag:s20], $0x80  }
0x12f: {  	s11 =	rddreg [dreg:$0xf];
	[sflag:s20] =	ssyncset.done @!p2 $0x0  }
0x130: {  	s1 =	simm.s32 $0x7;
	[sflag:s20] =	ssyncadd.s32 @!p2 $0xFFFFFF80;
	s7 =	sadd.s32 s15, s11  }
0x131: {  	[tilespmem:s23], [sflag:$0x5] =	stream.linear.gather [hbm4b:s7+s4], $0x100, $0x38;
	v63 =	vld [tilespmem:$0x0]  }
0x132: {  	_ =	swait.ge [sflag:s1], $0x100  }
0x133: {  	[sflag:s1] =	ssyncset.done $0x0  }
0x134: {  	s5 =	simm.s32 $0xC300;
	[sflag:s1] =	ssyncadd.s32 $0xFFFFFF00  }
0x135: {  	[tilespmem:s4], [sflag:$0x1] =	stream.indirect.gather [hbm4b:s2+s28], $0x80, s5, s28, $0xb8;
	v63 =	vld [tilespmem:$0x0]  }
0x136: {  	_ =	swait.ge [sflag:s13], $0x4000  }
0x137: {  	[sflag:s13] =	ssyncset.done $0x0  }
0x138: {  	s11 =	simm.s32 $0xC280;
	[sflag:s13] =	ssyncadd.s32 $0xFFFFC000  }
0x139: {  	[spmem:s3] =	stream.indirect.scatter.add.f32 [tilespmem:s26], [sflag:$0x8], $0x80, s11, s28, $0xb8;
	v63 =	vld [tilespmem:$0x0]  }
0x13a: {  	_ =	swait.ge [sflag:s31], $0x4000  }
0x13b: {  	[sflag:s31] =	ssyncset.done $0x0  }
0x13c: {  	s7 =	simm.s32 @!p1 $0xC280;
	[sflag:s31] =	ssyncadd.s32 $0xFFFFC000  }
0x13d: {  	[spmem:s0] =	stream.indirect.scatter.add.f32 @!p1 [tilespmem:s30], [sflag:$0x8], $0x1, s7, s16, $0xb8;
	v63 =	vld [tilespmem:$0x0]  }
0x13e: {  	_ =	swait.ge @!p1 [sflag:s18], $0x80  }
0x13f: {  	s29 =	rddreg [dreg:$0xe];
	[sflag:s18] =	ssyncset.done @!p1 $0x0  }
0x140: {  	[sflag:s18] =	ssyncadd.s32 @!p1 $0xFFFFFF80;
	s7 =	sadd.s32 s15, s29;
	s29 =	simm.s32 $0x4  }
0x141: {  	[tilespmem:s24], [sflag:$0x6] =	stream.linear.gather [hbm4b:s7+s4], $0x100, $0x38;
	v63 =	vld [tilespmem:$0x0]  }
0x142: {  	_ =	swait.ge [sflag:s29], $0x100  }
0x143: {  	[sflag:s29] =	ssyncset.done $0x0  }
0x144: {  	[sflag:s29] =	ssyncadd.s32 $0xFFFFFF00  }
0x145: {  	[tilespmem:s9], [sflag:$0x2] =	stream.indirect.gather [hbm4b:s2+s28], $0x80, s22, s28, $0xb8;
	v63 =	vld [tilespmem:$0x0]  }
0x146: {  	_ =	swait.ge [sflag:s21], $0x4000  }
0x147: {  	[sflag:s21] =	ssyncset.done $0x0  }
0x148: {  	s8 =	simm.s32 $0xC380;
	[sflag:s21] =	ssyncadd.s32 $0xFFFFC000  }
0x149: {  	[spmem:s3] =	stream.indirect.scatter.add.f32 [tilespmem:s4], [sflag:$0x8], $0x80, s8, s28, $0xb8;
	v63 =	vld [tilespmem:$0x0]  }
0x14a: {  	_ =	swait.ge [sflag:s31], $0x4000  }
0x14b: {  	[sflag:s31] =	ssyncset.done $0x0  }
0x14c: {  	s7 =	simm.s32 @!p2 $0xC380;
	[sflag:s31] =	ssyncadd.s32 $0xFFFFC000  }
0x14d: {  	[spmem:s0] =	stream.indirect.scatter.add.f32 @!p2 [tilespmem:s19], [sflag:$0x8], $0x1, s7, s25, $0xb8;
	v63 =	vld [tilespmem:$0x0]  }
0x14e: {  	_ =	swait.ge @!p2 [sflag:s20], $0x80  }
0x14f: {  	s8 =	rddreg [dreg:$0xd];
	[sflag:s20] =	ssyncset.done @!p2 $0x0  }
0x150: {  	[sflag:s20] =	ssyncadd.s32 @!p2 $0xFFFFFF80;
	s7 =	sadd.s32 s15, s8;
	s8 =	simm.s32 $0x5  }
0x151: {  	[tilespmem:s5], [sflag:$0x7] =	stream.linear.gather [hbm4b:s7+s4], $0x100, $0x38;
	v63 =	vld [tilespmem:$0x0]  }
0x152: {  	_ =	swait.ge [sflag:s8], $0x100  }
0x153: {  	[sflag:s8] =	ssyncset.done $0x0  }
0x154: {  	[sflag:s8] =	ssyncadd.s32 $0xFFFFFF00  }
0x155: {  	[tilespmem:s26], [sflag:$0x3] =	stream.indirect.gather [hbm4b:s2+s28], $0x80, s23, s28, $0xb8;
	v63 =	vld [tilespmem:$0x0]  }
0x156: {  	_ =	swait.ge [sflag:s10], $0x4000  }
0x157: {  	[sflag:s10] =	ssyncset.done $0x0  }
0x158: {  	s7 =	simm.s32 $0xC080;
	[sflag:s10] =	ssyncadd.s32 $0xFFFFC000  }
0x159: {  	[spmem:s3] =	stream.indirect.scatter.add.f32 [tilespmem:s9], [sflag:$0x8], $0x80, s7, s28, $0xb8;
	v63 =	vld [tilespmem:$0x0]  }
0x15a: {  	_ =	swait.ge [sflag:s31], $0x4000  }
0x15b: {  	[sflag:s31] =	ssyncset.done $0x0  }
0x15c: {  	[sflag:s31] =	ssyncadd.s32 $0xFFFFC000  }
0x15d: {  	[spmem:s0] =	stream.indirect.scatter.add.f32 @!p1 [tilespmem:s30], [sflag:$0x8], $0x1, s6, s16, $0xb8;
	v63 =	vld [tilespmem:$0x0]  }
0x15e: {  	_ =	swait.ge @!p1 [sflag:s18], $0x80  }
0x15f: {  	s7 =	rddreg [dreg:$0xc];
	[sflag:s18] =	ssyncset.done @!p1 $0x0  }
0x160: {  	[sflag:s18] =	ssyncadd.s32 @!p1 $0xFFFFFF80;
	s7 =	sadd.s32 s15, s7  }
0x161: {  	[tilespmem:s22], [sflag:$0x4] =	stream.linear.gather [hbm4b:s7+s4], $0x100, $0x38;
	v63 =	vld [tilespmem:$0x0]  }
0x162: {  	_ =	swait.ge [sflag:s12], $0x100  }
0x163: {  	[sflag:s12] =	ssyncset.done $0x0  }
0x164: {  	[sflag:s12] =	ssyncadd.s32 $0xFFFFFF00  }
0x165: {  	[tilespmem:s4], [sflag:$0x1] =	stream.indirect.gather [hbm4b:s2+s28], $0x80, s24, s28, $0xb8;
	v63 =	vld [tilespmem:$0x0]  }
0x166: {  	_ =	swait.ge [sflag:s13], $0x4000  }
0x167: {  	[sflag:s13] =	ssyncset.done $0x0  }
0x168: {  	s7 =	simm.s32 $0xC180;
	[sflag:s13] =	ssyncadd.s32 $0xFFFFC000  }
0x169: {  	[spmem:s3] =	stream.indirect.scatter.add.f32 [tilespmem:s26], [sflag:$0x8], $0x80, s7, s28, $0xb8;
	v63 =	vld [tilespmem:$0x0]  }
0x16a: {  	_ =	swait.ge [sflag:s31], $0x4000  }
0x16b: {  	[sflag:s31] =	ssyncset.done $0x0  }
0x16c: {  	[sflag:s31] =	ssyncadd.s32 $0xFFFFC000  }
0x16d: {  	[spmem:s0] =	stream.indirect.scatter.add.f32 @!p2 [tilespmem:s19], [sflag:$0x8], $0x1, s17, s25, $0xb8;
	v63 =	vld [tilespmem:$0x0]  }
0x16e: {  	_ =	swait.ge @!p2 [sflag:s20], $0x80  }
0x16f: {  	s7 =	rddreg [dreg:$0xb];
	[sflag:s20] =	ssyncset.done @!p2 $0x0  }
0x170: {  	[sflag:s20] =	ssyncadd.s32 @!p2 $0xFFFFFF80;
	s7 =	sadd.s32 s15, s7  }
0x171: {  	[tilespmem:s23], [sflag:$0x5] =	stream.linear.gather [hbm4b:s7+s4], $0x100, $0x38;
	v63 =	vld [tilespmem:$0x0]  }
0x172: {  	_ =	swait.ge [sflag:s1], $0x100  }
0x173: {  	[sflag:s1] =	ssyncset.done $0x0  }
0x174: {  	[sflag:s1] =	ssyncadd.s32 $0xFFFFFF00  }
0x175: {  	[tilespmem:s9], [sflag:$0x2] =	stream.indirect.gather [hbm4b:s2+s28], $0x80, s5, s28, $0xb8;
	v63 =	vld [tilespmem:$0x0]  }
0x176: {  	_ =	swait.ge [sflag:s21], $0x4000  }
0x177: {  	[sflag:s21] =	ssyncset.done $0x0  }
0x178: {  	[sflag:s21] =	ssyncadd.s32 $0xFFFFC000  }
0x179: {  	[spmem:s3] =	stream.indirect.scatter.add.f32 [tilespmem:s4], [sflag:$0x8], $0x80, s11, s28, $0xb8;
	v63 =	vld [tilespmem:$0x0]  }
0x17a: {  	_ =	swait.ge [sflag:s31], $0x4000  }
0x17b: {  	[sflag:s31] =	ssyncset.done $0x0  }
0x17c: {  	s7 =	simm.s32 @!p1 $0xC280;
	[sflag:s31] =	ssyncadd.s32 $0xFFFFC000  }
0x17d: {  	[spmem:s0] =	stream.indirect.scatter.add.f32 @!p1 [tilespmem:s30], [sflag:$0x8], $0x1, s7, s16, $0xb8;
	v63 =	vld [tilespmem:$0x0]  }
0x17e: {  	_ =	swait.ge @!p1 [sflag:s18], $0x80  }
0x17f: {  	s7 =	rddreg [dreg:$0xa];
	[sflag:s18] =	ssyncset.done @!p1 $0x0  }
0x180: {  	[sflag:s18] =	ssyncadd.s32 @!p1 $0xFFFFFF80;
	s7 =	sadd.s32 s15, s7  }
0x181: {  	[tilespmem:s24], [sflag:$0x6] =	stream.linear.gather [hbm4b:s7+s4], $0x100, $0x38;
	v63 =	vld [tilespmem:$0x0]  }
0x182: {  	_ =	swait.ge [sflag:s29], $0x100  }
0x183: {  	[sflag:s29] =	ssyncset.done $0x0  }
0x184: {  	[sflag:s29] =	ssyncadd.s32 $0xFFFFFF00  }
0x185: {  	[tilespmem:s26], [sflag:$0x3] =	stream.indirect.gather [hbm4b:s2+s28], $0x80, s22, s28, $0xb8;
	v63 =	vld [tilespmem:$0x0]  }
0x186: {  	_ =	swait.ge [sflag:s10], $0x4000  }
0x187: {  	[sflag:s10] =	ssyncset.done $0x0  }
0x188: {  	s7 =	simm.s32 $0xC380;
	[sflag:s10] =	ssyncadd.s32 $0xFFFFC000  }
0x189: {  	[spmem:s3] =	stream.indirect.scatter.add.f32 [tilespmem:s9], [sflag:$0x8], $0x80, s7, s28, $0xb8;
	v63 =	vld [tilespmem:$0x0]  }
0x18a: {  	_ =	swait.ge [sflag:s31], $0x4000  }
0x18b: {  	[sflag:s31] =	ssyncset.done $0x0  }
0x18c: {  	s7 =	simm.s32 @!p2 $0xC380;
	[sflag:s31] =	ssyncadd.s32 $0xFFFFC000  }
0x18d: {  	[spmem:s0] =	stream.indirect.scatter.add.f32 @!p2 [tilespmem:s19], [sflag:$0x8], $0x1, s7, s25, $0xb8;
	v63 =	vld [tilespmem:$0x0]  }
0x18e: {  	_ =	swait.ge @!p2 [sflag:s20], $0x80  }
0x18f: {  	s7 =	rddreg [dreg:$0x9];
	[sflag:s20] =	ssyncset.done @!p2 $0x0  }
0x190: {  	[sflag:s20] =	ssyncadd.s32 @!p2 $0xFFFFFF80;
	s7 =	sadd.s32 s15, s7  }
0x191: {  	[tilespmem:s5], [sflag:$0x7] =	stream.linear.gather [hbm4b:s7+s4], $0x100, $0x38;
	v63 =	vld [tilespmem:$0x0]  }
0x192: {  	_ =	swait.ge [sflag:s8], $0x100  }
0x193: {  	[sflag:s8] =	ssyncset.done $0x0  }
0x194: {  	[sflag:s8] =	ssyncadd.s32 $0xFFFFFF00  }
0x195: {  	[tilespmem:s4], [sflag:$0x1] =	stream.indirect.gather [hbm4b:s2+s28], $0x80, s23, s28, $0xb8;
	v63 =	vld [tilespmem:$0x0]  }
0x196: {  	_ =	swait.ge [sflag:s13], $0x4000  }
0x197: {  	[sflag:s13] =	ssyncset.done $0x0  }
0x198: {  	s7 =	simm.s32 $0xC080;
	[sflag:s13] =	ssyncadd.s32 $0xFFFFC000  }
0x199: {  	[spmem:s3] =	stream.indirect.scatter.add.f32 [tilespmem:s26], [sflag:$0x8], $0x80, s7, s28, $0xb8;
	v63 =	vld [tilespmem:$0x0]  }
0x19a: {  	_ =	swait.ge [sflag:s31], $0x4000  }
0x19b: {  	[sflag:s31] =	ssyncset.done $0x0  }
0x19c: {  	[sflag:s31] =	ssyncadd.s32 $0xFFFFC000  }
0x19d: {  	[spmem:s0] =	stream.indirect.scatter.add.f32 @!p1 [tilespmem:s30], [sflag:$0x8], $0x1, s6, s16, $0xb8;
	v63 =	vld [tilespmem:$0x0]  }
0x19e: {  	_ =	swait.ge @!p1 [sflag:s18], $0x80  }
0x19f: {  	s6 =	rddreg [dreg:$0x8];
	[sflag:s18] =	ssyncset.done @!p1 $0x0  }
0x1a0: {  	[sflag:s18] =	ssyncadd.s32 @!p1 $0xFFFFFF80;
	s7 =	sadd.s32 s15, s6  }
0x1a1: {  	[tilespmem:s22], [sflag:$0x4] =	stream.linear.gather [hbm4b:s7+s4], $0x100, $0x38;
	v63 =	vld [tilespmem:$0x0]  }
0x1a2: {  	_ =	swait.ge [sflag:s12], $0x100  }
0x1a3: {  	[sflag:s12] =	ssyncset.done $0x0  }
0x1a4: {  	[sflag:s12] =	ssyncadd.s32 $0xFFFFFF00  }
0x1a5: {  	[tilespmem:s9], [sflag:$0x2] =	stream.indirect.gather [hbm4b:s2+s28], $0x80, s24, s28, $0xb8;
	v63 =	vld [tilespmem:$0x0]  }
0x1a6: {  	_ =	swait.ge [sflag:s21], $0x4000  }
0x1a7: {  	[sflag:s21] =	ssyncset.done $0x0  }
0x1a8: {  	s12 =	simm.s32 $0xC180;
	[sflag:s21] =	ssyncadd.s32 $0xFFFFC000  }
0x1a9: {  	[spmem:s3] =	stream.indirect.scatter.add.f32 [tilespmem:s4], [sflag:$0x8], $0x80, s12, s28, $0xb8;
	v63 =	vld [tilespmem:$0x0]  }
0x1aa: {  	_ =	swait.ge [sflag:s31], $0x4000  }
0x1ab: {  	[sflag:s31] =	ssyncset.done $0x0  }
0x1ac: {  	[sflag:s31] =	ssyncadd.s32 $0xFFFFC000  }
0x1ad: {  	[spmem:s0] =	stream.indirect.scatter.add.f32 @!p2 [tilespmem:s19], [sflag:$0x8], $0x1, s17, s25, $0xb8;
	v63 =	vld [tilespmem:$0x0]  }
0x1ae: {  	_ =	swait.ge @!p2 [sflag:s20], $0x80  }
0x1af: {  	s17 =	rddreg [dreg:$0x7];
	[sflag:s20] =	ssyncset.done @!p2 $0x0  }
0x1b0: {  	[sflag:s20] =	ssyncadd.s32 @!p2 $0xFFFFFF80;
	s7 =	sadd.s32 s15, s17  }
0x1b1: {  	[tilespmem:s23], [sflag:$0x5] =	stream.linear.gather [hbm4b:s7+s4], $0x100, $0x38;
	v63 =	vld [tilespmem:$0x0]  }
0x1b2: {  	_ =	swait.ge [sflag:s1], $0x100  }
0x1b3: {  	[sflag:s1] =	ssyncset.done $0x0  }
0x1b4: {  	[sflag:s1] =	ssyncadd.s32 $0xFFFFFF00  }
0x1b5: {  	[tilespmem:s26], [sflag:$0x3] =	stream.indirect.gather [hbm4b:s2+s28], $0x80, s5, s28, $0xb8;
	v63 =	vld [tilespmem:$0x0]  }
0x1b6: {  	_ =	swait.ge [sflag:s10], $0x4000  }
0x1b7: {  	[sflag:s10] =	ssyncset.done $0x0  }
0x1b8: {  	[sflag:s10] =	ssyncadd.s32 $0xFFFFC000  }
0x1b9: {  	[spmem:s3] =	stream.indirect.scatter.add.f32 [tilespmem:s9], [sflag:$0x8], $0x80, s11, s28, $0xb8;
	v63 =	vld [tilespmem:$0x0]  }
0x1ba: {  	_ =	swait.ge [sflag:s31], $0x4000  }
0x1bb: {  	[sflag:s31] =	ssyncset.done $0x0  }
0x1bc: {  	s1 =	simm.s32 @!p1 $0xC280;
	[sflag:s31] =	ssyncadd.s32 $0xFFFFC000  }
0x1bd: {  	[spmem:s0] =	stream.indirect.scatter.add.f32 @!p1 [tilespmem:s30], [sflag:$0x8], $0x1, s1, s16, $0xb8;
	v63 =	vld [tilespmem:$0x0]  }
0x1be: {  	_ =	swait.ge @!p1 [sflag:s18], $0x80  }
0x1bf: {  	s23 =	rddreg [dreg:$0x6];
	[sflag:s18] =	ssyncset.done @!p1 $0x0  }
0x1c0: {  	[sflag:s18] =	ssyncadd.s32 @!p1 $0xFFFFFF80;
	s7 =	sadd.s32 s15, s23  }
0x1c1: {  	[tilespmem:s24], [sflag:$0x6] =	stream.linear.gather [hbm4b:s7+s4], $0x100, $0x38;
	v63 =	vld [tilespmem:$0x0]  }
0x1c2: {  	_ =	swait.ge [sflag:s29], $0x100  }
0x1c3: {  	[sflag:s29] =	ssyncset.done $0x0  }
0x1c4: {  	[sflag:s29] =	ssyncadd.s32 $0xFFFFFF00  }
0x1c5: {  	[tilespmem:s4], [sflag:$0x1] =	stream.indirect.gather [hbm4b:s2+s28], $0x80, s22, s28, $0xb8;
	v63 =	vld [tilespmem:$0x0]  }
0x1c6: {  	_ =	swait.ge [sflag:s13], $0x4000  }
0x1c7: {  	[sflag:s13] =	ssyncset.done $0x0  }
0x1c8: {  	s24 =	simm.s32 $0xC380;
	[sflag:s13] =	ssyncadd.s32 $0xFFFFC000  }
0x1c9: {  	[spmem:s3] =	stream.indirect.scatter.add.f32 [tilespmem:s26], [sflag:$0x8], $0x80, s24, s28, $0xb8;
	v63 =	vld [tilespmem:$0x0]  }
0x1ca: {  	_ =	swait.ge [sflag:s31], $0x4000  }
0x1cb: {  	[sflag:s31] =	ssyncset.done $0x0  }
0x1cc: {  	s1 =	simm.s32 @!p2 $0xC380;
	[sflag:s31] =	ssyncadd.s32 $0xFFFFC000  }
0x1cd: {  	[spmem:s0] =	stream.indirect.scatter.add.f32 @!p2 [tilespmem:s19], [sflag:$0x8], $0x1, s1, s25, $0xb8;
	v63 =	vld [tilespmem:$0x0]  }
0x1ce: {  	s14 =	sadd.s32 $0x180, s14;
	_ =	swait.ge @!p2 [sflag:s20], $0x80  }
0x1cf: {  	p3 =	sne.s32 s14, $0x900;
	s29 =	rddreg [dreg:$0x5];
	[sflag:s20] =	ssyncset.done @!p2 $0x0  }
.Ltmp0:
0x1d0: {  	[sflag:s20] =	ssyncadd.s32 @!p2 $0xFFFFFF80;
	s7 =	sadd.s32 s15, s29;
	(pc) =	sbr.rel @p3 .LBB2_2-.Ltmp0, $4  }
0x1d1: {  	[tilespmem:s5], [sflag:$0x7] =	stream.linear.gather [hbm4b:s7+s4], $0x100, $0x38;
	v63 =	vld [tilespmem:$0x0]  }
0x1d2: {  	s6 =	simm.s32 $0xC280;
	_ =	swait.ge [sflag:s8], $0x100  }
0x1d3: {  	s17 =	simm.s32 @!p1 $0xC280;
	s11 =	simm.s32 $0xC380;
	[sflag:s8] =	ssyncset.done $0x0  }
0x1d4: {  	s30 =	simm.s32 @!p2 $0xC380;
	s23 =	simm.s32 $0xC300;
	[sflag:s8] =	ssyncadd.s32 $0xFFFFFF00  }
0x1d5: {  	s16 =	simm.s32 $0xC100;
	s9 =	simm.s32 $0x4000;
	s2 =	rddreg [dreg:$0x0]  }
0x1d6: {  	[tilespmem:s9], [sflag:$0x2] =	stream.indirect.gather [hbm4b:s2+s28], $0x80, s16, s28, $0xb8;
	v63 =	vld [tilespmem:$0x0]  }
0x1d7: {  	_ =	swait.ge [sflag:s21], $0x4000  }
0x1d8: {  	[sflag:s21] =	ssyncset.done $0x0  }
0x1d9: {  	[sflag:s21] =	ssyncadd.s32 $0xFFFFC000  }
0x1da: {  	s14 =	simm.s32 $0xC080;
	s3 =	rddreg [dreg:$0x2]  }
0x1db: {  	[spmem:s3] =	stream.indirect.scatter.add.f32 [tilespmem:s4], [sflag:$0x8], $0x80, s14, s28, $0xb8;
	v63 =	vld [tilespmem:$0x0]  }
0x1dc: {  	_ =	swait.ge [sflag:s31], $0x4000  }
0x1dd: {  	[sflag:s31] =	ssyncset.done $0x0  }
0x1de: {  	s24 =	simm.s32 @!p1 $0xC400;
	[sflag:s31] =	ssyncadd.s32 $0xFFFFC000  }
0x1df: {  	s26 =	simm.s32 @!p1 $0x80;
	s29 =	simm.s32 @!p1 $0xC080;
	s0 =	rddreg [dreg:$0x3]  }
0x1e0: {  	[spmem:s0] =	stream.indirect.scatter.add.f32 @!p1 [tilespmem:s24], [sflag:$0x8], $0x1, s29, s26, $0xb8;
	v63 =	vld [tilespmem:$0x0]  }
0x1e1: {  	_ =	swait.ge @!p1 [sflag:s18], $0x80  }
0x1e2: {  	s12 =	simm.s32 $0xC000;
	[sflag:s18] =	ssyncset.done @!p1 $0x0  }
0x1e3: {  	s8 =	simm.s32 $0x6;
	s7 =	rddreg [dreg:$0x1a];
	[sflag:s18] =	ssyncadd.s32 @!p1 $0xFFFFFF80  }
0x1e4: {  	[tilespmem:s12], [sflag:$0x4] =	stream.linear.gather [hbm4b:s7+s4], $0x100, $0x38;
	v63 =	vld [tilespmem:$0x0]  }
0x1e5: {  	_ =	swait.ge [sflag:s8], $0x100  }
0x1e6: {  	[sflag:s8] =	ssyncset.done $0x0  }
0x1e7: {  	s22 =	simm.s32 $0xC200;
	s25 =	simm.s32 $0x8000;
	[sflag:s8] =	ssyncadd.s32 $0xFFFFFF00  }
0x1e8: {  	[tilespmem:s25], [sflag:$0x3] =	stream.indirect.gather [hbm4b:s2+s28], $0x80, s22, s28, $0xb8;
	v63 =	vld [tilespmem:$0x0]  }
0x1e9: {  	_ =	swait.ge [sflag:s10], $0x4000  }
0x1ea: {  	[sflag:s10] =	ssyncset.done $0x0  }
0x1eb: {  	s15 =	simm.s32 $0xC180;
	[sflag:s10] =	ssyncadd.s32 $0xFFFFC000  }
0x1ec: {  	[spmem:s3] =	stream.indirect.scatter.add.f32 [tilespmem:s9], [sflag:$0x8], $0x80, s15, s28, $0xb8;
	v63 =	vld [tilespmem:$0x0]  }
0x1ed: {  	_ =	swait.ge [sflag:s31], $0x4000  }
0x1ee: {  	s5 =	simm.s32 @!p2 $0x80;
	[sflag:s31] =	ssyncset.done $0x0  }
0x1ef: {  	s19 =	simm.s32 @!p2 $0xC400;
	s1 =	simm.s32 @!p2 $0xC180;
	[sflag:s31] =	ssyncadd.s32 $0xFFFFC000  }
0x1f0: {  	[spmem:s0] =	stream.indirect.scatter.add.f32 @!p2 [tilespmem:s19], [sflag:$0x8], $0x1, s1, s5, $0xb8;
	v63 =	vld [tilespmem:$0x0]  }
0x1f1: {  	_ =	swait.ge @!p2 [sflag:s20], $0x80  }
0x1f2: {  	[sflag:s20] =	ssyncset.done @!p2 $0x0  }
0x1f3: {  	s7 =	simm.s32 $0x7;
	s1 =	rddreg [dreg:$0x1b];
	[sflag:s20] =	ssyncadd.s32 @!p2 $0xFFFFFF80  }
0x1f4: {  	[tilespmem:s16], [sflag:$0x5] =	stream.linear.gather [hbm4b:s1+s4], $0x100, $0x38;
	v63 =	vld [tilespmem:$0x0]  }
0x1f5: {  	_ =	swait.ge [sflag:s7], $0x100  }
0x1f6: {  	[sflag:s7] =	ssyncset.done $0x0  }
0x1f7: {  	[sflag:s7] =	ssyncadd.s32 $0xFFFFFF00  }
0x1f8: {  	[tilespmem:s4], [sflag:$0x1] =	stream.indirect.gather [hbm4b:s2+s28], $0x80, s23, s28, $0xb8;
	v63 =	vld [tilespmem:$0x0]  }
0x1f9: {  	_ =	swait.ge [sflag:s13], $0x4000  }
0x1fa: {  	[sflag:s13] =	ssyncset.done $0x0  }
0x1fb: {  	[sflag:s13] =	ssyncadd.s32 $0xFFFFC000  }
0x1fc: {  	[spmem:s3] =	stream.indirect.scatter.add.f32 [tilespmem:s25], [sflag:$0x8], $0x80, s6, s28, $0xb8;
	v63 =	vld [tilespmem:$0x0]  }
0x1fd: {  	_ =	swait.ge [sflag:s31], $0x4000  }
0x1fe: {  	[sflag:s31] =	ssyncset.done $0x0  }
0x1ff: {  	[sflag:s31] =	ssyncadd.s32 $0xFFFFC000  }
0x200: {  	[spmem:s0] =	stream.indirect.scatter.add.f32 @!p1 [tilespmem:s24], [sflag:$0x8], $0x1, s17, s26, $0xb8;
	v63 =	vld [tilespmem:$0x0]  }
0x201: {  	_ =	swait.ge @!p1 [sflag:s18], $0x80  }
0x202: {  	[sflag:s18] =	ssyncset.done @!p1 $0x0  }
0x203: {  	s7 =	simm.s32 $0x4;
	s1 =	rddreg [dreg:$0x1c];
	[sflag:s18] =	ssyncadd.s32 @!p1 $0xFFFFFF80  }
0x204: {  	[tilespmem:s22], [sflag:$0x6] =	stream.linear.gather [hbm4b:s1+s4], $0x100, $0x38;
	v63 =	vld [tilespmem:$0x0]  }
0x205: {  	_ =	swait.ge [sflag:s7], $0x100  }
0x206: {  	[sflag:s7] =	ssyncset.done $0x0  }
0x207: {  	[sflag:s7] =	ssyncadd.s32 $0xFFFFFF00  }
0x208: {  	[tilespmem:s9], [sflag:$0x2] =	stream.indirect.gather [hbm4b:s2+s28], $0x80, s12, s28, $0xb8;
	v63 =	vld [tilespmem:$0x0]  }
0x209: {  	_ =	swait.ge [sflag:s21], $0x4000  }
0x20a: {  	[sflag:s21] =	ssyncset.done $0x0  }
0x20b: {  	[sflag:s21] =	ssyncadd.s32 $0xFFFFC000  }
0x20c: {  	[spmem:s3] =	stream.indirect.scatter.add.f32 [tilespmem:s4], [sflag:$0x8], $0x80, s11, s28, $0xb8;
	v63 =	vld [tilespmem:$0x0]  }
0x20d: {  	_ =	swait.ge [sflag:s31], $0x4000  }
0x20e: {  	[sflag:s31] =	ssyncset.done $0x0  }
0x20f: {  	[sflag:s31] =	ssyncadd.s32 $0xFFFFC000  }
0x210: {  	[spmem:s0] =	stream.indirect.scatter.add.f32 @!p2 [tilespmem:s19], [sflag:$0x8], $0x1, s30, s5, $0xb8;
	v63 =	vld [tilespmem:$0x0]  }
0x211: {  	_ =	swait.ge @!p2 [sflag:s20], $0x80  }
0x212: {  	[sflag:s20] =	ssyncset.done @!p2 $0x0  }
0x213: {  	s17 =	simm.s32 $0x5;
	[sflag:s20] =	ssyncadd.s32 @!p2 $0xFFFFFF80  }
0x214: {  	_ =	swait.ge [sflag:s17], $0x100  }
0x215: {  	[sflag:s17] =	ssyncset.done $0x0  }
0x216: {  	[sflag:s17] =	ssyncadd.s32 $0xFFFFFF00  }
0x217: {  	[tilespmem:s25], [sflag:$0x3] =	stream.indirect.gather [hbm4b:s2+s28], $0x80, s16, s28, $0xb8;
	v63 =	vld [tilespmem:$0x0]  }
0x218: {  	_ =	swait.ge [sflag:s10], $0x4000  }
0x219: {  	[sflag:s10] =	ssyncset.done $0x0  }
0x21a: {  	[sflag:s10] =	ssyncadd.s32 $0xFFFFC000  }
0x21b: {  	[spmem:s3] =	stream.indirect.scatter.add.f32 [tilespmem:s9], [sflag:$0x8], $0x80, s14, s28, $0xb8;
	v63 =	vld [tilespmem:$0x0]  }
0x21c: {  	_ =	swait.ge [sflag:s31], $0x4000  }
0x21d: {  	[sflag:s31] =	ssyncset.done $0x0  }
0x21e: {  	[sflag:s31] =	ssyncadd.s32 $0xFFFFC000  }
0x21f: {  	[spmem:s0] =	stream.indirect.scatter.add.f32 @!p1 [tilespmem:s24], [sflag:$0x8], $0x1, s29, s26, $0xb8;
	v63 =	vld [tilespmem:$0x0]  }
0x220: {  	_ =	swait.ge @!p1 [sflag:s18], $0x80  }
0x221: {  	[sflag:s18] =	ssyncset.done @!p1 $0x0  }
0x222: {  	[sflag:s18] =	ssyncadd.s32 @!p1 $0xFFFFFF80  }
0x223: {  	_ =	swait.ge [sflag:s8], $0x100  }
0x224: {  	[sflag:s8] =	ssyncset.done $0x0  }
0x225: {  	[sflag:s8] =	ssyncadd.s32 $0xFFFFFF00  }
0x226: {  	[tilespmem:s4], [sflag:$0x1] =	stream.indirect.gather [hbm4b:s2+s28], $0x80, s22, s28, $0xb8;
	v63 =	vld [tilespmem:$0x0]  }
0x227: {  	_ =	swait.ge [sflag:s13], $0x4000  }
0x228: {  	[sflag:s13] =	ssyncset.done $0x0  }
0x229: {  	[sflag:s13] =	ssyncadd.s32 $0xFFFFC000  }
0x22a: {  	[spmem:s3] =	stream.indirect.scatter.add.f32 [tilespmem:s25], [sflag:$0x8], $0x80, s15, s28, $0xb8;
	v63 =	vld [tilespmem:$0x0]  }
0x22b: {  	_ =	swait.ge [sflag:s31], $0x4000  }
0x22c: {  	[sflag:s31] =	ssyncset.done $0x0  }
0x22d: {  	s6 =	simm.s32 @p2 $0x1;
	[sflag:s31] =	ssyncadd.s32 $0xFFFFC000  }
0x22e: {  	_ =	swait.ge @p2 [sflag:s6], $0x4000  }
0x22f: {  	s7 =	simm.s32 @p2 $0xC280;
	[sflag:s6] =	ssyncset.done @p2 $0x0  }
0x230: {  	s11 =	simm.s32 @p2 $0x0;
	[sflag:s6] =	ssyncadd.s32 @p2 $0xFFFFC000;
	s6 =	simm.s32 @p2 $0x80  }
0x231: {  	[spmem:s3] =	stream.indirect.scatter.add.f32 @p2 [tilespmem:s11], [sflag:$0x8], $0x80, s7, s6, $0xb8;
	v63 =	vld [tilespmem:$0x0]  }
0x232: {  	s11 =	simm.s32 @p2 $0x8  }
0x233: {  	_ =	swait.ge @p2 [sflag:s11], $0x4000  }
0x234: {  	[sflag:s11] =	ssyncset.done @p2 $0x0  }
0x235: {  	s14 =	simm.s32 @p2 $0xC400;
	[sflag:s11] =	ssyncadd.s32 @p2 $0xFFFFC000  }
0x236: {  	[spmem:s0] =	stream.indirect.scatter.add.f32 @p2 [tilespmem:s14], [sflag:$0x8], $0x1, s7, s6, $0xb8;
	v63 =	vld [tilespmem:$0x0]  }
0x237: {  	_ =	swait.ge @p2 [sflag:s11], $0x80  }
0x238: {  	[sflag:s11] =	ssyncset.done @p2 $0x0  }
0x239: {  	s1 =	simm.s32 @!p2 $0xC180;
	[sflag:s11] =	ssyncadd.s32 @p2 $0xFFFFFF80  }
0x23a: {  	[spmem:s0] =	stream.indirect.scatter.add.f32 @!p2 [tilespmem:s19], [sflag:$0x8], $0x1, s1, s5, $0xb8;
	v63 =	vld [tilespmem:$0x0]  }
0x23b: {  	_ =	swait.ge @!p2 [sflag:s20], $0x80  }
0x23c: {  	[sflag:s20] =	ssyncset.done @!p2 $0x0  }
0x23d: {  	s6 =	simm.s32 @!p2 $0x1;
	[sflag:s20] =	ssyncadd.s32 @!p2 $0xFFFFFF80  }
0x23e: {  	_ =	swait.ge @!p2 [sflag:s6], $0x4000  }
0x23f: {  	[sflag:s6] =	ssyncset.done @!p2 $0x0  }
0x240: {  	s7 =	simm.s32 @!p2 $0x0;
	[sflag:s6] =	ssyncadd.s32 @!p2 $0xFFFFC000;
	s6 =	simm.s32 @!p2 $0xC280  }
0x241: {  	[spmem:s3] =	stream.indirect.scatter.add.f32 @!p2 [tilespmem:s7], [sflag:$0x8], $0x80, s6, s5, $0xb8;
	v63 =	vld [tilespmem:$0x0]  }
0x242: {  	_ =	swait.ge @!p2 [sflag:s20], $0x4000  }
0x243: {  	[sflag:s20] =	ssyncset.done @!p2 $0x0  }
0x244: {  	[sflag:s20] =	ssyncadd.s32 @!p2 $0xFFFFC000  }
0x245: {  	[bflag:$0x0] =	sbarrier.arrive $0xFFFF  }
0x246: {  	s23 =	sld [smem:$0x7FB]  }
0x247: {  	s24 =	sld [smem:$0x7FA];
	_ =	sdelay $0x1  }
0x248: {  	s22 =	rddreg [dreg:$0x1d]  }
0x249: {  	[hbm:s22], [sflag:s23] =	dma.local [spmem:s24], $0x2710  }
0x24a: {  	_ =	swait.ge [sflag:s31], $0x2710  }
0x24b: {  	s26 =	sld [smem:$0x7FC]  }
0x24c: {  	[sflag:s31] =	ssyncset.done $0x0  }
0x24d: {  	s7 =	simm.s32 $0x10;
	s25 =	rddreg [dreg:$0x1e];
	[sflag:s31] =	ssyncadd.s32 $0xFFFFD8F0  }
0x24e: {  	[hbm:s25@s28], [sflag:s23] =	dma.strided [spmem:s26@s7], $0x50, s21, $0x10   }
0x24f: {  	_ =	swait.ge [sflag:s31], $0x50  }
0x250: {  	s29 =	sld [smem:$0x7F9];
	_ =	sdelay $0x2  }
0x251: {  	s30 =	rddreg [dreg:$0x1f];
	s6 =	sadd.s32 $0x1, s29  }
0x252: {  	p3 =	sne.s32 s6, s30  }
.Ltmp1:
0x253: {  	_ = 	snop;
	(pc) =	sbr.rel @p3 .LBB2_1-.Ltmp1, $3  }
0x254: {  	_ =	sdelay $0x1  }
0x255: {  	[sflag:s31] =	ssyncset.done $0x0  }
0x256: {  	[sflag:s31] =	ssyncadd.s32 $0xFFFFFFB0  }
0x257: {  	_ =	sfence.sel $0x180000  }
0x258: {  	[bflag:$0x0] =	sbarrier.arrive $0xFFFF  }
0x259: {  	_ =	strace $0x90000047  }
0x25a: {  	[bflag:$0x2] =	sbarrier.arrive $0xFFFF  }
0x25b: {  	s0 =	rddreg [dreg:$0x4]  }
0x25c: {  	s0 =	sadd.s32 @!p0 $0x100000, s0  }
0x25d: {  	[sflag:s0] =	ssyncadd.tile.s32 @!p0 $0x1;
	_ =	shalt  }
.Lfunc_end2:
_tile_overlayer_lowered:
.L_overlay_start_2:
0x25e: {  	(tag) =	ssettag $0x2  }
0x25f: {  	s0 =	rddreg [dreg:$0x0];
	s2 =	stileid.u32  }
0x260: {  	s1 =	rddreg [dreg:$0x1];
	p0 =	sne.s32 s2, $0x0  }
0x261: {  	s3 =	rddreg [dreg:$0x2];
	[bflag:$0x3] =	sbarrier.arrive $0xFFFF;
	s2 =	simm.s32 @!p0 $0x1C08  }
0x262: {  	[timem:s3], [sflag:s2] =	dma.local @!p0 [hbm:s0], s1  }
0x263: {  	s0 =	simm.s32 @!p0 $0x8  }
0x264: {  	_ =	swait.ge @!p0 [sflag:s0], s1  }
0x265: {  	s1 =	ssub.s32 @!p0 $0x0, s1;
	[sflag:s0] =	ssyncset.done @!p0 $0x0  }
0x266: {  	[sflag:s0] =	ssyncadd.s32 @!p0 s1  }
0x267: {  	[bflag:$0x3] =	sbarrier.arrive $0xFFFF  }
0x268: {  	_ =	shalt  }

// kernel: kernel.9.cloned.1.call-start
scs
__scs_entry_jumppad:
0x0: {  	(pc) =	sbr.rel $0x88, $3  }
0x1: {  	(tag) =	ssettag $0x0;
	lr =	simm.s32 $0x1  }
0x2: {  	[smem:$0x3F9D] =	sst lr;
	_ =	strace $0xD0000000  }
0x3: {  	_ = 	snop  }
0x4: {  	_ = 	snop  }
0x5: {  	_ = 	snop  }
0x6: {  	_ = 	snop  }
0x7: {  	_ = 	snop  }
__scs_overlays_trampoline_lowered:
0x8: {  	[smem:$0x3FAC] =	sst s0  }
0x9: {  	[smem:$0x3FAD] =	sst s1  }
0xa: {  	[smem:$0x3FAE] =	sst s2  }
0xb: {  	[smem:$0x3FAF] =	sst s3  }
0xc: {  	[smem:$0x3FB0] =	sst s4  }
0xd: {  	[smem:$0x3FB1] =	sst s5  }
0xe: {  	[smem:$0x3FB2] =	sst s6  }
0xf: {  	[smem:$0x3FB3] =	sst s7  }
0x10: {  	[smem:$0x3FB4] =	sst s8  }
0x11: {  	[smem:$0x3FB5] =	sst s9;
	s0 =	simm.s32 @!p0 $0x0  }
0x12: {  	s1 =	sld [smem:$0x3F9B];
	s0 =	simm.s32 @p0 $0x1  }
0x13: {  	[smem:$0x3FB6] =	sst s0;
	s0 =	simm.s32 @!p1 $0x0  }
0x14: {  	s2 =	sld [smem:$0x3F9A];
	s0 =	simm.s32 @p1 $0x1  }
0x15: {  	[smem:$0x3FB7] =	sst s0;
	s0 =	simm.s32 @!p2 $0x0  }
0x16: {  	s3 =	sld [smem:$0x3FDB];
	s0 =	simm.s32 @p2 $0x1  }
0x17: {  	s4 =	simm.s32 $0x1BF5;
	[smem:$0x3FB9] =	sst s0  }
0x18: {  	s0 =	sld [smem:$0x3F9C];
	_ =	swait.ge [sflag:s4], $0x0  }
0x19: {  	s7 =	sld [smem:$0x3F9D]  }
0x1a: {  	s8 =	sadd.s32 $0xFFFFE003, lr  }
0x1b: {  	s9 =	sadd.s32 $0xFFFFFEF7, lr;
	s5 =	simm.s32 $0xFFFFFFFF;
	p2 =	slt.u32 s8, $0xFFFFF086  }
0x1c: {  	p1 =	slt.u32 s9, $0xF7A;
	s5 =	simm.s32 @!p2 $0x0  }
0x1d: {  	s5 =	simm.s32 @p1 $0x1;
	p0 =	seq.s32 s7, s2  }
0x1e: {  	s7 =	smul.u32 @!p0 $0xF7A, s2;
	p2 =	seq.s32 @!p0 s5, $0x0  }
0x1f: {  	s9 =	smul.u32 $0xF7A, s1;
	s8 =	simm.s32 @!p0 $0x1BF5;
	p2 =	por !p2, p0  }
0x20: {  	[sflag:s8] =	ssyncset.s32 @!p0 $0xFFFFF086;
	s6 =	sadd.s32 @!p0 s3, s7;
	s7 =	simm.s32 @!p0 $0x108  }
0x21: {  	s3 =	sadd.s32 s3, s9;
	s6 =	sadd.s32 @!p0 $0x88, s6;
	s7 =	simm.s32 @p2 $0x1082  }
0x22: {  	[simem:s7], [sflag:s8] =	dma.local @!p0 [hbm:s6], $0xF7A  }
0x23: {  	s9 =	sor.u32 $0xD0000000, s2;
	s6 =	simm.s32 $0x108;
	_ =	swait.ge @!p0 [sflag:s8], $0x0  }
0x24: {  	s3 =	sadd.s32 $0x88, s3;
	s6 =	simm.s32 @!p1 $0x1082;
	[sflag:s4] =	ssyncset.s32 $0xFFFFF086  }
0x25: {  	[simem:s6], [sflag:s4] =	dma.local [hbm:s3], $0xF7A  }
0x26: {  	[smem:$0x3F9D] =	sst s1;
	(tag) =	ssettag s2;
	_ =	strace s9  }
0x27: {  	s1 =	sld [smem:$0x3FAD]  }
0x28: {  	s2 =	sld [smem:$0x3FAE]  }
0x29: {  	s4 =	sld [smem:$0x3FB0]  }
0x2a: {  	p0 =	seq.s32 s5, $0x0;
	s5 =	sld [smem:$0x3FB1]  }
0x2b: {  	s6 =	sld [smem:$0x3FB2]  }
0x2c: {  	s7 =	sld [smem:$0x3FB3]  }
0x2d: {  	s3 =	simm.s32 $0x108;
	s8 =	sld [smem:$0x3FB4]  }
0x2e: {  	s3 =	simm.s32 @!p0 $0x1082;
	s9 =	sld [smem:$0x3FB5]  }
0x2f: {  	lr =	sadd.s32 s0, s3;
	s0 =	sld [smem:$0x3FAC]  }
0x30: {  	s3 =	sld [smem:$0x3FAF]  }
0x31: {  	[smem:$0x3FB8] =	sst s10  }
0x32: {  	s10 =	sld [smem:$0x3FB6];
	_ =	sdelay $0x3  }
0x33: {  	p0 =	seq.s32 s10, $0x1;
	s10 =	sld [smem:$0x3FB8];
	_ =	sdelay $0x3  }
0x34: {  	[smem:$0x3FB8] =	sst s10  }
0x35: {  	s10 =	sld [smem:$0x3FB7];
	_ =	sdelay $0x3  }
0x36: {  	p1 =	seq.s32 s10, $0x1;
	s10 =	sld [smem:$0x3FB8];
	_ =	sdelay $0x3  }
0x37: {  	[smem:$0x3FB8] =	sst s10  }
0x38: {  	s10 =	sld [smem:$0x3FB9]  }
0x39: {  	_ = 	snop;
	(pc) =	sbr.ind lr, $3  }
0x3a: {  	_ = 	snop  }
0x3b: {  	_ = 	snop  }
0x3c: {  	p2 =	seq.s32 s10, $0x1;
	s10 =	sld [smem:$0x3FB8]  }
0x3d: {  	_ =	shalt  }
0x3e: {  	_ =	shalt  }
0x3f: {  	_ =	shalt  }
0x40: {  	_ =	shalt  }
0x41: {  	_ =	shalt  }
0x42: {  	_ =	shalt  }
0x43: {  	_ =	shalt  }
0x44: {  	_ =	shalt  }
0x45: {  	_ =	shalt  }
0x46: {  	_ =	shalt  }
0x47: {  	_ =	shalt  }
0x48: {  	_ =	shalt  }
0x49: {  	_ =	shalt  }
0x4a: {  	_ =	shalt  }
0x4b: {  	_ =	shalt  }
0x4c: {  	_ =	shalt  }
0x4d: {  	_ =	shalt  }
0x4e: {  	_ =	shalt  }
0x4f: {  	_ =	shalt  }
0x50: {  	_ =	shalt  }
0x51: {  	_ =	shalt  }
0x52: {  	_ =	shalt  }
0x53: {  	_ =	shalt  }
0x54: {  	_ =	shalt  }
0x55: {  	_ =	shalt  }
0x56: {  	_ =	shalt  }
0x57: {  	_ =	shalt  }
0x58: {  	_ =	shalt  }
0x59: {  	_ =	shalt  }
0x5a: {  	_ =	shalt  }
0x5b: {  	_ =	shalt  }
0x5c: {  	_ =	shalt  }
0x5d: {  	_ =	shalt  }
0x5e: {  	_ =	shalt  }
0x5f: {  	_ =	shalt  }
0x60: {  	_ =	shalt  }
0x61: {  	_ =	shalt  }
0x62: {  	_ =	shalt  }
0x63: {  	_ =	shalt  }
0x64: {  	_ =	shalt  }
0x65: {  	_ =	shalt  }
0x66: {  	_ =	shalt  }
0x67: {  	_ =	shalt  }
0x68: {  	_ =	shalt  }
0x69: {  	_ =	shalt  }
0x6a: {  	_ =	shalt  }
0x6b: {  	_ =	shalt  }
0x6c: {  	_ =	shalt  }
0x6d: {  	_ =	shalt  }
0x6e: {  	_ =	shalt  }
0x6f: {  	_ =	shalt  }
0x70: {  	_ =	shalt  }
0x71: {  	_ =	shalt  }
0x72: {  	_ =	shalt  }
0x73: {  	_ =	shalt  }
0x74: {  	_ =	shalt  }
0x75: {  	_ =	shalt  }
0x76: {  	_ =	shalt  }
0x77: {  	_ =	shalt  }
0x78: {  	_ =	shalt  }
0x79: {  	_ =	shalt  }
0x7a: {  	_ =	shalt  }
0x7b: {  	_ =	shalt  }
0x7c: {  	_ =	shalt  }
0x7d: {  	_ =	shalt  }
0x7e: {  	_ =	shalt  }
0x7f: {  	_ =	shalt  }
0x80: {  	_ =	shalt  }
0x81: {  	_ =	shalt  }
0x82: {  	_ =	shalt  }
0x83: {  	_ =	shalt  }
0x84: {  	_ =	shalt  }
0x85: {  	_ =	shalt  }
0x86: {  	_ =	shalt  }
0x87: {  	_ =	shalt  }
.Lfunc_end0:
.L_simem_size_0:
called_computation.1_lowered:
.L_overlay_start_0:
0x88: {  	s2 =	sld [smem:$0x3FD9]  }
0x89: {  	s3 =	sld [smem:$0x3FFE];
	_ =	sdelay $0x1  }
0x8a: {  	s1 =	srdreg.scid  }
0x8b: {  	s0 =	sand.u32 $0x1, s1  }
0x8c: {  	s16 =	sshll.u32 s0, $0xA;
	s2 =	sadd.s32 s3, s2  }
0x8d: {  	s2 =	sadd.s32 s2, s16  }
0x8e: {  	[smem:$0x3FC4] =	sst s2  }
0x8f: {  	_ = 	snop  }
0x90: {  	(tm) =	ssettm $0x1  }
0x91: {  	s17 =	sld [smem:$0x3FFB];
	_ =	sdelay $0x3  }
0x92: {  	_ =	strace s17  }
0x93: {  	s2 =	sld [smem:$0x3FFC];
	_ =	sdelay $0x3  }
0x94: {  	_ =	strace s2  }
0x95: {  	s2 =	sld [smem:$0x3FFD];
	_ =	sdelay $0x3  }
0x96: {  	_ =	strace s2  }
0x97: {  	_ =	strace $0x8FFFFFFF  }
0x98: {  	s18 =	sld [smem:$0x3FDB];
	_ =	sdelay $0x1  }
0x99: {  	s19 =	simm.s32 $_scs_section_size  }
0x9a: {  	s4 =	simm.s32 $_size__tile_overlayer_lowered;
	s5 =	simm.s32 $_tile_overlayer_lowered  }
0x9b: {  	s22 =	simm.s32 $0x1BFF;
	s21 =	sshll.u32 s5, $0x1;
	s2 =	sadd.s32 s19, s18  }
0x9c: {  	s6 =	simm.s32 $0x0;
	s20 =	sshll.u32 s4, $0x1;
	s4 =	sadd.s32 s21, s2  }
0x9d: {  	[timem:s6], [sflag:s22] =	dma.local [hbm:s4], s20  }
0x9e: {  	_ =	swait.ge [sflag:s22], s20  }
0x9f: {  	s3 =	ssub.s32 $0x0, s20;
	[sflag:s22] =	ssyncset.done $0x0  }
0xa0: {  	[sflag:s22] =	ssyncadd.s32 s3;
	_ =	sdelay $0x1  }
0xa1: {  	s23 =	simm.s32 $0x1B8B  }
0xa2: {  	_ =	swait.ge [sflag:s23], $0x1  }
0xa3: {  	[sflag:s23] =	ssyncset.done $0x0  }
0xa4: {  	s25 =	simm.s32 $0x1B8E;
	s24 =	sld [smem:$0x3FFE];
	[sflag:s23] =	ssyncadd.s32 $0xFFFFFFFF  }
0xa5: {  	s26 =	simm.s32 $execute0_lowered;
	[smem:$0x3FD2] =	sst s25  }
0xa6: {  	s4 =	sshll.u32 s26, $0x1;
	_ =	strace $0x80000049;
	[dreg:$0x1] =	wrdreg $0xFFFFFFFF  }
0xa7: {  	s28 =	simm.s32 $_size_execute0_lowered;
	s2 =	sadd.s32 s2, s4;
	[dreg:$0x0] =	wrdreg $0x0  }
0xa8: {  	s4 =	sshll.u32 s28, $0x1;
	[dreg:$0x2] =	wrdreg s2  }
0xa9: {  	[dreg:$0x3] =	wrdreg s4  }
0xaa: {  	[dreg:$0x4] =	wrdreg $0xC0  }
0xab: {  	_ =	task [dreg:s6], $0x5FFFF  }
0xac: {  	[dreg:$0x1] =	wrdreg $0xFFFFFFFF  }
0xad: {  	[dreg:$0x0] =	wrdreg $0x60  }
0xae: {  	[dreg:$0x2] =	wrdreg s24  }
0xaf: {  	[dreg:$0x3] =	wrdreg $0xC4000  }
0xb0: {  	[dreg:$0x4] =	wrdreg $0x9  }
0xb1: {  	_ =	task.clear_ibuf [dreg:s6], $0x5FFFF;
	_ =	strace $0x90000049  }
0xb2: {  	s29 =	simm.s32 $0x9;
	_ =	strace $0x8000004B  }
0xb3: {  	_ =	swait.ge [sflag:s29], $0x1  }
0xb4: {  	[sflag:s29] =	ssyncadd.s32 $0xFFFFFFFF  }
0xb5: {  	_ =	strace $0x9000004B  }
0xb6: {  	_ =	sfence  }
0xb7: {  	s30 =	sld [smem:$0x0];
	_ =	sdelay $0x2  }
0xb8: {  	s31 =	sshll.u32 s1, $0xD;
	s1 =	sshrl.u32 s1, $0x2  }
0xb9: {  	s3 =	sand.u32 $0x4000, s31;
	s1 =	sadd.s32 s1, s30  }
0xba: {  	s0 =	sor.u32 s3, s0;
	s1 =	sshll.u32 s1, $0x11  }
0xbb: {  	s0 =	sor.u32 s1, s0  }
0xbc: {  	s0 =	sadd.s32 $0x8F2B, s0  }
0xbd: {  	[sflag:s0] =	ssyncadd.remote.s32 $0x1  }
0xbe: {  	_ =	sfence.sel $0xFFFF  }
0xbf: {  	[dreg:$0x0] =	wrdreg $0xFFFFFFFF;
	(pc) =	sbr.abs _section_cstart, $3  }
0xc0: {  	[dreg:$0x1] =	wrdreg $0xFFFFFFFF  }
0xc1: {  	_ =	task.clear_ibuf [dreg:s6], $0x2FFFF;
	_ =	strace $0x9FFFFFFF  }
0xc2: {  	(tm) =	ssettm $0x7FFFFFFF  }
0xc3: {  	_ =	shalt  }
tec
execute0_lowered:
.L_overlay_start_1:
0x0: {  	(tag) =	ssettag $0x1  }
0x1: {  	s0 =	srdreg.scid;
	s1 =	rddreg [dreg:$0x0]  }
0x2: {  	s11 =	stileid.u32;
	s2 =	rddreg [dreg:$0x1];
	s28 =	simm.s32 $0xC080  }
0x3: {  	s29 =	simm.s32 $0x6;
	s30 =	simm.s32 $0x8000;
	s31 =	simm.s32 $0x2  }
0x4: {  	s0 =	sand.u32 $0x1, s0;
	s4 =	sadd.s32 $0x18400, s1;
	s9 =	smul.u32 $0x4F, s11  }
0x5: {  	s10 =	sadd.s32 $0x1800, s1;
	s15 =	smul.u32 $0x4E200, s11;
	s3 =	sshll.u32 s0, $0x4  }
0x6: {  	s5 =	sadd.s32 $0x15C00, s1;
	s8 =	smul.u32 $0x4F0, s0;
	s6 =	sor.u32 s11, s3  }
0x7: {  	p0 =	sne.s32 s11, $0x0;
	s3 =	simm.s32 $0x0;
	s7 =	smul.u32 $0x2780, s6  }
0x8: {  	s0 =	ssub.s32 $0x2, s0;
	[smem:$0x7FF] =	sst s3;
	s23 =	smul.u32 $0x4F00, s6  }
0x9: {  	s8 =	sadd.s32 s9, s8;
	s6 =	smul.u32 $0x9E0, s6;
	s9 =	sshrl.u32 s15, $0x2  }
0xa: {  	_ =	strace $0x8000004A;
	s8 =	sshll.u32 s8, $0x5;
	s9 =	sadd.s32 s9, s2  }
0xb: {  	s8 =	sadd.s32 s8, s10;
	s6 =	sadd.s32 s10, s6;
	[dreg:$0x13] =	wrdreg s9  }
0xc: {  	s24 =	sshrl.u32 s0, $0x1;
	[dreg:$0xf] =	wrdreg s6;
	s26 =	sadd.s32 $0x1E0, s8  }
0xd: {  	s0 =	ssub.s32 s0, s24;
	s12 =	sadd.s32 $0x1C0, s8;
	[dreg:$0x3] =	wrdreg s26  }
0xe: {  	s15 =	smax.u32 s0, $0x1;
	s14 =	sadd.s32 $0x1A0, s8;
	[dreg:$0x4] =	wrdreg s12  }
0xf: {  	s0 =	simm.s32 $0xC180;
	s16 =	sadd.s32 $0x180, s8;
	[dreg:$0x5] =	wrdreg s14  }
0x10: {  	s1 =	sadd.s32 s7, s1;
	s17 =	sadd.s32 $0x160, s8;
	[dreg:$0x6] =	wrdreg s16  }
0x11: {  	s7 =	sshrl.u32 s23, $0x3;
	s18 =	sadd.s32 $0x140, s8;
	[dreg:$0x7] =	wrdreg s17  }
0x12: {  	s9 =	sadd.s32 $0x138800, s2;
	s19 =	sadd.s32 $0x120, s8;
	[dreg:$0x8] =	wrdreg s18  }
0x13: {  	s25 =	sadd.s32 s10, s7;
	s20 =	sadd.s32 $0x100, s8;
	[dreg:$0x9] =	wrdreg s19  }
0x14: {  	s22 =	sadd.s32 $0xE0, s8;
	s24 =	sadd.s32 $0xC0, s8;
	[dreg:$0xa] =	wrdreg s20  }
0x15: {  	s1 =	sadd.s32 $0x66600, s1;
	s7 =	simm.s32 $0xC280;
	[dreg:$0xb] =	wrdreg s22  }
0x16: {  	s10 =	sadd.s32 $0x20, s25;
	s13 =	sadd.s32 $0x40, s25;
	[dreg:$0xc] =	wrdreg s24  }
0x17: {  	s21 =	sadd.s32 $0x980, s25;
	s23 =	sadd.s32 $0x9A0, s25;
	[dreg:$0x17] =	wrdreg s1  }
0x18: {  	s6 =	sadd.s32 $0x9C0, s25;
	s26 =	sadd.s32 $0x80, s8;
	[dreg:$0x10] =	wrdreg s10  }
0x19: {  	s16 =	simm.s32 $0xC000;
	s17 =	simm.s32 $0xC100;
	[dreg:$0x11] =	wrdreg s13  }
0x1a: {  	s18 =	simm.s32 $0xC200;
	s19 =	simm.s32 $0xC300;
	[dreg:$0x14] =	wrdreg s21  }
0x1b: {  	s20 =	simm.s32 $0x4;
	s22 =	simm.s32 $0x5;
	[dreg:$0x15] =	wrdreg s23  }
0x1c: {  	s24 =	simm.s32 $0x8;
	s1 =	simm.s32 $0x7;
	[dreg:$0x16] =	wrdreg s6  }
0x1d: {  	s10 =	sadd.s32 $0x60, s25;
	s25 =	sadd.s32 $0xA0, s8;
	[dreg:$0xe] =	wrdreg s26  }
0x1e: {  	s21 =	simm.s32 $0x80;
	s23 =	simm.s32 $0x4000;
	s26 =	simm.s32 $0x1  }
0x1f: {  	s6 =	simm.s32 $0x3;
	s8 =	simm.s32 $0xC380;
	[dreg:$0x12] =	wrdreg s10  }
0x20: {  	[dreg:$0xd] =	wrdreg s25;
	s25 =	sshrl.u32 @!p0 s9, $0x3;
	s9 =	simm.s32 $0x0  }
.LBB2_1:
0x21: {  	s10 =	rddreg [dreg:$0xf]  }
0x22: {  	[tilespmem:s16], [sflag:$0x4] =	stream.linear.gather [hbm4b:s10+s3], $0x100, $0x38;
	[tilespmem:$0x1FCC0] =	vst v63  }
0x23: {  	s13 =	rddreg [dreg:$0x10]  }
0x24: {  	[tilespmem:s17], [sflag:$0x5] =	stream.linear.gather [hbm4b:s13+s3], $0x100, $0x38;
	[tilespmem:$0x1FCC0] =	vst v63  }
0x25: {  	s14 =	rddreg [dreg:$0x11]  }
0x26: {  	[tilespmem:s18], [sflag:$0x6] =	stream.linear.gather [hbm4b:s14+s3], $0x100, $0x38;
	[tilespmem:$0x1FCC0] =	vst v63  }
0x27: {  	s11 =	rddreg [dreg:$0x12]  }
0x28: {  	[tilespmem:s19], [sflag:$0x7] =	stream.linear.gather [hbm4b:s11+s3], $0x100, $0x38;
	[tilespmem:$0x1FCC0] =	vst v63  }
0x29: {  	_ =	swait.ge [sflag:s20], $0x100  }
0x2a: {  	[sflag:s20] =	ssyncset.done $0x0  }
0x2b: {  	[sflag:s20] =	ssyncadd.s32 $0xFFFFFF00  }
0x2c: {  	[tilespmem:s3], [sflag:$0x1] =	stream.indirect.gather [hbm4b:s4+s21], $0x80, s16, s21, $0xb8;
	[tilespmem:$0x1FCC0] =	vst v63  }
0x2d: {  	s12 =	stileid.u32;
	_ =	swait.ge [sflag:s22], $0x100  }
0x2e: {  	s10 =	sshll.u32 s12, $0x6;
	[sflag:s22] =	ssyncset.done $0x0;
	s11 =	rddreg [dreg:$0x13]  }
0x2f: {  	s10 =	sor.u32 $0x1C08, s10;
	[sflag:s22] =	ssyncadd.s32 $0xFFFFFF00;
	s11 =	sshrl.u32 s11, $0x3  }
0x30: {  	[tilespmem:s23], [sflag:$0x2] =	stream.indirect.gather [hbm4b:s4+s21], $0x80, s17, s21, $0xb8;
	[tilespmem:$0x1FCC0] =	vst v63  }
0x31: {  	[spmem:s11], [sflag:s10] =	dma.local [hbm:s5], $0x2710  }
0x32: {  	_ =	swait.ge [sflag:s24], $0x2710  }
0x33: {  	[sflag:s24] =	ssyncset.done $0x0  }
0x34: {  	s12 =	simm.s32 @!p0 $0x8;
	[sflag:s24] =	ssyncadd.s32 $0xFFFFD8F0  }
0x35: {  	[spmem:s25], [sflag:s10] =	dma.local @!p0 [hbm:s5], $0x80  }
0x36: {  	_ =	swait.ge @!p0 [sflag:s12], $0x80  }
0x37: {  	[sflag:s12] =	ssyncset.done @!p0 $0x0  }
0x38: {  	[sflag:s12] =	ssyncadd.s32 @!p0 $0xFFFFFF80  }
0x39: {  	[bflag:$0x0] =	sbarrier.arrive $0xFFFF  }
0x3a: {  	_ =	swait.ge [sflag:s26], $0x4000  }
0x3b: {  	[sflag:s26] =	ssyncset.done $0x0  }
0x3c: {  	[sflag:s26] =	ssyncadd.s32 $0xFFFFC000  }
0x3d: {  	[spmem:s2] =	stream.indirect.scatter.add.f32 [tilespmem:s3], [sflag:$0x8], $0x80, s28, s21, $0xb8;
	[tilespmem:$0x1FCC0] =	vst v63  }
0x3e: {  	_ =	swait.ge [sflag:s24], $0x4000  }
0x3f: {  	s13 =	rddreg [dreg:$0xe];
	[sflag:s24] =	ssyncset.done $0x0  }
0x40: {  	[sflag:s24] =	ssyncadd.s32 $0xFFFFC000;
	s12 =	sadd.s32 $0x0, s13  }
0x41: {  	[tilespmem:s16], [sflag:$0x4] =	stream.linear.gather [hbm4b:s12+s3], $0x100, $0x38;
	[tilespmem:$0x1FCC0] =	vst v63  }
0x42: {  	_ =	swait.ge [sflag:s29], $0x100  }
0x43: {  	[sflag:s29] =	ssyncset.done $0x0  }
0x44: {  	[sflag:s29] =	ssyncadd.s32 $0xFFFFFF00  }
0x45: {  	[tilespmem:s30], [sflag:$0x3] =	stream.indirect.gather [hbm4b:s4+s21], $0x80, s18, s21, $0xb8;
	[tilespmem:$0x1FCC0] =	vst v63  }
0x46: {  	_ =	swait.ge [sflag:s31], $0x4000  }
0x47: {  	[sflag:s31] =	ssyncset.done $0x0  }
0x48: {  	[sflag:s31] =	ssyncadd.s32 $0xFFFFC000  }
0x49: {  	[spmem:s2] =	stream.indirect.scatter.add.f32 [tilespmem:s23], [sflag:$0x8], $0x80, s0, s21, $0xb8;
	[tilespmem:$0x1FCC0] =	vst v63  }
0x4a: {  	_ =	swait.ge [sflag:s24], $0x4000  }
0x4b: {  	s14 =	rddreg [dreg:$0xd];
	[sflag:s24] =	ssyncset.done $0x0  }
0x4c: {  	[sflag:s24] =	ssyncadd.s32 $0xFFFFC000;
	s12 =	sadd.s32 $0x0, s14  }
0x4d: {  	[tilespmem:s17], [sflag:$0x5] =	stream.linear.gather [hbm4b:s12+s3], $0x100, $0x38;
	[tilespmem:$0x1FCC0] =	vst v63  }
0x4e: {  	_ =	swait.ge [sflag:s1], $0x100  }
0x4f: {  	[sflag:s1] =	ssyncset.done $0x0  }
0x50: {  	[sflag:s1] =	ssyncadd.s32 $0xFFFFFF00  }
0x51: {  	[tilespmem:s3], [sflag:$0x1] =	stream.indirect.gather [hbm4b:s4+s21], $0x80, s19, s21, $0xb8;
	[tilespmem:$0x1FCC0] =	vst v63  }
0x52: {  	_ =	swait.ge [sflag:s6], $0x4000  }
0x53: {  	[sflag:s6] =	ssyncset.done $0x0  }
0x54: {  	[sflag:s6] =	ssyncadd.s32 $0xFFFFC000  }
0x55: {  	[spmem:s2] =	stream.indirect.scatter.add.f32 [tilespmem:s30], [sflag:$0x8], $0x80, s7, s21, $0xb8;
	[tilespmem:$0x1FCC0] =	vst v63  }
0x56: {  	_ =	swait.ge [sflag:s24], $0x4000  }
0x57: {  	s13 =	rddreg [dreg:$0xc];
	[sflag:s24] =	ssyncset.done $0x0  }
0x58: {  	[sflag:s24] =	ssyncadd.s32 $0xFFFFC000;
	s12 =	sadd.s32 $0x0, s13  }
0x59: {  	[tilespmem:s18], [sflag:$0x6] =	stream.linear.gather [hbm4b:s12+s3], $0x100, $0x38;
	[tilespmem:$0x1FCC0] =	vst v63  }
0x5a: {  	_ =	swait.ge [sflag:s20], $0x100  }
0x5b: {  	[sflag:s20] =	ssyncset.done $0x0  }
0x5c: {  	[sflag:s20] =	ssyncadd.s32 $0xFFFFFF00  }
0x5d: {  	[tilespmem:s23], [sflag:$0x2] =	stream.indirect.gather [hbm4b:s4+s21], $0x80, s16, s21, $0xb8;
	[tilespmem:$0x1FCC0] =	vst v63  }
0x5e: {  	_ =	swait.ge [sflag:s26], $0x4000  }
0x5f: {  	[sflag:s26] =	ssyncset.done $0x0  }
0x60: {  	[sflag:s26] =	ssyncadd.s32 $0xFFFFC000  }
0x61: {  	[spmem:s2] =	stream.indirect.scatter.add.f32 [tilespmem:s3], [sflag:$0x8], $0x80, s8, s21, $0xb8;
	[tilespmem:$0x1FCC0] =	vst v63  }
0x62: {  	_ =	swait.ge [sflag:s24], $0x4000  }
0x63: {  	s14 =	rddreg [dreg:$0xb];
	[sflag:s24] =	ssyncset.done $0x0  }
0x64: {  	[sflag:s24] =	ssyncadd.s32 $0xFFFFC000;
	s12 =	sadd.s32 $0x0, s14  }
0x65: {  	[tilespmem:s19], [sflag:$0x7] =	stream.linear.gather [hbm4b:s12+s3], $0x100, $0x38;
	[tilespmem:$0x1FCC0] =	vst v63  }
0x66: {  	_ =	swait.ge [sflag:s22], $0x100  }
0x67: {  	[sflag:s22] =	ssyncset.done $0x0  }
0x68: {  	[sflag:s22] =	ssyncadd.s32 $0xFFFFFF00  }
0x69: {  	[tilespmem:s30], [sflag:$0x3] =	stream.indirect.gather [hbm4b:s4+s21], $0x80, s17, s21, $0xb8;
	[tilespmem:$0x1FCC0] =	vst v63  }
0x6a: {  	_ =	swait.ge [sflag:s31], $0x4000  }
0x6b: {  	[sflag:s31] =	ssyncset.done $0x0  }
0x6c: {  	[sflag:s31] =	ssyncadd.s32 $0xFFFFC000  }
0x6d: {  	[spmem:s2] =	stream.indirect.scatter.add.f32 [tilespmem:s23], [sflag:$0x8], $0x80, s28, s21, $0xb8;
	[tilespmem:$0x1FCC0] =	vst v63  }
0x6e: {  	_ =	swait.ge [sflag:s24], $0x4000  }
0x6f: {  	s13 =	rddreg [dreg:$0xa];
	[sflag:s24] =	ssyncset.done $0x0  }
0x70: {  	[sflag:s24] =	ssyncadd.s32 $0xFFFFC000;
	s12 =	sadd.s32 $0x0, s13  }
0x71: {  	[tilespmem:s16], [sflag:$0x4] =	stream.linear.gather [hbm4b:s12+s3], $0x100, $0x38;
	[tilespmem:$0x1FCC0] =	vst v63  }
0x72: {  	_ =	swait.ge [sflag:s29], $0x100  }
0x73: {  	[sflag:s29] =	ssyncset.done $0x0  }
0x74: {  	[sflag:s29] =	ssyncadd.s32 $0xFFFFFF00  }
0x75: {  	[tilespmem:s3], [sflag:$0x1] =	stream.indirect.gather [hbm4b:s4+s21], $0x80, s18, s21, $0xb8;
	[tilespmem:$0x1FCC0] =	vst v63  }
0x76: {  	_ =	swait.ge [sflag:s6], $0x4000  }
0x77: {  	[sflag:s6] =	ssyncset.done $0x0  }
0x78: {  	[sflag:s6] =	ssyncadd.s32 $0xFFFFC000  }
0x79: {  	[spmem:s2] =	stream.indirect.scatter.add.f32 [tilespmem:s30], [sflag:$0x8], $0x80, s0, s21, $0xb8;
	[tilespmem:$0x1FCC0] =	vst v63  }
0x7a: {  	_ =	swait.ge [sflag:s24], $0x4000  }
0x7b: {  	s14 =	rddreg [dreg:$0x9];
	[sflag:s24] =	ssyncset.done $0x0  }
0x7c: {  	[sflag:s24] =	ssyncadd.s32 $0xFFFFC000;
	s12 =	sadd.s32 $0x0, s14  }
0x7d: {  	[tilespmem:s17], [sflag:$0x5] =	stream.linear.gather [hbm4b:s12+s3], $0x100, $0x38;
	[tilespmem:$0x1FCC0] =	vst v63  }
0x7e: {  	_ =	swait.ge [sflag:s1], $0x100  }
0x7f: {  	[sflag:s1] =	ssyncset.done $0x0  }
0x80: {  	[sflag:s1] =	ssyncadd.s32 $0xFFFFFF00  }
0x81: {  	[tilespmem:s23], [sflag:$0x2] =	stream.indirect.gather [hbm4b:s4+s21], $0x80, s19, s21, $0xb8;
	[tilespmem:$0x1FCC0] =	vst v63  }
0x82: {  	_ =	swait.ge [sflag:s26], $0x4000  }
0x83: {  	[sflag:s26] =	ssyncset.done $0x0  }
0x84: {  	[sflag:s26] =	ssyncadd.s32 $0xFFFFC000  }
0x85: {  	[spmem:s2] =	stream.indirect.scatter.add.f32 [tilespmem:s3], [sflag:$0x8], $0x80, s7, s21, $0xb8;
	[tilespmem:$0x1FCC0] =	vst v63  }
0x86: {  	_ =	swait.ge [sflag:s24], $0x4000  }
0x87: {  	s13 =	rddreg [dreg:$0x8];
	[sflag:s24] =	ssyncset.done $0x0  }
0x88: {  	[sflag:s24] =	ssyncadd.s32 $0xFFFFC000;
	s12 =	sadd.s32 $0x0, s13  }
0x89: {  	[tilespmem:s18], [sflag:$0x6] =	stream.linear.gather [hbm4b:s12+s3], $0x100, $0x38;
	[tilespmem:$0x1FCC0] =	vst v63  }
0x8a: {  	_ =	swait.ge [sflag:s20], $0x100  }
0x8b: {  	[sflag:s20] =	ssyncset.done $0x0  }
0x8c: {  	[sflag:s20] =	ssyncadd.s32 $0xFFFFFF00  }
0x8d: {  	[tilespmem:s30], [sflag:$0x3] =	stream.indirect.gather [hbm4b:s4+s21], $0x80, s16, s21, $0xb8;
	[tilespmem:$0x1FCC0] =	vst v63  }
0x8e: {  	_ =	swait.ge [sflag:s31], $0x4000  }
0x8f: {  	[sflag:s31] =	ssyncset.done $0x0  }
0x90: {  	[sflag:s31] =	ssyncadd.s32 $0xFFFFC000  }
0x91: {  	[spmem:s2] =	stream.indirect.scatter.add.f32 [tilespmem:s23], [sflag:$0x8], $0x80, s8, s21, $0xb8;
	[tilespmem:$0x1FCC0] =	vst v63  }
0x92: {  	_ =	swait.ge [sflag:s24], $0x4000  }
0x93: {  	s14 =	rddreg [dreg:$0x7];
	[sflag:s24] =	ssyncset.done $0x0  }
0x94: {  	[sflag:s24] =	ssyncadd.s32 $0xFFFFC000;
	s12 =	sadd.s32 $0x0, s14  }
0x95: {  	[tilespmem:s19], [sflag:$0x7] =	stream.linear.gather [hbm4b:s12+s3], $0x100, $0x38;
	[tilespmem:$0x1FCC0] =	vst v63  }
0x96: {  	_ =	swait.ge [sflag:s22], $0x100  }
0x97: {  	[sflag:s22] =	ssyncset.done $0x0  }
0x98: {  	[sflag:s22] =	ssyncadd.s32 $0xFFFFFF00  }
0x99: {  	[tilespmem:s3], [sflag:$0x1] =	stream.indirect.gather [hbm4b:s4+s21], $0x80, s17, s21, $0xb8;
	[tilespmem:$0x1FCC0] =	vst v63  }
0x9a: {  	_ =	swait.ge [sflag:s6], $0x4000  }
0x9b: {  	[sflag:s6] =	ssyncset.done $0x0  }
0x9c: {  	[sflag:s6] =	ssyncadd.s32 $0xFFFFC000  }
0x9d: {  	[spmem:s2] =	stream.indirect.scatter.add.f32 [tilespmem:s30], [sflag:$0x8], $0x80, s28, s21, $0xb8;
	[tilespmem:$0x1FCC0] =	vst v63  }
0x9e: {  	_ =	swait.ge [sflag:s24], $0x4000  }
0x9f: {  	s13 =	rddreg [dreg:$0x6];
	[sflag:s24] =	ssyncset.done $0x0  }
0xa0: {  	[sflag:s24] =	ssyncadd.s32 $0xFFFFC000;
	s12 =	sadd.s32 $0x0, s13  }
0xa1: {  	[tilespmem:s16], [sflag:$0x4] =	stream.linear.gather [hbm4b:s12+s3], $0x100, $0x38;
	[tilespmem:$0x1FCC0] =	vst v63  }
0xa2: {  	_ =	swait.ge [sflag:s29], $0x100  }
0xa3: {  	[sflag:s29] =	ssyncset.done $0x0  }
0xa4: {  	[sflag:s29] =	ssyncadd.s32 $0xFFFFFF00  }
0xa5: {  	[tilespmem:s23], [sflag:$0x2] =	stream.indirect.gather [hbm4b:s4+s21], $0x80, s18, s21, $0xb8;
	[tilespmem:$0x1FCC0] =	vst v63  }
0xa6: {  	_ =	swait.ge [sflag:s26], $0x4000  }
0xa7: {  	[sflag:s26] =	ssyncset.done $0x0  }
0xa8: {  	[sflag:s26] =	ssyncadd.s32 $0xFFFFC000  }
0xa9: {  	[spmem:s2] =	stream.indirect.scatter.add.f32 [tilespmem:s3], [sflag:$0x8], $0x80, s0, s21, $0xb8;
	[tilespmem:$0x1FCC0] =	vst v63  }
0xaa: {  	_ =	swait.ge [sflag:s24], $0x4000  }
0xab: {  	s14 =	rddreg [dreg:$0x5];
	[sflag:s24] =	ssyncset.done $0x0  }
0xac: {  	[sflag:s24] =	ssyncadd.s32 $0xFFFFC000;
	s12 =	sadd.s32 $0x0, s14  }
0xad: {  	[tilespmem:s17], [sflag:$0x5] =	stream.linear.gather [hbm4b:s12+s3], $0x100, $0x38;
	[tilespmem:$0x1FCC0] =	vst v63  }
0xae: {  	_ =	swait.ge [sflag:s1], $0x100  }
0xaf: {  	[sflag:s1] =	ssyncset.done $0x0  }
0xb0: {  	[sflag:s1] =	ssyncadd.s32 $0xFFFFFF00  }
0xb1: {  	[tilespmem:s30], [sflag:$0x3] =	stream.indirect.gather [hbm4b:s4+s21], $0x80, s19, s21, $0xb8;
	[tilespmem:$0x1FCC0] =	vst v63  }
0xb2: {  	_ =	swait.ge [sflag:s31], $0x4000  }
0xb3: {  	[sflag:s31] =	ssyncset.done $0x0  }
0xb4: {  	[sflag:s31] =	ssyncadd.s32 $0xFFFFC000  }
0xb5: {  	[spmem:s2] =	stream.indirect.scatter.add.f32 [tilespmem:s23], [sflag:$0x8], $0x80, s7, s21, $0xb8;
	[tilespmem:$0x1FCC0] =	vst v63  }
0xb6: {  	_ =	swait.ge [sflag:s24], $0x4000  }
0xb7: {  	s13 =	rddreg [dreg:$0x4];
	[sflag:s24] =	ssyncset.done $0x0  }
0xb8: {  	[sflag:s24] =	ssyncadd.s32 $0xFFFFC000;
	s12 =	sadd.s32 $0x0, s13  }
0xb9: {  	[tilespmem:s18], [sflag:$0x6] =	stream.linear.gather [hbm4b:s12+s3], $0x100, $0x38;
	[tilespmem:$0x1FCC0] =	vst v63  }
0xba: {  	_ =	swait.ge [sflag:s20], $0x100  }
0xbb: {  	[sflag:s20] =	ssyncset.done $0x0  }
0xbc: {  	[sflag:s20] =	ssyncadd.s32 $0xFFFFFF00  }
0xbd: {  	[tilespmem:s3], [sflag:$0x1] =	stream.indirect.gather [hbm4b:s4+s21], $0x80, s16, s21, $0xb8;
	[tilespmem:$0x1FCC0] =	vst v63  }
0xbe: {  	_ =	swait.ge [sflag:s6], $0x4000  }
0xbf: {  	[sflag:s6] =	ssyncset.done $0x0  }
0xc0: {  	[sflag:s6] =	ssyncadd.s32 $0xFFFFC000  }
0xc1: {  	[spmem:s2] =	stream.indirect.scatter.add.f32 [tilespmem:s30], [sflag:$0x8], $0x80, s8, s21, $0xb8;
	[tilespmem:$0x1FCC0] =	vst v63  }
0xc2: {  	_ =	swait.ge [sflag:s24], $0x4000  }
0xc3: {  	s14 =	rddreg [dreg:$0x3];
	[sflag:s24] =	ssyncset.done $0x0  }
0xc4: {  	[sflag:s24] =	ssyncadd.s32 $0xFFFFC000;
	s12 =	sadd.s32 $0x0, s14  }
0xc5: {  	[tilespmem:s19], [sflag:$0x7] =	stream.linear.gather [hbm4b:s12+s3], $0x100, $0x38;
	[tilespmem:$0x1FCC0] =	vst v63  }
0xc6: {  	_ =	swait.ge [sflag:s22], $0x100  }
0xc7: {  	[sflag:s22] =	ssyncset.done $0x0  }
0xc8: {  	s12 =	simm.s32 $0x180;
	[sflag:s22] =	ssyncadd.s32 $0xFFFFFF00  }
.LBB2_2:
0xc9: {  	[tilespmem:s23], [sflag:$0x2] =	stream.indirect.gather [hbm4b:s4+s21], $0x80, s17, s21, $0xb8;
	[tilespmem:$0x1FCC0] =	vst v63  }
0xca: {  	_ =	swait.ge [sflag:s26], $0x4000  }
0xcb: {  	[sflag:s26] =	ssyncset.done $0x0  }
0xcc: {  	[sflag:s26] =	ssyncadd.s32 $0xFFFFC000  }
0xcd: {  	[spmem:s2] =	stream.indirect.scatter.add.f32 [tilespmem:s3], [sflag:$0x8], $0x80, s28, s21, $0xb8;
	[tilespmem:$0x1FCC0] =	vst v63  }
0xce: {  	_ =	swait.ge [sflag:s24], $0x4000  }
0xcf: {  	s13 =	smov.u32 s12;
	s14 =	rddreg [dreg:$0xe];
	[sflag:s24] =	ssyncset.done $0x0  }
0xd0: {  	[sflag:s24] =	ssyncadd.s32 $0xFFFFC000;
	s14 =	sadd.s32 s13, s14  }
0xd1: {  	[tilespmem:s16], [sflag:$0x4] =	stream.linear.gather [hbm4b:s14+s3], $0x100, $0x38;
	[tilespmem:$0x1FCC0] =	vst v63  }
0xd2: {  	_ =	swait.ge [sflag:s29], $0x100  }
0xd3: {  	[sflag:s29] =	ssyncset.done $0x0  }
0xd4: {  	[sflag:s29] =	ssyncadd.s32 $0xFFFFFF00  }
0xd5: {  	[tilespmem:s30], [sflag:$0x3] =	stream.indirect.gather [hbm4b:s4+s21], $0x80, s18, s21, $0xb8;
	[tilespmem:$0x1FCC0] =	vst v63  }
0xd6: {  	_ =	swait.ge [sflag:s31], $0x4000  }
0xd7: {  	[sflag:s31] =	ssyncset.done $0x0  }
0xd8: {  	[sflag:s31] =	ssyncadd.s32 $0xFFFFC000  }
0xd9: {  	[spmem:s2] =	stream.indirect.scatter.add.f32 [tilespmem:s23], [sflag:$0x8], $0x80, s0, s21, $0xb8;
	[tilespmem:$0x1FCC0] =	vst v63  }
0xda: {  	_ =	swait.ge [sflag:s24], $0x4000  }
0xdb: {  	s14 =	rddreg [dreg:$0xd];
	[sflag:s24] =	ssyncset.done $0x0  }
0xdc: {  	[sflag:s24] =	ssyncadd.s32 $0xFFFFC000;
	s14 =	sadd.s32 s13, s14  }
0xdd: {  	[tilespmem:s17], [sflag:$0x5] =	stream.linear.gather [hbm4b:s14+s3], $0x100, $0x38;
	[tilespmem:$0x1FCC0] =	vst v63  }
0xde: {  	_ =	swait.ge [sflag:s1], $0x100  }
0xdf: {  	[sflag:s1] =	ssyncset.done $0x0  }
0xe0: {  	[sflag:s1] =	ssyncadd.s32 $0xFFFFFF00  }
0xe1: {  	[tilespmem:s3], [sflag:$0x1] =	stream.indirect.gather [hbm4b:s4+s21], $0x80, s19, s21, $0xb8;
	[tilespmem:$0x1FCC0] =	vst v63  }
0xe2: {  	_ =	swait.ge [sflag:s6], $0x4000  }
0xe3: {  	[sflag:s6] =	ssyncset.done $0x0  }
0xe4: {  	[sflag:s6] =	ssyncadd.s32 $0xFFFFC000  }
0xe5: {  	[spmem:s2] =	stream.indirect.scatter.add.f32 [tilespmem:s30], [sflag:$0x8], $0x80, s7, s21, $0xb8;
	[tilespmem:$0x1FCC0] =	vst v63  }
0xe6: {  	_ =	swait.ge [sflag:s24], $0x4000  }
0xe7: {  	s14 =	rddreg [dreg:$0xc];
	[sflag:s24] =	ssyncset.done $0x0  }
0xe8: {  	[sflag:s24] =	ssyncadd.s32 $0xFFFFC000;
	s14 =	sadd.s32 s13, s14  }
0xe9: {  	[tilespmem:s18], [sflag:$0x6] =	stream.linear.gather [hbm4b:s14+s3], $0x100, $0x38;
	[tilespmem:$0x1FCC0] =	vst v63  }
0xea: {  	_ =	swait.ge [sflag:s20], $0x100  }
0xeb: {  	[sflag:s20] =	ssyncset.done $0x0  }
0xec: {  	[sflag:s20] =	ssyncadd.s32 $0xFFFFFF00  }
0xed: {  	[tilespmem:s23], [sflag:$0x2] =	stream.indirect.gather [hbm4b:s4+s21], $0x80, s16, s21, $0xb8;
	[tilespmem:$0x1FCC0] =	vst v63  }
0xee: {  	_ =	swait.ge [sflag:s26], $0x4000  }
0xef: {  	[sflag:s26] =	ssyncset.done $0x0  }
0xf0: {  	[sflag:s26] =	ssyncadd.s32 $0xFFFFC000  }
0xf1: {  	[spmem:s2] =	stream.indirect.scatter.add.f32 [tilespmem:s3], [sflag:$0x8], $0x80, s8, s21, $0xb8;
	[tilespmem:$0x1FCC0] =	vst v63  }
0xf2: {  	_ =	swait.ge [sflag:s24], $0x4000  }
0xf3: {  	s14 =	rddreg [dreg:$0xb];
	[sflag:s24] =	ssyncset.done $0x0  }
0xf4: {  	[sflag:s24] =	ssyncadd.s32 $0xFFFFC000;
	s14 =	sadd.s32 s13, s14  }
0xf5: {  	[tilespmem:s19], [sflag:$0x7] =	stream.linear.gather [hbm4b:s14+s3], $0x100, $0x38;
	[tilespmem:$0x1FCC0] =	vst v63  }
0xf6: {  	_ =	swait.ge [sflag:s22], $0x100  }
0xf7: {  	[sflag:s22] =	ssyncset.done $0x0  }
0xf8: {  	[sflag:s22] =	ssyncadd.s32 $0xFFFFFF00  }
0xf9: {  	[tilespmem:s30], [sflag:$0x3] =	stream.indirect.gather [hbm4b:s4+s21], $0x80, s17, s21, $0xb8;
	[tilespmem:$0x1FCC0] =	vst v63  }
0xfa: {  	_ =	swait.ge [sflag:s31], $0x4000  }
0xfb: {  	[sflag:s31] =	ssyncset.done $0x0  }
0xfc: {  	[sflag:s31] =	ssyncadd.s32 $0xFFFFC000  }
0xfd: {  	[spmem:s2] =	stream.indirect.scatter.add.f32 [tilespmem:s23], [sflag:$0x8], $0x80, s28, s21, $0xb8;
	[tilespmem:$0x1FCC0] =	vst v63  }
0xfe: {  	_ =	swait.ge [sflag:s24], $0x4000  }
0xff: {  	s14 =	rddreg [dreg:$0xa];
	[sflag:s24] =	ssyncset.done $0x0  }
0x100: {  	[sflag:s24] =	ssyncadd.s32 $0xFFFFC000;
	s14 =	sadd.s32 s13, s14  }
0x101: {  	[tilespmem:s16], [sflag:$0x4] =	stream.linear.gather [hbm4b:s14+s3], $0x100, $0x38;
	[tilespmem:$0x1FCC0] =	vst v63  }
0x102: {  	_ =	swait.ge [sflag:s29], $0x100  }
0x103: {  	[sflag:s29] =	ssyncset.done $0x0  }
0x104: {  	[sflag:s29] =	ssyncadd.s32 $0xFFFFFF00  }
0x105: {  	[tilespmem:s3], [sflag:$0x1] =	stream.indirect.gather [hbm4b:s4+s21], $0x80, s18, s21, $0xb8;
	[tilespmem:$0x1FCC0] =	vst v63  }
0x106: {  	_ =	swait.ge [sflag:s6], $0x4000  }
0x107: {  	[sflag:s6] =	ssyncset.done $0x0  }
0x108: {  	[sflag:s6] =	ssyncadd.s32 $0xFFFFC000  }
0x109: {  	[spmem:s2] =	stream.indirect.scatter.add.f32 [tilespmem:s30], [sflag:$0x8], $0x80, s0, s21, $0xb8;
	[tilespmem:$0x1FCC0] =	vst v63  }
0x10a: {  	_ =	swait.ge [sflag:s24], $0x4000  }
0x10b: {  	s14 =	rddreg [dreg:$0x9];
	[sflag:s24] =	ssyncset.done $0x0  }
0x10c: {  	[sflag:s24] =	ssyncadd.s32 $0xFFFFC000;
	s14 =	sadd.s32 s13, s14  }
0x10d: {  	[tilespmem:s17], [sflag:$0x5] =	stream.linear.gather [hbm4b:s14+s3], $0x100, $0x38;
	[tilespmem:$0x1FCC0] =	vst v63  }
0x10e: {  	_ =	swait.ge [sflag:s1], $0x100  }
0x10f: {  	[sflag:s1] =	ssyncset.done $0x0  }
0x110: {  	[sflag:s1] =	ssyncadd.s32 $0xFFFFFF00  }
0x111: {  	[tilespmem:s23], [sflag:$0x2] =	stream.indirect.gather [hbm4b:s4+s21], $0x80, s19, s21, $0xb8;
	[tilespmem:$0x1FCC0] =	vst v63  }
0x112: {  	_ =	swait.ge [sflag:s26], $0x4000  }
0x113: {  	[sflag:s26] =	ssyncset.done $0x0  }
0x114: {  	[sflag:s26] =	ssyncadd.s32 $0xFFFFC000  }
0x115: {  	[spmem:s2] =	stream.indirect.scatter.add.f32 [tilespmem:s3], [sflag:$0x8], $0x80, s7, s21, $0xb8;
	[tilespmem:$0x1FCC0] =	vst v63  }
0x116: {  	_ =	swait.ge [sflag:s24], $0x4000  }
0x117: {  	s14 =	rddreg [dreg:$0x8];
	[sflag:s24] =	ssyncset.done $0x0  }
0x118: {  	[sflag:s24] =	ssyncadd.s32 $0xFFFFC000;
	s14 =	sadd.s32 s13, s14  }
0x119: {  	[tilespmem:s18], [sflag:$0x6] =	stream.linear.gather [hbm4b:s14+s3], $0x100, $0x38;
	[tilespmem:$0x1FCC0] =	vst v63  }
0x11a: {  	_ =	swait.ge [sflag:s20], $0x100  }
0x11b: {  	[sflag:s20] =	ssyncset.done $0x0  }
0x11c: {  	[sflag:s20] =	ssyncadd.s32 $0xFFFFFF00  }
0x11d: {  	[tilespmem:s30], [sflag:$0x3] =	stream.indirect.gather [hbm4b:s4+s21], $0x80, s16, s21, $0xb8;
	[tilespmem:$0x1FCC0] =	vst v63  }
0x11e: {  	_ =	swait.ge [sflag:s31], $0x4000  }
0x11f: {  	[sflag:s31] =	ssyncset.done $0x0  }
0x120: {  	[sflag:s31] =	ssyncadd.s32 $0xFFFFC000  }
0x121: {  	[spmem:s2] =	stream.indirect.scatter.add.f32 [tilespmem:s23], [sflag:$0x8], $0x80, s8, s21, $0xb8;
	[tilespmem:$0x1FCC0] =	vst v63  }
0x122: {  	_ =	swait.ge [sflag:s24], $0x4000  }
0x123: {  	s14 =	rddreg [dreg:$0x7];
	[sflag:s24] =	ssyncset.done $0x0  }
0x124: {  	[sflag:s24] =	ssyncadd.s32 $0xFFFFC000;
	s14 =	sadd.s32 s13, s14  }
0x125: {  	[tilespmem:s19], [sflag:$0x7] =	stream.linear.gather [hbm4b:s14+s3], $0x100, $0x38;
	[tilespmem:$0x1FCC0] =	vst v63  }
0x126: {  	_ =	swait.ge [sflag:s22], $0x100  }
0x127: {  	[sflag:s22] =	ssyncset.done $0x0  }
0x128: {  	[sflag:s22] =	ssyncadd.s32 $0xFFFFFF00  }
0x129: {  	[tilespmem:s3], [sflag:$0x1] =	stream.indirect.gather [hbm4b:s4+s21], $0x80, s17, s21, $0xb8;
	[tilespmem:$0x1FCC0] =	vst v63  }
0x12a: {  	_ =	swait.ge [sflag:s6], $0x4000  }
0x12b: {  	[sflag:s6] =	ssyncset.done $0x0  }
0x12c: {  	[sflag:s6] =	ssyncadd.s32 $0xFFFFC000  }
0x12d: {  	[spmem:s2] =	stream.indirect.scatter.add.f32 [tilespmem:s30], [sflag:$0x8], $0x80, s28, s21, $0xb8;
	[tilespmem:$0x1FCC0] =	vst v63  }
0x12e: {  	_ =	swait.ge [sflag:s24], $0x4000  }
0x12f: {  	s14 =	rddreg [dreg:$0x6];
	[sflag:s24] =	ssyncset.done $0x0  }
0x130: {  	[sflag:s24] =	ssyncadd.s32 $0xFFFFC000;
	s14 =	sadd.s32 s13, s14  }
0x131: {  	[tilespmem:s16], [sflag:$0x4] =	stream.linear.gather [hbm4b:s14+s3], $0x100, $0x38;
	[tilespmem:$0x1FCC0] =	vst v63  }
0x132: {  	_ =	swait.ge [sflag:s29], $0x100  }
0x133: {  	[sflag:s29] =	ssyncset.done $0x0  }
0x134: {  	[sflag:s29] =	ssyncadd.s32 $0xFFFFFF00  }
0x135: {  	[tilespmem:s23], [sflag:$0x2] =	stream.indirect.gather [hbm4b:s4+s21], $0x80, s18, s21, $0xb8;
	[tilespmem:$0x1FCC0] =	vst v63  }
0x136: {  	_ =	swait.ge [sflag:s26], $0x4000  }
0x137: {  	[sflag:s26] =	ssyncset.done $0x0  }
0x138: {  	[sflag:s26] =	ssyncadd.s32 $0xFFFFC000  }
0x139: {  	[spmem:s2] =	stream.indirect.scatter.add.f32 [tilespmem:s3], [sflag:$0x8], $0x80, s0, s21, $0xb8;
	[tilespmem:$0x1FCC0] =	vst v63  }
0x13a: {  	_ =	swait.ge [sflag:s24], $0x4000  }
0x13b: {  	s14 =	rddreg [dreg:$0x5];
	[sflag:s24] =	ssyncset.done $0x0  }
0x13c: {  	[sflag:s24] =	ssyncadd.s32 $0xFFFFC000;
	s14 =	sadd.s32 s13, s14  }
0x13d: {  	[tilespmem:s17], [sflag:$0x5] =	stream.linear.gather [hbm4b:s14+s3], $0x100, $0x38;
	[tilespmem:$0x1FCC0] =	vst v63  }
0x13e: {  	_ =	swait.ge [sflag:s1], $0x100  }
0x13f: {  	[sflag:s1] =	ssyncset.done $0x0  }
0x140: {  	[sflag:s1] =	ssyncadd.s32 $0xFFFFFF00  }
0x141: {  	[tilespmem:s30], [sflag:$0x3] =	stream.indirect.gather [hbm4b:s4+s21], $0x80, s19, s21, $0xb8;
	[tilespmem:$0x1FCC0] =	vst v63  }
0x142: {  	_ =	swait.ge [sflag:s31], $0x4000  }
0x143: {  	[sflag:s31] =	ssyncset.done $0x0  }
0x144: {  	[sflag:s31] =	ssyncadd.s32 $0xFFFFC000  }
0x145: {  	[spmem:s2] =	stream.indirect.scatter.add.f32 [tilespmem:s23], [sflag:$0x8], $0x80, s7, s21, $0xb8;
	[tilespmem:$0x1FCC0] =	vst v63  }
0x146: {  	_ =	swait.ge [sflag:s24], $0x4000  }
0x147: {  	s14 =	rddreg [dreg:$0x4];
	[sflag:s24] =	ssyncset.done $0x0  }
0x148: {  	[sflag:s24] =	ssyncadd.s32 $0xFFFFC000;
	s14 =	sadd.s32 s13, s14  }
0x149: {  	[tilespmem:s18], [sflag:$0x6] =	stream.linear.gather [hbm4b:s14+s3], $0x100, $0x38;
	[tilespmem:$0x1FCC0] =	vst v63  }
0x14a: {  	_ =	swait.ge [sflag:s20], $0x100  }
0x14b: {  	[sflag:s20] =	ssyncset.done $0x0  }
0x14c: {  	[sflag:s20] =	ssyncadd.s32 $0xFFFFFF00  }
0x14d: {  	[tilespmem:s3], [sflag:$0x1] =	stream.indirect.gather [hbm4b:s4+s21], $0x80, s16, s21, $0xb8;
	[tilespmem:$0x1FCC0] =	vst v63  }
0x14e: {  	_ =	swait.ge [sflag:s6], $0x4000  }
0x14f: {  	[sflag:s6] =	ssyncset.done $0x0  }
0x150: {  	[sflag:s6] =	ssyncadd.s32 $0xFFFFC000  }
0x151: {  	[spmem:s2] =	stream.indirect.scatter.add.f32 [tilespmem:s30], [sflag:$0x8], $0x80, s8, s21, $0xb8;
	[tilespmem:$0x1FCC0] =	vst v63  }
0x152: {  	_ =	swait.ge [sflag:s24], $0x4000  }
0x153: {  	p1 =	sne.s32 s12, $0x780;
	s14 =	rddreg [dreg:$0x3];
	[sflag:s24] =	ssyncset.done $0x0  }
.Ltmp0:
0x154: {  	[sflag:s24] =	ssyncadd.s32 $0xFFFFC000;
	s13 =	sadd.s32 s13, s14;
	(pc) =	sbr.rel @p1 .LBB2_2-.Ltmp0, $4  }
0x155: {  	[tilespmem:s19], [sflag:$0x7] =	stream.linear.gather [hbm4b:s13+s3], $0x100, $0x38;
	[tilespmem:$0x1FCC0] =	vst v63  }
0x156: {  	_ =	swait.ge [sflag:s22], $0x100  }
0x157: {  	[sflag:s22] =	ssyncset.done $0x0  }
0x158: {  	s12 =	sadd.s32 $0x180, s12;
	[sflag:s22] =	ssyncadd.s32 $0xFFFFFF00  }
0x159: {  	[tilespmem:s23], [sflag:$0x2] =	stream.indirect.gather [hbm4b:s4+s21], $0x80, s17, s21, $0xb8;
	[tilespmem:$0x1FCC0] =	vst v63  }
0x15a: {  	_ =	swait.ge [sflag:s26], $0x4000  }
0x15b: {  	[sflag:s26] =	ssyncset.done $0x0  }
0x15c: {  	[sflag:s26] =	ssyncadd.s32 $0xFFFFC000  }
0x15d: {  	[spmem:s2] =	stream.indirect.scatter.add.f32 [tilespmem:s3], [sflag:$0x8], $0x80, s28, s21, $0xb8;
	[tilespmem:$0x1FCC0] =	vst v63  }
0x15e: {  	_ =	swait.ge [sflag:s24], $0x4000  }
0x15f: {  	[sflag:s24] =	ssyncset.done $0x0  }
0x160: {  	s12 =	rddreg [dreg:$0x14];
	[sflag:s24] =	ssyncadd.s32 $0xFFFFC000  }
0x161: {  	[tilespmem:s16], [sflag:$0x4] =	stream.linear.gather [hbm4b:s12+s3], $0x100, $0x38;
	[tilespmem:$0x1FCC0] =	vst v63  }
0x162: {  	_ =	swait.ge [sflag:s29], $0x100  }
0x163: {  	[sflag:s29] =	ssyncset.done $0x0  }
0x164: {  	[sflag:s29] =	ssyncadd.s32 $0xFFFFFF00  }
0x165: {  	[tilespmem:s30], [sflag:$0x3] =	stream.indirect.gather [hbm4b:s4+s21], $0x80, s18, s21, $0xb8;
	[tilespmem:$0x1FCC0] =	vst v63  }
0x166: {  	_ =	swait.ge [sflag:s31], $0x4000  }
0x167: {  	[sflag:s31] =	ssyncset.done $0x0  }
0x168: {  	[sflag:s31] =	ssyncadd.s32 $0xFFFFC000  }
0x169: {  	[spmem:s2] =	stream.indirect.scatter.add.f32 [tilespmem:s23], [sflag:$0x8], $0x80, s0, s21, $0xb8;
	[tilespmem:$0x1FCC0] =	vst v63  }
0x16a: {  	_ =	swait.ge [sflag:s24], $0x4000  }
0x16b: {  	[sflag:s24] =	ssyncset.done $0x0  }
0x16c: {  	s14 =	rddreg [dreg:$0x15];
	[sflag:s24] =	ssyncadd.s32 $0xFFFFC000  }
0x16d: {  	[tilespmem:s17], [sflag:$0x5] =	stream.linear.gather [hbm4b:s14+s3], $0x100, $0x38;
	[tilespmem:$0x1FCC0] =	vst v63  }
0x16e: {  	_ =	swait.ge [sflag:s1], $0x100  }
0x16f: {  	[sflag:s1] =	ssyncset.done $0x0  }
0x170: {  	[sflag:s1] =	ssyncadd.s32 $0xFFFFFF00  }
0x171: {  	[tilespmem:s3], [sflag:$0x1] =	stream.indirect.gather [hbm4b:s4+s21], $0x80, s19, s21, $0xb8;
	[tilespmem:$0x1FCC0] =	vst v63  }
0x172: {  	_ =	swait.ge [sflag:s6], $0x4000  }
0x173: {  	[sflag:s6] =	ssyncset.done $0x0  }
0x174: {  	[sflag:s6] =	ssyncadd.s32 $0xFFFFC000  }
0x175: {  	[spmem:s2] =	stream.indirect.scatter.add.f32 [tilespmem:s30], [sflag:$0x8], $0x80, s7, s21, $0xb8;
	[tilespmem:$0x1FCC0] =	vst v63  }
0x176: {  	_ =	swait.ge [sflag:s24], $0x4000  }
0x177: {  	[sflag:s24] =	ssyncset.done $0x0  }
0x178: {  	s13 =	rddreg [dreg:$0x16];
	[sflag:s24] =	ssyncadd.s32 $0xFFFFC000  }
0x179: {  	[tilespmem:s18], [sflag:$0x6] =	stream.linear.gather [hbm4b:s13+s3], $0x100, $0x38;
	[tilespmem:$0x1FCC0] =	vst v63  }
0x17a: {  	_ =	swait.ge [sflag:s20], $0x100  }
0x17b: {  	[sflag:s20] =	ssyncset.done $0x0  }
0x17c: {  	[sflag:s20] =	ssyncadd.s32 $0xFFFFFF00  }
0x17d: {  	[tilespmem:s23], [sflag:$0x2] =	stream.indirect.gather [hbm4b:s4+s21], $0x80, s16, s21, $0xb8;
	[tilespmem:$0x1FCC0] =	vst v63  }
0x17e: {  	_ =	swait.ge [sflag:s26], $0x4000  }
0x17f: {  	[sflag:s26] =	ssyncset.done $0x0  }
0x180: {  	[sflag:s26] =	ssyncadd.s32 $0xFFFFC000  }
0x181: {  	[spmem:s2] =	stream.indirect.scatter.add.f32 [tilespmem:s3], [sflag:$0x8], $0x80, s8, s21, $0xb8;
	[tilespmem:$0x1FCC0] =	vst v63  }
0x182: {  	_ =	swait.ge [sflag:s24], $0x4000  }
0x183: {  	[sflag:s24] =	ssyncset.done $0x0  }
0x184: {  	[sflag:s24] =	ssyncadd.s32 $0xFFFFC000  }
0x185: {  	_ =	swait.ge [sflag:s22], $0x100  }
0x186: {  	[sflag:s22] =	ssyncset.done $0x0  }
0x187: {  	[sflag:s22] =	ssyncadd.s32 $0xFFFFFF00  }
0x188: {  	[tilespmem:s30], [sflag:$0x3] =	stream.indirect.gather [hbm4b:s4+s21], $0x80, s17, s21, $0xb8;
	[tilespmem:$0x1FCC0] =	vst v63  }
0x189: {  	_ =	swait.ge [sflag:s31], $0x4000  }
0x18a: {  	[sflag:s31] =	ssyncset.done $0x0  }
0x18b: {  	[sflag:s31] =	ssyncadd.s32 $0xFFFFC000  }
0x18c: {  	[spmem:s2] =	stream.indirect.scatter.add.f32 [tilespmem:s23], [sflag:$0x8], $0x80, s28, s21, $0xb8;
	[tilespmem:$0x1FCC0] =	vst v63  }
0x18d: {  	_ =	swait.ge [sflag:s24], $0x4000  }
0x18e: {  	[sflag:s24] =	ssyncset.done $0x0  }
0x18f: {  	[sflag:s24] =	ssyncadd.s32 $0xFFFFC000  }
0x190: {  	_ =	swait.ge [sflag:s29], $0x100  }
0x191: {  	[sflag:s29] =	ssyncset.done $0x0  }
0x192: {  	[sflag:s29] =	ssyncadd.s32 $0xFFFFFF00  }
0x193: {  	[tilespmem:s3], [sflag:$0x1] =	stream.indirect.gather [hbm4b:s4+s21], $0x80, s18, s21, $0xb8;
	[tilespmem:$0x1FCC0] =	vst v63  }
0x194: {  	_ =	swait.ge [sflag:s6], $0x4000  }
0x195: {  	[sflag:s6] =	ssyncset.done $0x0  }
0x196: {  	[sflag:s6] =	ssyncadd.s32 $0xFFFFC000  }
0x197: {  	[spmem:s2] =	stream.indirect.scatter.add.f32 [tilespmem:s30], [sflag:$0x8], $0x80, s0, s21, $0xb8;
	[tilespmem:$0x1FCC0] =	vst v63  }
0x198: {  	_ =	swait.ge [sflag:s24], $0x4000  }
0x199: {  	[sflag:s24] =	ssyncset.done $0x0  }
0x19a: {  	[sflag:s24] =	ssyncadd.s32 $0xFFFFC000  }
0x19b: {  	_ =	swait.ge [sflag:s26], $0x4000  }
0x19c: {  	[sflag:s26] =	ssyncset.done $0x0  }
0x19d: {  	[sflag:s26] =	ssyncadd.s32 $0xFFFFC000  }
0x19e: {  	[spmem:s2] =	stream.indirect.scatter.add.f32 [tilespmem:s3], [sflag:$0x8], $0x80, s7, s21, $0xb8;
	[tilespmem:$0x1FCC0] =	vst v63  }
0x19f: {  	_ =	swait.ge [sflag:s24], $0x4000  }
0x1a0: {  	[sflag:s24] =	ssyncset.done $0x0  }
0x1a1: {  	s9 =	sadd.s32 $0x1, s9;
	[sflag:s24] =	ssyncadd.s32 $0xFFFFC000  }
0x1a2: {  	p1 =	sne.s32 s9, s15;
	[bflag:$0x0] =	sbarrier.arrive $0xFFFF  }
.Ltmp1:
0x1a3: {  	s14 =	rddreg [dreg:$0x17];
	(pc) =	sbr.rel @p1 .LBB2_1-.Ltmp1, $4  }
0x1a4: {  	[hbm:s14], [sflag:s10] =	dma.local [spmem:s11], $0x2710  }
0x1a5: {  	_ =	swait.ge [sflag:s24], $0x2710  }
0x1a6: {  	[sflag:s24] =	ssyncset.done $0x0  }
0x1a7: {  	[sflag:s24] =	ssyncadd.s32 $0xFFFFD8F0  }
0x1a8: {  	_ =	sfence.sel $0x180000  }
0x1a9: {  	[bflag:$0x0] =	sbarrier.arrive $0xFFFF  }
0x1aa: {  	_ =	strace $0x9000004A  }
0x1ab: {  	[bflag:$0x2] =	sbarrier.arrive $0xFFFF  }
0x1ac: {  	s0 =	rddreg [dreg:$0x2]  }
0x1ad: {  	s0 =	sadd.s32 @!p0 $0x100000, s0  }
0x1ae: {  	[sflag:s0] =	ssyncadd.tile.s32 @!p0 $0x1;
	_ =	shalt  }
.Lfunc_end2:
_tile_overlayer_lowered:
.L_overlay_start_2:
0x1af: {  	(tag) =	ssettag $0x2  }
0x1b0: {  	s0 =	rddreg [dreg:$0x0];
	s2 =	stileid.u32  }
0x1b1: {  	s1 =	rddreg [dreg:$0x1];
	p0 =	sne.s32 s2, $0x0  }
0x1b2: {  	s3 =	rddreg [dreg:$0x2];
	[bflag:$0x3] =	sbarrier.arrive $0xFFFF;
	s2 =	simm.s32 @!p0 $0x1C08  }
0x1b3: {  	[timem:s3], [sflag:s2] =	dma.local @!p0 [hbm:s0], s1  }
0x1b4: {  	s0 =	simm.s32 @!p0 $0x8  }
0x1b5: {  	_ =	swait.ge @!p0 [sflag:s0], s1  }
0x1b6: {  	s1 =	ssub.s32 @!p0 $0x0, s1;
	[sflag:s0] =	ssyncset.done @!p0 $0x0  }
0x1b7: {  	[sflag:s0] =	ssyncadd.s32 @!p0 s1  }
0x1b8: {  	[bflag:$0x3] =	sbarrier.arrive $0xFFFF  }
0x1b9: {  	_ =	shalt  }

</sc_bundles>
